<compile_context>
chip_gen: v7x
topology: tpu7x:2x2x1
jax: 0.10.2.dev20260603
libtpu: 0.0.44.dev20260713+nightly
codegen_flags: <defaults>
</compile_context>

<pallas_src>
import dataclasses
import functools

import jax
import jax.numpy as jnp
from jax import lax
from jax.experimental import pallas as pl
from jax.experimental.pallas import tpu as pltpu
from jax.experimental.pallas import tpu_sc as plsc

N = 10000
E = 320000
D = 128

NC = 2
NS = 16
NW = NC * NS

CHUNK = 128
K = 80
E_PAD = NW * K * CHUNK
PAD = E_PAD - E
G = 8
N_PAD = 10112
N_TRASH = N_PAD - N
ROWS_PER_SUB = N_PAD // NS

_MESH = plsc.VectorSubcoreMesh(
    core_axis_name="c", subcore_axis_name="s", num_cores=NC, num_subcores=NS
)

_CP = pltpu.CompilerParams()
if "needs_layout_passes" in pltpu.CompilerParams.__dataclass_fields__:
    _CP = dataclasses.replace(_CP, needs_layout_passes=False)



@functools.partial(
    pl.kernel,
    out_type=jax.ShapeDtypeStruct((2, NW, N_PAD), jnp.float32),
    mesh=_MESH,
    compiler_params=_CP,
    scratch_types=[
        pltpu.VMEM((K, CHUNK), jnp.int32),
        pltpu.VMEM((K, CHUNK), jnp.int32),
        pltpu.VMEM((N_PAD,), jnp.float32),
        pltpu.VMEM((N_PAD,), jnp.float32),
    ],
)
def _sc_hist(srcp_hbm, dstp_hbm, deg_hbm, sidx, didx, hsrc, hdst):
    c = lax.axis_index("c")
    s = lax.axis_index("s")
    wid = s * NC + c
    pltpu.sync_copy(srcp_hbm.at[wid], sidx)
    pltpu.sync_copy(dstp_hbm.at[wid], didx)

    @pl.loop(0, N_PAD, step=128)
    def _(i):
        z16 = jnp.zeros((16,), jnp.float32)
        for t in range(8):
            hsrc[pl.ds(i + t * 16, 16)] = z16
            hdst[pl.ds(i + t * 16, 16)] = z16

    ones = jnp.ones((16,), jnp.float32)

    @pl.loop(0, K)
    def _(j):
        for t in range(CHUNK // 16):
            plsc.addupdate_scatter(hsrc, [sidx[j, pl.ds(t * 16, 16)]], ones)
            plsc.addupdate_scatter(hdst, [didx[j, pl.ds(t * 16, 16)]], ones)

    pltpu.sync_copy(hsrc, deg_hbm.at[0, wid])
    pltpu.sync_copy(hdst, deg_hbm.at[1, wid])



@functools.partial(
    pl.kernel,
    out_type=jax.ShapeDtypeStruct((NC, N_PAD, D), jnp.float32),
    mesh=_MESH,
    scratch_types=[
        pltpu.VMEM((2, G, CHUNK), jnp.int32),
        pltpu.VMEM((2, G, CHUNK), jnp.int32),
        pltpu.VMEM((2, CHUNK, D), jnp.float32),
        pltpu.VMEM_SHARED((N_PAD, D), jnp.float32),
        pltpu.SemaphoreType.DMA((2,)),
        pltpu.SemaphoreType.DMA((2,)),
    ],
)
def _sc_prop(z_hbm, srcp_hbm, dstp_hbm, out_hbm, sidx, didx, gbuf,
             acc, gsem, isem):
    c = lax.axis_index("c")
    s = lax.axis_index("s")
    wid = s * NC + c
    row0 = s * ROWS_PER_SUB

    def _refill(p, j0):
        return (
            pltpu.make_async_copy(srcp_hbm.at[wid, pl.ds(j0, G)], sidx.at[p],
                                  isem.at[p]),
            pltpu.make_async_copy(dstp_hbm.at[wid, pl.ds(j0, G)], didx.at[p],
                                  isem.at[p]),
        )

    def _gather(p, r, b):
        return pltpu.make_async_copy(z_hbm.at[sidx.at[p, r]], gbuf.at[b],
                                     gsem.at[b])

    def _scatter(p, r, b):
        pltpu.sync_copy(gbuf.at[b], acc.at[didx.at[p, r]], add=True)

    ra, rb = _refill(0, 0)
    ra.start()
    rb.start()
    ra2, rb2 = _refill(1, G)
    ra2.start()
    rb2.start()

    @pl.loop(0, CHUNK)
    def _(i):
        for t in range(D // 16):
            gbuf[0, i, pl.ds(t * 16, 16)] = jnp.zeros((16,), jnp.float32)

    for t in range(ROWS_PER_SUB // CHUNK):
        pltpu.sync_copy(gbuf.at[0], acc.at[pl.ds(row0 + t * CHUNK, CHUNK)])
    _ZTAIL = ROWS_PER_SUB % CHUNK
    if _ZTAIL:
        pltpu.sync_copy(
            gbuf.at[0, pl.ds(0, _ZTAIL)],
            acc.at[pl.ds(row0 + ROWS_PER_SUB - _ZTAIL, _ZTAIL)],
        )

    ra.wait()
    rb.wait()
    plsc.subcore_barrier()

    _gather(0, 0, 0).start()

    @pl.loop(0, K, step=2 * G)
    def _(j):
        for cc in range(2 * G):
            p, r, b = cc // G, cc % G, cc % 2
            pn, rn, bn = (cc + 1) // G % 2, (cc + 1) % G, (cc + 1) % 2

            if cc == G - 1:
                wa, wb = _refill(1, 0)
                wa.wait()
                wb.wait()

            if cc == 2 * G - 1:
                @pl.when(j + 2 * G < K)
                def _():
                    wa, wb = _refill(0, 0)
                    wa.wait()
                    wb.wait()

            _gather(p, r, b).wait()

            if cc < 2 * G - 1:
                _gather(pn, rn, bn).start()
            else:
                @pl.when(j + 2 * G < K)
                def _():
                    _gather(0, 0, bn).start()

            _scatter(p, r, b)

            if cc == G - 1:
                @pl.when(j + 2 * G < K)
                def _():
                    wa, wb = _refill(0, j + 2 * G)
                    wa.start()
                    wb.start()

            if cc == 2 * G - 1:
                @pl.when(j + 3 * G < K)
                def _():
                    wa, wb = _refill(1, j + 3 * G)
                    wa.start()
                    wb.start()

    plsc.subcore_barrier()
    pltpu.sync_copy(
        acc.at[pl.ds(row0, ROWS_PER_SUB)],
        out_hbm.at[c, pl.ds(row0, ROWS_PER_SUB)],
    )



def _tc_prep_body(deg_ref, feat_ref, nsrc_ref, ndst_ref, z_ref):
    deg = jnp.sum(deg_ref[...], axis=1)
    n = lax.rsqrt(jnp.maximum(deg, 1.0))
    nsrc = n[0][:, None]
    ndst = n[1][:, None]
    nsrc_ref[...] = nsrc
    ndst_ref[...] = ndst
    z_ref[pl.ds(0, N), :] = feat_ref[...] * nsrc[0:N]
    z_ref[pl.ds(N, N_TRASH), :] = jnp.zeros((N_TRASH, D), jnp.float32)


_tc_prep = pl.pallas_call(
    _tc_prep_body,
    out_shape=(
        jax.ShapeDtypeStruct((N_PAD, 1), jnp.float32),
        jax.ShapeDtypeStruct((N_PAD, 1), jnp.float32),
        jax.ShapeDtypeStruct((N_PAD, D), jnp.float32),
    ),
)



def _tc_layer_body(scale_out, p_ref, ndst_ref, nsrc_ref, w_ref, b_ref, o_ref):
    agg = (p_ref[0] + p_ref[1]) * ndst_ref[...]
    h = jnp.dot(agg, w_ref[...], preferred_element_type=jnp.float32) + b_ref[...]
    if scale_out:
        o_ref[...] = h * nsrc_ref[...]
    else:
        o_ref[...] = h[0:N]


_tc_mid_layer = pl.pallas_call(
    functools.partial(_tc_layer_body, True),
    out_shape=jax.ShapeDtypeStruct((N_PAD, D), jnp.float32),
)

_tc_last_layer = pl.pallas_call(
    functools.partial(_tc_layer_body, False),
    out_shape=jax.ShapeDtypeStruct((N, D), jnp.float32),
)


def kernel(in_feat, edge_index, W1, b1, W2, b2):
    src = edge_index[0].astype(jnp.int32)
    dst = edge_index[1].astype(jnp.int32)
    pad_ids = N + (jnp.arange(PAD, dtype=jnp.int32) % N_TRASH)
    srcp = jnp.concatenate([src, pad_ids]).reshape(NW, K, CHUNK)
    dstp = jnp.concatenate([dst, pad_ids]).reshape(NW, K, CHUNK)
    degs = _sc_hist(srcp, dstp)
    nsrc, ndst, z1 = _tc_prep(degs, in_feat)
    p = _sc_prop(z1, srcp, dstp)
    z2 = _tc_mid_layer(p, ndst, nsrc, W1, b1.reshape(1, D))
    q = _sc_prop(z2, srcp, dstp)
    return _tc_last_layer(q, ndst, nsrc, W2, b2.reshape(1, D))

# --- scband reference (transcript-rebuilt; emitter-appended) ---
"""Pipeline reference for scband-gcn-40415642256050 (READ-ONLY COPY).

The authoritative reference and input builder live on the scoring server;
editing this copy changes nothing except your own understanding.
"""

import jax, jax.numpy as jnp
import numpy as np

N_NODES = 10000
N_EDGES = 320000
D_IN = 128
D_H = 128
PROP_STEP = 2
RESIDUAL = 0.0


def setup_inputs(seed: int = 0) -> dict:
    key = jax.random.key(seed)
    k1, k2, k3, k4, k5, k6 = jax.random.split(key, 6)
    in_feat = jax.random.normal(k1, (N_NODES, D_IN), dtype=jnp.float32)
    edge_index = jax.random.randint(k2, (2, N_EDGES), 0, N_NODES)
    # GraphConv parameters (glorot-ish init)
    W1 = jax.random.normal(k3, (D_IN, D_H), dtype=jnp.float32) * (1.0 / np.sqrt(D_IN))
    b1 = jnp.zeros((D_H,), dtype=jnp.float32)
    W2 = jax.random.normal(k4, (D_H, D_H), dtype=jnp.float32) * (1.0 / np.sqrt(D_H))
    b2 = jnp.zeros((D_H,), dtype=jnp.float32)
    return {"in_feat": in_feat, "edge_index": edge_index, "W1": W1, "b1": b1, "W2": W2, "b2": b2}


def _graph_conv(x, src, dst, norm_src, norm_dst, W, b):
    # DGL GraphConv with norm='both': h_dst = (sum_{e:(u->v)} x_u * d_u^{-1/2}) * d_v^{-1/2} @ W + b
    h = x * norm_src[:, None]
    msg = jnp.take(h, src, axis=0)
    agg = jax.ops.segment_sum(msg, dst, num_segments=N_NODES)
    agg = agg * norm_dst[:, None]
    return agg @ W + b


def reference(in_feat, edge_index, W1, b1, W2, b2):
    src = edge_index[0]
    dst = edge_index[1]
    ones = jnp.ones((N_EDGES,), dtype=jnp.float32)
    deg_out = jnp.zeros((N_NODES,), dtype=jnp.float32).at[src].add(ones)
    deg_in = jnp.zeros((N_NODES,), dtype=jnp.float32).at[dst].add(ones)
    norm_src = 1.0 / jnp.sqrt(jnp.clip(deg_out, 1.0))
    norm_dst = 1.0 / jnp.sqrt(jnp.clip(deg_in, 1.0))

    ori = in_feat
    h = _graph_conv(in_feat, src, dst, norm_src, norm_dst, W1, b1) + RESIDUAL * ori
    for _ in range(1, PROP_STEP):
        h = _graph_conv(h, src, dst, norm_src, norm_dst, W2, b2) + RESIDUAL * ori
    return h

if __name__ == "__main__":
    import jax
    _d = setup_inputs()
    print(jax.jit(kernel)(*tuple(_d.values())))

</pallas_src>

<mosaic_0001>
#map = affine_map<(d0, d1) -> (0, 0)>
#map1 = affine_map<(d0, d1) -> (0, 0, 0)>
module attributes {stable_mosaic.version = 14 : i64} {
  func.func @_sc_prop(%arg0: i32, %arg1: i32, %arg2: memref<10112x128xf32, #tpu.memory_space<hbm>>, %arg3: memref<32x80x128xi32, #tpu.memory_space<hbm>>, %arg4: memref<32x80x128xi32, #tpu.memory_space<hbm>>, %arg5: memref<2x10112x128xf32, #tpu.memory_space<hbm>>, %arg6: memref<2x8x128xi32, #tpu.memory_space<vmem>>, %arg7: memref<2x8x128xi32, #tpu.memory_space<vmem>>, %arg8: memref<2x128x128xf32, #tpu.memory_space<vmem>>, %arg9: memref<10112x128xf32, #tpu.memory_space<vmem_shared>>, %arg10: memref<2x!tpu.dma_semaphore, #tpu.memory_space<semaphore_mem>>, %arg11: memref<2x!tpu.dma_semaphore, #tpu.memory_space<semaphore_mem>>) attributes {dimension_semantics = [#tpu.dimension_semantics<core_parallel>, #tpu.dimension_semantics<subcore_parallel>], iteration_bounds = array<i64: 2, 16>, scalar_prefetch = 0 : i64, scratch_operands = 6 : i64, tpu.core_type = #tpu.core_type<sc_vector_subcore>, window_params = [{transform_indices = #map}, {transform_indices = #map1}, {transform_indices = #map1}, {transform_indices = #map1}]} {
    %mul3A = arith.constant 2 : i32
    %mul3A_0 = arith.muli %arg1, %mul3A : i32
    %add3A = arith.addi %mul3A_0, %arg0 : i32
    %mul3A_1 = arith.constant 632 : i32
    %mul3A_2 = arith.muli %arg1, %mul3A_1 : i32
    %dma_start3A = arith.constant 0 : i32
    %dma_start3A_3 = arith.constant 0 : i32
    %dma_start3A_4 = arith.constant 0 : i32
    %dma_start3A_5 = arith.constant 0 : i32
    %dma_start3A_6 = tpu.memref_slice %arg6[%dma_start3A, %dma_start3A_4, %dma_start3A_5] : memref<2x8x128xi32, #tpu.memory_space<vmem>> -> memref<1x8x128xi32, #tpu.memory_space<vmem>>
    %dma_start3A_7 = tpu.memref_squeeze %dma_start3A_6 : memref<1x8x128xi32, #tpu.memory_space<vmem>> -> memref<8x128xi32, #tpu.memory_space<vmem>>
    %dma_start3A_8 = arith.constant 0 : i32
    %dma_start3A_9 = arith.constant 0 : i32
    %dma_start3A_10 = tpu.memref_slice %arg3[%add3A, %dma_start3A_8, %dma_start3A_9] : memref<32x80x128xi32, #tpu.memory_space<hbm>> -> memref<1x8x128xi32, #tpu.memory_space<hbm>>
    %dma_start3A_11 = tpu.memref_squeeze %dma_start3A_10 : memref<1x8x128xi32, #tpu.memory_space<hbm>> -> memref<8x128xi32, #tpu.memory_space<hbm>>
    %dma_start3A_12 = tpu.memref_slice %arg11[%dma_start3A_3] : memref<2x!tpu.dma_semaphore, #tpu.memory_space<semaphore_mem>> -> memref<1x!tpu.dma_semaphore, #tpu.memory_space<semaphore_mem>>
    %dma_start3A_13 = tpu.memref_squeeze %dma_start3A_12 : memref<1x!tpu.dma_semaphore, #tpu.memory_space<semaphore_mem>> -> memref<!tpu.dma_semaphore, #tpu.memory_space<semaphore_mem>>
    %dma_start3A_14 = arith.constant 0 : i32
    %dma_start3A_15 = arith.constant 0 : i32
    %dma_start3A_16 = tpu.memref_slice %arg6[%dma_start3A, %dma_start3A_14, %dma_start3A_15] : memref<2x8x128xi32, #tpu.memory_space<vmem>> -> memref<1x8x128xi32, #tpu.memory_space<vmem>>
    %dma_start3A_17 = tpu.memref_squeeze %dma_start3A_16 : memref<1x8x128xi32, #tpu.memory_space<vmem>> -> memref<8x128xi32, #tpu.memory_space<vmem>>
    %dma_start3A_18 = arith.constant 0 : i32
    %dma_start3A_19 = arith.constant 0 : i32
    %dma_start3A_20 = tpu.memref_slice %arg3[%add3A, %dma_start3A_18, %dma_start3A_19] : memref<32x80x128xi32, #tpu.memory_space<hbm>> -> memref<1x8x128xi32, #tpu.memory_space<hbm>>
    %dma_start3A_21 = tpu.memref_squeeze %dma_start3A_20 : memref<1x8x128xi32, #tpu.memory_space<hbm>> -> memref<8x128xi32, #tpu.memory_space<hbm>>
    tpu.enqueue_dma source(%dma_start3A_21 : memref<8x128xi32, #tpu.memory_space<hbm>>) target(%dma_start3A_17 : memref<8x128xi32, #tpu.memory_space<vmem>>) target_semaphore(%dma_start3A_13 : memref<!tpu.dma_semaphore, #tpu.memory_space<semaphore_mem>>)
    %dma_start3A_22 = arith.constant 0 : i32
    %dma_start3A_23 = arith.constant 0 : i32
    %dma_start3A_24 = arith.constant 0 : i32
    %dma_start3A_25 = arith.constant 0 : i32
    %dma_start3A_26 = tpu.memref_slice %arg7[%dma_start3A_22, %dma_start3A_24, %dma_start3A_25] : memref<2x8x128xi32, #tpu.memory_space<vmem>> -> memref<1x8x128xi32, #tpu.memory_space<vmem>>
    %dma_start3A_27 = tpu.memref_squeeze %dma_start3A_26 : memref<1x8x128xi32, #tpu.memory_space<vmem>> -> memref<8x128xi32, #tpu.memory_space<vmem>>
    %dma_start3A_28 = arith.constant 0 : i32
    %dma_start3A_29 = arith.constant 0 : i32
    %dma_start3A_30 = tpu.memref_slice %arg4[%add3A, %dma_start3A_28, %dma_start3A_29] : memref<32x80x128xi32, #tpu.memory_space<hbm>> -> memref<1x8x128xi32, #tpu.memory_space<hbm>>
    %dma_start3A_31 = tpu.memref_squeeze %dma_start3A_30 : memref<1x8x128xi32, #tpu.memory_space<hbm>> -> memref<8x128xi32, #tpu.memory_space<hbm>>
    %dma_start3A_32 = tpu.memref_slice %arg11[%dma_start3A_23] : memref<2x!tpu.dma_semaphore, #tpu.memory_space<semaphore_mem>> -> memref<1x!tpu.dma_semaphore, #tpu.memory_space<semaphore_mem>>
    %dma_start3A_33 = tpu.memref_squeeze %dma_start3A_32 : memref<1x!tpu.dma_semaphore, #tpu.memory_space<semaphore_mem>> -> memref<!tpu.dma_semaphore, #tpu.memory_space<semaphore_mem>>
    %dma_start3A_34 = arith.constant 0 : i32
    %dma_start3A_35 = arith.constant 0 : i32
    %dma_start3A_36 = tpu.memref_slice %arg7[%dma_start3A_22, %dma_start3A_34, %dma_start3A_35] : memref<2x8x128xi32, #tpu.memory_space<vmem>> -> memref<1x8x128xi32, #tpu.memory_space<vmem>>
    %dma_start3A_37 = tpu.memref_squeeze %dma_start3A_36 : memref<1x8x128xi32, #tpu.memory_space<vmem>> -> memref<8x128xi32, #tpu.memory_space<vmem>>
    %dma_start3A_38 = arith.constant 0 : i32
    %dma_start3A_39 = arith.constant 0 : i32
    %dma_start3A_40 = tpu.memref_slice %arg4[%add3A, %dma_start3A_38, %dma_start3A_39] : memref<32x80x128xi32, #tpu.memory_space<hbm>> -> memref<1x8x128xi32, #tpu.memory_space<hbm>>
    %dma_start3A_41 = tpu.memref_squeeze %dma_start3A_40 : memref<1x8x128xi32, #tpu.memory_space<hbm>> -> memref<8x128xi32, #tpu.memory_space<hbm>>
    tpu.enqueue_dma source(%dma_start3A_41 : memref<8x128xi32, #tpu.memory_space<hbm>>) target(%dma_start3A_37 : memref<8x128xi32, #tpu.memory_space<vmem>>) target_semaphore(%dma_start3A_33 : memref<!tpu.dma_semaphore, #tpu.memory_space<semaphore_mem>>)
    %dma_start3A_42 = arith.constant 1 : i32
    %dma_start3A_43 = arith.constant 1 : i32
    %dma_start3A_44 = arith.constant 0 : i32
    %dma_start3A_45 = arith.constant 0 : i32
    %dma_start3A_46 = tpu.memref_slice %arg6[%dma_start3A_42, %dma_start3A_44, %dma_start3A_45] : memref<2x8x128xi32, #tpu.memory_space<vmem>> -> memref<1x8x128xi32, #tpu.memory_space<vmem>>
    %dma_start3A_47 = tpu.memref_squeeze %dma_start3A_46 : memref<1x8x128xi32, #tpu.memory_space<vmem>> -> memref<8x128xi32, #tpu.memory_space<vmem>>
    %dma_start3A_48 = arith.constant 8 : i32
    %dma_start3A_49 = arith.constant 0 : i32
    %dma_start3A_50 = tpu.memref_slice %arg3[%add3A, %dma_start3A_48, %dma_start3A_49] : memref<32x80x128xi32, #tpu.memory_space<hbm>> -> memref<1x8x128xi32, #tpu.memory_space<hbm>>
    %dma_start3A_51 = tpu.memref_squeeze %dma_start3A_50 : memref<1x8x128xi32, #tpu.memory_space<hbm>> -> memref<8x128xi32, #tpu.memory_space<hbm>>
    %dma_start3A_52 = tpu.memref_slice %arg11[%dma_start3A_43] : memref<2x!tpu.dma_semaphore, #tpu.memory_space<semaphore_mem>> -> memref<1x!tpu.dma_semaphore, #tpu.memory_space<semaphore_mem>>
    %dma_start3A_53 = tpu.memref_squeeze %dma_start3A_52 : memref<1x!tpu.dma_semaphore, #tpu.memory_space<semaphore_mem>> -> memref<!tpu.dma_semaphore, #tpu.memory_space<semaphore_mem>>
    %dma_start3A_54 = arith.constant 0 : i32
    %dma_start3A_55 = arith.constant 0 : i32
    %dma_start3A_56 = tpu.memref_slice %arg6[%dma_start3A_42, %dma_start3A_54, %dma_start3A_55] : memref<2x8x128xi32, #tpu.memory_space<vmem>> -> memref<1x8x128xi32, #tpu.memory_space<vmem>>
    %dma_start3A_57 = tpu.memref_squeeze %dma_start3A_56 : memref<1x8x128xi32, #tpu.memory_space<vmem>> -> memref<8x128xi32, #tpu.memory_space<vmem>>
    %dma_start3A_58 = arith.constant 8 : i32
    %dma_start3A_59 = arith.constant 0 : i32
    %dma_start3A_60 = tpu.memref_slice %arg3[%add3A, %dma_start3A_58, %dma_start3A_59] : memref<32x80x128xi32, #tpu.memory_space<hbm>> -> memref<1x8x128xi32, #tpu.memory_space<hbm>>
    %dma_start3A_61 = tpu.memref_squeeze %dma_start3A_60 : memref<1x8x128xi32, #tpu.memory_space<hbm>> -> memref<8x128xi32, #tpu.memory_space<hbm>>
    tpu.enqueue_dma source(%dma_start3A_61 : memref<8x128xi32, #tpu.memory_space<hbm>>) target(%dma_start3A_57 : memref<8x128xi32, #tpu.memory_space<vmem>>) target_semaphore(%dma_start3A_53 : memref<!tpu.dma_semaphore, #tpu.memory_space<semaphore_mem>>)
    %dma_start3A_62 = arith.constant 1 : i32
    %dma_start3A_63 = arith.constant 1 : i32
    %dma_start3A_64 = arith.constant 0 : i32
    %dma_start3A_65 = arith.constant 0 : i32
    %dma_start3A_66 = tpu.memref_slice %arg7[%dma_start3A_62, %dma_start3A_64, %dma_start3A_65] : memref<2x8x128xi32, #tpu.memory_space<vmem>> -> memref<1x8x128xi32, #tpu.memory_space<vmem>>
    %dma_start3A_67 = tpu.memref_squeeze %dma_start3A_66 : memref<1x8x128xi32, #tpu.memory_space<vmem>> -> memref<8x128xi32, #tpu.memory_space<vmem>>
    %dma_start3A_68 = arith.constant 8 : i32
    %dma_start3A_69 = arith.constant 0 : i32
    %dma_start3A_70 = tpu.memref_slice %arg4[%add3A, %dma_start3A_68, %dma_start3A_69] : memref<32x80x128xi32, #tpu.memory_space<hbm>> -> memref<1x8x128xi32, #tpu.memory_space<hbm>>
    %dma_start3A_71 = tpu.memref_squeeze %dma_start3A_70 : memref<1x8x128xi32, #tpu.memory_space<hbm>> -> memref<8x128xi32, #tpu.memory_space<hbm>>
    %dma_start3A_72 = tpu.memref_slice %arg11[%dma_start3A_63] : memref<2x!tpu.dma_semaphore, #tpu.memory_space<semaphore_mem>> -> memref<1x!tpu.dma_semaphore, #tpu.memory_space<semaphore_mem>>
    %dma_start3A_73 = tpu.memref_squeeze %dma_start3A_72 : memref<1x!tpu.dma_semaphore, #tpu.memory_space<semaphore_mem>> -> memref<!tpu.dma_semaphore, #tpu.memory_space<semaphore_mem>>
    %dma_start3A_74 = arith.constant 0 : i32
    %dma_start3A_75 = arith.constant 0 : i32
    %dma_start3A_76 = tpu.memref_slice %arg7[%dma_start3A_62, %dma_start3A_74, %dma_start3A_75] : memref<2x8x128xi32, #tpu.memory_space<vmem>> -> memref<1x8x128xi32, #tpu.memory_space<vmem>>
    %dma_start3A_77 = tpu.memref_squeeze %dma_start3A_76 : memref<1x8x128xi32, #tpu.memory_space<vmem>> -> memref<8x128xi32, #tpu.memory_space<vmem>>
    %dma_start3A_78 = arith.constant 8 : i32
    %dma_start3A_79 = arith.constant 0 : i32
    %dma_start3A_80 = tpu.memref_slice %arg4[%add3A, %dma_start3A_78, %dma_start3A_79] : memref<32x80x128xi32, #tpu.memory_space<hbm>> -> memref<1x8x128xi32, #tpu.memory_space<hbm>>
    %dma_start3A_81 = tpu.memref_squeeze %dma_start3A_80 : memref<1x8x128xi32, #tpu.memory_space<hbm>> -> memref<8x128xi32, #tpu.memory_space<hbm>>
    tpu.enqueue_dma source(%dma_start3A_81 : memref<8x128xi32, #tpu.memory_space<hbm>>) target(%dma_start3A_77 : memref<8x128xi32, #tpu.memory_space<vmem>>) target_semaphore(%dma_start3A_73 : memref<!tpu.dma_semaphore, #tpu.memory_space<semaphore_mem>>)
    %scan3A = arith.constant 0 : i32
    %scan3A_82 = arith.constant 128 : i32
    %scan3A_83 = arith.addi %scan3A, %scan3A_82 : i32
    %scan3A_84 = arith.constant 1 : i32
    scf.for %scan3A_162 = %scan3A to %scan3A_83 step %scan3A_84  : i32 {
      %mul3A_163 = arith.constant 1 : i32
      %mul3A_164 = arith.muli %scan3A_162, %mul3A_163 : i32
      %add3A_165 = arith.constant 0 : i32
      %add3A_166 = arith.addi %add3A_165, %mul3A_164 : i32
      %broadcast_in_dim3A = arith.constant 0.000000e+00 : f32
      %broadcast_in_dim3A_167 = vector.broadcast %broadcast_in_dim3A : f32 to vector<16xf32>
      %swap3A = arith.constant 0 : i32
      %swap3A_168 = arith.index_cast %swap3A : i32 to index
      %swap3A_169 = arith.index_cast %add3A_166 : i32 to index
      %swap3A_170 = arith.constant 0 : index
      %swap3A_171 = tpu.vector_load %arg8[%swap3A_168, %swap3A_169, %swap3A_170] {strides = array<i32>} : memref<2x128x128xf32, #tpu.memory_space<vmem>>, vector<1x1x16xf32>,
      %swap3A_172 = vector.shape_cast %swap3A_171 : vector<1x1x16xf32> to vector<16xf32>
      %swap3A_173 = vector.shape_cast %broadcast_in_dim3A_167 : vector<16xf32> to vector<1x1x16xf32>
      tpu.vector_store %arg8[%swap3A_168, %swap3A_169, %swap3A_170], %swap3A_173 {strides = array<i32>} : memref<2x128x128xf32, #tpu.memory_space<vmem>>, vector<1x1x16xf32>,
      %broadcast_in_dim3A_174 = arith.constant 0.000000e+00 : f32
      %broadcast_in_dim3A_175 = vector.broadcast %broadcast_in_dim3A_174 : f32 to vector<16xf32>
      %swap3A_176 = arith.constant 0 : i32
      %swap3A_177 = arith.index_cast %swap3A_176 : i32 to index
      %swap3A_178 = arith.index_cast %add3A_166 : i32 to index
      %swap3A_179 = arith.constant 16 : index
      %swap3A_180 = tpu.vector_load %arg8[%swap3A_177, %swap3A_178, %swap3A_179] {strides = array<i32>} : memref<2x128x128xf32, #tpu.memory_space<vmem>>, vector<1x1x16xf32>,
      %swap3A_181 = vector.shape_cast %swap3A_180 : vector<1x1x16xf32> to vector<16xf32>
      %swap3A_182 = vector.shape_cast %broadcast_in_dim3A_175 : vector<16xf32> to vector<1x1x16xf32>
      tpu.vector_store %arg8[%swap3A_177, %swap3A_178, %swap3A_179], %swap3A_182 {strides = array<i32>} : memref<2x128x128xf32, #tpu.memory_space<vmem>>, vector<1x1x16xf32>,
      %broadcast_in_dim3A_183 = arith.constant 0.000000e+00 : f32
      %broadcast_in_dim3A_184 = vector.broadcast %broadcast_in_dim3A_183 : f32 to vector<16xf32>
      %swap3A_185 = arith.constant 0 : i32
      %swap3A_186 = arith.index_cast %swap3A_185 : i32 to index
      %swap3A_187 = arith.index_cast %add3A_166 : i32 to index
      %swap3A_188 = arith.constant 32 : index
      %swap3A_189 = tpu.vector_load %arg8[%swap3A_186, %swap3A_187, %swap3A_188] {strides = array<i32>} : memref<2x128x128xf32, #tpu.memory_space<vmem>>, vector<1x1x16xf32>,
      %swap3A_190 = vector.shape_cast %swap3A_189 : vector<1x1x16xf32> to vector<16xf32>
      %swap3A_191 = vector.shape_cast %broadcast_in_dim3A_184 : vector<16xf32> to vector<1x1x16xf32>
      tpu.vector_store %arg8[%swap3A_186, %swap3A_187, %swap3A_188], %swap3A_191 {strides = array<i32>} : memref<2x128x128xf32, #tpu.memory_space<vmem>>, vector<1x1x16xf32>,
      %broadcast_in_dim3A_192 = arith.constant 0.000000e+00 : f32
      %broadcast_in_dim3A_193 = vector.broadcast %broadcast_in_dim3A_192 : f32 to vector<16xf32>
      %swap3A_194 = arith.constant 0 : i32
      %swap3A_195 = arith.index_cast %swap3A_194 : i32 to index
      %swap3A_196 = arith.index_cast %add3A_166 : i32 to index
      %swap3A_197 = arith.constant 48 : index
      %swap3A_198 = tpu.vector_load %arg8[%swap3A_195, %swap3A_196, %swap3A_197] {strides = array<i32>} : memref<2x128x128xf32, #tpu.memory_space<vmem>>, vector<1x1x16xf32>,
      %swap3A_199 = vector.shape_cast %swap3A_198 : vector<1x1x16xf32> to vector<16xf32>
      %swap3A_200 = vector.shape_cast %broadcast_in_dim3A_193 : vector<16xf32> to vector<1x1x16xf32>
      tpu.vector_store %arg8[%swap3A_195, %swap3A_196, %swap3A_197], %swap3A_200 {strides = array<i32>} : memref<2x128x128xf32, #tpu.memory_space<vmem>>, vector<1x1x16xf32>,
      %broadcast_in_dim3A_201 = arith.constant 0.000000e+00 : f32
      %broadcast_in_dim3A_202 = vector.broadcast %broadcast_in_dim3A_201 : f32 to vector<16xf32>
      %swap3A_203 = arith.constant 0 : i32
      %swap3A_204 = arith.index_cast %swap3A_203 : i32 to index
      %swap3A_205 = arith.index_cast %add3A_166 : i32 to index
      %swap3A_206 = arith.constant 64 : index
      %swap3A_207 = tpu.vector_load %arg8[%swap3A_204, %swap3A_205, %swap3A_206] {strides = array<i32>} : memref<2x128x128xf32, #tpu.memory_space<vmem>>, vector<1x1x16xf32>,
      %swap3A_208 = vector.shape_cast %swap3A_207 : vector<1x1x16xf32> to vector<16xf32>
      %swap3A_209 = vector.shape_cast %broadcast_in_dim3A_202 : vector<16xf32> to vector<1x1x16xf32>
      tpu.vector_store %arg8[%swap3A_204, %swap3A_205, %swap3A_206], %swap3A_209 {strides = array<i32>} : memref<2x128x128xf32, #tpu.memory_space<vmem>>, vector<1x1x16xf32>,
      %broadcast_in_dim3A_210 = arith.constant 0.000000e+00 : f32
      %broadcast_in_dim3A_211 = vector.broadcast %broadcast_in_dim3A_210 : f32 to vector<16xf32>
      %swap3A_212 = arith.constant 0 : i32
      %swap3A_213 = arith.index_cast %swap3A_212 : i32 to index
      %swap3A_214 = arith.index_cast %add3A_166 : i32 to index
      %swap3A_215 = arith.constant 80 : index
      %swap3A_216 = tpu.vector_load %arg8[%swap3A_213, %swap3A_214, %swap3A_215] {strides = array<i32>} : memref<2x128x128xf32, #tpu.memory_space<vmem>>, vector<1x1x16xf32>,
      %swap3A_217 = vector.shape_cast %swap3A_216 : vector<1x1x16xf32> to vector<16xf32>
      %swap3A_218 = vector.shape_cast %broadcast_in_dim3A_211 : vector<16xf32> to vector<1x1x16xf32>
      tpu.vector_store %arg8[%swap3A_213, %swap3A_214, %swap3A_215], %swap3A_218 {strides = array<i32>} : memref<2x128x128xf32, #tpu.memory_space<vmem>>, vector<1x1x16xf32>,
      %broadcast_in_dim3A_219 = arith.constant 0.000000e+00 : f32
      %broadcast_in_dim3A_220 = vector.broadcast %broadcast_in_dim3A_219 : f32 to vector<16xf32>
      %swap3A_221 = arith.constant 0 : i32
      %swap3A_222 = arith.index_cast %swap3A_221 : i32 to index
      %swap3A_223 = arith.index_cast %add3A_166 : i32 to index
      %swap3A_224 = arith.constant 96 : index
      %swap3A_225 = tpu.vector_load %arg8[%swap3A_222, %swap3A_223, %swap3A_224] {strides = array<i32>} : memref<2x128x128xf32, #tpu.memory_space<vmem>>, vector<1x1x16xf32>,
      %swap3A_226 = vector.shape_cast %swap3A_225 : vector<1x1x16xf32> to vector<16xf32>
      %swap3A_227 = vector.shape_cast %broadcast_in_dim3A_220 : vector<16xf32> to vector<1x1x16xf32>
      tpu.vector_store %arg8[%swap3A_222, %swap3A_223, %swap3A_224], %swap3A_227 {strides = array<i32>} : memref<2x128x128xf32, #tpu.memory_space<vmem>>, vector<1x1x16xf32>,
      %broadcast_in_dim3A_228 = arith.constant 0.000000e+00 : f32
      %broadcast_in_dim3A_229 = vector.broadcast %broadcast_in_dim3A_228 : f32 to vector<16xf32>
      %swap3A_230 = arith.constant 0 : i32
      %swap3A_231 = arith.index_cast %swap3A_230 : i32 to index
      %swap3A_232 = arith.index_cast %add3A_166 : i32 to index
      %swap3A_233 = arith.constant 112 : index
      %swap3A_234 = tpu.vector_load %arg8[%swap3A_231, %swap3A_232, %swap3A_233] {strides = array<i32>} : memref<2x128x128xf32, #tpu.memory_space<vmem>>, vector<1x1x16xf32>,
      %swap3A_235 = vector.shape_cast %swap3A_234 : vector<1x1x16xf32> to vector<16xf32>
      %swap3A_236 = vector.shape_cast %broadcast_in_dim3A_229 : vector<16xf32> to vector<1x1x16xf32>
      tpu.vector_store %arg8[%swap3A_231, %swap3A_232, %swap3A_233], %swap3A_236 {strides = array<i32>} : memref<2x128x128xf32, #tpu.memory_space<vmem>>, vector<1x1x16xf32>,
    }
    %scan3A_85 = arith.constant 128 : i32
    %add3A_86 = arith.constant 0 : i32
    %add3A_87 = arith.addi %mul3A_2, %add3A_86 : i32
    %run_scoped3A = arith.constant 0 : i32
    "tpu.region"() ({
      %run_scoped3A_162 = tpu.sem_alloc : memref<!tpu.dma_semaphore, #tpu.memory_space<semaphore_mem>>
      %dma_start3A_163 = arith.constant 0 : i32
      %dma_start3A_164 = arith.constant 0 : i32
      %dma_start3A_165 = tpu.memref_slice %arg8[%run_scoped3A, %dma_start3A_163, %dma_start3A_164] : memref<2x128x128xf32, #tpu.memory_space<vmem>> -> memref<1x128x128xf32, #tpu.memory_space<vmem>>
      %dma_start3A_166 = tpu.memref_squeeze %dma_start3A_165 : memref<1x128x128xf32, #tpu.memory_space<vmem>> -> memref<128x128xf32, #tpu.memory_space<vmem>>
      %dma_start3A_167 = arith.constant 0 : i32
      %dma_start3A_168 = tpu.memref_slice %arg9[%add3A_87, %dma_start3A_167] : memref<10112x128xf32, #tpu.memory_space<vmem_shared>> -> memref<128x128xf32, #tpu.memory_space<vmem_shared>>
      %dma_start3A_169 = arith.constant 0 : i32
      %dma_start3A_170 = tpu.memref_slice %arg9[%add3A_87, %dma_start3A_169] : memref<10112x128xf32, #tpu.memory_space<vmem_shared>> -> memref<128x128xf32, #tpu.memory_space<vmem_shared>>
      %dma_start3A_171 = arith.constant 0 : i32
      %dma_start3A_172 = arith.constant 0 : i32
      %dma_start3A_173 = tpu.memref_slice %arg8[%run_scoped3A, %dma_start3A_171, %dma_start3A_172] : memref<2x128x128xf32, #tpu.memory_space<vmem>> -> memref<1x128x128xf32, #tpu.memory_space<vmem>>
      %dma_start3A_174 = tpu.memref_squeeze %dma_start3A_173 : memref<1x128x128xf32, #tpu.memory_space<vmem>> -> memref<128x128xf32, #tpu.memory_space<vmem>>
      tpu.enqueue_dma source(%dma_start3A_174 : memref<128x128xf32, #tpu.memory_space<vmem>>) target(%dma_start3A_170 : memref<128x128xf32, #tpu.memory_space<vmem_shared>>) target_semaphore(%run_scoped3A_162 : memref<!tpu.dma_semaphore, #tpu.memory_space<semaphore_mem>>)
      %dma_wait3A_175 = arith.constant 0 : i32
      %dma_wait3A_176 = arith.constant 0 : i32
      %dma_wait3A_177 = tpu.memref_slice %arg8[%run_scoped3A, %dma_wait3A_175, %dma_wait3A_176] : memref<2x128x128xf32, #tpu.memory_space<vmem>> -> memref<1x128x128xf32, #tpu.memory_space<vmem>>
      %dma_wait3A_178 = tpu.memref_squeeze %dma_wait3A_177 : memref<1x128x128xf32, #tpu.memory_space<vmem>> -> memref<128x128xf32, #tpu.memory_space<vmem>>
      %dma_wait3A_179 = arith.constant 0 : i32
      %dma_wait3A_180 = tpu.memref_slice %arg9[%add3A_87, %dma_wait3A_179] : memref<10112x128xf32, #tpu.memory_space<vmem_shared>> -> memref<128x128xf32, #tpu.memory_space<vmem_shared>>
      %dma_wait3A_181 = arith.constant 0 : i32
      %dma_wait3A_182 = tpu.memref_slice %arg9[%add3A_87, %dma_wait3A_181] : memref<10112x128xf32, #tpu.memory_space<vmem_shared>> -> memref<128x128xf32, #tpu.memory_space<vmem_shared>>
      %dma_wait3A_183 = arith.constant 0 : i32
      %dma_wait3A_184 = arith.constant 0 : i32
      %dma_wait3A_185 = tpu.memref_slice %arg8[%run_scoped3A, %dma_wait3A_183, %dma_wait3A_184] : memref<2x128x128xf32, #tpu.memory_space<vmem>> -> memref<1x128x128xf32, #tpu.memory_space<vmem>>
      %dma_wait3A_186 = tpu.memref_squeeze %dma_wait3A_185 : memref<1x128x128xf32, #tpu.memory_space<vmem>> -> memref<128x128xf32, #tpu.memory_space<vmem>>
      tpu.wait_dma2 semaphore(%run_scoped3A_162 : memref<!tpu.dma_semaphore, #tpu.memory_space<semaphore_mem>>) src(%dma_wait3A_186 : memref<128x128xf32, #tpu.memory_space<vmem>>) dst(%dma_wait3A_182 : memref<128x128xf32, #tpu.memory_space<vmem_shared>>)
      tpu.yield
    }) : () -> ()
    %add3A_88 = arith.constant 128 : i32
    %add3A_89 = arith.addi %mul3A_2, %add3A_88 : i32
    %run_scoped3A_90 = arith.constant 0 : i32
    "tpu.region"() ({
      %run_scoped3A_162 = tpu.sem_alloc : memref<!tpu.dma_semaphore, #tpu.memory_space<semaphore_mem>>
      %dma_start3A_163 = arith.constant 0 : i32
      %dma_start3A_164 = arith.constant 0 : i32
      %dma_start3A_165 = tpu.memref_slice %arg8[%run_scoped3A_90, %dma_start3A_163, %dma_start3A_164] : memref<2x128x128xf32, #tpu.memory_space<vmem>> -> memref<1x128x128xf32, #tpu.memory_space<vmem>>
      %dma_start3A_166 = tpu.memref_squeeze %dma_start3A_165 : memref<1x128x128xf32, #tpu.memory_space<vmem>> -> memref<128x128xf32, #tpu.memory_space<vmem>>
      %dma_start3A_167 = arith.constant 0 : i32
      %dma_start3A_168 = tpu.memref_slice %arg9[%add3A_89, %dma_start3A_167] : memref<10112x128xf32, #tpu.memory_space<vmem_shared>> -> memref<128x128xf32, #tpu.memory_space<vmem_shared>>
      %dma_start3A_169 = arith.constant 0 : i32
      %dma_start3A_170 = tpu.memref_slice %arg9[%add3A_89, %dma_start3A_169] : memref<10112x128xf32, #tpu.memory_space<vmem_shared>> -> memref<128x128xf32, #tpu.memory_space<vmem_shared>>
      %dma_start3A_171 = arith.constant 0 : i32
      %dma_start3A_172 = arith.constant 0 : i32
      %dma_start3A_173 = tpu.memref_slice %arg8[%run_scoped3A_90, %dma_start3A_171, %dma_start3A_172] : memref<2x128x128xf32, #tpu.memory_space<vmem>> -> memref<1x128x128xf32, #tpu.memory_space<vmem>>
      %dma_start3A_174 = tpu.memref_squeeze %dma_start3A_173 : memref<1x128x128xf32, #tpu.memory_space<vmem>> -> memref<128x128xf32, #tpu.memory_space<vmem>>
      tpu.enqueue_dma source(%dma_start3A_174 : memref<128x128xf32, #tpu.memory_space<vmem>>) target(%dma_start3A_170 : memref<128x128xf32, #tpu.memory_space<vmem_shared>>) target_semaphore(%run_scoped3A_162 : memref<!tpu.dma_semaphore, #tpu.memory_space<semaphore_mem>>)
      %dma_wait3A_175 = arith.constant 0 : i32
      %dma_wait3A_176 = arith.constant 0 : i32
      %dma_wait3A_177 = tpu.memref_slice %arg8[%run_scoped3A_90, %dma_wait3A_175, %dma_wait3A_176] : memref<2x128x128xf32, #tpu.memory_space<vmem>> -> memref<1x128x128xf32, #tpu.memory_space<vmem>>
      %dma_wait3A_178 = tpu.memref_squeeze %dma_wait3A_177 : memref<1x128x128xf32, #tpu.memory_space<vmem>> -> memref<128x128xf32, #tpu.memory_space<vmem>>
      %dma_wait3A_179 = arith.constant 0 : i32
      %dma_wait3A_180 = tpu.memref_slice %arg9[%add3A_89, %dma_wait3A_179] : memref<10112x128xf32, #tpu.memory_space<vmem_shared>> -> memref<128x128xf32, #tpu.memory_space<vmem_shared>>
      %dma_wait3A_181 = arith.constant 0 : i32
      %dma_wait3A_182 = tpu.memref_slice %arg9[%add3A_89, %dma_wait3A_181] : memref<10112x128xf32, #tpu.memory_space<vmem_shared>> -> memref<128x128xf32, #tpu.memory_space<vmem_shared>>
      %dma_wait3A_183 = arith.constant 0 : i32
      %dma_wait3A_184 = arith.constant 0 : i32
      %dma_wait3A_185 = tpu.memref_slice %arg8[%run_scoped3A_90, %dma_wait3A_183, %dma_wait3A_184] : memref<2x128x128xf32, #tpu.memory_space<vmem>> -> memref<1x128x128xf32, #tpu.memory_space<vmem>>
      %dma_wait3A_186 = tpu.memref_squeeze %dma_wait3A_185 : memref<1x128x128xf32, #tpu.memory_space<vmem>> -> memref<128x128xf32, #tpu.memory_space<vmem>>
      tpu.wait_dma2 semaphore(%run_scoped3A_162 : memref<!tpu.dma_semaphore, #tpu.memory_space<semaphore_mem>>) src(%dma_wait3A_186 : memref<128x128xf32, #tpu.memory_space<vmem>>) dst(%dma_wait3A_182 : memref<128x128xf32, #tpu.memory_space<vmem_shared>>)
      tpu.yield
    }) : () -> ()
    %add3A_91 = arith.constant 256 : i32
    %add3A_92 = arith.addi %mul3A_2, %add3A_91 : i32
    %run_scoped3A_93 = arith.constant 0 : i32
    "tpu.region"() ({
      %run_scoped3A_162 = tpu.sem_alloc : memref<!tpu.dma_semaphore, #tpu.memory_space<semaphore_mem>>
      %dma_start3A_163 = arith.constant 0 : i32
      %dma_start3A_164 = arith.constant 0 : i32
      %dma_start3A_165 = tpu.memref_slice %arg8[%run_scoped3A_93, %dma_start3A_163, %dma_start3A_164] : memref<2x128x128xf32, #tpu.memory_space<vmem>> -> memref<1x128x128xf32, #tpu.memory_space<vmem>>
      %dma_start3A_166 = tpu.memref_squeeze %dma_start3A_165 : memref<1x128x128xf32, #tpu.memory_space<vmem>> -> memref<128x128xf32, #tpu.memory_space<vmem>>
      %dma_start3A_167 = arith.constant 0 : i32
      %dma_start3A_168 = tpu.memref_slice %arg9[%add3A_92, %dma_start3A_167] : memref<10112x128xf32, #tpu.memory_space<vmem_shared>> -> memref<128x128xf32, #tpu.memory_space<vmem_shared>>
      %dma_start3A_169 = arith.constant 0 : i32
      %dma_start3A_170 = tpu.memref_slice %arg9[%add3A_92, %dma_start3A_169] : memref<10112x128xf32, #tpu.memory_space<vmem_shared>> -> memref<128x128xf32, #tpu.memory_space<vmem_shared>>
      %dma_start3A_171 = arith.constant 0 : i32
      %dma_start3A_172 = arith.constant 0 : i32
      %dma_start3A_173 = tpu.memref_slice %arg8[%run_scoped3A_93, %dma_start3A_171, %dma_start3A_172] : memref<2x128x128xf32, #tpu.memory_space<vmem>> -> memref<1x128x128xf32, #tpu.memory_space<vmem>>
      %dma_start3A_174 = tpu.memref_squeeze %dma_start3A_173 : memref<1x128x128xf32, #tpu.memory_space<vmem>> -> memref<128x128xf32, #tpu.memory_space<vmem>>
      tpu.enqueue_dma source(%dma_start3A_174 : memref<128x128xf32, #tpu.memory_space<vmem>>) target(%dma_start3A_170 : memref<128x128xf32, #tpu.memory_space<vmem_shared>>) target_semaphore(%run_scoped3A_162 : memref<!tpu.dma_semaphore, #tpu.memory_space<semaphore_mem>>)
      %dma_wait3A_175 = arith.constant 0 : i32
      %dma_wait3A_176 = arith.constant 0 : i32
      %dma_wait3A_177 = tpu.memref_slice %arg8[%run_scoped3A_93, %dma_wait3A_175, %dma_wait3A_176] : memref<2x128x128xf32, #tpu.memory_space<vmem>> -> memref<1x128x128xf32, #tpu.memory_space<vmem>>
      %dma_wait3A_178 = tpu.memref_squeeze %dma_wait3A_177 : memref<1x128x128xf32, #tpu.memory_space<vmem>> -> memref<128x128xf32, #tpu.memory_space<vmem>>
      %dma_wait3A_179 = arith.constant 0 : i32
      %dma_wait3A_180 = tpu.memref_slice %arg9[%add3A_92, %dma_wait3A_179] : memref<10112x128xf32, #tpu.memory_space<vmem_shared>> -> memref<128x128xf32, #tpu.memory_space<vmem_shared>>
      %dma_wait3A_181 = arith.constant 0 : i32
      %dma_wait3A_182 = tpu.memref_slice %arg9[%add3A_92, %dma_wait3A_181] : memref<10112x128xf32, #tpu.memory_space<vmem_shared>> -> memref<128x128xf32, #tpu.memory_space<vmem_shared>>
      %dma_wait3A_183 = arith.constant 0 : i32
      %dma_wait3A_184 = arith.constant 0 : i32
      %dma_wait3A_185 = tpu.memref_slice %arg8[%run_scoped3A_93, %dma_wait3A_183, %dma_wait3A_184] : memref<2x128x128xf32, #tpu.memory_space<vmem>> -> memref<1x128x128xf32, #tpu.memory_space<vmem>>
      %dma_wait3A_186 = tpu.memref_squeeze %dma_wait3A_185 : memref<1x128x128xf32, #tpu.memory_space<vmem>> -> memref<128x128xf32, #tpu.memory_space<vmem>>
      tpu.wait_dma2 semaphore(%run_scoped3A_162 : memref<!tpu.dma_semaphore, #tpu.memory_space<semaphore_mem>>) src(%dma_wait3A_186 : memref<128x128xf32, #tpu.memory_space<vmem>>) dst(%dma_wait3A_182 : memref<128x128xf32, #tpu.memory_space<vmem_shared>>)
      tpu.yield
    }) : () -> ()
    %add3A_94 = arith.constant 384 : i32
    %add3A_95 = arith.addi %mul3A_2, %add3A_94 : i32
    %run_scoped3A_96 = arith.constant 0 : i32
    "tpu.region"() ({
      %run_scoped3A_162 = tpu.sem_alloc : memref<!tpu.dma_semaphore, #tpu.memory_space<semaphore_mem>>
      %dma_start3A_163 = arith.constant 0 : i32
      %dma_start3A_164 = arith.constant 0 : i32
      %dma_start3A_165 = tpu.memref_slice %arg8[%run_scoped3A_96, %dma_start3A_163, %dma_start3A_164] : memref<2x128x128xf32, #tpu.memory_space<vmem>> -> memref<1x128x128xf32, #tpu.memory_space<vmem>>
      %dma_start3A_166 = tpu.memref_squeeze %dma_start3A_165 : memref<1x128x128xf32, #tpu.memory_space<vmem>> -> memref<128x128xf32, #tpu.memory_space<vmem>>
      %dma_start3A_167 = arith.constant 0 : i32
      %dma_start3A_168 = tpu.memref_slice %arg9[%add3A_95, %dma_start3A_167] : memref<10112x128xf32, #tpu.memory_space<vmem_shared>> -> memref<128x128xf32, #tpu.memory_space<vmem_shared>>
      %dma_start3A_169 = arith.constant 0 : i32
      %dma_start3A_170 = tpu.memref_slice %arg9[%add3A_95, %dma_start3A_169] : memref<10112x128xf32, #tpu.memory_space<vmem_shared>> -> memref<128x128xf32, #tpu.memory_space<vmem_shared>>
      %dma_start3A_171 = arith.constant 0 : i32
      %dma_start3A_172 = arith.constant 0 : i32
      %dma_start3A_173 = tpu.memref_slice %arg8[%run_scoped3A_96, %dma_start3A_171, %dma_start3A_172] : memref<2x128x128xf32, #tpu.memory_space<vmem>> -> memref<1x128x128xf32, #tpu.memory_space<vmem>>
      %dma_start3A_174 = tpu.memref_squeeze %dma_start3A_173 : memref<1x128x128xf32, #tpu.memory_space<vmem>> -> memref<128x128xf32, #tpu.memory_space<vmem>>
      tpu.enqueue_dma source(%dma_start3A_174 : memref<128x128xf32, #tpu.memory_space<vmem>>) target(%dma_start3A_170 : memref<128x128xf32, #tpu.memory_space<vmem_shared>>) target_semaphore(%run_scoped3A_162 : memref<!tpu.dma_semaphore, #tpu.memory_space<semaphore_mem>>)
      %dma_wait3A_175 = arith.constant 0 : i32
      %dma_wait3A_176 = arith.constant 0 : i32
      %dma_wait3A_177 = tpu.memref_slice %arg8[%run_scoped3A_96, %dma_wait3A_175, %dma_wait3A_176] : memref<2x128x128xf32, #tpu.memory_space<vmem>> -> memref<1x128x128xf32, #tpu.memory_space<vmem>>
      %dma_wait3A_178 = tpu.memref_squeeze %dma_wait3A_177 : memref<1x128x128xf32, #tpu.memory_space<vmem>> -> memref<128x128xf32, #tpu.memory_space<vmem>>
      %dma_wait3A_179 = arith.constant 0 : i32
      %dma_wait3A_180 = tpu.memref_slice %arg9[%add3A_95, %dma_wait3A_179] : memref<10112x128xf32, #tpu.memory_space<vmem_shared>> -> memref<128x128xf32, #tpu.memory_space<vmem_shared>>
      %dma_wait3A_181 = arith.constant 0 : i32
      %dma_wait3A_182 = tpu.memref_slice %arg9[%add3A_95, %dma_wait3A_181] : memref<10112x128xf32, #tpu.memory_space<vmem_shared>> -> memref<128x128xf32, #tpu.memory_space<vmem_shared>>
      %dma_wait3A_183 = arith.constant 0 : i32
      %dma_wait3A_184 = arith.constant 0 : i32
      %dma_wait3A_185 = tpu.memref_slice %arg8[%run_scoped3A_96, %dma_wait3A_183, %dma_wait3A_184] : memref<2x128x128xf32, #tpu.memory_space<vmem>> -> memref<1x128x128xf32, #tpu.memory_space<vmem>>
      %dma_wait3A_186 = tpu.memref_squeeze %dma_wait3A_185 : memref<1x128x128xf32, #tpu.memory_space<vmem>> -> memref<128x128xf32, #tpu.memory_space<vmem>>
      tpu.wait_dma2 semaphore(%run_scoped3A_162 : memref<!tpu.dma_semaphore, #tpu.memory_space<semaphore_mem>>) src(%dma_wait3A_186 : memref<128x128xf32, #tpu.memory_space<vmem>>) dst(%dma_wait3A_182 : memref<128x128xf32, #tpu.memory_space<vmem_shared>>)
      tpu.yield
    }) : () -> ()
    %add3A_97 = arith.constant 632 : i32
    %add3A_98 = arith.addi %mul3A_2, %add3A_97 : i32
    %sub3A = arith.constant 120 : i32
    %sub3A_99 = arith.subi %add3A_98, %sub3A : i32
    %run_scoped3A_100 = arith.constant 0 : i32
    "tpu.region"() ({
      %run_scoped3A_162 = tpu.sem_alloc : memref<!tpu.dma_semaphore, #tpu.memory_space<semaphore_mem>>
      %dma_start3A_163 = arith.constant 0 : i32
      %dma_start3A_164 = arith.constant 0 : i32
      %dma_start3A_165 = tpu.memref_slice %arg8[%run_scoped3A_100, %dma_start3A_163, %dma_start3A_164] : memref<2x128x128xf32, #tpu.memory_space<vmem>> -> memref<1x120x128xf32, #tpu.memory_space<vmem>>
      %dma_start3A_166 = tpu.memref_squeeze %dma_start3A_165 : memref<1x120x128xf32, #tpu.memory_space<vmem>> -> memref<120x128xf32, #tpu.memory_space<vmem>>
      %dma_start3A_167 = arith.constant 0 : i32
      %dma_start3A_168 = tpu.memref_slice %arg9[%sub3A_99, %dma_start3A_167] : memref<10112x128xf32, #tpu.memory_space<vmem_shared>> -> memref<120x128xf32, #tpu.memory_space<vmem_shared>>
      %dma_start3A_169 = arith.constant 0 : i32
      %dma_start3A_170 = tpu.memref_slice %arg9[%sub3A_99, %dma_start3A_169] : memref<10112x128xf32, #tpu.memory_space<vmem_shared>> -> memref<120x128xf32, #tpu.memory_space<vmem_shared>>
      %dma_start3A_171 = arith.constant 0 : i32
      %dma_start3A_172 = arith.constant 0 : i32
      %dma_start3A_173 = tpu.memref_slice %arg8[%run_scoped3A_100, %dma_start3A_171, %dma_start3A_172] : memref<2x128x128xf32, #tpu.memory_space<vmem>> -> memref<1x120x128xf32, #tpu.memory_space<vmem>>
      %dma_start3A_174 = tpu.memref_squeeze %dma_start3A_173 : memref<1x120x128xf32, #tpu.memory_space<vmem>> -> memref<120x128xf32, #tpu.memory_space<vmem>>
      tpu.enqueue_dma source(%dma_start3A_174 : memref<120x128xf32, #tpu.memory_space<vmem>>) target(%dma_start3A_170 : memref<120x128xf32, #tpu.memory_space<vmem_shared>>) target_semaphore(%run_scoped3A_162 : memref<!tpu.dma_semaphore, #tpu.memory_space<semaphore_mem>>)
      %dma_wait3A_175 = arith.constant 0 : i32
      %dma_wait3A_176 = arith.constant 0 : i32
      %dma_wait3A_177 = tpu.memref_slice %arg8[%run_scoped3A_100, %dma_wait3A_175, %dma_wait3A_176] : memref<2x128x128xf32, #tpu.memory_space<vmem>> -> memref<1x120x128xf32, #tpu.memory_space<vmem>>
      %dma_wait3A_178 = tpu.memref_squeeze %dma_wait3A_177 : memref<1x120x128xf32, #tpu.memory_space<vmem>> -> memref<120x128xf32, #tpu.memory_space<vmem>>
      %dma_wait3A_179 = arith.constant 0 : i32
      %dma_wait3A_180 = tpu.memref_slice %arg9[%sub3A_99, %dma_wait3A_179] : memref<10112x128xf32, #tpu.memory_space<vmem_shared>> -> memref<120x128xf32, #tpu.memory_space<vmem_shared>>
      %dma_wait3A_181 = arith.constant 0 : i32
      %dma_wait3A_182 = tpu.memref_slice %arg9[%sub3A_99, %dma_wait3A_181] : memref<10112x128xf32, #tpu.memory_space<vmem_shared>> -> memref<120x128xf32, #tpu.memory_space<vmem_shared>>
      %dma_wait3A_183 = arith.constant 0 : i32
      %dma_wait3A_184 = arith.constant 0 : i32
      %dma_wait3A_185 = tpu.memref_slice %arg8[%run_scoped3A_100, %dma_wait3A_183, %dma_wait3A_184] : memref<2x128x128xf32, #tpu.memory_space<vmem>> -> memref<1x120x128xf32, #tpu.memory_space<vmem>>
      %dma_wait3A_186 = tpu.memref_squeeze %dma_wait3A_185 : memref<1x120x128xf32, #tpu.memory_space<vmem>> -> memref<120x128xf32, #tpu.memory_space<vmem>>
      tpu.wait_dma2 semaphore(%run_scoped3A_162 : memref<!tpu.dma_semaphore, #tpu.memory_space<semaphore_mem>>) src(%dma_wait3A_186 : memref<120x128xf32, #tpu.memory_space<vmem>>) dst(%dma_wait3A_182 : memref<120x128xf32, #tpu.memory_space<vmem_shared>>)
      tpu.yield
    }) : () -> ()
    %dma_wait3A = arith.constant 0 : i32
    %dma_wait3A_101 = arith.constant 0 : i32
    %dma_wait3A_102 = arith.constant 0 : i32
    %dma_wait3A_103 = arith.constant 0 : i32
    %dma_wait3A_104 = tpu.memref_slice %arg6[%dma_wait3A, %dma_wait3A_102, %dma_wait3A_103] : memref<2x8x128xi32, #tpu.memory_space<vmem>> -> memref<1x8x128xi32, #tpu.memory_space<vmem>>
    %dma_wait3A_105 = tpu.memref_squeeze %dma_wait3A_104 : memref<1x8x128xi32, #tpu.memory_space<vmem>> -> memref<8x128xi32, #tpu.memory_space<vmem>>
    %dma_wait3A_106 = arith.constant 0 : i32
    %dma_wait3A_107 = arith.constant 0 : i32
    %dma_wait3A_108 = tpu.memref_slice %arg3[%add3A, %dma_wait3A_106, %dma_wait3A_107] : memref<32x80x128xi32, #tpu.memory_space<hbm>> -> memref<1x8x128xi32, #tpu.memory_space<hbm>>
    %dma_wait3A_109 = tpu.memref_squeeze %dma_wait3A_108 : memref<1x8x128xi32, #tpu.memory_space<hbm>> -> memref<8x128xi32, #tpu.memory_space<hbm>>
    %dma_wait3A_110 = tpu.memref_slice %arg11[%dma_wait3A_101] : memref<2x!tpu.dma_semaphore, #tpu.memory_space<semaphore_mem>> -> memref<1x!tpu.dma_semaphore, #tpu.memory_space<semaphore_mem>>
    %dma_wait3A_111 = tpu.memref_squeeze %dma_wait3A_110 : memref<1x!tpu.dma_semaphore, #tpu.memory_space<semaphore_mem>> -> memref<!tpu.dma_semaphore, #tpu.memory_space<semaphore_mem>>
    %dma_wait3A_112 = arith.constant 0 : i32
    %dma_wait3A_113 = arith.constant 0 : i32
    %dma_wait3A_114 = tpu.memref_slice %arg6[%dma_wait3A, %dma_wait3A_112, %dma_wait3A_113] : memref<2x8x128xi32, #tpu.memory_space<vmem>> -> memref<1x8x128xi32, #tpu.memory_space<vmem>>
    %dma_wait3A_115 = tpu.memref_squeeze %dma_wait3A_114 : memref<1x8x128xi32, #tpu.memory_space<vmem>> -> memref<8x128xi32, #tpu.memory_space<vmem>>
    %dma_wait3A_116 = arith.constant 0 : i32
    %dma_wait3A_117 = arith.constant 0 : i32
    %dma_wait3A_118 = tpu.memref_slice %arg3[%add3A, %dma_wait3A_116, %dma_wait3A_117] : memref<32x80x128xi32, #tpu.memory_space<hbm>> -> memref<1x8x128xi32, #tpu.memory_space<hbm>>
    %dma_wait3A_119 = tpu.memref_squeeze %dma_wait3A_118 : memref<1x8x128xi32, #tpu.memory_space<hbm>> -> memref<8x128xi32, #tpu.memory_space<hbm>>
    tpu.wait_dma2 semaphore(%dma_wait3A_111 : memref<!tpu.dma_semaphore, #tpu.memory_space<semaphore_mem>>) src(%dma_wait3A_119 : memref<8x128xi32, #tpu.memory_space<hbm>>) dst(%dma_wait3A_115 : memref<8x128xi32, #tpu.memory_space<vmem>>)
    %dma_wait3A_120 = arith.constant 0 : i32
    %dma_wait3A_121 = arith.constant 0 : i32
    %dma_wait3A_122 = arith.constant 0 : i32
    %dma_wait3A_123 = arith.constant 0 : i32
    %dma_wait3A_124 = tpu.memref_slice %arg7[%dma_wait3A_120, %dma_wait3A_122, %dma_wait3A_123] : memref<2x8x128xi32, #tpu.memory_space<vmem>> -> memref<1x8x128xi32, #tpu.memory_space<vmem>>
    %dma_wait3A_125 = tpu.memref_squeeze %dma_wait3A_124 : memref<1x8x128xi32, #tpu.memory_space<vmem>> -> memref<8x128xi32, #tpu.memory_space<vmem>>
    %dma_wait3A_126 = arith.constant 0 : i32
    %dma_wait3A_127 = arith.constant 0 : i32
    %dma_wait3A_128 = tpu.memref_slice %arg4[%add3A, %dma_wait3A_126, %dma_wait3A_127] : memref<32x80x128xi32, #tpu.memory_space<hbm>> -> memref<1x8x128xi32, #tpu.memory_space<hbm>>
    %dma_wait3A_129 = tpu.memref_squeeze %dma_wait3A_128 : memref<1x8x128xi32, #tpu.memory_space<hbm>> -> memref<8x128xi32, #tpu.memory_space<hbm>>
    %dma_wait3A_130 = tpu.memref_slice %arg11[%dma_wait3A_121] : memref<2x!tpu.dma_semaphore, #tpu.memory_space<semaphore_mem>> -> memref<1x!tpu.dma_semaphore, #tpu.memory_space<semaphore_mem>>
    %dma_wait3A_131 = tpu.memref_squeeze %dma_wait3A_130 : memref<1x!tpu.dma_semaphore, #tpu.memory_space<semaphore_mem>> -> memref<!tpu.dma_semaphore, #tpu.memory_space<semaphore_mem>>
    %dma_wait3A_132 = arith.constant 0 : i32
    %dma_wait3A_133 = arith.constant 0 : i32
    %dma_wait3A_134 = tpu.memref_slice %arg7[%dma_wait3A_120, %dma_wait3A_132, %dma_wait3A_133] : memref<2x8x128xi32, #tpu.memory_space<vmem>> -> memref<1x8x128xi32, #tpu.memory_space<vmem>>
    %dma_wait3A_135 = tpu.memref_squeeze %dma_wait3A_134 : memref<1x8x128xi32, #tpu.memory_space<vmem>> -> memref<8x128xi32, #tpu.memory_space<vmem>>
    %dma_wait3A_136 = arith.constant 0 : i32
    %dma_wait3A_137 = arith.constant 0 : i32
    %dma_wait3A_138 = tpu.memref_slice %arg4[%add3A, %dma_wait3A_136, %dma_wait3A_137] : memref<32x80x128xi32, #tpu.memory_space<hbm>> -> memref<1x8x128xi32, #tpu.memory_space<hbm>>
    %dma_wait3A_139 = tpu.memref_squeeze %dma_wait3A_138 : memref<1x8x128xi32, #tpu.memory_space<hbm>> -> memref<8x128xi32, #tpu.memory_space<hbm>>
    tpu.wait_dma2 semaphore(%dma_wait3A_131 : memref<!tpu.dma_semaphore, #tpu.memory_space<semaphore_mem>>) src(%dma_wait3A_139 : memref<8x128xi32, #tpu.memory_space<hbm>>) dst(%dma_wait3A_135 : memref<8x128xi32, #tpu.memory_space<vmem>>)
    %barrier3A = arith.constant 0 : index
    tpu.barrier barrier_id(%barrier3A)
    %dma_start3A_140 = arith.constant 0 : i32
    %dma_start3A_141 = arith.constant 0 : i32
    %dma_start3A_142 = arith.constant 0 : i32
    %dma_start3A_143 = arith.constant 0 : i32
    %dma_start3A_144 = arith.constant 0 : i32
    %dma_start3A_145 = arith.constant 0 : i32
    %dma_start3A_146 = tpu.memref_slice %arg8[%dma_start3A_142, %dma_start3A_144, %dma_start3A_145] : memref<2x128x128xf32, #tpu.memory_space<vmem>> -> memref<1x128x128xf32, #tpu.memory_space<vmem>>
    %dma_start3A_147 = tpu.memref_squeeze %dma_start3A_146 : memref<1x128x128xf32, #tpu.memory_space<vmem>> -> memref<128x128xf32, #tpu.memory_space<vmem>>
    %dma_start3A_148 = arith.constant 0 : i32
    %dma_start3A_149 = tpu.memref_slice %arg6[%dma_start3A_140, %dma_start3A_141, %dma_start3A_148] : memref<2x8x128xi32, #tpu.memory_space<vmem>> -> memref<1x1x128xi32, #tpu.memory_space<vmem>>
    %dma_start3A_150 = tpu.memref_squeeze %dma_start3A_149 : memref<1x1x128xi32, #tpu.memory_space<vmem>> -> memref<128xi32, #tpu.memory_space<vmem>>
    %dma_start3A_151 = arith.constant 0 : i32
    %dma_start3A_152 = arith.constant 0 : i32
    %dma_start3A_153 = tpu.memref_slice %arg2[%dma_start3A_151, %dma_start3A_152] : memref<10112x128xf32, #tpu.memory_space<hbm>> -> memref<10112x128xf32, #tpu.memory_space<hbm>>
    %dma_start3A_154 = tpu.memref_slice %arg10[%dma_start3A_143] : memref<2x!tpu.dma_semaphore, #tpu.memory_space<semaphore_mem>> -> memref<1x!tpu.dma_semaphore, #tpu.memory_space<semaphore_mem>>
    %dma_start3A_155 = tpu.memref_squeeze %dma_start3A_154 : memref<1x!tpu.dma_semaphore, #tpu.memory_space<semaphore_mem>> -> memref<!tpu.dma_semaphore, #tpu.memory_space<semaphore_mem>>
    tpu.enqueue_indirect_dma source(%dma_start3A_153 : memref<10112x128xf32, #tpu.memory_space<hbm>>) target(%dma_start3A_147 : memref<128x128xf32, #tpu.memory_space<vmem>>) offsets(%dma_start3A_150 : memref<128xi32, #tpu.memory_space<vmem>>) semaphore(%dma_start3A_155 : memref<!tpu.dma_semaphore, #tpu.memory_space<semaphore_mem>>)
    %scan3A_156 = arith.constant 0 : i32
    %scan3A_157 = arith.constant 5 : i32
    %scan3A_158 = arith.addi %scan3A_156, %scan3A_157 : i32
    %scan3A_159 = arith.constant 1 : i32
    scf.for %scan3A_162 = %scan3A_156 to %scan3A_158 step %scan3A_159  : i32 {
      %mul3A_163 = arith.constant 16 : i32
      %mul3A_164 = arith.muli %scan3A_162, %mul3A_163 : i32
      %add3A_165 = arith.constant 0 : i32
      %add3A_166 = arith.addi %add3A_165, %mul3A_164 : i32
      %dma_wait3A_167 = arith.constant 0 : i32
      %dma_wait3A_168 = arith.constant 0 : i32
      %dma_wait3A_169 = arith.constant 0 : i32
      %dma_wait3A_170 = arith.constant 0 : i32
      %dma_wait3A_171 = arith.constant 0 : i32
      %dma_wait3A_172 = arith.constant 0 : i32
      %dma_wait3A_173 = tpu.memref_slice %arg8[%dma_wait3A_169, %dma_wait3A_171, %dma_wait3A_172] : memref<2x128x128xf32, #tpu.memory_space<vmem>> -> memref<1x128x128xf32, #tpu.memory_space<vmem>>
      %dma_wait3A_174 = tpu.memref_squeeze %dma_wait3A_173 : memref<1x128x128xf32, #tpu.memory_space<vmem>> -> memref<128x128xf32, #tpu.memory_space<vmem>>
      %dma_wait3A_175 = arith.constant 0 : i32
      %dma_wait3A_176 = tpu.memref_slice %arg6[%dma_wait3A_167, %dma_wait3A_168, %dma_wait3A_175] : memref<2x8x128xi32, #tpu.memory_space<vmem>> -> memref<1x1x128xi32, #tpu.memory_space<vmem>>
      %dma_wait3A_177 = tpu.memref_squeeze %dma_wait3A_176 : memref<1x1x128xi32, #tpu.memory_space<vmem>> -> memref<128xi32, #tpu.memory_space<vmem>>
      %dma_wait3A_178 = arith.constant 0 : i32
      %dma_wait3A_179 = arith.constant 0 : i32
      %dma_wait3A_180 = tpu.memref_slice %arg2[%dma_wait3A_178, %dma_wait3A_179] : memref<10112x128xf32, #tpu.memory_space<hbm>> -> memref<10112x128xf32, #tpu.memory_space<hbm>>
      %dma_wait3A_181 = tpu.memref_slice %arg10[%dma_wait3A_170] : memref<2x!tpu.dma_semaphore, #tpu.memory_space<semaphore_mem>> -> memref<1x!tpu.dma_semaphore, #tpu.memory_space<semaphore_mem>>
      %dma_wait3A_182 = tpu.memref_squeeze %dma_wait3A_181 : memref<1x!tpu.dma_semaphore, #tpu.memory_space<semaphore_mem>> -> memref<!tpu.dma_semaphore, #tpu.memory_space<semaphore_mem>>
      tpu.wait_indirect_dma semaphore(%dma_wait3A_182 : memref<!tpu.dma_semaphore, #tpu.memory_space<semaphore_mem>>) src(%dma_wait3A_180 : memref<10112x128xf32, #tpu.memory_space<hbm>>) dst(%dma_wait3A_174 : memref<128x128xf32, #tpu.memory_space<vmem>>)
      %dma_start3A_183 = arith.constant 0 : i32
      %dma_start3A_184 = arith.constant 1 : i32
      %dma_start3A_185 = arith.constant 1 : i32
      %dma_start3A_186 = arith.constant 1 : i32
      %dma_start3A_187 = arith.constant 0 : i32
      %dma_start3A_188 = arith.constant 0 : i32
      %dma_start3A_189 = tpu.memref_slice %arg8[%dma_start3A_185, %dma_start3A_187, %dma_start3A_188] : memref<2x128x128xf32, #tpu.memory_space<vmem>> -> memref<1x128x128xf32, #tpu.memory_space<vmem>>
      %dma_start3A_190 = tpu.memref_squeeze %dma_start3A_189 : memref<1x128x128xf32, #tpu.memory_space<vmem>> -> memref<128x128xf32, #tpu.memory_space<vmem>>
      %dma_start3A_191 = arith.constant 0 : i32
      %dma_start3A_192 = tpu.memref_slice %arg6[%dma_start3A_183, %dma_start3A_184, %dma_start3A_191] : memref<2x8x128xi32, #tpu.memory_space<vmem>> -> memref<1x1x128xi32, #tpu.memory_space<vmem>>
      %dma_start3A_193 = tpu.memref_squeeze %dma_start3A_192 : memref<1x1x128xi32, #tpu.memory_space<vmem>> -> memref<128xi32, #tpu.memory_space<vmem>>
      %dma_start3A_194 = arith.constant 0 : i32
      %dma_start3A_195 = arith.constant 0 : i32
      %dma_start3A_196 = tpu.memref_slice %arg2[%dma_start3A_194, %dma_start3A_195] : memref<10112x128xf32, #tpu.memory_space<hbm>> -> memref<10112x128xf32, #tpu.memory_space<hbm>>
      %dma_start3A_197 = tpu.memref_slice %arg10[%dma_start3A_186] : memref<2x!tpu.dma_semaphore, #tpu.memory_space<semaphore_mem>> -> memref<1x!tpu.dma_semaphore, #tpu.memory_space<semaphore_mem>>
      %dma_start3A_198 = tpu.memref_squeeze %dma_start3A_197 : memref<1x!tpu.dma_semaphore, #tpu.memory_space<semaphore_mem>> -> memref<!tpu.dma_semaphore, #tpu.memory_space<semaphore_mem>>
      tpu.enqueue_indirect_dma source(%dma_start3A_196 : memref<10112x128xf32, #tpu.memory_space<hbm>>) target(%dma_start3A_190 : memref<128x128xf32, #tpu.memory_space<vmem>>) offsets(%dma_start3A_193 : memref<128xi32, #tpu.memory_space<vmem>>) semaphore(%dma_start3A_198 : memref<!tpu.dma_semaphore, #tpu.memory_space<semaphore_mem>>)
      %run_scoped3A_199 = arith.constant 0 : i32
      %run_scoped3A_200 = arith.constant 0 : i32
      %run_scoped3A_201 = arith.constant 0 : i32
      "tpu.region"() ({
        %run_scoped3A_776 = tpu.sem_alloc : memref<!tpu.dma_semaphore, #tpu.memory_space<semaphore_mem>>
        %dma_start3A_777 = arith.constant 0 : i32
        %dma_start3A_778 = arith.constant 0 : i32
        %dma_start3A_779 = tpu.memref_slice %arg8[%run_scoped3A_199, %dma_start3A_777, %dma_start3A_778] : memref<2x128x128xf32, #tpu.memory_space<vmem>> -> memref<1x128x128xf32, #tpu.memory_space<vmem>>
        %dma_start3A_780 = tpu.memref_squeeze %dma_start3A_779 : memref<1x128x128xf32, #tpu.memory_space<vmem>> -> memref<128x128xf32, #tpu.memory_space<vmem>>
        %dma_start3A_781 = arith.constant 0 : i32
        %dma_start3A_782 = tpu.memref_slice %arg7[%run_scoped3A_200, %run_scoped3A_201, %dma_start3A_781] : memref<2x8x128xi32, #tpu.memory_space<vmem>> -> memref<1x1x128xi32, #tpu.memory_space<vmem>>
        %dma_start3A_783 = tpu.memref_squeeze %dma_start3A_782 : memref<1x1x128xi32, #tpu.memory_space<vmem>> -> memref<128xi32, #tpu.memory_space<vmem>>
        %dma_start3A_784 = arith.constant 0 : i32
        %dma_start3A_785 = arith.constant 0 : i32
        %dma_start3A_786 = tpu.memref_slice %arg9[%dma_start3A_784, %dma_start3A_785] : memref<10112x128xf32, #tpu.memory_space<vmem_shared>> -> memref<10112x128xf32, #tpu.memory_space<vmem_shared>>
        tpu.enqueue_indirect_dma source(%dma_start3A_780 : memref<128x128xf32, #tpu.memory_space<vmem>>) target(%dma_start3A_786 : memref<10112x128xf32, #tpu.memory_space<vmem_shared>>) offsets(%dma_start3A_783 : memref<128xi32, #tpu.memory_space<vmem>>) semaphore(%run_scoped3A_776 : memref<!tpu.dma_semaphore, #tpu.memory_space<semaphore_mem>>) {add = true}
        %dma_wait3A_787 = arith.constant 0 : i32
        %dma_wait3A_788 = arith.constant 0 : i32
        %dma_wait3A_789 = tpu.memref_slice %arg8[%run_scoped3A_199, %dma_wait3A_787, %dma_wait3A_788] : memref<2x128x128xf32, #tpu.memory_space<vmem>> -> memref<1x128x128xf32, #tpu.memory_space<vmem>>
        %dma_wait3A_790 = tpu.memref_squeeze %dma_wait3A_789 : memref<1x128x128xf32, #tpu.memory_space<vmem>> -> memref<128x128xf32, #tpu.memory_space<vmem>>
        %dma_wait3A_791 = arith.constant 0 : i32
        %dma_wait3A_792 = tpu.memref_slice %arg7[%run_scoped3A_200, %run_scoped3A_201, %dma_wait3A_791] : memref<2x8x128xi32, #tpu.memory_space<vmem>> -> memref<1x1x128xi32, #tpu.memory_space<vmem>>
        %dma_wait3A_793 = tpu.memref_squeeze %dma_wait3A_792 : memref<1x1x128xi32, #tpu.memory_space<vmem>> -> memref<128xi32, #tpu.memory_space<vmem>>
        %dma_wait3A_794 = arith.constant 0 : i32
        %dma_wait3A_795 = arith.constant 0 : i32
        %dma_wait3A_796 = tpu.memref_slice %arg9[%dma_wait3A_794, %dma_wait3A_795] : memref<10112x128xf32, #tpu.memory_space<vmem_shared>> -> memref<10112x128xf32, #tpu.memory_space<vmem_shared>>
        tpu.wait_indirect_dma semaphore(%run_scoped3A_776 : memref<!tpu.dma_semaphore, #tpu.memory_space<semaphore_mem>>) src(%dma_wait3A_790 : memref<128x128xf32, #tpu.memory_space<vmem>>) dst(%dma_wait3A_796 : memref<10112x128xf32, #tpu.memory_space<vmem_shared>>)
        tpu.yield
      }) : () -> ()
      %dma_wait3A_202 = arith.constant 0 : i32
      %dma_wait3A_203 = arith.constant 1 : i32
      %dma_wait3A_204 = arith.constant 1 : i32
      %dma_wait3A_205 = arith.constant 1 : i32
      %dma_wait3A_206 = arith.constant 0 : i32
      %dma_wait3A_207 = arith.constant 0 : i32
      %dma_wait3A_208 = tpu.memref_slice %arg8[%dma_wait3A_204, %dma_wait3A_206, %dma_wait3A_207] : memref<2x128x128xf32, #tpu.memory_space<vmem>> -> memref<1x128x128xf32, #tpu.memory_space<vmem>>
      %dma_wait3A_209 = tpu.memref_squeeze %dma_wait3A_208 : memref<1x128x128xf32, #tpu.memory_space<vmem>> -> memref<128x128xf32, #tpu.memory_space<vmem>>
      %dma_wait3A_210 = arith.constant 0 : i32
      %dma_wait3A_211 = tpu.memref_slice %arg6[%dma_wait3A_202, %dma_wait3A_203, %dma_wait3A_210] : memref<2x8x128xi32, #tpu.memory_space<vmem>> -> memref<1x1x128xi32, #tpu.memory_space<vmem>>
      %dma_wait3A_212 = tpu.memref_squeeze %dma_wait3A_211 : memref<1x1x128xi32, #tpu.memory_space<vmem>> -> memref<128xi32, #tpu.memory_space<vmem>>
      %dma_wait3A_213 = arith.constant 0 : i32
      %dma_wait3A_214 = arith.constant 0 : i32
      %dma_wait3A_215 = tpu.memref_slice %arg2[%dma_wait3A_213, %dma_wait3A_214] : memref<10112x128xf32, #tpu.memory_space<hbm>> -> memref<10112x128xf32, #tpu.memory_space<hbm>>
      %dma_wait3A_216 = tpu.memref_slice %arg10[%dma_wait3A_205] : memref<2x!tpu.dma_semaphore, #tpu.memory_space<semaphore_mem>> -> memref<1x!tpu.dma_semaphore, #tpu.memory_space<semaphore_mem>>
      %dma_wait3A_217 = tpu.memref_squeeze %dma_wait3A_216 : memref<1x!tpu.dma_semaphore, #tpu.memory_space<semaphore_mem>> -> memref<!tpu.dma_semaphore, #tpu.memory_space<semaphore_mem>>
      tpu.wait_indirect_dma semaphore(%dma_wait3A_217 : memref<!tpu.dma_semaphore, #tpu.memory_space<semaphore_mem>>) src(%dma_wait3A_215 : memref<10112x128xf32, #tpu.memory_space<hbm>>) dst(%dma_wait3A_209 : memref<128x128xf32, #tpu.memory_space<vmem>>)
      %dma_start3A_218 = arith.constant 0 : i32
      %dma_start3A_219 = arith.constant 2 : i32
      %dma_start3A_220 = arith.constant 0 : i32
      %dma_start3A_221 = arith.constant 0 : i32
      %dma_start3A_222 = arith.constant 0 : i32
      %dma_start3A_223 = arith.constant 0 : i32
      %dma_start3A_224 = tpu.memref_slice %arg8[%dma_start3A_220, %dma_start3A_222, %dma_start3A_223] : memref<2x128x128xf32, #tpu.memory_space<vmem>> -> memref<1x128x128xf32, #tpu.memory_space<vmem>>
      %dma_start3A_225 = tpu.memref_squeeze %dma_start3A_224 : memref<1x128x128xf32, #tpu.memory_space<vmem>> -> memref<128x128xf32, #tpu.memory_space<vmem>>
      %dma_start3A_226 = arith.constant 0 : i32
      %dma_start3A_227 = tpu.memref_slice %arg6[%dma_start3A_218, %dma_start3A_219, %dma_start3A_226] : memref<2x8x128xi32, #tpu.memory_space<vmem>> -> memref<1x1x128xi32, #tpu.memory_space<vmem>>
      %dma_start3A_228 = tpu.memref_squeeze %dma_start3A_227 : memref<1x1x128xi32, #tpu.memory_space<vmem>> -> memref<128xi32, #tpu.memory_space<vmem>>
      %dma_start3A_229 = arith.constant 0 : i32
      %dma_start3A_230 = arith.constant 0 : i32
      %dma_start3A_231 = tpu.memref_slice %arg2[%dma_start3A_229, %dma_start3A_230] : memref<10112x128xf32, #tpu.memory_space<hbm>> -> memref<10112x128xf32, #tpu.memory_space<hbm>>
      %dma_start3A_232 = tpu.memref_slice %arg10[%dma_start3A_221] : memref<2x!tpu.dma_semaphore, #tpu.memory_space<semaphore_mem>> -> memref<1x!tpu.dma_semaphore, #tpu.memory_space<semaphore_mem>>
      %dma_start3A_233 = tpu.memref_squeeze %dma_start3A_232 : memref<1x!tpu.dma_semaphore, #tpu.memory_space<semaphore_mem>> -> memref<!tpu.dma_semaphore, #tpu.memory_space<semaphore_mem>>
      tpu.enqueue_indirect_dma source(%dma_start3A_231 : memref<10112x128xf32, #tpu.memory_space<hbm>>) target(%dma_start3A_225 : memref<128x128xf32, #tpu.memory_space<vmem>>) offsets(%dma_start3A_228 : memref<128xi32, #tpu.memory_space<vmem>>) semaphore(%dma_start3A_233 : memref<!tpu.dma_semaphore, #tpu.memory_space<semaphore_mem>>)
      %run_scoped3A_234 = arith.constant 1 : i32
      %run_scoped3A_235 = arith.constant 0 : i32
      %run_scoped3A_236 = arith.constant 1 : i32
      "tpu.region"() ({
        %run_scoped3A_776 = tpu.sem_alloc : memref<!tpu.dma_semaphore, #tpu.memory_space<semaphore_mem>>
        %dma_start3A_777 = arith.constant 0 : i32
        %dma_start3A_778 = arith.constant 0 : i32
        %dma_start3A_779 = tpu.memref_slice %arg8[%run_scoped3A_234, %dma_start3A_777, %dma_start3A_778] : memref<2x128x128xf32, #tpu.memory_space<vmem>> -> memref<1x128x128xf32, #tpu.memory_space<vmem>>
        %dma_start3A_780 = tpu.memref_squeeze %dma_start3A_779 : memref<1x128x128xf32, #tpu.memory_space<vmem>> -> memref<128x128xf32, #tpu.memory_space<vmem>>
        %dma_start3A_781 = arith.constant 0 : i32
        %dma_start3A_782 = tpu.memref_slice %arg7[%run_scoped3A_235, %run_scoped3A_236, %dma_start3A_781] : memref<2x8x128xi32, #tpu.memory_space<vmem>> -> memref<1x1x128xi32, #tpu.memory_space<vmem>>
        %dma_start3A_783 = tpu.memref_squeeze %dma_start3A_782 : memref<1x1x128xi32, #tpu.memory_space<vmem>> -> memref<128xi32, #tpu.memory_space<vmem>>
        %dma_start3A_784 = arith.constant 0 : i32
        %dma_start3A_785 = arith.constant 0 : i32
        %dma_start3A_786 = tpu.memref_slice %arg9[%dma_start3A_784, %dma_start3A_785] : memref<10112x128xf32, #tpu.memory_space<vmem_shared>> -> memref<10112x128xf32, #tpu.memory_space<vmem_shared>>
        tpu.enqueue_indirect_dma source(%dma_start3A_780 : memref<128x128xf32, #tpu.memory_space<vmem>>) target(%dma_start3A_786 : memref<10112x128xf32, #tpu.memory_space<vmem_shared>>) offsets(%dma_start3A_783 : memref<128xi32, #tpu.memory_space<vmem>>) semaphore(%run_scoped3A_776 : memref<!tpu.dma_semaphore, #tpu.memory_space<semaphore_mem>>) {add = true}
        %dma_wait3A_787 = arith.constant 0 : i32
        %dma_wait3A_788 = arith.constant 0 : i32
        %dma_wait3A_789 = tpu.memref_slice %arg8[%run_scoped3A_234, %dma_wait3A_787, %dma_wait3A_788] : memref<2x128x128xf32, #tpu.memory_space<vmem>> -> memref<1x128x128xf32, #tpu.memory_space<vmem>>
        %dma_wait3A_790 = tpu.memref_squeeze %dma_wait3A_789 : memref<1x128x128xf32, #tpu.memory_space<vmem>> -> memref<128x128xf32, #tpu.memory_space<vmem>>
        %dma_wait3A_791 = arith.constant 0 : i32
        %dma_wait3A_792 = tpu.memref_slice %arg7[%run_scoped3A_235, %run_scoped3A_236, %dma_wait3A_791] : memref<2x8x128xi32, #tpu.memory_space<vmem>> -> memref<1x1x128xi32, #tpu.memory_space<vmem>>
        %dma_wait3A_793 = tpu.memref_squeeze %dma_wait3A_792 : memref<1x1x128xi32, #tpu.memory_space<vmem>> -> memref<128xi32, #tpu.memory_space<vmem>>
        %dma_wait3A_794 = arith.constant 0 : i32
        %dma_wait3A_795 = arith.constant 0 : i32
        %dma_wait3A_796 = tpu.memref_slice %arg9[%dma_wait3A_794, %dma_wait3A_795] : memref<10112x128xf32, #tpu.memory_space<vmem_shared>> -> memref<10112x128xf32, #tpu.memory_space<vmem_shared>>
        tpu.wait_indirect_dma semaphore(%run_scoped3A_776 : memref<!tpu.dma_semaphore, #tpu.memory_space<semaphore_mem>>) src(%dma_wait3A_790 : memref<128x128xf32, #tpu.memory_space<vmem>>) dst(%dma_wait3A_796 : memref<10112x128xf32, #tpu.memory_space<vmem_shared>>)
        tpu.yield
      }) : () -> ()
      %dma_wait3A_237 = arith.constant 0 : i32
      %dma_wait3A_238 = arith.constant 2 : i32
      %dma_wait3A_239 = arith.constant 0 : i32
      %dma_wait3A_240 = arith.constant 0 : i32
      %dma_wait3A_241 = arith.constant 0 : i32
      %dma_wait3A_242 = arith.constant 0 : i32
      %dma_wait3A_243 = tpu.memref_slice %arg8[%dma_wait3A_239, %dma_wait3A_241, %dma_wait3A_242] : memref<2x128x128xf32, #tpu.memory_space<vmem>> -> memref<1x128x128xf32, #tpu.memory_space<vmem>>
      %dma_wait3A_244 = tpu.memref_squeeze %dma_wait3A_243 : memref<1x128x128xf32, #tpu.memory_space<vmem>> -> memref<128x128xf32, #tpu.memory_space<vmem>>
      %dma_wait3A_245 = arith.constant 0 : i32
      %dma_wait3A_246 = tpu.memref_slice %arg6[%dma_wait3A_237, %dma_wait3A_238, %dma_wait3A_245] : memref<2x8x128xi32, #tpu.memory_space<vmem>> -> memref<1x1x128xi32, #tpu.memory_space<vmem>>
      %dma_wait3A_247 = tpu.memref_squeeze %dma_wait3A_246 : memref<1x1x128xi32, #tpu.memory_space<vmem>> -> memref<128xi32, #tpu.memory_space<vmem>>
      %dma_wait3A_248 = arith.constant 0 : i32
      %dma_wait3A_249 = arith.constant 0 : i32
      %dma_wait3A_250 = tpu.memref_slice %arg2[%dma_wait3A_248, %dma_wait3A_249] : memref<10112x128xf32, #tpu.memory_space<hbm>> -> memref<10112x128xf32, #tpu.memory_space<hbm>>
      %dma_wait3A_251 = tpu.memref_slice %arg10[%dma_wait3A_240] : memref<2x!tpu.dma_semaphore, #tpu.memory_space<semaphore_mem>> -> memref<1x!tpu.dma_semaphore, #tpu.memory_space<semaphore_mem>>
      %dma_wait3A_252 = tpu.memref_squeeze %dma_wait3A_251 : memref<1x!tpu.dma_semaphore, #tpu.memory_space<semaphore_mem>> -> memref<!tpu.dma_semaphore, #tpu.memory_space<semaphore_mem>>
      tpu.wait_indirect_dma semaphore(%dma_wait3A_252 : memref<!tpu.dma_semaphore, #tpu.memory_space<semaphore_mem>>) src(%dma_wait3A_250 : memref<10112x128xf32, #tpu.memory_space<hbm>>) dst(%dma_wait3A_244 : memref<128x128xf32, #tpu.memory_space<vmem>>)
      %dma_start3A_253 = arith.constant 0 : i32
      %dma_start3A_254 = arith.constant 3 : i32
      %dma_start3A_255 = arith.constant 1 : i32
      %dma_start3A_256 = arith.constant 1 : i32
      %dma_start3A_257 = arith.constant 0 : i32
      %dma_start3A_258 = arith.constant 0 : i32
      %dma_start3A_259 = tpu.memref_slice %arg8[%dma_start3A_255, %dma_start3A_257, %dma_start3A_258] : memref<2x128x128xf32, #tpu.memory_space<vmem>> -> memref<1x128x128xf32, #tpu.memory_space<vmem>>
      %dma_start3A_260 = tpu.memref_squeeze %dma_start3A_259 : memref<1x128x128xf32, #tpu.memory_space<vmem>> -> memref<128x128xf32, #tpu.memory_space<vmem>>
      %dma_start3A_261 = arith.constant 0 : i32
      %dma_start3A_262 = tpu.memref_slice %arg6[%dma_start3A_253, %dma_start3A_254, %dma_start3A_261] : memref<2x8x128xi32, #tpu.memory_space<vmem>> -> memref<1x1x128xi32, #tpu.memory_space<vmem>>
      %dma_start3A_263 = tpu.memref_squeeze %dma_start3A_262 : memref<1x1x128xi32, #tpu.memory_space<vmem>> -> memref<128xi32, #tpu.memory_space<vmem>>
      %dma_start3A_264 = arith.constant 0 : i32
      %dma_start3A_265 = arith.constant 0 : i32
      %dma_start3A_266 = tpu.memref_slice %arg2[%dma_start3A_264, %dma_start3A_265] : memref<10112x128xf32, #tpu.memory_space<hbm>> -> memref<10112x128xf32, #tpu.memory_space<hbm>>
      %dma_start3A_267 = tpu.memref_slice %arg10[%dma_start3A_256] : memref<2x!tpu.dma_semaphore, #tpu.memory_space<semaphore_mem>> -> memref<1x!tpu.dma_semaphore, #tpu.memory_space<semaphore_mem>>
      %dma_start3A_268 = tpu.memref_squeeze %dma_start3A_267 : memref<1x!tpu.dma_semaphore, #tpu.memory_space<semaphore_mem>> -> memref<!tpu.dma_semaphore, #tpu.memory_space<semaphore_mem>>
      tpu.enqueue_indirect_dma source(%dma_start3A_266 : memref<10112x128xf32, #tpu.memory_space<hbm>>) target(%dma_start3A_260 : memref<128x128xf32, #tpu.memory_space<vmem>>) offsets(%dma_start3A_263 : memref<128xi32, #tpu.memory_space<vmem>>) semaphore(%dma_start3A_268 : memref<!tpu.dma_semaphore, #tpu.memory_space<semaphore_mem>>)
      %run_scoped3A_269 = arith.constant 0 : i32
      %run_scoped3A_270 = arith.constant 0 : i32
      %run_scoped3A_271 = arith.constant 2 : i32
      "tpu.region"() ({
        %run_scoped3A_776 = tpu.sem_alloc : memref<!tpu.dma_semaphore, #tpu.memory_space<semaphore_mem>>
        %dma_start3A_777 = arith.constant 0 : i32
        %dma_start3A_778 = arith.constant 0 : i32
        %dma_start3A_779 = tpu.memref_slice %arg8[%run_scoped3A_269, %dma_start3A_777, %dma_start3A_778] : memref<2x128x128xf32, #tpu.memory_space<vmem>> -> memref<1x128x128xf32, #tpu.memory_space<vmem>>
        %dma_start3A_780 = tpu.memref_squeeze %dma_start3A_779 : memref<1x128x128xf32, #tpu.memory_space<vmem>> -> memref<128x128xf32, #tpu.memory_space<vmem>>
        %dma_start3A_781 = arith.constant 0 : i32
        %dma_start3A_782 = tpu.memref_slice %arg7[%run_scoped3A_270, %run_scoped3A_271, %dma_start3A_781] : memref<2x8x128xi32, #tpu.memory_space<vmem>> -> memref<1x1x128xi32, #tpu.memory_space<vmem>>
        %dma_start3A_783 = tpu.memref_squeeze %dma_start3A_782 : memref<1x1x128xi32, #tpu.memory_space<vmem>> -> memref<128xi32, #tpu.memory_space<vmem>>
        %dma_start3A_784 = arith.constant 0 : i32
        %dma_start3A_785 = arith.constant 0 : i32
        %dma_start3A_786 = tpu.memref_slice %arg9[%dma_start3A_784, %dma_start3A_785] : memref<10112x128xf32, #tpu.memory_space<vmem_shared>> -> memref<10112x128xf32, #tpu.memory_space<vmem_shared>>
        tpu.enqueue_indirect_dma source(%dma_start3A_780 : memref<128x128xf32, #tpu.memory_space<vmem>>) target(%dma_start3A_786 : memref<10112x128xf32, #tpu.memory_space<vmem_shared>>) offsets(%dma_start3A_783 : memref<128xi32, #tpu.memory_space<vmem>>) semaphore(%run_scoped3A_776 : memref<!tpu.dma_semaphore, #tpu.memory_space<semaphore_mem>>) {add = true}
        %dma_wait3A_787 = arith.constant 0 : i32
        %dma_wait3A_788 = arith.constant 0 : i32
        %dma_wait3A_789 = tpu.memref_slice %arg8[%run_scoped3A_269, %dma_wait3A_787, %dma_wait3A_788] : memref<2x128x128xf32, #tpu.memory_space<vmem>> -> memref<1x128x128xf32, #tpu.memory_space<vmem>>
        %dma_wait3A_790 = tpu.memref_squeeze %dma_wait3A_789 : memref<1x128x128xf32, #tpu.memory_space<vmem>> -> memref<128x128xf32, #tpu.memory_space<vmem>>
        %dma_wait3A_791 = arith.constant 0 : i32
        %dma_wait3A_792 = tpu.memref_slice %arg7[%run_scoped3A_270, %run_scoped3A_271, %dma_wait3A_791] : memref<2x8x128xi32, #tpu.memory_space<vmem>> -> memref<1x1x128xi32, #tpu.memory_space<vmem>>
        %dma_wait3A_793 = tpu.memref_squeeze %dma_wait3A_792 : memref<1x1x128xi32, #tpu.memory_space<vmem>> -> memref<128xi32, #tpu.memory_space<vmem>>
        %dma_wait3A_794 = arith.constant 0 : i32
        %dma_wait3A_795 = arith.constant 0 : i32
        %dma_wait3A_796 = tpu.memref_slice %arg9[%dma_wait3A_794, %dma_wait3A_795] : memref<10112x128xf32, #tpu.memory_space<vmem_shared>> -> memref<10112x128xf32, #tpu.memory_space<vmem_shared>>
        tpu.wait_indirect_dma semaphore(%run_scoped3A_776 : memref<!tpu.dma_semaphore, #tpu.memory_space<semaphore_mem>>) src(%dma_wait3A_790 : memref<128x128xf32, #tpu.memory_space<vmem>>) dst(%dma_wait3A_796 : memref<10112x128xf32, #tpu.memory_space<vmem_shared>>)
        tpu.yield
      }) : () -> ()
      %dma_wait3A_272 = arith.constant 0 : i32
      %dma_wait3A_273 = arith.constant 3 : i32
      %dma_wait3A_274 = arith.constant 1 : i32
      %dma_wait3A_275 = arith.constant 1 : i32
      %dma_wait3A_276 = arith.constant 0 : i32
      %dma_wait3A_277 = arith.constant 0 : i32
      %dma_wait3A_278 = tpu.memref_slice %arg8[%dma_wait3A_274, %dma_wait3A_276, %dma_wait3A_277] : memref<2x128x128xf32, #tpu.memory_space<vmem>> -> memref<1x128x128xf32, #tpu.memory_space<vmem>>
      %dma_wait3A_279 = tpu.memref_squeeze %dma_wait3A_278 : memref<1x128x128xf32, #tpu.memory_space<vmem>> -> memref<128x128xf32, #tpu.memory_space<vmem>>
      %dma_wait3A_280 = arith.constant 0 : i32
      %dma_wait3A_281 = tpu.memref_slice %arg6[%dma_wait3A_272, %dma_wait3A_273, %dma_wait3A_280] : memref<2x8x128xi32, #tpu.memory_space<vmem>> -> memref<1x1x128xi32, #tpu.memory_space<vmem>>
      %dma_wait3A_282 = tpu.memref_squeeze %dma_wait3A_281 : memref<1x1x128xi32, #tpu.memory_space<vmem>> -> memref<128xi32, #tpu.memory_space<vmem>>
      %dma_wait3A_283 = arith.constant 0 : i32
      %dma_wait3A_284 = arith.constant 0 : i32
      %dma_wait3A_285 = tpu.memref_slice %arg2[%dma_wait3A_283, %dma_wait3A_284] : memref<10112x128xf32, #tpu.memory_space<hbm>> -> memref<10112x128xf32, #tpu.memory_space<hbm>>
      %dma_wait3A_286 = tpu.memref_slice %arg10[%dma_wait3A_275] : memref<2x!tpu.dma_semaphore, #tpu.memory_space<semaphore_mem>> -> memref<1x!tpu.dma_semaphore, #tpu.memory_space<semaphore_mem>>
      %dma_wait3A_287 = tpu.memref_squeeze %dma_wait3A_286 : memref<1x!tpu.dma_semaphore, #tpu.memory_space<semaphore_mem>> -> memref<!tpu.dma_semaphore, #tpu.memory_space<semaphore_mem>>
      tpu.wait_indirect_dma semaphore(%dma_wait3A_287 : memref<!tpu.dma_semaphore, #tpu.memory_space<semaphore_mem>>) src(%dma_wait3A_285 : memref<10112x128xf32, #tpu.memory_space<hbm>>) dst(%dma_wait3A_279 : memref<128x128xf32, #tpu.memory_space<vmem>>)
      %dma_start3A_288 = arith.constant 0 : i32
      %dma_start3A_289 = arith.constant 4 : i32
      %dma_start3A_290 = arith.constant 0 : i32
      %dma_start3A_291 = arith.constant 0 : i32
      %dma_start3A_292 = arith.constant 0 : i32
      %dma_start3A_293 = arith.constant 0 : i32
      %dma_start3A_294 = tpu.memref_slice %arg8[%dma_start3A_290, %dma_start3A_292, %dma_start3A_293] : memref<2x128x128xf32, #tpu.memory_space<vmem>> -> memref<1x128x128xf32, #tpu.memory_space<vmem>>
      %dma_start3A_295 = tpu.memref_squeeze %dma_start3A_294 : memref<1x128x128xf32, #tpu.memory_space<vmem>> -> memref<128x128xf32, #tpu.memory_space<vmem>>
      %dma_start3A_296 = arith.constant 0 : i32
      %dma_start3A_297 = tpu.memref_slice %arg6[%dma_start3A_288, %dma_start3A_289, %dma_start3A_296] : memref<2x8x128xi32, #tpu.memory_space<vmem>> -> memref<1x1x128xi32, #tpu.memory_space<vmem>>
      %dma_start3A_298 = tpu.memref_squeeze %dma_start3A_297 : memref<1x1x128xi32, #tpu.memory_space<vmem>> -> memref<128xi32, #tpu.memory_space<vmem>>
      %dma_start3A_299 = arith.constant 0 : i32
      %dma_start3A_300 = arith.constant 0 : i32
      %dma_start3A_301 = tpu.memref_slice %arg2[%dma_start3A_299, %dma_start3A_300] : memref<10112x128xf32, #tpu.memory_space<hbm>> -> memref<10112x128xf32, #tpu.memory_space<hbm>>
      %dma_start3A_302 = tpu.memref_slice %arg10[%dma_start3A_291] : memref<2x!tpu.dma_semaphore, #tpu.memory_space<semaphore_mem>> -> memref<1x!tpu.dma_semaphore, #tpu.memory_space<semaphore_mem>>
      %dma_start3A_303 = tpu.memref_squeeze %dma_start3A_302 : memref<1x!tpu.dma_semaphore, #tpu.memory_space<semaphore_mem>> -> memref<!tpu.dma_semaphore, #tpu.memory_space<semaphore_mem>>
      tpu.enqueue_indirect_dma source(%dma_start3A_301 : memref<10112x128xf32, #tpu.memory_space<hbm>>) target(%dma_start3A_295 : memref<128x128xf32, #tpu.memory_space<vmem>>) offsets(%dma_start3A_298 : memref<128xi32, #tpu.memory_space<vmem>>) semaphore(%dma_start3A_303 : memref<!tpu.dma_semaphore, #tpu.memory_space<semaphore_mem>>)
      %run_scoped3A_304 = arith.constant 1 : i32
      %run_scoped3A_305 = arith.constant 0 : i32
      %run_scoped3A_306 = arith.constant 3 : i32
      "tpu.region"() ({
        %run_scoped3A_776 = tpu.sem_alloc : memref<!tpu.dma_semaphore, #tpu.memory_space<semaphore_mem>>
        %dma_start3A_777 = arith.constant 0 : i32
        %dma_start3A_778 = arith.constant 0 : i32
        %dma_start3A_779 = tpu.memref_slice %arg8[%run_scoped3A_304, %dma_start3A_777, %dma_start3A_778] : memref<2x128x128xf32, #tpu.memory_space<vmem>> -> memref<1x128x128xf32, #tpu.memory_space<vmem>>
        %dma_start3A_780 = tpu.memref_squeeze %dma_start3A_779 : memref<1x128x128xf32, #tpu.memory_space<vmem>> -> memref<128x128xf32, #tpu.memory_space<vmem>>
        %dma_start3A_781 = arith.constant 0 : i32
        %dma_start3A_782 = tpu.memref_slice %arg7[%run_scoped3A_305, %run_scoped3A_306, %dma_start3A_781] : memref<2x8x128xi32, #tpu.memory_space<vmem>> -> memref<1x1x128xi32, #tpu.memory_space<vmem>>
        %dma_start3A_783 = tpu.memref_squeeze %dma_start3A_782 : memref<1x1x128xi32, #tpu.memory_space<vmem>> -> memref<128xi32, #tpu.memory_space<vmem>>
        %dma_start3A_784 = arith.constant 0 : i32
        %dma_start3A_785 = arith.constant 0 : i32
        %dma_start3A_786 = tpu.memref_slice %arg9[%dma_start3A_784, %dma_start3A_785] : memref<10112x128xf32, #tpu.memory_space<vmem_shared>> -> memref<10112x128xf32, #tpu.memory_space<vmem_shared>>
        tpu.enqueue_indirect_dma source(%dma_start3A_780 : memref<128x128xf32, #tpu.memory_space<vmem>>) target(%dma_start3A_786 : memref<10112x128xf32, #tpu.memory_space<vmem_shared>>) offsets(%dma_start3A_783 : memref<128xi32, #tpu.memory_space<vmem>>) semaphore(%run_scoped3A_776 : memref<!tpu.dma_semaphore, #tpu.memory_space<semaphore_mem>>) {add = true}
        %dma_wait3A_787 = arith.constant 0 : i32
        %dma_wait3A_788 = arith.constant 0 : i32
        %dma_wait3A_789 = tpu.memref_slice %arg8[%run_scoped3A_304, %dma_wait3A_787, %dma_wait3A_788] : memref<2x128x128xf32, #tpu.memory_space<vmem>> -> memref<1x128x128xf32, #tpu.memory_space<vmem>>
        %dma_wait3A_790 = tpu.memref_squeeze %dma_wait3A_789 : memref<1x128x128xf32, #tpu.memory_space<vmem>> -> memref<128x128xf32, #tpu.memory_space<vmem>>
        %dma_wait3A_791 = arith.constant 0 : i32
        %dma_wait3A_792 = tpu.memref_slice %arg7[%run_scoped3A_305, %run_scoped3A_306, %dma_wait3A_791] : memref<2x8x128xi32, #tpu.memory_space<vmem>> -> memref<1x1x128xi32, #tpu.memory_space<vmem>>
        %dma_wait3A_793 = tpu.memref_squeeze %dma_wait3A_792 : memref<1x1x128xi32, #tpu.memory_space<vmem>> -> memref<128xi32, #tpu.memory_space<vmem>>
        %dma_wait3A_794 = arith.constant 0 : i32
        %dma_wait3A_795 = arith.constant 0 : i32
        %dma_wait3A_796 = tpu.memref_slice %arg9[%dma_wait3A_794, %dma_wait3A_795] : memref<10112x128xf32, #tpu.memory_space<vmem_shared>> -> memref<10112x128xf32, #tpu.memory_space<vmem_shared>>
        tpu.wait_indirect_dma semaphore(%run_scoped3A_776 : memref<!tpu.dma_semaphore, #tpu.memory_space<semaphore_mem>>) src(%dma_wait3A_790 : memref<128x128xf32, #tpu.memory_space<vmem>>) dst(%dma_wait3A_796 : memref<10112x128xf32, #tpu.memory_space<vmem_shared>>)
        tpu.yield
      }) : () -> ()
      %dma_wait3A_307 = arith.constant 0 : i32
      %dma_wait3A_308 = arith.constant 4 : i32
      %dma_wait3A_309 = arith.constant 0 : i32
      %dma_wait3A_310 = arith.constant 0 : i32
      %dma_wait3A_311 = arith.constant 0 : i32
      %dma_wait3A_312 = arith.constant 0 : i32
      %dma_wait3A_313 = tpu.memref_slice %arg8[%dma_wait3A_309, %dma_wait3A_311, %dma_wait3A_312] : memref<2x128x128xf32, #tpu.memory_space<vmem>> -> memref<1x128x128xf32, #tpu.memory_space<vmem>>
      %dma_wait3A_314 = tpu.memref_squeeze %dma_wait3A_313 : memref<1x128x128xf32, #tpu.memory_space<vmem>> -> memref<128x128xf32, #tpu.memory_space<vmem>>
      %dma_wait3A_315 = arith.constant 0 : i32
      %dma_wait3A_316 = tpu.memref_slice %arg6[%dma_wait3A_307, %dma_wait3A_308, %dma_wait3A_315] : memref<2x8x128xi32, #tpu.memory_space<vmem>> -> memref<1x1x128xi32, #tpu.memory_space<vmem>>
      %dma_wait3A_317 = tpu.memref_squeeze %dma_wait3A_316 : memref<1x1x128xi32, #tpu.memory_space<vmem>> -> memref<128xi32, #tpu.memory_space<vmem>>
      %dma_wait3A_318 = arith.constant 0 : i32
      %dma_wait3A_319 = arith.constant 0 : i32
      %dma_wait3A_320 = tpu.memref_slice %arg2[%dma_wait3A_318, %dma_wait3A_319] : memref<10112x128xf32, #tpu.memory_space<hbm>> -> memref<10112x128xf32, #tpu.memory_space<hbm>>
      %dma_wait3A_321 = tpu.memref_slice %arg10[%dma_wait3A_310] : memref<2x!tpu.dma_semaphore, #tpu.memory_space<semaphore_mem>> -> memref<1x!tpu.dma_semaphore, #tpu.memory_space<semaphore_mem>>
      %dma_wait3A_322 = tpu.memref_squeeze %dma_wait3A_321 : memref<1x!tpu.dma_semaphore, #tpu.memory_space<semaphore_mem>> -> memref<!tpu.dma_semaphore, #tpu.memory_space<semaphore_mem>>
      tpu.wait_indirect_dma semaphore(%dma_wait3A_322 : memref<!tpu.dma_semaphore, #tpu.memory_space<semaphore_mem>>) src(%dma_wait3A_320 : memref<10112x128xf32, #tpu.memory_space<hbm>>) dst(%dma_wait3A_314 : memref<128x128xf32, #tpu.memory_space<vmem>>)
      %dma_start3A_323 = arith.constant 0 : i32
      %dma_start3A_324 = arith.constant 5 : i32
      %dma_start3A_325 = arith.constant 1 : i32
      %dma_start3A_326 = arith.constant 1 : i32
      %dma_start3A_327 = arith.constant 0 : i32
      %dma_start3A_328 = arith.constant 0 : i32
      %dma_start3A_329 = tpu.memref_slice %arg8[%dma_start3A_325, %dma_start3A_327, %dma_start3A_328] : memref<2x128x128xf32, #tpu.memory_space<vmem>> -> memref<1x128x128xf32, #tpu.memory_space<vmem>>
      %dma_start3A_330 = tpu.memref_squeeze %dma_start3A_329 : memref<1x128x128xf32, #tpu.memory_space<vmem>> -> memref<128x128xf32, #tpu.memory_space<vmem>>
      %dma_start3A_331 = arith.constant 0 : i32
      %dma_start3A_332 = tpu.memref_slice %arg6[%dma_start3A_323, %dma_start3A_324, %dma_start3A_331] : memref<2x8x128xi32, #tpu.memory_space<vmem>> -> memref<1x1x128xi32, #tpu.memory_space<vmem>>
      %dma_start3A_333 = tpu.memref_squeeze %dma_start3A_332 : memref<1x1x128xi32, #tpu.memory_space<vmem>> -> memref<128xi32, #tpu.memory_space<vmem>>
      %dma_start3A_334 = arith.constant 0 : i32
      %dma_start3A_335 = arith.constant 0 : i32
      %dma_start3A_336 = tpu.memref_slice %arg2[%dma_start3A_334, %dma_start3A_335] : memref<10112x128xf32, #tpu.memory_space<hbm>> -> memref<10112x128xf32, #tpu.memory_space<hbm>>
      %dma_start3A_337 = tpu.memref_slice %arg10[%dma_start3A_326] : memref<2x!tpu.dma_semaphore, #tpu.memory_space<semaphore_mem>> -> memref<1x!tpu.dma_semaphore, #tpu.memory_space<semaphore_mem>>
      %dma_start3A_338 = tpu.memref_squeeze %dma_start3A_337 : memref<1x!tpu.dma_semaphore, #tpu.memory_space<semaphore_mem>> -> memref<!tpu.dma_semaphore, #tpu.memory_space<semaphore_mem>>
      tpu.enqueue_indirect_dma source(%dma_start3A_336 : memref<10112x128xf32, #tpu.memory_space<hbm>>) target(%dma_start3A_330 : memref<128x128xf32, #tpu.memory_space<vmem>>) offsets(%dma_start3A_333 : memref<128xi32, #tpu.memory_space<vmem>>) semaphore(%dma_start3A_338 : memref<!tpu.dma_semaphore, #tpu.memory_space<semaphore_mem>>)
      %run_scoped3A_339 = arith.constant 0 : i32
      %run_scoped3A_340 = arith.constant 0 : i32
      %run_scoped3A_341 = arith.constant 4 : i32
      "tpu.region"() ({
        %run_scoped3A_776 = tpu.sem_alloc : memref<!tpu.dma_semaphore, #tpu.memory_space<semaphore_mem>>
        %dma_start3A_777 = arith.constant 0 : i32
        %dma_start3A_778 = arith.constant 0 : i32
        %dma_start3A_779 = tpu.memref_slice %arg8[%run_scoped3A_339, %dma_start3A_777, %dma_start3A_778] : memref<2x128x128xf32, #tpu.memory_space<vmem>> -> memref<1x128x128xf32, #tpu.memory_space<vmem>>
        %dma_start3A_780 = tpu.memref_squeeze %dma_start3A_779 : memref<1x128x128xf32, #tpu.memory_space<vmem>> -> memref<128x128xf32, #tpu.memory_space<vmem>>
        %dma_start3A_781 = arith.constant 0 : i32
        %dma_start3A_782 = tpu.memref_slice %arg7[%run_scoped3A_340, %run_scoped3A_341, %dma_start3A_781] : memref<2x8x128xi32, #tpu.memory_space<vmem>> -> memref<1x1x128xi32, #tpu.memory_space<vmem>>
        %dma_start3A_783 = tpu.memref_squeeze %dma_start3A_782 : memref<1x1x128xi32, #tpu.memory_space<vmem>> -> memref<128xi32, #tpu.memory_space<vmem>>
        %dma_start3A_784 = arith.constant 0 : i32
        %dma_start3A_785 = arith.constant 0 : i32
        %dma_start3A_786 = tpu.memref_slice %arg9[%dma_start3A_784, %dma_start3A_785] : memref<10112x128xf32, #tpu.memory_space<vmem_shared>> -> memref<10112x128xf32, #tpu.memory_space<vmem_shared>>
        tpu.enqueue_indirect_dma source(%dma_start3A_780 : memref<128x128xf32, #tpu.memory_space<vmem>>) target(%dma_start3A_786 : memref<10112x128xf32, #tpu.memory_space<vmem_shared>>) offsets(%dma_start3A_783 : memref<128xi32, #tpu.memory_space<vmem>>) semaphore(%run_scoped3A_776 : memref<!tpu.dma_semaphore, #tpu.memory_space<semaphore_mem>>) {add = true}
        %dma_wait3A_787 = arith.constant 0 : i32
        %dma_wait3A_788 = arith.constant 0 : i32
        %dma_wait3A_789 = tpu.memref_slice %arg8[%run_scoped3A_339, %dma_wait3A_787, %dma_wait3A_788] : memref<2x128x128xf32, #tpu.memory_space<vmem>> -> memref<1x128x128xf32, #tpu.memory_space<vmem>>
        %dma_wait3A_790 = tpu.memref_squeeze %dma_wait3A_789 : memref<1x128x128xf32, #tpu.memory_space<vmem>> -> memref<128x128xf32, #tpu.memory_space<vmem>>
        %dma_wait3A_791 = arith.constant 0 : i32
        %dma_wait3A_792 = tpu.memref_slice %arg7[%run_scoped3A_340, %run_scoped3A_341, %dma_wait3A_791] : memref<2x8x128xi32, #tpu.memory_space<vmem>> -> memref<1x1x128xi32, #tpu.memory_space<vmem>>
        %dma_wait3A_793 = tpu.memref_squeeze %dma_wait3A_792 : memref<1x1x128xi32, #tpu.memory_space<vmem>> -> memref<128xi32, #tpu.memory_space<vmem>>
        %dma_wait3A_794 = arith.constant 0 : i32
        %dma_wait3A_795 = arith.constant 0 : i32
        %dma_wait3A_796 = tpu.memref_slice %arg9[%dma_wait3A_794, %dma_wait3A_795] : memref<10112x128xf32, #tpu.memory_space<vmem_shared>> -> memref<10112x128xf32, #tpu.memory_space<vmem_shared>>
        tpu.wait_indirect_dma semaphore(%run_scoped3A_776 : memref<!tpu.dma_semaphore, #tpu.memory_space<semaphore_mem>>) src(%dma_wait3A_790 : memref<128x128xf32, #tpu.memory_space<vmem>>) dst(%dma_wait3A_796 : memref<10112x128xf32, #tpu.memory_space<vmem_shared>>)
        tpu.yield
      }) : () -> ()
      %dma_wait3A_342 = arith.constant 0 : i32
      %dma_wait3A_343 = arith.constant 5 : i32
      %dma_wait3A_344 = arith.constant 1 : i32
      %dma_wait3A_345 = arith.constant 1 : i32
      %dma_wait3A_346 = arith.constant 0 : i32
      %dma_wait3A_347 = arith.constant 0 : i32
      %dma_wait3A_348 = tpu.memref_slice %arg8[%dma_wait3A_344, %dma_wait3A_346, %dma_wait3A_347] : memref<2x128x128xf32, #tpu.memory_space<vmem>> -> memref<1x128x128xf32, #tpu.memory_space<vmem>>
      %dma_wait3A_349 = tpu.memref_squeeze %dma_wait3A_348 : memref<1x128x128xf32, #tpu.memory_space<vmem>> -> memref<128x128xf32, #tpu.memory_space<vmem>>
      %dma_wait3A_350 = arith.constant 0 : i32
      %dma_wait3A_351 = tpu.memref_slice %arg6[%dma_wait3A_342, %dma_wait3A_343, %dma_wait3A_350] : memref<2x8x128xi32, #tpu.memory_space<vmem>> -> memref<1x1x128xi32, #tpu.memory_space<vmem>>
      %dma_wait3A_352 = tpu.memref_squeeze %dma_wait3A_351 : memref<1x1x128xi32, #tpu.memory_space<vmem>> -> memref<128xi32, #tpu.memory_space<vmem>>
      %dma_wait3A_353 = arith.constant 0 : i32
      %dma_wait3A_354 = arith.constant 0 : i32
      %dma_wait3A_355 = tpu.memref_slice %arg2[%dma_wait3A_353, %dma_wait3A_354] : memref<10112x128xf32, #tpu.memory_space<hbm>> -> memref<10112x128xf32, #tpu.memory_space<hbm>>
      %dma_wait3A_356 = tpu.memref_slice %arg10[%dma_wait3A_345] : memref<2x!tpu.dma_semaphore, #tpu.memory_space<semaphore_mem>> -> memref<1x!tpu.dma_semaphore, #tpu.memory_space<semaphore_mem>>
      %dma_wait3A_357 = tpu.memref_squeeze %dma_wait3A_356 : memref<1x!tpu.dma_semaphore, #tpu.memory_space<semaphore_mem>> -> memref<!tpu.dma_semaphore, #tpu.memory_space<semaphore_mem>>
      tpu.wait_indirect_dma semaphore(%dma_wait3A_357 : memref<!tpu.dma_semaphore, #tpu.memory_space<semaphore_mem>>) src(%dma_wait3A_355 : memref<10112x128xf32, #tpu.memory_space<hbm>>) dst(%dma_wait3A_349 : memref<128x128xf32, #tpu.memory_space<vmem>>)
      %dma_start3A_358 = arith.constant 0 : i32
      %dma_start3A_359 = arith.constant 6 : i32
      %dma_start3A_360 = arith.constant 0 : i32
      %dma_start3A_361 = arith.constant 0 : i32
      %dma_start3A_362 = arith.constant 0 : i32
      %dma_start3A_363 = arith.constant 0 : i32
      %dma_start3A_364 = tpu.memref_slice %arg8[%dma_start3A_360, %dma_start3A_362, %dma_start3A_363] : memref<2x128x128xf32, #tpu.memory_space<vmem>> -> memref<1x128x128xf32, #tpu.memory_space<vmem>>
      %dma_start3A_365 = tpu.memref_squeeze %dma_start3A_364 : memref<1x128x128xf32, #tpu.memory_space<vmem>> -> memref<128x128xf32, #tpu.memory_space<vmem>>
      %dma_start3A_366 = arith.constant 0 : i32
      %dma_start3A_367 = tpu.memref_slice %arg6[%dma_start3A_358, %dma_start3A_359, %dma_start3A_366] : memref<2x8x128xi32, #tpu.memory_space<vmem>> -> memref<1x1x128xi32, #tpu.memory_space<vmem>>
      %dma_start3A_368 = tpu.memref_squeeze %dma_start3A_367 : memref<1x1x128xi32, #tpu.memory_space<vmem>> -> memref<128xi32, #tpu.memory_space<vmem>>
      %dma_start3A_369 = arith.constant 0 : i32
      %dma_start3A_370 = arith.constant 0 : i32
      %dma_start3A_371 = tpu.memref_slice %arg2[%dma_start3A_369, %dma_start3A_370] : memref<10112x128xf32, #tpu.memory_space<hbm>> -> memref<10112x128xf32, #tpu.memory_space<hbm>>
      %dma_start3A_372 = tpu.memref_slice %arg10[%dma_start3A_361] : memref<2x!tpu.dma_semaphore, #tpu.memory_space<semaphore_mem>> -> memref<1x!tpu.dma_semaphore, #tpu.memory_space<semaphore_mem>>
      %dma_start3A_373 = tpu.memref_squeeze %dma_start3A_372 : memref<1x!tpu.dma_semaphore, #tpu.memory_space<semaphore_mem>> -> memref<!tpu.dma_semaphore, #tpu.memory_space<semaphore_mem>>
      tpu.enqueue_indirect_dma source(%dma_start3A_371 : memref<10112x128xf32, #tpu.memory_space<hbm>>) target(%dma_start3A_365 : memref<128x128xf32, #tpu.memory_space<vmem>>) offsets(%dma_start3A_368 : memref<128xi32, #tpu.memory_space<vmem>>) semaphore(%dma_start3A_373 : memref<!tpu.dma_semaphore, #tpu.memory_space<semaphore_mem>>)
      %run_scoped3A_374 = arith.constant 1 : i32
      %run_scoped3A_375 = arith.constant 0 : i32
      %run_scoped3A_376 = arith.constant 5 : i32
      "tpu.region"() ({
        %run_scoped3A_776 = tpu.sem_alloc : memref<!tpu.dma_semaphore, #tpu.memory_space<semaphore_mem>>
        %dma_start3A_777 = arith.constant 0 : i32
        %dma_start3A_778 = arith.constant 0 : i32
        %dma_start3A_779 = tpu.memref_slice %arg8[%run_scoped3A_374, %dma_start3A_777, %dma_start3A_778] : memref<2x128x128xf32, #tpu.memory_space<vmem>> -> memref<1x128x128xf32, #tpu.memory_space<vmem>>
        %dma_start3A_780 = tpu.memref_squeeze %dma_start3A_779 : memref<1x128x128xf32, #tpu.memory_space<vmem>> -> memref<128x128xf32, #tpu.memory_space<vmem>>
        %dma_start3A_781 = arith.constant 0 : i32
        %dma_start3A_782 = tpu.memref_slice %arg7[%run_scoped3A_375, %run_scoped3A_376, %dma_start3A_781] : memref<2x8x128xi32, #tpu.memory_space<vmem>> -> memref<1x1x128xi32, #tpu.memory_space<vmem>>
        %dma_start3A_783 = tpu.memref_squeeze %dma_start3A_782 : memref<1x1x128xi32, #tpu.memory_space<vmem>> -> memref<128xi32, #tpu.memory_space<vmem>>
        %dma_start3A_784 = arith.constant 0 : i32
        %dma_start3A_785 = arith.constant 0 : i32
        %dma_start3A_786 = tpu.memref_slice %arg9[%dma_start3A_784, %dma_start3A_785] : memref<10112x128xf32, #tpu.memory_space<vmem_shared>> -> memref<10112x128xf32, #tpu.memory_space<vmem_shared>>
        tpu.enqueue_indirect_dma source(%dma_start3A_780 : memref<128x128xf32, #tpu.memory_space<vmem>>) target(%dma_start3A_786 : memref<10112x128xf32, #tpu.memory_space<vmem_shared>>) offsets(%dma_start3A_783 : memref<128xi32, #tpu.memory_space<vmem>>) semaphore(%run_scoped3A_776 : memref<!tpu.dma_semaphore, #tpu.memory_space<semaphore_mem>>) {add = true}
        %dma_wait3A_787 = arith.constant 0 : i32
        %dma_wait3A_788 = arith.constant 0 : i32
        %dma_wait3A_789 = tpu.memref_slice %arg8[%run_scoped3A_374, %dma_wait3A_787, %dma_wait3A_788] : memref<2x128x128xf32, #tpu.memory_space<vmem>> -> memref<1x128x128xf32, #tpu.memory_space<vmem>>
        %dma_wait3A_790 = tpu.memref_squeeze %dma_wait3A_789 : memref<1x128x128xf32, #tpu.memory_space<vmem>> -> memref<128x128xf32, #tpu.memory_space<vmem>>
        %dma_wait3A_791 = arith.constant 0 : i32
        %dma_wait3A_792 = tpu.memref_slice %arg7[%run_scoped3A_375, %run_scoped3A_376, %dma_wait3A_791] : memref<2x8x128xi32, #tpu.memory_space<vmem>> -> memref<1x1x128xi32, #tpu.memory_space<vmem>>
        %dma_wait3A_793 = tpu.memref_squeeze %dma_wait3A_792 : memref<1x1x128xi32, #tpu.memory_space<vmem>> -> memref<128xi32, #tpu.memory_space<vmem>>
        %dma_wait3A_794 = arith.constant 0 : i32
        %dma_wait3A_795 = arith.constant 0 : i32
        %dma_wait3A_796 = tpu.memref_slice %arg9[%dma_wait3A_794, %dma_wait3A_795] : memref<10112x128xf32, #tpu.memory_space<vmem_shared>> -> memref<10112x128xf32, #tpu.memory_space<vmem_shared>>
        tpu.wait_indirect_dma semaphore(%run_scoped3A_776 : memref<!tpu.dma_semaphore, #tpu.memory_space<semaphore_mem>>) src(%dma_wait3A_790 : memref<128x128xf32, #tpu.memory_space<vmem>>) dst(%dma_wait3A_796 : memref<10112x128xf32, #tpu.memory_space<vmem_shared>>)
        tpu.yield
      }) : () -> ()
      %dma_wait3A_377 = arith.constant 0 : i32
      %dma_wait3A_378 = arith.constant 6 : i32
      %dma_wait3A_379 = arith.constant 0 : i32
      %dma_wait3A_380 = arith.constant 0 : i32
      %dma_wait3A_381 = arith.constant 0 : i32
      %dma_wait3A_382 = arith.constant 0 : i32
      %dma_wait3A_383 = tpu.memref_slice %arg8[%dma_wait3A_379, %dma_wait3A_381, %dma_wait3A_382] : memref<2x128x128xf32, #tpu.memory_space<vmem>> -> memref<1x128x128xf32, #tpu.memory_space<vmem>>
      %dma_wait3A_384 = tpu.memref_squeeze %dma_wait3A_383 : memref<1x128x128xf32, #tpu.memory_space<vmem>> -> memref<128x128xf32, #tpu.memory_space<vmem>>
      %dma_wait3A_385 = arith.constant 0 : i32
      %dma_wait3A_386 = tpu.memref_slice %arg6[%dma_wait3A_377, %dma_wait3A_378, %dma_wait3A_385] : memref<2x8x128xi32, #tpu.memory_space<vmem>> -> memref<1x1x128xi32, #tpu.memory_space<vmem>>
      %dma_wait3A_387 = tpu.memref_squeeze %dma_wait3A_386 : memref<1x1x128xi32, #tpu.memory_space<vmem>> -> memref<128xi32, #tpu.memory_space<vmem>>
      %dma_wait3A_388 = arith.constant 0 : i32
      %dma_wait3A_389 = arith.constant 0 : i32
      %dma_wait3A_390 = tpu.memref_slice %arg2[%dma_wait3A_388, %dma_wait3A_389] : memref<10112x128xf32, #tpu.memory_space<hbm>> -> memref<10112x128xf32, #tpu.memory_space<hbm>>
      %dma_wait3A_391 = tpu.memref_slice %arg10[%dma_wait3A_380] : memref<2x!tpu.dma_semaphore, #tpu.memory_space<semaphore_mem>> -> memref<1x!tpu.dma_semaphore, #tpu.memory_space<semaphore_mem>>
      %dma_wait3A_392 = tpu.memref_squeeze %dma_wait3A_391 : memref<1x!tpu.dma_semaphore, #tpu.memory_space<semaphore_mem>> -> memref<!tpu.dma_semaphore, #tpu.memory_space<semaphore_mem>>
      tpu.wait_indirect_dma semaphore(%dma_wait3A_392 : memref<!tpu.dma_semaphore, #tpu.memory_space<semaphore_mem>>) src(%dma_wait3A_390 : memref<10112x128xf32, #tpu.memory_space<hbm>>) dst(%dma_wait3A_384 : memref<128x128xf32, #tpu.memory_space<vmem>>)
      %dma_start3A_393 = arith.constant 0 : i32
      %dma_start3A_394 = arith.constant 7 : i32
      %dma_start3A_395 = arith.constant 1 : i32
      %dma_start3A_396 = arith.constant 1 : i32
      %dma_start3A_397 = arith.constant 0 : i32
      %dma_start3A_398 = arith.constant 0 : i32
      %dma_start3A_399 = tpu.memref_slice %arg8[%dma_start3A_395, %dma_start3A_397, %dma_start3A_398] : memref<2x128x128xf32, #tpu.memory_space<vmem>> -> memref<1x128x128xf32, #tpu.memory_space<vmem>>
      %dma_start3A_400 = tpu.memref_squeeze %dma_start3A_399 : memref<1x128x128xf32, #tpu.memory_space<vmem>> -> memref<128x128xf32, #tpu.memory_space<vmem>>
      %dma_start3A_401 = arith.constant 0 : i32
      %dma_start3A_402 = tpu.memref_slice %arg6[%dma_start3A_393, %dma_start3A_394, %dma_start3A_401] : memref<2x8x128xi32, #tpu.memory_space<vmem>> -> memref<1x1x128xi32, #tpu.memory_space<vmem>>
      %dma_start3A_403 = tpu.memref_squeeze %dma_start3A_402 : memref<1x1x128xi32, #tpu.memory_space<vmem>> -> memref<128xi32, #tpu.memory_space<vmem>>
      %dma_start3A_404 = arith.constant 0 : i32
      %dma_start3A_405 = arith.constant 0 : i32
      %dma_start3A_406 = tpu.memref_slice %arg2[%dma_start3A_404, %dma_start3A_405] : memref<10112x128xf32, #tpu.memory_space<hbm>> -> memref<10112x128xf32, #tpu.memory_space<hbm>>
      %dma_start3A_407 = tpu.memref_slice %arg10[%dma_start3A_396] : memref<2x!tpu.dma_semaphore, #tpu.memory_space<semaphore_mem>> -> memref<1x!tpu.dma_semaphore, #tpu.memory_space<semaphore_mem>>
      %dma_start3A_408 = tpu.memref_squeeze %dma_start3A_407 : memref<1x!tpu.dma_semaphore, #tpu.memory_space<semaphore_mem>> -> memref<!tpu.dma_semaphore, #tpu.memory_space<semaphore_mem>>
      tpu.enqueue_indirect_dma source(%dma_start3A_406 : memref<10112x128xf32, #tpu.memory_space<hbm>>) target(%dma_start3A_400 : memref<128x128xf32, #tpu.memory_space<vmem>>) offsets(%dma_start3A_403 : memref<128xi32, #tpu.memory_space<vmem>>) semaphore(%dma_start3A_408 : memref<!tpu.dma_semaphore, #tpu.memory_space<semaphore_mem>>)
      %run_scoped3A_409 = arith.constant 0 : i32
      %run_scoped3A_410 = arith.constant 0 : i32
      %run_scoped3A_411 = arith.constant 6 : i32
      "tpu.region"() ({
        %run_scoped3A_776 = tpu.sem_alloc : memref<!tpu.dma_semaphore, #tpu.memory_space<semaphore_mem>>
        %dma_start3A_777 = arith.constant 0 : i32
        %dma_start3A_778 = arith.constant 0 : i32
        %dma_start3A_779 = tpu.memref_slice %arg8[%run_scoped3A_409, %dma_start3A_777, %dma_start3A_778] : memref<2x128x128xf32, #tpu.memory_space<vmem>> -> memref<1x128x128xf32, #tpu.memory_space<vmem>>
        %dma_start3A_780 = tpu.memref_squeeze %dma_start3A_779 : memref<1x128x128xf32, #tpu.memory_space<vmem>> -> memref<128x128xf32, #tpu.memory_space<vmem>>
        %dma_start3A_781 = arith.constant 0 : i32
        %dma_start3A_782 = tpu.memref_slice %arg7[%run_scoped3A_410, %run_scoped3A_411, %dma_start3A_781] : memref<2x8x128xi32, #tpu.memory_space<vmem>> -> memref<1x1x128xi32, #tpu.memory_space<vmem>>
        %dma_start3A_783 = tpu.memref_squeeze %dma_start3A_782 : memref<1x1x128xi32, #tpu.memory_space<vmem>> -> memref<128xi32, #tpu.memory_space<vmem>>
        %dma_start3A_784 = arith.constant 0 : i32
        %dma_start3A_785 = arith.constant 0 : i32
        %dma_start3A_786 = tpu.memref_slice %arg9[%dma_start3A_784, %dma_start3A_785] : memref<10112x128xf32, #tpu.memory_space<vmem_shared>> -> memref<10112x128xf32, #tpu.memory_space<vmem_shared>>
        tpu.enqueue_indirect_dma source(%dma_start3A_780 : memref<128x128xf32, #tpu.memory_space<vmem>>) target(%dma_start3A_786 : memref<10112x128xf32, #tpu.memory_space<vmem_shared>>) offsets(%dma_start3A_783 : memref<128xi32, #tpu.memory_space<vmem>>) semaphore(%run_scoped3A_776 : memref<!tpu.dma_semaphore, #tpu.memory_space<semaphore_mem>>) {add = true}
        %dma_wait3A_787 = arith.constant 0 : i32
        %dma_wait3A_788 = arith.constant 0 : i32
        %dma_wait3A_789 = tpu.memref_slice %arg8[%run_scoped3A_409, %dma_wait3A_787, %dma_wait3A_788] : memref<2x128x128xf32, #tpu.memory_space<vmem>> -> memref<1x128x128xf32, #tpu.memory_space<vmem>>
        %dma_wait3A_790 = tpu.memref_squeeze %dma_wait3A_789 : memref<1x128x128xf32, #tpu.memory_space<vmem>> -> memref<128x128xf32, #tpu.memory_space<vmem>>
        %dma_wait3A_791 = arith.constant 0 : i32
        %dma_wait3A_792 = tpu.memref_slice %arg7[%run_scoped3A_410, %run_scoped3A_411, %dma_wait3A_791] : memref<2x8x128xi32, #tpu.memory_space<vmem>> -> memref<1x1x128xi32, #tpu.memory_space<vmem>>
        %dma_wait3A_793 = tpu.memref_squeeze %dma_wait3A_792 : memref<1x1x128xi32, #tpu.memory_space<vmem>> -> memref<128xi32, #tpu.memory_space<vmem>>
        %dma_wait3A_794 = arith.constant 0 : i32
        %dma_wait3A_795 = arith.constant 0 : i32
        %dma_wait3A_796 = tpu.memref_slice %arg9[%dma_wait3A_794, %dma_wait3A_795] : memref<10112x128xf32, #tpu.memory_space<vmem_shared>> -> memref<10112x128xf32, #tpu.memory_space<vmem_shared>>
        tpu.wait_indirect_dma semaphore(%run_scoped3A_776 : memref<!tpu.dma_semaphore, #tpu.memory_space<semaphore_mem>>) src(%dma_wait3A_790 : memref<128x128xf32, #tpu.memory_space<vmem>>) dst(%dma_wait3A_796 : memref<10112x128xf32, #tpu.memory_space<vmem_shared>>)
        tpu.yield
      }) : () -> ()
      %dma_wait3A_412 = arith.constant 1 : i32
      %dma_wait3A_413 = arith.constant 1 : i32
      %dma_wait3A_414 = arith.constant 0 : i32
      %dma_wait3A_415 = arith.constant 0 : i32
      %dma_wait3A_416 = tpu.memref_slice %arg6[%dma_wait3A_412, %dma_wait3A_414, %dma_wait3A_415] : memref<2x8x128xi32, #tpu.memory_space<vmem>> -> memref<1x8x128xi32, #tpu.memory_space<vmem>>
      %dma_wait3A_417 = tpu.memref_squeeze %dma_wait3A_416 : memref<1x8x128xi32, #tpu.memory_space<vmem>> -> memref<8x128xi32, #tpu.memory_space<vmem>>
      %dma_wait3A_418 = arith.constant 0 : i32
      %dma_wait3A_419 = arith.constant 0 : i32
      %dma_wait3A_420 = tpu.memref_slice %arg3[%add3A, %dma_wait3A_418, %dma_wait3A_419] : memref<32x80x128xi32, #tpu.memory_space<hbm>> -> memref<1x8x128xi32, #tpu.memory_space<hbm>>
      %dma_wait3A_421 = tpu.memref_squeeze %dma_wait3A_420 : memref<1x8x128xi32, #tpu.memory_space<hbm>> -> memref<8x128xi32, #tpu.memory_space<hbm>>
      %dma_wait3A_422 = tpu.memref_slice %arg11[%dma_wait3A_413] : memref<2x!tpu.dma_semaphore, #tpu.memory_space<semaphore_mem>> -> memref<1x!tpu.dma_semaphore, #tpu.memory_space<semaphore_mem>>
      %dma_wait3A_423 = tpu.memref_squeeze %dma_wait3A_422 : memref<1x!tpu.dma_semaphore, #tpu.memory_space<semaphore_mem>> -> memref<!tpu.dma_semaphore, #tpu.memory_space<semaphore_mem>>
      %dma_wait3A_424 = arith.constant 0 : i32
      %dma_wait3A_425 = arith.constant 0 : i32
      %dma_wait3A_426 = tpu.memref_slice %arg6[%dma_wait3A_412, %dma_wait3A_424, %dma_wait3A_425] : memref<2x8x128xi32, #tpu.memory_space<vmem>> -> memref<1x8x128xi32, #tpu.memory_space<vmem>>
      %dma_wait3A_427 = tpu.memref_squeeze %dma_wait3A_426 : memref<1x8x128xi32, #tpu.memory_space<vmem>> -> memref<8x128xi32, #tpu.memory_space<vmem>>
      %dma_wait3A_428 = arith.constant 0 : i32
      %dma_wait3A_429 = arith.constant 0 : i32
      %dma_wait3A_430 = tpu.memref_slice %arg3[%add3A, %dma_wait3A_428, %dma_wait3A_429] : memref<32x80x128xi32, #tpu.memory_space<hbm>> -> memref<1x8x128xi32, #tpu.memory_space<hbm>>
      %dma_wait3A_431 = tpu.memref_squeeze %dma_wait3A_430 : memref<1x8x128xi32, #tpu.memory_space<hbm>> -> memref<8x128xi32, #tpu.memory_space<hbm>>
      tpu.wait_dma2 semaphore(%dma_wait3A_423 : memref<!tpu.dma_semaphore, #tpu.memory_space<semaphore_mem>>) src(%dma_wait3A_431 : memref<8x128xi32, #tpu.memory_space<hbm>>) dst(%dma_wait3A_427 : memref<8x128xi32, #tpu.memory_space<vmem>>)
      %dma_wait3A_432 = arith.constant 1 : i32
      %dma_wait3A_433 = arith.constant 1 : i32
      %dma_wait3A_434 = arith.constant 0 : i32
      %dma_wait3A_435 = arith.constant 0 : i32
      %dma_wait3A_436 = tpu.memref_slice %arg7[%dma_wait3A_432, %dma_wait3A_434, %dma_wait3A_435] : memref<2x8x128xi32, #tpu.memory_space<vmem>> -> memref<1x8x128xi32, #tpu.memory_space<vmem>>
      %dma_wait3A_437 = tpu.memref_squeeze %dma_wait3A_436 : memref<1x8x128xi32, #tpu.memory_space<vmem>> -> memref<8x128xi32, #tpu.memory_space<vmem>>
      %dma_wait3A_438 = arith.constant 0 : i32
      %dma_wait3A_439 = arith.constant 0 : i32
      %dma_wait3A_440 = tpu.memref_slice %arg4[%add3A, %dma_wait3A_438, %dma_wait3A_439] : memref<32x80x128xi32, #tpu.memory_space<hbm>> -> memref<1x8x128xi32, #tpu.memory_space<hbm>>
      %dma_wait3A_441 = tpu.memref_squeeze %dma_wait3A_440 : memref<1x8x128xi32, #tpu.memory_space<hbm>> -> memref<8x128xi32, #tpu.memory_space<hbm>>
      %dma_wait3A_442 = tpu.memref_slice %arg11[%dma_wait3A_433] : memref<2x!tpu.dma_semaphore, #tpu.memory_space<semaphore_mem>> -> memref<1x!tpu.dma_semaphore, #tpu.memory_space<semaphore_mem>>
      %dma_wait3A_443 = tpu.memref_squeeze %dma_wait3A_442 : memref<1x!tpu.dma_semaphore, #tpu.memory_space<semaphore_mem>> -> memref<!tpu.dma_semaphore, #tpu.memory_space<semaphore_mem>>
      %dma_wait3A_444 = arith.constant 0 : i32
      %dma_wait3A_445 = arith.constant 0 : i32
      %dma_wait3A_446 = tpu.memref_slice %arg7[%dma_wait3A_432, %dma_wait3A_444, %dma_wait3A_445] : memref<2x8x128xi32, #tpu.memory_space<vmem>> -> memref<1x8x128xi32, #tpu.memory_space<vmem>>
      %dma_wait3A_447 = tpu.memref_squeeze %dma_wait3A_446 : memref<1x8x128xi32, #tpu.memory_space<vmem>> -> memref<8x128xi32, #tpu.memory_space<vmem>>
      %dma_wait3A_448 = arith.constant 0 : i32
      %dma_wait3A_449 = arith.constant 0 : i32
      %dma_wait3A_450 = tpu.memref_slice %arg4[%add3A, %dma_wait3A_448, %dma_wait3A_449] : memref<32x80x128xi32, #tpu.memory_space<hbm>> -> memref<1x8x128xi32, #tpu.memory_space<hbm>>
      %dma_wait3A_451 = tpu.memref_squeeze %dma_wait3A_450 : memref<1x8x128xi32, #tpu.memory_space<hbm>> -> memref<8x128xi32, #tpu.memory_space<hbm>>
      tpu.wait_dma2 semaphore(%dma_wait3A_443 : memref<!tpu.dma_semaphore, #tpu.memory_space<semaphore_mem>>) src(%dma_wait3A_451 : memref<8x128xi32, #tpu.memory_space<hbm>>) dst(%dma_wait3A_447 : memref<8x128xi32, #tpu.memory_space<vmem>>)
      %dma_wait3A_452 = arith.constant 0 : i32
      %dma_wait3A_453 = arith.constant 7 : i32
      %dma_wait3A_454 = arith.constant 1 : i32
      %dma_wait3A_455 = arith.constant 1 : i32
      %dma_wait3A_456 = arith.constant 0 : i32
      %dma_wait3A_457 = arith.constant 0 : i32
      %dma_wait3A_458 = tpu.memref_slice %arg8[%dma_wait3A_454, %dma_wait3A_456, %dma_wait3A_457] : memref<2x128x128xf32, #tpu.memory_space<vmem>> -> memref<1x128x128xf32, #tpu.memory_space<vmem>>
      %dma_wait3A_459 = tpu.memref_squeeze %dma_wait3A_458 : memref<1x128x128xf32, #tpu.memory_space<vmem>> -> memref<128x128xf32, #tpu.memory_space<vmem>>
      %dma_wait3A_460 = arith.constant 0 : i32
      %dma_wait3A_461 = tpu.memref_slice %arg6[%dma_wait3A_452, %dma_wait3A_453, %dma_wait3A_460] : memref<2x8x128xi32, #tpu.memory_space<vmem>> -> memref<1x1x128xi32, #tpu.memory_space<vmem>>
      %dma_wait3A_462 = tpu.memref_squeeze %dma_wait3A_461 : memref<1x1x128xi32, #tpu.memory_space<vmem>> -> memref<128xi32, #tpu.memory_space<vmem>>
      %dma_wait3A_463 = arith.constant 0 : i32
      %dma_wait3A_464 = arith.constant 0 : i32
      %dma_wait3A_465 = tpu.memref_slice %arg2[%dma_wait3A_463, %dma_wait3A_464] : memref<10112x128xf32, #tpu.memory_space<hbm>> -> memref<10112x128xf32, #tpu.memory_space<hbm>>
      %dma_wait3A_466 = tpu.memref_slice %arg10[%dma_wait3A_455] : memref<2x!tpu.dma_semaphore, #tpu.memory_space<semaphore_mem>> -> memref<1x!tpu.dma_semaphore, #tpu.memory_space<semaphore_mem>>
      %dma_wait3A_467 = tpu.memref_squeeze %dma_wait3A_466 : memref<1x!tpu.dma_semaphore, #tpu.memory_space<semaphore_mem>> -> memref<!tpu.dma_semaphore, #tpu.memory_space<semaphore_mem>>
      tpu.wait_indirect_dma semaphore(%dma_wait3A_467 : memref<!tpu.dma_semaphore, #tpu.memory_space<semaphore_mem>>) src(%dma_wait3A_465 : memref<10112x128xf32, #tpu.memory_space<hbm>>) dst(%dma_wait3A_459 : memref<128x128xf32, #tpu.memory_space<vmem>>)
      %dma_start3A_468 = arith.constant 1 : i32
      %dma_start3A_469 = arith.constant 0 : i32
      %dma_start3A_470 = arith.constant 0 : i32
      %dma_start3A_471 = arith.constant 0 : i32
      %dma_start3A_472 = arith.constant 0 : i32
      %dma_start3A_473 = arith.constant 0 : i32
      %dma_start3A_474 = tpu.memref_slice %arg8[%dma_start3A_470, %dma_start3A_472, %dma_start3A_473] : memref<2x128x128xf32, #tpu.memory_space<vmem>> -> memref<1x128x128xf32, #tpu.memory_space<vmem>>
      %dma_start3A_475 = tpu.memref_squeeze %dma_start3A_474 : memref<1x128x128xf32, #tpu.memory_space<vmem>> -> memref<128x128xf32, #tpu.memory_space<vmem>>
      %dma_start3A_476 = arith.constant 0 : i32
      %dma_start3A_477 = tpu.memref_slice %arg6[%dma_start3A_468, %dma_start3A_469, %dma_start3A_476] : memref<2x8x128xi32, #tpu.memory_space<vmem>> -> memref<1x1x128xi32, #tpu.memory_space<vmem>>
      %dma_start3A_478 = tpu.memref_squeeze %dma_start3A_477 : memref<1x1x128xi32, #tpu.memory_space<vmem>> -> memref<128xi32, #tpu.memory_space<vmem>>
      %dma_start3A_479 = arith.constant 0 : i32
      %dma_start3A_480 = arith.constant 0 : i32
      %dma_start3A_481 = tpu.memref_slice %arg2[%dma_start3A_479, %dma_start3A_480] : memref<10112x128xf32, #tpu.memory_space<hbm>> -> memref<10112x128xf32, #tpu.memory_space<hbm>>
      %dma_start3A_482 = tpu.memref_slice %arg10[%dma_start3A_471] : memref<2x!tpu.dma_semaphore, #tpu.memory_space<semaphore_mem>> -> memref<1x!tpu.dma_semaphore, #tpu.memory_space<semaphore_mem>>
      %dma_start3A_483 = tpu.memref_squeeze %dma_start3A_482 : memref<1x!tpu.dma_semaphore, #tpu.memory_space<semaphore_mem>> -> memref<!tpu.dma_semaphore, #tpu.memory_space<semaphore_mem>>
      tpu.enqueue_indirect_dma source(%dma_start3A_481 : memref<10112x128xf32, #tpu.memory_space<hbm>>) target(%dma_start3A_475 : memref<128x128xf32, #tpu.memory_space<vmem>>) offsets(%dma_start3A_478 : memref<128xi32, #tpu.memory_space<vmem>>) semaphore(%dma_start3A_483 : memref<!tpu.dma_semaphore, #tpu.memory_space<semaphore_mem>>)
      %run_scoped3A_484 = arith.constant 1 : i32
      %run_scoped3A_485 = arith.constant 0 : i32
      %run_scoped3A_486 = arith.constant 7 : i32
      "tpu.region"() ({
        %run_scoped3A_776 = tpu.sem_alloc : memref<!tpu.dma_semaphore, #tpu.memory_space<semaphore_mem>>
        %dma_start3A_777 = arith.constant 0 : i32
        %dma_start3A_778 = arith.constant 0 : i32
        %dma_start3A_779 = tpu.memref_slice %arg8[%run_scoped3A_484, %dma_start3A_777, %dma_start3A_778] : memref<2x128x128xf32, #tpu.memory_space<vmem>> -> memref<1x128x128xf32, #tpu.memory_space<vmem>>
        %dma_start3A_780 = tpu.memref_squeeze %dma_start3A_779 : memref<1x128x128xf32, #tpu.memory_space<vmem>> -> memref<128x128xf32, #tpu.memory_space<vmem>>
        %dma_start3A_781 = arith.constant 0 : i32
        %dma_start3A_782 = tpu.memref_slice %arg7[%run_scoped3A_485, %run_scoped3A_486, %dma_start3A_781] : memref<2x8x128xi32, #tpu.memory_space<vmem>> -> memref<1x1x128xi32, #tpu.memory_space<vmem>>
        %dma_start3A_783 = tpu.memref_squeeze %dma_start3A_782 : memref<1x1x128xi32, #tpu.memory_space<vmem>> -> memref<128xi32, #tpu.memory_space<vmem>>
        %dma_start3A_784 = arith.constant 0 : i32
        %dma_start3A_785 = arith.constant 0 : i32
        %dma_start3A_786 = tpu.memref_slice %arg9[%dma_start3A_784, %dma_start3A_785] : memref<10112x128xf32, #tpu.memory_space<vmem_shared>> -> memref<10112x128xf32, #tpu.memory_space<vmem_shared>>
        tpu.enqueue_indirect_dma source(%dma_start3A_780 : memref<128x128xf32, #tpu.memory_space<vmem>>) target(%dma_start3A_786 : memref<10112x128xf32, #tpu.memory_space<vmem_shared>>) offsets(%dma_start3A_783 : memref<128xi32, #tpu.memory_space<vmem>>) semaphore(%run_scoped3A_776 : memref<!tpu.dma_semaphore, #tpu.memory_space<semaphore_mem>>) {add = true}
        %dma_wait3A_787 = arith.constant 0 : i32
        %dma_wait3A_788 = arith.constant 0 : i32
        %dma_wait3A_789 = tpu.memref_slice %arg8[%run_scoped3A_484, %dma_wait3A_787, %dma_wait3A_788] : memref<2x128x128xf32, #tpu.memory_space<vmem>> -> memref<1x128x128xf32, #tpu.memory_space<vmem>>
        %dma_wait3A_790 = tpu.memref_squeeze %dma_wait3A_789 : memref<1x128x128xf32, #tpu.memory_space<vmem>> -> memref<128x128xf32, #tpu.memory_space<vmem>>
        %dma_wait3A_791 = arith.constant 0 : i32
        %dma_wait3A_792 = tpu.memref_slice %arg7[%run_scoped3A_485, %run_scoped3A_486, %dma_wait3A_791] : memref<2x8x128xi32, #tpu.memory_space<vmem>> -> memref<1x1x128xi32, #tpu.memory_space<vmem>>
        %dma_wait3A_793 = tpu.memref_squeeze %dma_wait3A_792 : memref<1x1x128xi32, #tpu.memory_space<vmem>> -> memref<128xi32, #tpu.memory_space<vmem>>
        %dma_wait3A_794 = arith.constant 0 : i32
        %dma_wait3A_795 = arith.constant 0 : i32
        %dma_wait3A_796 = tpu.memref_slice %arg9[%dma_wait3A_794, %dma_wait3A_795] : memref<10112x128xf32, #tpu.memory_space<vmem_shared>> -> memref<10112x128xf32, #tpu.memory_space<vmem_shared>>
        tpu.wait_indirect_dma semaphore(%run_scoped3A_776 : memref<!tpu.dma_semaphore, #tpu.memory_space<semaphore_mem>>) src(%dma_wait3A_790 : memref<128x128xf32, #tpu.memory_space<vmem>>) dst(%dma_wait3A_796 : memref<10112x128xf32, #tpu.memory_space<vmem_shared>>)
        tpu.yield
      }) : () -> ()
      %add3A_487 = arith.constant 16 : i32
      %add3A_488 = arith.addi %add3A_166, %add3A_487 : i32
      %lt3A = arith.constant 80 : i32
      %lt3A_489 = arith.cmpi slt, %add3A_488, %lt3A : i32
      %convert_element_type3A = arith.extui %lt3A_489 : i1 to i32
      %cond3A = arith.constant 0 : i32
      %cond3A_490 = arith.cmpi ne, %convert_element_type3A, %cond3A : i32
      scf.if %cond3A_490 {
        %add3A_776 = arith.constant 16 : i32
        %add3A_777 = arith.addi %add3A_166, %add3A_776 : i32
        %dma_start3A_778 = arith.constant 0 : i32
        %dma_start3A_779 = arith.constant 0 : i32
        %dma_start3A_780 = arith.constant 0 : i32
        %dma_start3A_781 = arith.constant 0 : i32
        %dma_start3A_782 = tpu.memref_slice %arg6[%dma_start3A_778, %dma_start3A_780, %dma_start3A_781] : memref<2x8x128xi32, #tpu.memory_space<vmem>> -> memref<1x8x128xi32, #tpu.memory_space<vmem>>
        %dma_start3A_783 = tpu.memref_squeeze %dma_start3A_782 : memref<1x8x128xi32, #tpu.memory_space<vmem>> -> memref<8x128xi32, #tpu.memory_space<vmem>>
        %dma_start3A_784 = arith.constant 0 : i32
        %dma_start3A_785 = tpu.memref_slice %arg3[%add3A, %add3A_777, %dma_start3A_784] : memref<32x80x128xi32, #tpu.memory_space<hbm>> -> memref<1x8x128xi32, #tpu.memory_space<hbm>>
        %dma_start3A_786 = tpu.memref_squeeze %dma_start3A_785 : memref<1x8x128xi32, #tpu.memory_space<hbm>> -> memref<8x128xi32, #tpu.memory_space<hbm>>
        %dma_start3A_787 = tpu.memref_slice %arg11[%dma_start3A_779] : memref<2x!tpu.dma_semaphore, #tpu.memory_space<semaphore_mem>> -> memref<1x!tpu.dma_semaphore, #tpu.memory_space<semaphore_mem>>
        %dma_start3A_788 = tpu.memref_squeeze %dma_start3A_787 : memref<1x!tpu.dma_semaphore, #tpu.memory_space<semaphore_mem>> -> memref<!tpu.dma_semaphore, #tpu.memory_space<semaphore_mem>>
        %dma_start3A_789 = arith.constant 0 : i32
        %dma_start3A_790 = arith.constant 0 : i32
        %dma_start3A_791 = tpu.memref_slice %arg6[%dma_start3A_778, %dma_start3A_789, %dma_start3A_790] : memref<2x8x128xi32, #tpu.memory_space<vmem>> -> memref<1x8x128xi32, #tpu.memory_space<vmem>>
        %dma_start3A_792 = tpu.memref_squeeze %dma_start3A_791 : memref<1x8x128xi32, #tpu.memory_space<vmem>> -> memref<8x128xi32, #tpu.memory_space<vmem>>
        %dma_start3A_793 = arith.constant 0 : i32
        %dma_start3A_794 = tpu.memref_slice %arg3[%add3A, %add3A_777, %dma_start3A_793] : memref<32x80x128xi32, #tpu.memory_space<hbm>> -> memref<1x8x128xi32, #tpu.memory_space<hbm>>
        %dma_start3A_795 = tpu.memref_squeeze %dma_start3A_794 : memref<1x8x128xi32, #tpu.memory_space<hbm>> -> memref<8x128xi32, #tpu.memory_space<hbm>>
        tpu.enqueue_dma source(%dma_start3A_795 : memref<8x128xi32, #tpu.memory_space<hbm>>) target(%dma_start3A_792 : memref<8x128xi32, #tpu.memory_space<vmem>>) target_semaphore(%dma_start3A_788 : memref<!tpu.dma_semaphore, #tpu.memory_space<semaphore_mem>>)
        %dma_start3A_796 = arith.constant 0 : i32
        %dma_start3A_797 = arith.constant 0 : i32
        %dma_start3A_798 = arith.constant 0 : i32
        %dma_start3A_799 = arith.constant 0 : i32
        %dma_start3A_800 = tpu.memref_slice %arg7[%dma_start3A_796, %dma_start3A_798, %dma_start3A_799] : memref<2x8x128xi32, #tpu.memory_space<vmem>> -> memref<1x8x128xi32, #tpu.memory_space<vmem>>
        %dma_start3A_801 = tpu.memref_squeeze %dma_start3A_800 : memref<1x8x128xi32, #tpu.memory_space<vmem>> -> memref<8x128xi32, #tpu.memory_space<vmem>>
        %dma_start3A_802 = arith.constant 0 : i32
        %dma_start3A_803 = tpu.memref_slice %arg4[%add3A, %add3A_777, %dma_start3A_802] : memref<32x80x128xi32, #tpu.memory_space<hbm>> -> memref<1x8x128xi32, #tpu.memory_space<hbm>>
        %dma_start3A_804 = tpu.memref_squeeze %dma_start3A_803 : memref<1x8x128xi32, #tpu.memory_space<hbm>> -> memref<8x128xi32, #tpu.memory_space<hbm>>
        %dma_start3A_805 = tpu.memref_slice %arg11[%dma_start3A_797] : memref<2x!tpu.dma_semaphore, #tpu.memory_space<semaphore_mem>> -> memref<1x!tpu.dma_semaphore, #tpu.memory_space<semaphore_mem>>
        %dma_start3A_806 = tpu.memref_squeeze %dma_start3A_805 : memref<1x!tpu.dma_semaphore, #tpu.memory_space<semaphore_mem>> -> memref<!tpu.dma_semaphore, #tpu.memory_space<semaphore_mem>>
        %dma_start3A_807 = arith.constant 0 : i32
        %dma_start3A_808 = arith.constant 0 : i32
        %dma_start3A_809 = tpu.memref_slice %arg7[%dma_start3A_796, %dma_start3A_807, %dma_start3A_808] : memref<2x8x128xi32, #tpu.memory_space<vmem>> -> memref<1x8x128xi32, #tpu.memory_space<vmem>>
        %dma_start3A_810 = tpu.memref_squeeze %dma_start3A_809 : memref<1x8x128xi32, #tpu.memory_space<vmem>> -> memref<8x128xi32, #tpu.memory_space<vmem>>
        %dma_start3A_811 = arith.constant 0 : i32
        %dma_start3A_812 = tpu.memref_slice %arg4[%add3A, %add3A_777, %dma_start3A_811] : memref<32x80x128xi32, #tpu.memory_space<hbm>> -> memref<1x8x128xi32, #tpu.memory_space<hbm>>
        %dma_start3A_813 = tpu.memref_squeeze %dma_start3A_812 : memref<1x8x128xi32, #tpu.memory_space<hbm>> -> memref<8x128xi32, #tpu.memory_space<hbm>>
        tpu.enqueue_dma source(%dma_start3A_813 : memref<8x128xi32, #tpu.memory_space<hbm>>) target(%dma_start3A_810 : memref<8x128xi32, #tpu.memory_space<vmem>>) target_semaphore(%dma_start3A_806 : memref<!tpu.dma_semaphore, #tpu.memory_space<semaphore_mem>>)
      } else {
      }
      %dma_wait3A_491 = arith.constant 1 : i32
      %dma_wait3A_492 = arith.constant 0 : i32
      %dma_wait3A_493 = arith.constant 0 : i32
      %dma_wait3A_494 = arith.constant 0 : i32
      %dma_wait3A_495 = arith.constant 0 : i32
      %dma_wait3A_496 = arith.constant 0 : i32
      %dma_wait3A_497 = tpu.memref_slice %arg8[%dma_wait3A_493, %dma_wait3A_495, %dma_wait3A_496] : memref<2x128x128xf32, #tpu.memory_space<vmem>> -> memref<1x128x128xf32, #tpu.memory_space<vmem>>
      %dma_wait3A_498 = tpu.memref_squeeze %dma_wait3A_497 : memref<1x128x128xf32, #tpu.memory_space<vmem>> -> memref<128x128xf32, #tpu.memory_space<vmem>>
      %dma_wait3A_499 = arith.constant 0 : i32
      %dma_wait3A_500 = tpu.memref_slice %arg6[%dma_wait3A_491, %dma_wait3A_492, %dma_wait3A_499] : memref<2x8x128xi32, #tpu.memory_space<vmem>> -> memref<1x1x128xi32, #tpu.memory_space<vmem>>
      %dma_wait3A_501 = tpu.memref_squeeze %dma_wait3A_500 : memref<1x1x128xi32, #tpu.memory_space<vmem>> -> memref<128xi32, #tpu.memory_space<vmem>>
      %dma_wait3A_502 = arith.constant 0 : i32
      %dma_wait3A_503 = arith.constant 0 : i32
      %dma_wait3A_504 = tpu.memref_slice %arg2[%dma_wait3A_502, %dma_wait3A_503] : memref<10112x128xf32, #tpu.memory_space<hbm>> -> memref<10112x128xf32, #tpu.memory_space<hbm>>
      %dma_wait3A_505 = tpu.memref_slice %arg10[%dma_wait3A_494] : memref<2x!tpu.dma_semaphore, #tpu.memory_space<semaphore_mem>> -> memref<1x!tpu.dma_semaphore, #tpu.memory_space<semaphore_mem>>
      %dma_wait3A_506 = tpu.memref_squeeze %dma_wait3A_505 : memref<1x!tpu.dma_semaphore, #tpu.memory_space<semaphore_mem>> -> memref<!tpu.dma_semaphore, #tpu.memory_space<semaphore_mem>>
      tpu.wait_indirect_dma semaphore(%dma_wait3A_506 : memref<!tpu.dma_semaphore, #tpu.memory_space<semaphore_mem>>) src(%dma_wait3A_504 : memref<10112x128xf32, #tpu.memory_space<hbm>>) dst(%dma_wait3A_498 : memref<128x128xf32, #tpu.memory_space<vmem>>)
      %dma_start3A_507 = arith.constant 1 : i32
      %dma_start3A_508 = arith.constant 1 : i32
      %dma_start3A_509 = arith.constant 1 : i32
      %dma_start3A_510 = arith.constant 1 : i32
      %dma_start3A_511 = arith.constant 0 : i32
      %dma_start3A_512 = arith.constant 0 : i32
      %dma_start3A_513 = tpu.memref_slice %arg8[%dma_start3A_509, %dma_start3A_511, %dma_start3A_512] : memref<2x128x128xf32, #tpu.memory_space<vmem>> -> memref<1x128x128xf32, #tpu.memory_space<vmem>>
      %dma_start3A_514 = tpu.memref_squeeze %dma_start3A_513 : memref<1x128x128xf32, #tpu.memory_space<vmem>> -> memref<128x128xf32, #tpu.memory_space<vmem>>
      %dma_start3A_515 = arith.constant 0 : i32
      %dma_start3A_516 = tpu.memref_slice %arg6[%dma_start3A_507, %dma_start3A_508, %dma_start3A_515] : memref<2x8x128xi32, #tpu.memory_space<vmem>> -> memref<1x1x128xi32, #tpu.memory_space<vmem>>
      %dma_start3A_517 = tpu.memref_squeeze %dma_start3A_516 : memref<1x1x128xi32, #tpu.memory_space<vmem>> -> memref<128xi32, #tpu.memory_space<vmem>>
      %dma_start3A_518 = arith.constant 0 : i32
      %dma_start3A_519 = arith.constant 0 : i32
      %dma_start3A_520 = tpu.memref_slice %arg2[%dma_start3A_518, %dma_start3A_519] : memref<10112x128xf32, #tpu.memory_space<hbm>> -> memref<10112x128xf32, #tpu.memory_space<hbm>>
      %dma_start3A_521 = tpu.memref_slice %arg10[%dma_start3A_510] : memref<2x!tpu.dma_semaphore, #tpu.memory_space<semaphore_mem>> -> memref<1x!tpu.dma_semaphore, #tpu.memory_space<semaphore_mem>>
      %dma_start3A_522 = tpu.memref_squeeze %dma_start3A_521 : memref<1x!tpu.dma_semaphore, #tpu.memory_space<semaphore_mem>> -> memref<!tpu.dma_semaphore, #tpu.memory_space<semaphore_mem>>
      tpu.enqueue_indirect_dma source(%dma_start3A_520 : memref<10112x128xf32, #tpu.memory_space<hbm>>) target(%dma_start3A_514 : memref<128x128xf32, #tpu.memory_space<vmem>>) offsets(%dma_start3A_517 : memref<128xi32, #tpu.memory_space<vmem>>) semaphore(%dma_start3A_522 : memref<!tpu.dma_semaphore, #tpu.memory_space<semaphore_mem>>)
      %run_scoped3A_523 = arith.constant 0 : i32
      %run_scoped3A_524 = arith.constant 1 : i32
      %run_scoped3A_525 = arith.constant 0 : i32
      "tpu.region"() ({
        %run_scoped3A_776 = tpu.sem_alloc : memref<!tpu.dma_semaphore, #tpu.memory_space<semaphore_mem>>
        %dma_start3A_777 = arith.constant 0 : i32
        %dma_start3A_778 = arith.constant 0 : i32
        %dma_start3A_779 = tpu.memref_slice %arg8[%run_scoped3A_523, %dma_start3A_777, %dma_start3A_778] : memref<2x128x128xf32, #tpu.memory_space<vmem>> -> memref<1x128x128xf32, #tpu.memory_space<vmem>>
        %dma_start3A_780 = tpu.memref_squeeze %dma_start3A_779 : memref<1x128x128xf32, #tpu.memory_space<vmem>> -> memref<128x128xf32, #tpu.memory_space<vmem>>
        %dma_start3A_781 = arith.constant 0 : i32
        %dma_start3A_782 = tpu.memref_slice %arg7[%run_scoped3A_524, %run_scoped3A_525, %dma_start3A_781] : memref<2x8x128xi32, #tpu.memory_space<vmem>> -> memref<1x1x128xi32, #tpu.memory_space<vmem>>
        %dma_start3A_783 = tpu.memref_squeeze %dma_start3A_782 : memref<1x1x128xi32, #tpu.memory_space<vmem>> -> memref<128xi32, #tpu.memory_space<vmem>>
        %dma_start3A_784 = arith.constant 0 : i32
        %dma_start3A_785 = arith.constant 0 : i32
        %dma_start3A_786 = tpu.memref_slice %arg9[%dma_start3A_784, %dma_start3A_785] : memref<10112x128xf32, #tpu.memory_space<vmem_shared>> -> memref<10112x128xf32, #tpu.memory_space<vmem_shared>>
        tpu.enqueue_indirect_dma source(%dma_start3A_780 : memref<128x128xf32, #tpu.memory_space<vmem>>) target(%dma_start3A_786 : memref<10112x128xf32, #tpu.memory_space<vmem_shared>>) offsets(%dma_start3A_783 : memref<128xi32, #tpu.memory_space<vmem>>) semaphore(%run_scoped3A_776 : memref<!tpu.dma_semaphore, #tpu.memory_space<semaphore_mem>>) {add = true}
        %dma_wait3A_787 = arith.constant 0 : i32
        %dma_wait3A_788 = arith.constant 0 : i32
        %dma_wait3A_789 = tpu.memref_slice %arg8[%run_scoped3A_523, %dma_wait3A_787, %dma_wait3A_788] : memref<2x128x128xf32, #tpu.memory_space<vmem>> -> memref<1x128x128xf32, #tpu.memory_space<vmem>>
        %dma_wait3A_790 = tpu.memref_squeeze %dma_wait3A_789 : memref<1x128x128xf32, #tpu.memory_space<vmem>> -> memref<128x128xf32, #tpu.memory_space<vmem>>
        %dma_wait3A_791 = arith.constant 0 : i32
        %dma_wait3A_792 = tpu.memref_slice %arg7[%run_scoped3A_524, %run_scoped3A_525, %dma_wait3A_791] : memref<2x8x128xi32, #tpu.memory_space<vmem>> -> memref<1x1x128xi32, #tpu.memory_space<vmem>>
        %dma_wait3A_793 = tpu.memref_squeeze %dma_wait3A_792 : memref<1x1x128xi32, #tpu.memory_space<vmem>> -> memref<128xi32, #tpu.memory_space<vmem>>
        %dma_wait3A_794 = arith.constant 0 : i32
        %dma_wait3A_795 = arith.constant 0 : i32
        %dma_wait3A_796 = tpu.memref_slice %arg9[%dma_wait3A_794, %dma_wait3A_795] : memref<10112x128xf32, #tpu.memory_space<vmem_shared>> -> memref<10112x128xf32, #tpu.memory_space<vmem_shared>>
        tpu.wait_indirect_dma semaphore(%run_scoped3A_776 : memref<!tpu.dma_semaphore, #tpu.memory_space<semaphore_mem>>) src(%dma_wait3A_790 : memref<128x128xf32, #tpu.memory_space<vmem>>) dst(%dma_wait3A_796 : memref<10112x128xf32, #tpu.memory_space<vmem_shared>>)
        tpu.yield
      }) : () -> ()
      %dma_wait3A_526 = arith.constant 1 : i32
      %dma_wait3A_527 = arith.constant 1 : i32
      %dma_wait3A_528 = arith.constant 1 : i32
      %dma_wait3A_529 = arith.constant 1 : i32
      %dma_wait3A_530 = arith.constant 0 : i32
      %dma_wait3A_531 = arith.constant 0 : i32
      %dma_wait3A_532 = tpu.memref_slice %arg8[%dma_wait3A_528, %dma_wait3A_530, %dma_wait3A_531] : memref<2x128x128xf32, #tpu.memory_space<vmem>> -> memref<1x128x128xf32, #tpu.memory_space<vmem>>
      %dma_wait3A_533 = tpu.memref_squeeze %dma_wait3A_532 : memref<1x128x128xf32, #tpu.memory_space<vmem>> -> memref<128x128xf32, #tpu.memory_space<vmem>>
      %dma_wait3A_534 = arith.constant 0 : i32
      %dma_wait3A_535 = tpu.memref_slice %arg6[%dma_wait3A_526, %dma_wait3A_527, %dma_wait3A_534] : memref<2x8x128xi32, #tpu.memory_space<vmem>> -> memref<1x1x128xi32, #tpu.memory_space<vmem>>
      %dma_wait3A_536 = tpu.memref_squeeze %dma_wait3A_535 : memref<1x1x128xi32, #tpu.memory_space<vmem>> -> memref<128xi32, #tpu.memory_space<vmem>>
      %dma_wait3A_537 = arith.constant 0 : i32
      %dma_wait3A_538 = arith.constant 0 : i32
      %dma_wait3A_539 = tpu.memref_slice %arg2[%dma_wait3A_537, %dma_wait3A_538] : memref<10112x128xf32, #tpu.memory_space<hbm>> -> memref<10112x128xf32, #tpu.memory_space<hbm>>
      %dma_wait3A_540 = tpu.memref_slice %arg10[%dma_wait3A_529] : memref<2x!tpu.dma_semaphore, #tpu.memory_space<semaphore_mem>> -> memref<1x!tpu.dma_semaphore, #tpu.memory_space<semaphore_mem>>
      %dma_wait3A_541 = tpu.memref_squeeze %dma_wait3A_540 : memref<1x!tpu.dma_semaphore, #tpu.memory_space<semaphore_mem>> -> memref<!tpu.dma_semaphore, #tpu.memory_space<semaphore_mem>>
      tpu.wait_indirect_dma semaphore(%dma_wait3A_541 : memref<!tpu.dma_semaphore, #tpu.memory_space<semaphore_mem>>) src(%dma_wait3A_539 : memref<10112x128xf32, #tpu.memory_space<hbm>>) dst(%dma_wait3A_533 : memref<128x128xf32, #tpu.memory_space<vmem>>)
      %dma_start3A_542 = arith.constant 1 : i32
      %dma_start3A_543 = arith.constant 2 : i32
      %dma_start3A_544 = arith.constant 0 : i32
      %dma_start3A_545 = arith.constant 0 : i32
      %dma_start3A_546 = arith.constant 0 : i32
      %dma_start3A_547 = arith.constant 0 : i32
      %dma_start3A_548 = tpu.memref_slice %arg8[%dma_start3A_544, %dma_start3A_546, %dma_start3A_547] : memref<2x128x128xf32, #tpu.memory_space<vmem>> -> memref<1x128x128xf32, #tpu.memory_space<vmem>>
      %dma_start3A_549 = tpu.memref_squeeze %dma_start3A_548 : memref<1x128x128xf32, #tpu.memory_space<vmem>> -> memref<128x128xf32, #tpu.memory_space<vmem>>
      %dma_start3A_550 = arith.constant 0 : i32
      %dma_start3A_551 = tpu.memref_slice %arg6[%dma_start3A_542, %dma_start3A_543, %dma_start3A_550] : memref<2x8x128xi32, #tpu.memory_space<vmem>> -> memref<1x1x128xi32, #tpu.memory_space<vmem>>
      %dma_start3A_552 = tpu.memref_squeeze %dma_start3A_551 : memref<1x1x128xi32, #tpu.memory_space<vmem>> -> memref<128xi32, #tpu.memory_space<vmem>>
      %dma_start3A_553 = arith.constant 0 : i32
      %dma_start3A_554 = arith.constant 0 : i32
      %dma_start3A_555 = tpu.memref_slice %arg2[%dma_start3A_553, %dma_start3A_554] : memref<10112x128xf32, #tpu.memory_space<hbm>> -> memref<10112x128xf32, #tpu.memory_space<hbm>>
      %dma_start3A_556 = tpu.memref_slice %arg10[%dma_start3A_545] : memref<2x!tpu.dma_semaphore, #tpu.memory_space<semaphore_mem>> -> memref<1x!tpu.dma_semaphore, #tpu.memory_space<semaphore_mem>>
      %dma_start3A_557 = tpu.memref_squeeze %dma_start3A_556 : memref<1x!tpu.dma_semaphore, #tpu.memory_space<semaphore_mem>> -> memref<!tpu.dma_semaphore, #tpu.memory_space<semaphore_mem>>
      tpu.enqueue_indirect_dma source(%dma_start3A_555 : memref<10112x128xf32, #tpu.memory_space<hbm>>) target(%dma_start3A_549 : memref<128x128xf32, #tpu.memory_space<vmem>>) offsets(%dma_start3A_552 : memref<128xi32, #tpu.memory_space<vmem>>) semaphore(%dma_start3A_557 : memref<!tpu.dma_semaphore, #tpu.memory_space<semaphore_mem>>)
      %run_scoped3A_558 = arith.constant 1 : i32
      %run_scoped3A_559 = arith.constant 1 : i32
      %run_scoped3A_560 = arith.constant 1 : i32
      "tpu.region"() ({
        %run_scoped3A_776 = tpu.sem_alloc : memref<!tpu.dma_semaphore, #tpu.memory_space<semaphore_mem>>
        %dma_start3A_777 = arith.constant 0 : i32
        %dma_start3A_778 = arith.constant 0 : i32
        %dma_start3A_779 = tpu.memref_slice %arg8[%run_scoped3A_558, %dma_start3A_777, %dma_start3A_778] : memref<2x128x128xf32, #tpu.memory_space<vmem>> -> memref<1x128x128xf32, #tpu.memory_space<vmem>>
        %dma_start3A_780 = tpu.memref_squeeze %dma_start3A_779 : memref<1x128x128xf32, #tpu.memory_space<vmem>> -> memref<128x128xf32, #tpu.memory_space<vmem>>
        %dma_start3A_781 = arith.constant 0 : i32
        %dma_start3A_782 = tpu.memref_slice %arg7[%run_scoped3A_559, %run_scoped3A_560, %dma_start3A_781] : memref<2x8x128xi32, #tpu.memory_space<vmem>> -> memref<1x1x128xi32, #tpu.memory_space<vmem>>
        %dma_start3A_783 = tpu.memref_squeeze %dma_start3A_782 : memref<1x1x128xi32, #tpu.memory_space<vmem>> -> memref<128xi32, #tpu.memory_space<vmem>>
        %dma_start3A_784 = arith.constant 0 : i32
        %dma_start3A_785 = arith.constant 0 : i32
        %dma_start3A_786 = tpu.memref_slice %arg9[%dma_start3A_784, %dma_start3A_785] : memref<10112x128xf32, #tpu.memory_space<vmem_shared>> -> memref<10112x128xf32, #tpu.memory_space<vmem_shared>>
        tpu.enqueue_indirect_dma source(%dma_start3A_780 : memref<128x128xf32, #tpu.memory_space<vmem>>) target(%dma_start3A_786 : memref<10112x128xf32, #tpu.memory_space<vmem_shared>>) offsets(%dma_start3A_783 : memref<128xi32, #tpu.memory_space<vmem>>) semaphore(%run_scoped3A_776 : memref<!tpu.dma_semaphore, #tpu.memory_space<semaphore_mem>>) {add = true}
        %dma_wait3A_787 = arith.constant 0 : i32
        %dma_wait3A_788 = arith.constant 0 : i32
        %dma_wait3A_789 = tpu.memref_slice %arg8[%run_scoped3A_558, %dma_wait3A_787, %dma_wait3A_788] : memref<2x128x128xf32, #tpu.memory_space<vmem>> -> memref<1x128x128xf32, #tpu.memory_space<vmem>>
        %dma_wait3A_790 = tpu.memref_squeeze %dma_wait3A_789 : memref<1x128x128xf32, #tpu.memory_space<vmem>> -> memref<128x128xf32, #tpu.memory_space<vmem>>
        %dma_wait3A_791 = arith.constant 0 : i32
        %dma_wait3A_792 = tpu.memref_slice %arg7[%run_scoped3A_559, %run_scoped3A_560, %dma_wait3A_791] : memref<2x8x128xi32, #tpu.memory_space<vmem>> -> memref<1x1x128xi32, #tpu.memory_space<vmem>>
        %dma_wait3A_793 = tpu.memref_squeeze %dma_wait3A_792 : memref<1x1x128xi32, #tpu.memory_space<vmem>> -> memref<128xi32, #tpu.memory_space<vmem>>
        %dma_wait3A_794 = arith.constant 0 : i32
        %dma_wait3A_795 = arith.constant 0 : i32
        %dma_wait3A_796 = tpu.memref_slice %arg9[%dma_wait3A_794, %dma_wait3A_795] : memref<10112x128xf32, #tpu.memory_space<vmem_shared>> -> memref<10112x128xf32, #tpu.memory_space<vmem_shared>>
        tpu.wait_indirect_dma semaphore(%run_scoped3A_776 : memref<!tpu.dma_semaphore, #tpu.memory_space<semaphore_mem>>) src(%dma_wait3A_790 : memref<128x128xf32, #tpu.memory_space<vmem>>) dst(%dma_wait3A_796 : memref<10112x128xf32, #tpu.memory_space<vmem_shared>>)
        tpu.yield
      }) : () -> ()
      %dma_wait3A_561 = arith.constant 1 : i32
      %dma_wait3A_562 = arith.constant 2 : i32
      %dma_wait3A_563 = arith.constant 0 : i32
      %dma_wait3A_564 = arith.constant 0 : i32
      %dma_wait3A_565 = arith.constant 0 : i32
      %dma_wait3A_566 = arith.constant 0 : i32
      %dma_wait3A_567 = tpu.memref_slice %arg8[%dma_wait3A_563, %dma_wait3A_565, %dma_wait3A_566] : memref<2x128x128xf32, #tpu.memory_space<vmem>> -> memref<1x128x128xf32, #tpu.memory_space<vmem>>
      %dma_wait3A_568 = tpu.memref_squeeze %dma_wait3A_567 : memref<1x128x128xf32, #tpu.memory_space<vmem>> -> memref<128x128xf32, #tpu.memory_space<vmem>>
      %dma_wait3A_569 = arith.constant 0 : i32
      %dma_wait3A_570 = tpu.memref_slice %arg6[%dma_wait3A_561, %dma_wait3A_562, %dma_wait3A_569] : memref<2x8x128xi32, #tpu.memory_space<vmem>> -> memref<1x1x128xi32, #tpu.memory_space<vmem>>
      %dma_wait3A_571 = tpu.memref_squeeze %dma_wait3A_570 : memref<1x1x128xi32, #tpu.memory_space<vmem>> -> memref<128xi32, #tpu.memory_space<vmem>>
      %dma_wait3A_572 = arith.constant 0 : i32
      %dma_wait3A_573 = arith.constant 0 : i32
      %dma_wait3A_574 = tpu.memref_slice %arg2[%dma_wait3A_572, %dma_wait3A_573] : memref<10112x128xf32, #tpu.memory_space<hbm>> -> memref<10112x128xf32, #tpu.memory_space<hbm>>
      %dma_wait3A_575 = tpu.memref_slice %arg10[%dma_wait3A_564] : memref<2x!tpu.dma_semaphore, #tpu.memory_space<semaphore_mem>> -> memref<1x!tpu.dma_semaphore, #tpu.memory_space<semaphore_mem>>
      %dma_wait3A_576 = tpu.memref_squeeze %dma_wait3A_575 : memref<1x!tpu.dma_semaphore, #tpu.memory_space<semaphore_mem>> -> memref<!tpu.dma_semaphore, #tpu.memory_space<semaphore_mem>>
      tpu.wait_indirect_dma semaphore(%dma_wait3A_576 : memref<!tpu.dma_semaphore, #tpu.memory_space<semaphore_mem>>) src(%dma_wait3A_574 : memref<10112x128xf32, #tpu.memory_space<hbm>>) dst(%dma_wait3A_568 : memref<128x128xf32, #tpu.memory_space<vmem>>)
      %dma_start3A_577 = arith.constant 1 : i32
      %dma_start3A_578 = arith.constant 3 : i32
      %dma_start3A_579 = arith.constant 1 : i32
      %dma_start3A_580 = arith.constant 1 : i32
      %dma_start3A_581 = arith.constant 0 : i32
      %dma_start3A_582 = arith.constant 0 : i32
      %dma_start3A_583 = tpu.memref_slice %arg8[%dma_start3A_579, %dma_start3A_581, %dma_start3A_582] : memref<2x128x128xf32, #tpu.memory_space<vmem>> -> memref<1x128x128xf32, #tpu.memory_space<vmem>>
      %dma_start3A_584 = tpu.memref_squeeze %dma_start3A_583 : memref<1x128x128xf32, #tpu.memory_space<vmem>> -> memref<128x128xf32, #tpu.memory_space<vmem>>
      %dma_start3A_585 = arith.constant 0 : i32
      %dma_start3A_586 = tpu.memref_slice %arg6[%dma_start3A_577, %dma_start3A_578, %dma_start3A_585] : memref<2x8x128xi32, #tpu.memory_space<vmem>> -> memref<1x1x128xi32, #tpu.memory_space<vmem>>
      %dma_start3A_587 = tpu.memref_squeeze %dma_start3A_586 : memref<1x1x128xi32, #tpu.memory_space<vmem>> -> memref<128xi32, #tpu.memory_space<vmem>>
      %dma_start3A_588 = arith.constant 0 : i32
      %dma_start3A_589 = arith.constant 0 : i32
      %dma_start3A_590 = tpu.memref_slice %arg2[%dma_start3A_588, %dma_start3A_589] : memref<10112x128xf32, #tpu.memory_space<hbm>> -> memref<10112x128xf32, #tpu.memory_space<hbm>>
      %dma_start3A_591 = tpu.memref_slice %arg10[%dma_start3A_580] : memref<2x!tpu.dma_semaphore, #tpu.memory_space<semaphore_mem>> -> memref<1x!tpu.dma_semaphore, #tpu.memory_space<semaphore_mem>>
      %dma_start3A_592 = tpu.memref_squeeze %dma_start3A_591 : memref<1x!tpu.dma_semaphore, #tpu.memory_space<semaphore_mem>> -> memref<!tpu.dma_semaphore, #tpu.memory_space<semaphore_mem>>
      tpu.enqueue_indirect_dma source(%dma_start3A_590 : memref<10112x128xf32, #tpu.memory_space<hbm>>) target(%dma_start3A_584 : memref<128x128xf32, #tpu.memory_space<vmem>>) offsets(%dma_start3A_587 : memref<128xi32, #tpu.memory_space<vmem>>) semaphore(%dma_start3A_592 : memref<!tpu.dma_semaphore, #tpu.memory_space<semaphore_mem>>)
      %run_scoped3A_593 = arith.constant 0 : i32
      %run_scoped3A_594 = arith.constant 1 : i32
      %run_scoped3A_595 = arith.constant 2 : i32
      "tpu.region"() ({
        %run_scoped3A_776 = tpu.sem_alloc : memref<!tpu.dma_semaphore, #tpu.memory_space<semaphore_mem>>
        %dma_start3A_777 = arith.constant 0 : i32
        %dma_start3A_778 = arith.constant 0 : i32
        %dma_start3A_779 = tpu.memref_slice %arg8[%run_scoped3A_593, %dma_start3A_777, %dma_start3A_778] : memref<2x128x128xf32, #tpu.memory_space<vmem>> -> memref<1x128x128xf32, #tpu.memory_space<vmem>>
        %dma_start3A_780 = tpu.memref_squeeze %dma_start3A_779 : memref<1x128x128xf32, #tpu.memory_space<vmem>> -> memref<128x128xf32, #tpu.memory_space<vmem>>
        %dma_start3A_781 = arith.constant 0 : i32
        %dma_start3A_782 = tpu.memref_slice %arg7[%run_scoped3A_594, %run_scoped3A_595, %dma_start3A_781] : memref<2x8x128xi32, #tpu.memory_space<vmem>> -> memref<1x1x128xi32, #tpu.memory_space<vmem>>
        %dma_start3A_783 = tpu.memref_squeeze %dma_start3A_782 : memref<1x1x128xi32, #tpu.memory_space<vmem>> -> memref<128xi32, #tpu.memory_space<vmem>>
        %dma_start3A_784 = arith.constant 0 : i32
        %dma_start3A_785 = arith.constant 0 : i32
        %dma_start3A_786 = tpu.memref_slice %arg9[%dma_start3A_784, %dma_start3A_785] : memref<10112x128xf32, #tpu.memory_space<vmem_shared>> -> memref<10112x128xf32, #tpu.memory_space<vmem_shared>>
        tpu.enqueue_indirect_dma source(%dma_start3A_780 : memref<128x128xf32, #tpu.memory_space<vmem>>) target(%dma_start3A_786 : memref<10112x128xf32, #tpu.memory_space<vmem_shared>>) offsets(%dma_start3A_783 : memref<128xi32, #tpu.memory_space<vmem>>) semaphore(%run_scoped3A_776 : memref<!tpu.dma_semaphore, #tpu.memory_space<semaphore_mem>>) {add = true}
        %dma_wait3A_787 = arith.constant 0 : i32
        %dma_wait3A_788 = arith.constant 0 : i32
        %dma_wait3A_789 = tpu.memref_slice %arg8[%run_scoped3A_593, %dma_wait3A_787, %dma_wait3A_788] : memref<2x128x128xf32, #tpu.memory_space<vmem>> -> memref<1x128x128xf32, #tpu.memory_space<vmem>>
        %dma_wait3A_790 = tpu.memref_squeeze %dma_wait3A_789 : memref<1x128x128xf32, #tpu.memory_space<vmem>> -> memref<128x128xf32, #tpu.memory_space<vmem>>
        %dma_wait3A_791 = arith.constant 0 : i32
        %dma_wait3A_792 = tpu.memref_slice %arg7[%run_scoped3A_594, %run_scoped3A_595, %dma_wait3A_791] : memref<2x8x128xi32, #tpu.memory_space<vmem>> -> memref<1x1x128xi32, #tpu.memory_space<vmem>>
        %dma_wait3A_793 = tpu.memref_squeeze %dma_wait3A_792 : memref<1x1x128xi32, #tpu.memory_space<vmem>> -> memref<128xi32, #tpu.memory_space<vmem>>
        %dma_wait3A_794 = arith.constant 0 : i32
        %dma_wait3A_795 = arith.constant 0 : i32
        %dma_wait3A_796 = tpu.memref_slice %arg9[%dma_wait3A_794, %dma_wait3A_795] : memref<10112x128xf32, #tpu.memory_space<vmem_shared>> -> memref<10112x128xf32, #tpu.memory_space<vmem_shared>>
        tpu.wait_indirect_dma semaphore(%run_scoped3A_776 : memref<!tpu.dma_semaphore, #tpu.memory_space<semaphore_mem>>) src(%dma_wait3A_790 : memref<128x128xf32, #tpu.memory_space<vmem>>) dst(%dma_wait3A_796 : memref<10112x128xf32, #tpu.memory_space<vmem_shared>>)
        tpu.yield
      }) : () -> ()
      %dma_wait3A_596 = arith.constant 1 : i32
      %dma_wait3A_597 = arith.constant 3 : i32
      %dma_wait3A_598 = arith.constant 1 : i32
      %dma_wait3A_599 = arith.constant 1 : i32
      %dma_wait3A_600 = arith.constant 0 : i32
      %dma_wait3A_601 = arith.constant 0 : i32
      %dma_wait3A_602 = tpu.memref_slice %arg8[%dma_wait3A_598, %dma_wait3A_600, %dma_wait3A_601] : memref<2x128x128xf32, #tpu.memory_space<vmem>> -> memref<1x128x128xf32, #tpu.memory_space<vmem>>
      %dma_wait3A_603 = tpu.memref_squeeze %dma_wait3A_602 : memref<1x128x128xf32, #tpu.memory_space<vmem>> -> memref<128x128xf32, #tpu.memory_space<vmem>>
      %dma_wait3A_604 = arith.constant 0 : i32
      %dma_wait3A_605 = tpu.memref_slice %arg6[%dma_wait3A_596, %dma_wait3A_597, %dma_wait3A_604] : memref<2x8x128xi32, #tpu.memory_space<vmem>> -> memref<1x1x128xi32, #tpu.memory_space<vmem>>
      %dma_wait3A_606 = tpu.memref_squeeze %dma_wait3A_605 : memref<1x1x128xi32, #tpu.memory_space<vmem>> -> memref<128xi32, #tpu.memory_space<vmem>>
      %dma_wait3A_607 = arith.constant 0 : i32
      %dma_wait3A_608 = arith.constant 0 : i32
      %dma_wait3A_609 = tpu.memref_slice %arg2[%dma_wait3A_607, %dma_wait3A_608] : memref<10112x128xf32, #tpu.memory_space<hbm>> -> memref<10112x128xf32, #tpu.memory_space<hbm>>
      %dma_wait3A_610 = tpu.memref_slice %arg10[%dma_wait3A_599] : memref<2x!tpu.dma_semaphore, #tpu.memory_space<semaphore_mem>> -> memref<1x!tpu.dma_semaphore, #tpu.memory_space<semaphore_mem>>
      %dma_wait3A_611 = tpu.memref_squeeze %dma_wait3A_610 : memref<1x!tpu.dma_semaphore, #tpu.memory_space<semaphore_mem>> -> memref<!tpu.dma_semaphore, #tpu.memory_space<semaphore_mem>>
      tpu.wait_indirect_dma semaphore(%dma_wait3A_611 : memref<!tpu.dma_semaphore, #tpu.memory_space<semaphore_mem>>) src(%dma_wait3A_609 : memref<10112x128xf32, #tpu.memory_space<hbm>>) dst(%dma_wait3A_603 : memref<128x128xf32, #tpu.memory_space<vmem>>)
      %dma_start3A_612 = arith.constant 1 : i32
      %dma_start3A_613 = arith.constant 4 : i32
      %dma_start3A_614 = arith.constant 0 : i32
      %dma_start3A_615 = arith.constant 0 : i32
      %dma_start3A_616 = arith.constant 0 : i32
      %dma_start3A_617 = arith.constant 0 : i32
      %dma_start3A_618 = tpu.memref_slice %arg8[%dma_start3A_614, %dma_start3A_616, %dma_start3A_617] : memref<2x128x128xf32, #tpu.memory_space<vmem>> -> memref<1x128x128xf32, #tpu.memory_space<vmem>>
      %dma_start3A_619 = tpu.memref_squeeze %dma_start3A_618 : memref<1x128x128xf32, #tpu.memory_space<vmem>> -> memref<128x128xf32, #tpu.memory_space<vmem>>
      %dma_start3A_620 = arith.constant 0 : i32
      %dma_start3A_621 = tpu.memref_slice %arg6[%dma_start3A_612, %dma_start3A_613, %dma_start3A_620] : memref<2x8x128xi32, #tpu.memory_space<vmem>> -> memref<1x1x128xi32, #tpu.memory_space<vmem>>
      %dma_start3A_622 = tpu.memref_squeeze %dma_start3A_621 : memref<1x1x128xi32, #tpu.memory_space<vmem>> -> memref<128xi32, #tpu.memory_space<vmem>>
      %dma_start3A_623 = arith.constant 0 : i32
      %dma_start3A_624 = arith.constant 0 : i32
      %dma_start3A_625 = tpu.memref_slice %arg2[%dma_start3A_623, %dma_start3A_624] : memref<10112x128xf32, #tpu.memory_space<hbm>> -> memref<10112x128xf32, #tpu.memory_space<hbm>>
      %dma_start3A_626 = tpu.memref_slice %arg10[%dma_start3A_615] : memref<2x!tpu.dma_semaphore, #tpu.memory_space<semaphore_mem>> -> memref<1x!tpu.dma_semaphore, #tpu.memory_space<semaphore_mem>>
      %dma_start3A_627 = tpu.memref_squeeze %dma_start3A_626 : memref<1x!tpu.dma_semaphore, #tpu.memory_space<semaphore_mem>> -> memref<!tpu.dma_semaphore, #tpu.memory_space<semaphore_mem>>
      tpu.enqueue_indirect_dma source(%dma_start3A_625 : memref<10112x128xf32, #tpu.memory_space<hbm>>) target(%dma_start3A_619 : memref<128x128xf32, #tpu.memory_space<vmem>>) offsets(%dma_start3A_622 : memref<128xi32, #tpu.memory_space<vmem>>) semaphore(%dma_start3A_627 : memref<!tpu.dma_semaphore, #tpu.memory_space<semaphore_mem>>)
      %run_scoped3A_628 = arith.constant 1 : i32
      %run_scoped3A_629 = arith.constant 1 : i32
      %run_scoped3A_630 = arith.constant 3 : i32
      "tpu.region"() ({
        %run_scoped3A_776 = tpu.sem_alloc : memref<!tpu.dma_semaphore, #tpu.memory_space<semaphore_mem>>
        %dma_start3A_777 = arith.constant 0 : i32
        %dma_start3A_778 = arith.constant 0 : i32
        %dma_start3A_779 = tpu.memref_slice %arg8[%run_scoped3A_628, %dma_start3A_777, %dma_start3A_778] : memref<2x128x128xf32, #tpu.memory_space<vmem>> -> memref<1x128x128xf32, #tpu.memory_space<vmem>>
        %dma_start3A_780 = tpu.memref_squeeze %dma_start3A_779 : memref<1x128x128xf32, #tpu.memory_space<vmem>> -> memref<128x128xf32, #tpu.memory_space<vmem>>
        %dma_start3A_781 = arith.constant 0 : i32
        %dma_start3A_782 = tpu.memref_slice %arg7[%run_scoped3A_629, %run_scoped3A_630, %dma_start3A_781] : memref<2x8x128xi32, #tpu.memory_space<vmem>> -> memref<1x1x128xi32, #tpu.memory_space<vmem>>
        %dma_start3A_783 = tpu.memref_squeeze %dma_start3A_782 : memref<1x1x128xi32, #tpu.memory_space<vmem>> -> memref<128xi32, #tpu.memory_space<vmem>>
        %dma_start3A_784 = arith.constant 0 : i32
        %dma_start3A_785 = arith.constant 0 : i32
        %dma_start3A_786 = tpu.memref_slice %arg9[%dma_start3A_784, %dma_start3A_785] : memref<10112x128xf32, #tpu.memory_space<vmem_shared>> -> memref<10112x128xf32, #tpu.memory_space<vmem_shared>>
        tpu.enqueue_indirect_dma source(%dma_start3A_780 : memref<128x128xf32, #tpu.memory_space<vmem>>) target(%dma_start3A_786 : memref<10112x128xf32, #tpu.memory_space<vmem_shared>>) offsets(%dma_start3A_783 : memref<128xi32, #tpu.memory_space<vmem>>) semaphore(%run_scoped3A_776 : memref<!tpu.dma_semaphore, #tpu.memory_space<semaphore_mem>>) {add = true}
        %dma_wait3A_787 = arith.constant 0 : i32
        %dma_wait3A_788 = arith.constant 0 : i32
        %dma_wait3A_789 = tpu.memref_slice %arg8[%run_scoped3A_628, %dma_wait3A_787, %dma_wait3A_788] : memref<2x128x128xf32, #tpu.memory_space<vmem>> -> memref<1x128x128xf32, #tpu.memory_space<vmem>>
        %dma_wait3A_790 = tpu.memref_squeeze %dma_wait3A_789 : memref<1x128x128xf32, #tpu.memory_space<vmem>> -> memref<128x128xf32, #tpu.memory_space<vmem>>
        %dma_wait3A_791 = arith.constant 0 : i32
        %dma_wait3A_792 = tpu.memref_slice %arg7[%run_scoped3A_629, %run_scoped3A_630, %dma_wait3A_791] : memref<2x8x128xi32, #tpu.memory_space<vmem>> -> memref<1x1x128xi32, #tpu.memory_space<vmem>>
        %dma_wait3A_793 = tpu.memref_squeeze %dma_wait3A_792 : memref<1x1x128xi32, #tpu.memory_space<vmem>> -> memref<128xi32, #tpu.memory_space<vmem>>
        %dma_wait3A_794 = arith.constant 0 : i32
        %dma_wait3A_795 = arith.constant 0 : i32
        %dma_wait3A_796 = tpu.memref_slice %arg9[%dma_wait3A_794, %dma_wait3A_795] : memref<10112x128xf32, #tpu.memory_space<vmem_shared>> -> memref<10112x128xf32, #tpu.memory_space<vmem_shared>>
        tpu.wait_indirect_dma semaphore(%run_scoped3A_776 : memref<!tpu.dma_semaphore, #tpu.memory_space<semaphore_mem>>) src(%dma_wait3A_790 : memref<128x128xf32, #tpu.memory_space<vmem>>) dst(%dma_wait3A_796 : memref<10112x128xf32, #tpu.memory_space<vmem_shared>>)
        tpu.yield
      }) : () -> ()
      %dma_wait3A_631 = arith.constant 1 : i32
      %dma_wait3A_632 = arith.constant 4 : i32
      %dma_wait3A_633 = arith.constant 0 : i32
      %dma_wait3A_634 = arith.constant 0 : i32
      %dma_wait3A_635 = arith.constant 0 : i32
      %dma_wait3A_636 = arith.constant 0 : i32
      %dma_wait3A_637 = tpu.memref_slice %arg8[%dma_wait3A_633, %dma_wait3A_635, %dma_wait3A_636] : memref<2x128x128xf32, #tpu.memory_space<vmem>> -> memref<1x128x128xf32, #tpu.memory_space<vmem>>
      %dma_wait3A_638 = tpu.memref_squeeze %dma_wait3A_637 : memref<1x128x128xf32, #tpu.memory_space<vmem>> -> memref<128x128xf32, #tpu.memory_space<vmem>>
      %dma_wait3A_639 = arith.constant 0 : i32
      %dma_wait3A_640 = tpu.memref_slice %arg6[%dma_wait3A_631, %dma_wait3A_632, %dma_wait3A_639] : memref<2x8x128xi32, #tpu.memory_space<vmem>> -> memref<1x1x128xi32, #tpu.memory_space<vmem>>
      %dma_wait3A_641 = tpu.memref_squeeze %dma_wait3A_640 : memref<1x1x128xi32, #tpu.memory_space<vmem>> -> memref<128xi32, #tpu.memory_space<vmem>>
      %dma_wait3A_642 = arith.constant 0 : i32
      %dma_wait3A_643 = arith.constant 0 : i32
      %dma_wait3A_644 = tpu.memref_slice %arg2[%dma_wait3A_642, %dma_wait3A_643] : memref<10112x128xf32, #tpu.memory_space<hbm>> -> memref<10112x128xf32, #tpu.memory_space<hbm>>
      %dma_wait3A_645 = tpu.memref_slice %arg10[%dma_wait3A_634] : memref<2x!tpu.dma_semaphore, #tpu.memory_space<semaphore_mem>> -> memref<1x!tpu.dma_semaphore, #tpu.memory_space<semaphore_mem>>
      %dma_wait3A_646 = tpu.memref_squeeze %dma_wait3A_645 : memref<1x!tpu.dma_semaphore, #tpu.memory_space<semaphore_mem>> -> memref<!tpu.dma_semaphore, #tpu.memory_space<semaphore_mem>>
      tpu.wait_indirect_dma semaphore(%dma_wait3A_646 : memref<!tpu.dma_semaphore, #tpu.memory_space<semaphore_mem>>) src(%dma_wait3A_644 : memref<10112x128xf32, #tpu.memory_space<hbm>>) dst(%dma_wait3A_638 : memref<128x128xf32, #tpu.memory_space<vmem>>)
      %dma_start3A_647 = arith.constant 1 : i32
      %dma_start3A_648 = arith.constant 5 : i32
      %dma_start3A_649 = arith.constant 1 : i32
      %dma_start3A_650 = arith.constant 1 : i32
      %dma_start3A_651 = arith.constant 0 : i32
      %dma_start3A_652 = arith.constant 0 : i32
      %dma_start3A_653 = tpu.memref_slice %arg8[%dma_start3A_649, %dma_start3A_651, %dma_start3A_652] : memref<2x128x128xf32, #tpu.memory_space<vmem>> -> memref<1x128x128xf32, #tpu.memory_space<vmem>>
      %dma_start3A_654 = tpu.memref_squeeze %dma_start3A_653 : memref<1x128x128xf32, #tpu.memory_space<vmem>> -> memref<128x128xf32, #tpu.memory_space<vmem>>
      %dma_start3A_655 = arith.constant 0 : i32
      %dma_start3A_656 = tpu.memref_slice %arg6[%dma_start3A_647, %dma_start3A_648, %dma_start3A_655] : memref<2x8x128xi32, #tpu.memory_space<vmem>> -> memref<1x1x128xi32, #tpu.memory_space<vmem>>
      %dma_start3A_657 = tpu.memref_squeeze %dma_start3A_656 : memref<1x1x128xi32, #tpu.memory_space<vmem>> -> memref<128xi32, #tpu.memory_space<vmem>>
      %dma_start3A_658 = arith.constant 0 : i32
      %dma_start3A_659 = arith.constant 0 : i32
      %dma_start3A_660 = tpu.memref_slice %arg2[%dma_start3A_658, %dma_start3A_659] : memref<10112x128xf32, #tpu.memory_space<hbm>> -> memref<10112x128xf32, #tpu.memory_space<hbm>>
      %dma_start3A_661 = tpu.memref_slice %arg10[%dma_start3A_650] : memref<2x!tpu.dma_semaphore, #tpu.memory_space<semaphore_mem>> -> memref<1x!tpu.dma_semaphore, #tpu.memory_space<semaphore_mem>>
      %dma_start3A_662 = tpu.memref_squeeze %dma_start3A_661 : memref<1x!tpu.dma_semaphore, #tpu.memory_space<semaphore_mem>> -> memref<!tpu.dma_semaphore, #tpu.memory_space<semaphore_mem>>
      tpu.enqueue_indirect_dma source(%dma_start3A_660 : memref<10112x128xf32, #tpu.memory_space<hbm>>) target(%dma_start3A_654 : memref<128x128xf32, #tpu.memory_space<vmem>>) offsets(%dma_start3A_657 : memref<128xi32, #tpu.memory_space<vmem>>) semaphore(%dma_start3A_662 : memref<!tpu.dma_semaphore, #tpu.memory_space<semaphore_mem>>)
      %run_scoped3A_663 = arith.constant 0 : i32
      %run_scoped3A_664 = arith.constant 1 : i32
      %run_scoped3A_665 = arith.constant 4 : i32
      "tpu.region"() ({
        %run_scoped3A_776 = tpu.sem_alloc : memref<!tpu.dma_semaphore, #tpu.memory_space<semaphore_mem>>
        %dma_start3A_777 = arith.constant 0 : i32
        %dma_start3A_778 = arith.constant 0 : i32
        %dma_start3A_779 = tpu.memref_slice %arg8[%run_scoped3A_663, %dma_start3A_777, %dma_start3A_778] : memref<2x128x128xf32, #tpu.memory_space<vmem>> -> memref<1x128x128xf32, #tpu.memory_space<vmem>>
        %dma_start3A_780 = tpu.memref_squeeze %dma_start3A_779 : memref<1x128x128xf32, #tpu.memory_space<vmem>> -> memref<128x128xf32, #tpu.memory_space<vmem>>
        %dma_start3A_781 = arith.constant 0 : i32
        %dma_start3A_782 = tpu.memref_slice %arg7[%run_scoped3A_664, %run_scoped3A_665, %dma_start3A_781] : memref<2x8x128xi32, #tpu.memory_space<vmem>> -> memref<1x1x128xi32, #tpu.memory_space<vmem>>
        %dma_start3A_783 = tpu.memref_squeeze %dma_start3A_782 : memref<1x1x128xi32, #tpu.memory_space<vmem>> -> memref<128xi32, #tpu.memory_space<vmem>>
        %dma_start3A_784 = arith.constant 0 : i32
        %dma_start3A_785 = arith.constant 0 : i32
        %dma_start3A_786 = tpu.memref_slice %arg9[%dma_start3A_784, %dma_start3A_785] : memref<10112x128xf32, #tpu.memory_space<vmem_shared>> -> memref<10112x128xf32, #tpu.memory_space<vmem_shared>>
        tpu.enqueue_indirect_dma source(%dma_start3A_780 : memref<128x128xf32, #tpu.memory_space<vmem>>) target(%dma_start3A_786 : memref<10112x128xf32, #tpu.memory_space<vmem_shared>>) offsets(%dma_start3A_783 : memref<128xi32, #tpu.memory_space<vmem>>) semaphore(%run_scoped3A_776 : memref<!tpu.dma_semaphore, #tpu.memory_space<semaphore_mem>>) {add = true}
        %dma_wait3A_787 = arith.constant 0 : i32
        %dma_wait3A_788 = arith.constant 0 : i32
        %dma_wait3A_789 = tpu.memref_slice %arg8[%run_scoped3A_663, %dma_wait3A_787, %dma_wait3A_788] : memref<2x128x128xf32, #tpu.memory_space<vmem>> -> memref<1x128x128xf32, #tpu.memory_space<vmem>>
        %dma_wait3A_790 = tpu.memref_squeeze %dma_wait3A_789 : memref<1x128x128xf32, #tpu.memory_space<vmem>> -> memref<128x128xf32, #tpu.memory_space<vmem>>
        %dma_wait3A_791 = arith.constant 0 : i32
        %dma_wait3A_792 = tpu.memref_slice %arg7[%run_scoped3A_664, %run_scoped3A_665, %dma_wait3A_791] : memref<2x8x128xi32, #tpu.memory_space<vmem>> -> memref<1x1x128xi32, #tpu.memory_space<vmem>>
        %dma_wait3A_793 = tpu.memref_squeeze %dma_wait3A_792 : memref<1x1x128xi32, #tpu.memory_space<vmem>> -> memref<128xi32, #tpu.memory_space<vmem>>
        %dma_wait3A_794 = arith.constant 0 : i32
        %dma_wait3A_795 = arith.constant 0 : i32
        %dma_wait3A_796 = tpu.memref_slice %arg9[%dma_wait3A_794, %dma_wait3A_795] : memref<10112x128xf32, #tpu.memory_space<vmem_shared>> -> memref<10112x128xf32, #tpu.memory_space<vmem_shared>>
        tpu.wait_indirect_dma semaphore(%run_scoped3A_776 : memref<!tpu.dma_semaphore, #tpu.memory_space<semaphore_mem>>) src(%dma_wait3A_790 : memref<128x128xf32, #tpu.memory_space<vmem>>) dst(%dma_wait3A_796 : memref<10112x128xf32, #tpu.memory_space<vmem_shared>>)
        tpu.yield
      }) : () -> ()
      %dma_wait3A_666 = arith.constant 1 : i32
      %dma_wait3A_667 = arith.constant 5 : i32
      %dma_wait3A_668 = arith.constant 1 : i32
      %dma_wait3A_669 = arith.constant 1 : i32
      %dma_wait3A_670 = arith.constant 0 : i32
      %dma_wait3A_671 = arith.constant 0 : i32
      %dma_wait3A_672 = tpu.memref_slice %arg8[%dma_wait3A_668, %dma_wait3A_670, %dma_wait3A_671] : memref<2x128x128xf32, #tpu.memory_space<vmem>> -> memref<1x128x128xf32, #tpu.memory_space<vmem>>
      %dma_wait3A_673 = tpu.memref_squeeze %dma_wait3A_672 : memref<1x128x128xf32, #tpu.memory_space<vmem>> -> memref<128x128xf32, #tpu.memory_space<vmem>>
      %dma_wait3A_674 = arith.constant 0 : i32
      %dma_wait3A_675 = tpu.memref_slice %arg6[%dma_wait3A_666, %dma_wait3A_667, %dma_wait3A_674] : memref<2x8x128xi32, #tpu.memory_space<vmem>> -> memref<1x1x128xi32, #tpu.memory_space<vmem>>
      %dma_wait3A_676 = tpu.memref_squeeze %dma_wait3A_675 : memref<1x1x128xi32, #tpu.memory_space<vmem>> -> memref<128xi32, #tpu.memory_space<vmem>>
      %dma_wait3A_677 = arith.constant 0 : i32
      %dma_wait3A_678 = arith.constant 0 : i32
      %dma_wait3A_679 = tpu.memref_slice %arg2[%dma_wait3A_677, %dma_wait3A_678] : memref<10112x128xf32, #tpu.memory_space<hbm>> -> memref<10112x128xf32, #tpu.memory_space<hbm>>
      %dma_wait3A_680 = tpu.memref_slice %arg10[%dma_wait3A_669] : memref<2x!tpu.dma_semaphore, #tpu.memory_space<semaphore_mem>> -> memref<1x!tpu.dma_semaphore, #tpu.memory_space<semaphore_mem>>
      %dma_wait3A_681 = tpu.memref_squeeze %dma_wait3A_680 : memref<1x!tpu.dma_semaphore, #tpu.memory_space<semaphore_mem>> -> memref<!tpu.dma_semaphore, #tpu.memory_space<semaphore_mem>>
      tpu.wait_indirect_dma semaphore(%dma_wait3A_681 : memref<!tpu.dma_semaphore, #tpu.memory_space<semaphore_mem>>) src(%dma_wait3A_679 : memref<10112x128xf32, #tpu.memory_space<hbm>>) dst(%dma_wait3A_673 : memref<128x128xf32, #tpu.memory_space<vmem>>)
      %dma_start3A_682 = arith.constant 1 : i32
      %dma_start3A_683 = arith.constant 6 : i32
      %dma_start3A_684 = arith.constant 0 : i32
      %dma_start3A_685 = arith.constant 0 : i32
      %dma_start3A_686 = arith.constant 0 : i32
      %dma_start3A_687 = arith.constant 0 : i32
      %dma_start3A_688 = tpu.memref_slice %arg8[%dma_start3A_684, %dma_start3A_686, %dma_start3A_687] : memref<2x128x128xf32, #tpu.memory_space<vmem>> -> memref<1x128x128xf32, #tpu.memory_space<vmem>>
      %dma_start3A_689 = tpu.memref_squeeze %dma_start3A_688 : memref<1x128x128xf32, #tpu.memory_space<vmem>> -> memref<128x128xf32, #tpu.memory_space<vmem>>
      %dma_start3A_690 = arith.constant 0 : i32
      %dma_start3A_691 = tpu.memref_slice %arg6[%dma_start3A_682, %dma_start3A_683, %dma_start3A_690] : memref<2x8x128xi32, #tpu.memory_space<vmem>> -> memref<1x1x128xi32, #tpu.memory_space<vmem>>
      %dma_start3A_692 = tpu.memref_squeeze %dma_start3A_691 : memref<1x1x128xi32, #tpu.memory_space<vmem>> -> memref<128xi32, #tpu.memory_space<vmem>>
      %dma_start3A_693 = arith.constant 0 : i32
      %dma_start3A_694 = arith.constant 0 : i32
      %dma_start3A_695 = tpu.memref_slice %arg2[%dma_start3A_693, %dma_start3A_694] : memref<10112x128xf32, #tpu.memory_space<hbm>> -> memref<10112x128xf32, #tpu.memory_space<hbm>>
      %dma_start3A_696 = tpu.memref_slice %arg10[%dma_start3A_685] : memref<2x!tpu.dma_semaphore, #tpu.memory_space<semaphore_mem>> -> memref<1x!tpu.dma_semaphore, #tpu.memory_space<semaphore_mem>>
      %dma_start3A_697 = tpu.memref_squeeze %dma_start3A_696 : memref<1x!tpu.dma_semaphore, #tpu.memory_space<semaphore_mem>> -> memref<!tpu.dma_semaphore, #tpu.memory_space<semaphore_mem>>
      tpu.enqueue_indirect_dma source(%dma_start3A_695 : memref<10112x128xf32, #tpu.memory_space<hbm>>) target(%dma_start3A_689 : memref<128x128xf32, #tpu.memory_space<vmem>>) offsets(%dma_start3A_692 : memref<128xi32, #tpu.memory_space<vmem>>) semaphore(%dma_start3A_697 : memref<!tpu.dma_semaphore, #tpu.memory_space<semaphore_mem>>)
      %run_scoped3A_698 = arith.constant 1 : i32
      %run_scoped3A_699 = arith.constant 1 : i32
      %run_scoped3A_700 = arith.constant 5 : i32
      "tpu.region"() ({
        %run_scoped3A_776 = tpu.sem_alloc : memref<!tpu.dma_semaphore, #tpu.memory_space<semaphore_mem>>
        %dma_start3A_777 = arith.constant 0 : i32
        %dma_start3A_778 = arith.constant 0 : i32
        %dma_start3A_779 = tpu.memref_slice %arg8[%run_scoped3A_698, %dma_start3A_777, %dma_start3A_778] : memref<2x128x128xf32, #tpu.memory_space<vmem>> -> memref<1x128x128xf32, #tpu.memory_space<vmem>>
        %dma_start3A_780 = tpu.memref_squeeze %dma_start3A_779 : memref<1x128x128xf32, #tpu.memory_space<vmem>> -> memref<128x128xf32, #tpu.memory_space<vmem>>
        %dma_start3A_781 = arith.constant 0 : i32
        %dma_start3A_782 = tpu.memref_slice %arg7[%run_scoped3A_699, %run_scoped3A_700, %dma_start3A_781] : memref<2x8x128xi32, #tpu.memory_space<vmem>> -> memref<1x1x128xi32, #tpu.memory_space<vmem>>
        %dma_start3A_783 = tpu.memref_squeeze %dma_start3A_782 : memref<1x1x128xi32, #tpu.memory_space<vmem>> -> memref<128xi32, #tpu.memory_space<vmem>>
        %dma_start3A_784 = arith.constant 0 : i32
        %dma_start3A_785 = arith.constant 0 : i32
        %dma_start3A_786 = tpu.memref_slice %arg9[%dma_start3A_784, %dma_start3A_785] : memref<10112x128xf32, #tpu.memory_space<vmem_shared>> -> memref<10112x128xf32, #tpu.memory_space<vmem_shared>>
        tpu.enqueue_indirect_dma source(%dma_start3A_780 : memref<128x128xf32, #tpu.memory_space<vmem>>) target(%dma_start3A_786 : memref<10112x128xf32, #tpu.memory_space<vmem_shared>>) offsets(%dma_start3A_783 : memref<128xi32, #tpu.memory_space<vmem>>) semaphore(%run_scoped3A_776 : memref<!tpu.dma_semaphore, #tpu.memory_space<semaphore_mem>>) {add = true}
        %dma_wait3A_787 = arith.constant 0 : i32
        %dma_wait3A_788 = arith.constant 0 : i32
        %dma_wait3A_789 = tpu.memref_slice %arg8[%run_scoped3A_698, %dma_wait3A_787, %dma_wait3A_788] : memref<2x128x128xf32, #tpu.memory_space<vmem>> -> memref<1x128x128xf32, #tpu.memory_space<vmem>>
        %dma_wait3A_790 = tpu.memref_squeeze %dma_wait3A_789 : memref<1x128x128xf32, #tpu.memory_space<vmem>> -> memref<128x128xf32, #tpu.memory_space<vmem>>
        %dma_wait3A_791 = arith.constant 0 : i32
        %dma_wait3A_792 = tpu.memref_slice %arg7[%run_scoped3A_699, %run_scoped3A_700, %dma_wait3A_791] : memref<2x8x128xi32, #tpu.memory_space<vmem>> -> memref<1x1x128xi32, #tpu.memory_space<vmem>>
        %dma_wait3A_793 = tpu.memref_squeeze %dma_wait3A_792 : memref<1x1x128xi32, #tpu.memory_space<vmem>> -> memref<128xi32, #tpu.memory_space<vmem>>
        %dma_wait3A_794 = arith.constant 0 : i32
        %dma_wait3A_795 = arith.constant 0 : i32
        %dma_wait3A_796 = tpu.memref_slice %arg9[%dma_wait3A_794, %dma_wait3A_795] : memref<10112x128xf32, #tpu.memory_space<vmem_shared>> -> memref<10112x128xf32, #tpu.memory_space<vmem_shared>>
        tpu.wait_indirect_dma semaphore(%run_scoped3A_776 : memref<!tpu.dma_semaphore, #tpu.memory_space<semaphore_mem>>) src(%dma_wait3A_790 : memref<128x128xf32, #tpu.memory_space<vmem>>) dst(%dma_wait3A_796 : memref<10112x128xf32, #tpu.memory_space<vmem_shared>>)
        tpu.yield
      }) : () -> ()
      %dma_wait3A_701 = arith.constant 1 : i32
      %dma_wait3A_702 = arith.constant 6 : i32
      %dma_wait3A_703 = arith.constant 0 : i32
      %dma_wait3A_704 = arith.constant 0 : i32
      %dma_wait3A_705 = arith.constant 0 : i32
      %dma_wait3A_706 = arith.constant 0 : i32
      %dma_wait3A_707 = tpu.memref_slice %arg8[%dma_wait3A_703, %dma_wait3A_705, %dma_wait3A_706] : memref<2x128x128xf32, #tpu.memory_space<vmem>> -> memref<1x128x128xf32, #tpu.memory_space<vmem>>
      %dma_wait3A_708 = tpu.memref_squeeze %dma_wait3A_707 : memref<1x128x128xf32, #tpu.memory_space<vmem>> -> memref<128x128xf32, #tpu.memory_space<vmem>>
      %dma_wait3A_709 = arith.constant 0 : i32
      %dma_wait3A_710 = tpu.memref_slice %arg6[%dma_wait3A_701, %dma_wait3A_702, %dma_wait3A_709] : memref<2x8x128xi32, #tpu.memory_space<vmem>> -> memref<1x1x128xi32, #tpu.memory_space<vmem>>
      %dma_wait3A_711 = tpu.memref_squeeze %dma_wait3A_710 : memref<1x1x128xi32, #tpu.memory_space<vmem>> -> memref<128xi32, #tpu.memory_space<vmem>>
      %dma_wait3A_712 = arith.constant 0 : i32
      %dma_wait3A_713 = arith.constant 0 : i32
      %dma_wait3A_714 = tpu.memref_slice %arg2[%dma_wait3A_712, %dma_wait3A_713] : memref<10112x128xf32, #tpu.memory_space<hbm>> -> memref<10112x128xf32, #tpu.memory_space<hbm>>
      %dma_wait3A_715 = tpu.memref_slice %arg10[%dma_wait3A_704] : memref<2x!tpu.dma_semaphore, #tpu.memory_space<semaphore_mem>> -> memref<1x!tpu.dma_semaphore, #tpu.memory_space<semaphore_mem>>
      %dma_wait3A_716 = tpu.memref_squeeze %dma_wait3A_715 : memref<1x!tpu.dma_semaphore, #tpu.memory_space<semaphore_mem>> -> memref<!tpu.dma_semaphore, #tpu.memory_space<semaphore_mem>>
      tpu.wait_indirect_dma semaphore(%dma_wait3A_716 : memref<!tpu.dma_semaphore, #tpu.memory_space<semaphore_mem>>) src(%dma_wait3A_714 : memref<10112x128xf32, #tpu.memory_space<hbm>>) dst(%dma_wait3A_708 : memref<128x128xf32, #tpu.memory_space<vmem>>)
      %dma_start3A_717 = arith.constant 1 : i32
      %dma_start3A_718 = arith.constant 7 : i32
      %dma_start3A_719 = arith.constant 1 : i32
      %dma_start3A_720 = arith.constant 1 : i32
      %dma_start3A_721 = arith.constant 0 : i32
      %dma_start3A_722 = arith.constant 0 : i32
      %dma_start3A_723 = tpu.memref_slice %arg8[%dma_start3A_719, %dma_start3A_721, %dma_start3A_722] : memref<2x128x128xf32, #tpu.memory_space<vmem>> -> memref<1x128x128xf32, #tpu.memory_space<vmem>>
      %dma_start3A_724 = tpu.memref_squeeze %dma_start3A_723 : memref<1x128x128xf32, #tpu.memory_space<vmem>> -> memref<128x128xf32, #tpu.memory_space<vmem>>
      %dma_start3A_725 = arith.constant 0 : i32
      %dma_start3A_726 = tpu.memref_slice %arg6[%dma_start3A_717, %dma_start3A_718, %dma_start3A_725] : memref<2x8x128xi32, #tpu.memory_space<vmem>> -> memref<1x1x128xi32, #tpu.memory_space<vmem>>
      %dma_start3A_727 = tpu.memref_squeeze %dma_start3A_726 : memref<1x1x128xi32, #tpu.memory_space<vmem>> -> memref<128xi32, #tpu.memory_space<vmem>>
      %dma_start3A_728 = arith.constant 0 : i32
      %dma_start3A_729 = arith.constant 0 : i32
      %dma_start3A_730 = tpu.memref_slice %arg2[%dma_start3A_728, %dma_start3A_729] : memref<10112x128xf32, #tpu.memory_space<hbm>> -> memref<10112x128xf32, #tpu.memory_space<hbm>>
      %dma_start3A_731 = tpu.memref_slice %arg10[%dma_start3A_720] : memref<2x!tpu.dma_semaphore, #tpu.memory_space<semaphore_mem>> -> memref<1x!tpu.dma_semaphore, #tpu.memory_space<semaphore_mem>>
      %dma_start3A_732 = tpu.memref_squeeze %dma_start3A_731 : memref<1x!tpu.dma_semaphore, #tpu.memory_space<semaphore_mem>> -> memref<!tpu.dma_semaphore, #tpu.memory_space<semaphore_mem>>
      tpu.enqueue_indirect_dma source(%dma_start3A_730 : memref<10112x128xf32, #tpu.memory_space<hbm>>) target(%dma_start3A_724 : memref<128x128xf32, #tpu.memory_space<vmem>>) offsets(%dma_start3A_727 : memref<128xi32, #tpu.memory_space<vmem>>) semaphore(%dma_start3A_732 : memref<!tpu.dma_semaphore, #tpu.memory_space<semaphore_mem>>)
      %run_scoped3A_733 = arith.constant 0 : i32
      %run_scoped3A_734 = arith.constant 1 : i32
      %run_scoped3A_735 = arith.constant 6 : i32
      "tpu.region"() ({
        %run_scoped3A_776 = tpu.sem_alloc : memref<!tpu.dma_semaphore, #tpu.memory_space<semaphore_mem>>
        %dma_start3A_777 = arith.constant 0 : i32
        %dma_start3A_778 = arith.constant 0 : i32
        %dma_start3A_779 = tpu.memref_slice %arg8[%run_scoped3A_733, %dma_start3A_777, %dma_start3A_778] : memref<2x128x128xf32, #tpu.memory_space<vmem>> -> memref<1x128x128xf32, #tpu.memory_space<vmem>>
        %dma_start3A_780 = tpu.memref_squeeze %dma_start3A_779 : memref<1x128x128xf32, #tpu.memory_space<vmem>> -> memref<128x128xf32, #tpu.memory_space<vmem>>
        %dma_start3A_781 = arith.constant 0 : i32
        %dma_start3A_782 = tpu.memref_slice %arg7[%run_scoped3A_734, %run_scoped3A_735, %dma_start3A_781] : memref<2x8x128xi32, #tpu.memory_space<vmem>> -> memref<1x1x128xi32, #tpu.memory_space<vmem>>
        %dma_start3A_783 = tpu.memref_squeeze %dma_start3A_782 : memref<1x1x128xi32, #tpu.memory_space<vmem>> -> memref<128xi32, #tpu.memory_space<vmem>>
        %dma_start3A_784 = arith.constant 0 : i32
        %dma_start3A_785 = arith.constant 0 : i32
        %dma_start3A_786 = tpu.memref_slice %arg9[%dma_start3A_784, %dma_start3A_785] : memref<10112x128xf32, #tpu.memory_space<vmem_shared>> -> memref<10112x128xf32, #tpu.memory_space<vmem_shared>>
        tpu.enqueue_indirect_dma source(%dma_start3A_780 : memref<128x128xf32, #tpu.memory_space<vmem>>) target(%dma_start3A_786 : memref<10112x128xf32, #tpu.memory_space<vmem_shared>>) offsets(%dma_start3A_783 : memref<128xi32, #tpu.memory_space<vmem>>) semaphore(%run_scoped3A_776 : memref<!tpu.dma_semaphore, #tpu.memory_space<semaphore_mem>>) {add = true}
        %dma_wait3A_787 = arith.constant 0 : i32
        %dma_wait3A_788 = arith.constant 0 : i32
        %dma_wait3A_789 = tpu.memref_slice %arg8[%run_scoped3A_733, %dma_wait3A_787, %dma_wait3A_788] : memref<2x128x128xf32, #tpu.memory_space<vmem>> -> memref<1x128x128xf32, #tpu.memory_space<vmem>>
        %dma_wait3A_790 = tpu.memref_squeeze %dma_wait3A_789 : memref<1x128x128xf32, #tpu.memory_space<vmem>> -> memref<128x128xf32, #tpu.memory_space<vmem>>
        %dma_wait3A_791 = arith.constant 0 : i32
        %dma_wait3A_792 = tpu.memref_slice %arg7[%run_scoped3A_734, %run_scoped3A_735, %dma_wait3A_791] : memref<2x8x128xi32, #tpu.memory_space<vmem>> -> memref<1x1x128xi32, #tpu.memory_space<vmem>>
        %dma_wait3A_793 = tpu.memref_squeeze %dma_wait3A_792 : memref<1x1x128xi32, #tpu.memory_space<vmem>> -> memref<128xi32, #tpu.memory_space<vmem>>
        %dma_wait3A_794 = arith.constant 0 : i32
        %dma_wait3A_795 = arith.constant 0 : i32
        %dma_wait3A_796 = tpu.memref_slice %arg9[%dma_wait3A_794, %dma_wait3A_795] : memref<10112x128xf32, #tpu.memory_space<vmem_shared>> -> memref<10112x128xf32, #tpu.memory_space<vmem_shared>>
        tpu.wait_indirect_dma semaphore(%run_scoped3A_776 : memref<!tpu.dma_semaphore, #tpu.memory_space<semaphore_mem>>) src(%dma_wait3A_790 : memref<128x128xf32, #tpu.memory_space<vmem>>) dst(%dma_wait3A_796 : memref<10112x128xf32, #tpu.memory_space<vmem_shared>>)
        tpu.yield
      }) : () -> ()
      %add3A_736 = arith.constant 16 : i32
      %add3A_737 = arith.addi %add3A_166, %add3A_736 : i32
      %lt3A_738 = arith.constant 80 : i32
      %lt3A_739 = arith.cmpi slt, %add3A_737, %lt3A_738 : i32
      %convert_element_type3A_740 = arith.extui %lt3A_739 : i1 to i32
      %cond3A_741 = arith.constant 0 : i32
      %cond3A_742 = arith.cmpi ne, %convert_element_type3A_740, %cond3A_741 : i32
      scf.if %cond3A_742 {
        %dma_wait3A_776 = arith.constant 0 : i32
        %dma_wait3A_777 = arith.constant 0 : i32
        %dma_wait3A_778 = arith.constant 0 : i32
        %dma_wait3A_779 = arith.constant 0 : i32
        %dma_wait3A_780 = tpu.memref_slice %arg6[%dma_wait3A_776, %dma_wait3A_778, %dma_wait3A_779] : memref<2x8x128xi32, #tpu.memory_space<vmem>> -> memref<1x8x128xi32, #tpu.memory_space<vmem>>
        %dma_wait3A_781 = tpu.memref_squeeze %dma_wait3A_780 : memref<1x8x128xi32, #tpu.memory_space<vmem>> -> memref<8x128xi32, #tpu.memory_space<vmem>>
        %dma_wait3A_782 = arith.constant 0 : i32
        %dma_wait3A_783 = arith.constant 0 : i32
        %dma_wait3A_784 = tpu.memref_slice %arg3[%add3A, %dma_wait3A_782, %dma_wait3A_783] : memref<32x80x128xi32, #tpu.memory_space<hbm>> -> memref<1x8x128xi32, #tpu.memory_space<hbm>>
        %dma_wait3A_785 = tpu.memref_squeeze %dma_wait3A_784 : memref<1x8x128xi32, #tpu.memory_space<hbm>> -> memref<8x128xi32, #tpu.memory_space<hbm>>
        %dma_wait3A_786 = tpu.memref_slice %arg11[%dma_wait3A_777] : memref<2x!tpu.dma_semaphore, #tpu.memory_space<semaphore_mem>> -> memref<1x!tpu.dma_semaphore, #tpu.memory_space<semaphore_mem>>
        %dma_wait3A_787 = tpu.memref_squeeze %dma_wait3A_786 : memref<1x!tpu.dma_semaphore, #tpu.memory_space<semaphore_mem>> -> memref<!tpu.dma_semaphore, #tpu.memory_space<semaphore_mem>>
        %dma_wait3A_788 = arith.constant 0 : i32
        %dma_wait3A_789 = arith.constant 0 : i32
        %dma_wait3A_790 = tpu.memref_slice %arg6[%dma_wait3A_776, %dma_wait3A_788, %dma_wait3A_789] : memref<2x8x128xi32, #tpu.memory_space<vmem>> -> memref<1x8x128xi32, #tpu.memory_space<vmem>>
        %dma_wait3A_791 = tpu.memref_squeeze %dma_wait3A_790 : memref<1x8x128xi32, #tpu.memory_space<vmem>> -> memref<8x128xi32, #tpu.memory_space<vmem>>
        %dma_wait3A_792 = arith.constant 0 : i32
        %dma_wait3A_793 = arith.constant 0 : i32
        %dma_wait3A_794 = tpu.memref_slice %arg3[%add3A, %dma_wait3A_792, %dma_wait3A_793] : memref<32x80x128xi32, #tpu.memory_space<hbm>> -> memref<1x8x128xi32, #tpu.memory_space<hbm>>
        %dma_wait3A_795 = tpu.memref_squeeze %dma_wait3A_794 : memref<1x8x128xi32, #tpu.memory_space<hbm>> -> memref<8x128xi32, #tpu.memory_space<hbm>>
        tpu.wait_dma2 semaphore(%dma_wait3A_787 : memref<!tpu.dma_semaphore, #tpu.memory_space<semaphore_mem>>) src(%dma_wait3A_795 : memref<8x128xi32, #tpu.memory_space<hbm>>) dst(%dma_wait3A_791 : memref<8x128xi32, #tpu.memory_space<vmem>>)
        %dma_wait3A_796 = arith.constant 0 : i32
        %dma_wait3A_797 = arith.constant 0 : i32
        %dma_wait3A_798 = arith.constant 0 : i32
        %dma_wait3A_799 = arith.constant 0 : i32
        %dma_wait3A_800 = tpu.memref_slice %arg7[%dma_wait3A_796, %dma_wait3A_798, %dma_wait3A_799] : memref<2x8x128xi32, #tpu.memory_space<vmem>> -> memref<1x8x128xi32, #tpu.memory_space<vmem>>
        %dma_wait3A_801 = tpu.memref_squeeze %dma_wait3A_800 : memref<1x8x128xi32, #tpu.memory_space<vmem>> -> memref<8x128xi32, #tpu.memory_space<vmem>>
        %dma_wait3A_802 = arith.constant 0 : i32
        %dma_wait3A_803 = arith.constant 0 : i32
        %dma_wait3A_804 = tpu.memref_slice %arg4[%add3A, %dma_wait3A_802, %dma_wait3A_803] : memref<32x80x128xi32, #tpu.memory_space<hbm>> -> memref<1x8x128xi32, #tpu.memory_space<hbm>>
        %dma_wait3A_805 = tpu.memref_squeeze %dma_wait3A_804 : memref<1x8x128xi32, #tpu.memory_space<hbm>> -> memref<8x128xi32, #tpu.memory_space<hbm>>
        %dma_wait3A_806 = tpu.memref_slice %arg11[%dma_wait3A_797] : memref<2x!tpu.dma_semaphore, #tpu.memory_space<semaphore_mem>> -> memref<1x!tpu.dma_semaphore, #tpu.memory_space<semaphore_mem>>
        %dma_wait3A_807 = tpu.memref_squeeze %dma_wait3A_806 : memref<1x!tpu.dma_semaphore, #tpu.memory_space<semaphore_mem>> -> memref<!tpu.dma_semaphore, #tpu.memory_space<semaphore_mem>>
        %dma_wait3A_808 = arith.constant 0 : i32
        %dma_wait3A_809 = arith.constant 0 : i32
        %dma_wait3A_810 = tpu.memref_slice %arg7[%dma_wait3A_796, %dma_wait3A_808, %dma_wait3A_809] : memref<2x8x128xi32, #tpu.memory_space<vmem>> -> memref<1x8x128xi32, #tpu.memory_space<vmem>>
        %dma_wait3A_811 = tpu.memref_squeeze %dma_wait3A_810 : memref<1x8x128xi32, #tpu.memory_space<vmem>> -> memref<8x128xi32, #tpu.memory_space<vmem>>
        %dma_wait3A_812 = arith.constant 0 : i32
        %dma_wait3A_813 = arith.constant 0 : i32
        %dma_wait3A_814 = tpu.memref_slice %arg4[%add3A, %dma_wait3A_812, %dma_wait3A_813] : memref<32x80x128xi32, #tpu.memory_space<hbm>> -> memref<1x8x128xi32, #tpu.memory_space<hbm>>
        %dma_wait3A_815 = tpu.memref_squeeze %dma_wait3A_814 : memref<1x8x128xi32, #tpu.memory_space<hbm>> -> memref<8x128xi32, #tpu.memory_space<hbm>>
        tpu.wait_dma2 semaphore(%dma_wait3A_807 : memref<!tpu.dma_semaphore, #tpu.memory_space<semaphore_mem>>) src(%dma_wait3A_815 : memref<8x128xi32, #tpu.memory_space<hbm>>) dst(%dma_wait3A_811 : memref<8x128xi32, #tpu.memory_space<vmem>>)
      } else {
      }
      %dma_wait3A_743 = arith.constant 1 : i32
      %dma_wait3A_744 = arith.constant 7 : i32
      %dma_wait3A_745 = arith.constant 1 : i32
      %dma_wait3A_746 = arith.constant 1 : i32
      %dma_wait3A_747 = arith.constant 0 : i32
      %dma_wait3A_748 = arith.constant 0 : i32
      %dma_wait3A_749 = tpu.memref_slice %arg8[%dma_wait3A_745, %dma_wait3A_747, %dma_wait3A_748] : memref<2x128x128xf32, #tpu.memory_space<vmem>> -> memref<1x128x128xf32, #tpu.memory_space<vmem>>
      %dma_wait3A_750 = tpu.memref_squeeze %dma_wait3A_749 : memref<1x128x128xf32, #tpu.memory_space<vmem>> -> memref<128x128xf32, #tpu.memory_space<vmem>>
      %dma_wait3A_751 = arith.constant 0 : i32
      %dma_wait3A_752 = tpu.memref_slice %arg6[%dma_wait3A_743, %dma_wait3A_744, %dma_wait3A_751] : memref<2x8x128xi32, #tpu.memory_space<vmem>> -> memref<1x1x128xi32, #tpu.memory_space<vmem>>
      %dma_wait3A_753 = tpu.memref_squeeze %dma_wait3A_752 : memref<1x1x128xi32, #tpu.memory_space<vmem>> -> memref<128xi32, #tpu.memory_space<vmem>>
      %dma_wait3A_754 = arith.constant 0 : i32
      %dma_wait3A_755 = arith.constant 0 : i32
      %dma_wait3A_756 = tpu.memref_slice %arg2[%dma_wait3A_754, %dma_wait3A_755] : memref<10112x128xf32, #tpu.memory_space<hbm>> -> memref<10112x128xf32, #tpu.memory_space<hbm>>
      %dma_wait3A_757 = tpu.memref_slice %arg10[%dma_wait3A_746] : memref<2x!tpu.dma_semaphore, #tpu.memory_space<semaphore_mem>> -> memref<1x!tpu.dma_semaphore, #tpu.memory_space<semaphore_mem>>
      %dma_wait3A_758 = tpu.memref_squeeze %dma_wait3A_757 : memref<1x!tpu.dma_semaphore, #tpu.memory_space<semaphore_mem>> -> memref<!tpu.dma_semaphore, #tpu.memory_space<semaphore_mem>>
      tpu.wait_indirect_dma semaphore(%dma_wait3A_758 : memref<!tpu.dma_semaphore, #tpu.memory_space<semaphore_mem>>) src(%dma_wait3A_756 : memref<10112x128xf32, #tpu.memory_space<hbm>>) dst(%dma_wait3A_750 : memref<128x128xf32, #tpu.memory_space<vmem>>)
      %add3A_759 = arith.constant 16 : i32
      %add3A_760 = arith.addi %add3A_166, %add3A_759 : i32
      %lt3A_761 = arith.constant 80 : i32
      %lt3A_762 = arith.cmpi slt, %add3A_760, %lt3A_761 : i32
      %convert_element_type3A_763 = arith.extui %lt3A_762 : i1 to i32
      %cond3A_764 = arith.constant 0 : i32
      %cond3A_765 = arith.cmpi ne, %convert_element_type3A_763, %cond3A_764 : i32
      scf.if %cond3A_765 {
        %dma_start3A_776 = arith.constant 0 : i32
        %dma_start3A_777 = arith.constant 0 : i32
        %dma_start3A_778 = arith.constant 0 : i32
        %dma_start3A_779 = arith.constant 0 : i32
        %dma_start3A_780 = arith.constant 0 : i32
        %dma_start3A_781 = arith.constant 0 : i32
        %dma_start3A_782 = tpu.memref_slice %arg8[%dma_start3A_778, %dma_start3A_780, %dma_start3A_781] : memref<2x128x128xf32, #tpu.memory_space<vmem>> -> memref<1x128x128xf32, #tpu.memory_space<vmem>>
        %dma_start3A_783 = tpu.memref_squeeze %dma_start3A_782 : memref<1x128x128xf32, #tpu.memory_space<vmem>> -> memref<128x128xf32, #tpu.memory_space<vmem>>
        %dma_start3A_784 = arith.constant 0 : i32
        %dma_start3A_785 = tpu.memref_slice %arg6[%dma_start3A_776, %dma_start3A_777, %dma_start3A_784] : memref<2x8x128xi32, #tpu.memory_space<vmem>> -> memref<1x1x128xi32, #tpu.memory_space<vmem>>
        %dma_start3A_786 = tpu.memref_squeeze %dma_start3A_785 : memref<1x1x128xi32, #tpu.memory_space<vmem>> -> memref<128xi32, #tpu.memory_space<vmem>>
        %dma_start3A_787 = arith.constant 0 : i32
        %dma_start3A_788 = arith.constant 0 : i32
        %dma_start3A_789 = tpu.memref_slice %arg2[%dma_start3A_787, %dma_start3A_788] : memref<10112x128xf32, #tpu.memory_space<hbm>> -> memref<10112x128xf32, #tpu.memory_space<hbm>>
        %dma_start3A_790 = tpu.memref_slice %arg10[%dma_start3A_779] : memref<2x!tpu.dma_semaphore, #tpu.memory_space<semaphore_mem>> -> memref<1x!tpu.dma_semaphore, #tpu.memory_space<semaphore_mem>>
        %dma_start3A_791 = tpu.memref_squeeze %dma_start3A_790 : memref<1x!tpu.dma_semaphore, #tpu.memory_space<semaphore_mem>> -> memref<!tpu.dma_semaphore, #tpu.memory_space<semaphore_mem>>
        tpu.enqueue_indirect_dma source(%dma_start3A_789 : memref<10112x128xf32, #tpu.memory_space<hbm>>) target(%dma_start3A_783 : memref<128x128xf32, #tpu.memory_space<vmem>>) offsets(%dma_start3A_786 : memref<128xi32, #tpu.memory_space<vmem>>) semaphore(%dma_start3A_791 : memref<!tpu.dma_semaphore, #tpu.memory_space<semaphore_mem>>)
      } else {
      }
      %run_scoped3A_766 = arith.constant 1 : i32
      %run_scoped3A_767 = arith.constant 1 : i32
      %run_scoped3A_768 = arith.constant 7 : i32
      "tpu.region"() ({
        %run_scoped3A_776 = tpu.sem_alloc : memref<!tpu.dma_semaphore, #tpu.memory_space<semaphore_mem>>
        %dma_start3A_777 = arith.constant 0 : i32
        %dma_start3A_778 = arith.constant 0 : i32
        %dma_start3A_779 = tpu.memref_slice %arg8[%run_scoped3A_766, %dma_start3A_777, %dma_start3A_778] : memref<2x128x128xf32, #tpu.memory_space<vmem>> -> memref<1x128x128xf32, #tpu.memory_space<vmem>>
        %dma_start3A_780 = tpu.memref_squeeze %dma_start3A_779 : memref<1x128x128xf32, #tpu.memory_space<vmem>> -> memref<128x128xf32, #tpu.memory_space<vmem>>
        %dma_start3A_781 = arith.constant 0 : i32
        %dma_start3A_782 = tpu.memref_slice %arg7[%run_scoped3A_767, %run_scoped3A_768, %dma_start3A_781] : memref<2x8x128xi32, #tpu.memory_space<vmem>> -> memref<1x1x128xi32, #tpu.memory_space<vmem>>
        %dma_start3A_783 = tpu.memref_squeeze %dma_start3A_782 : memref<1x1x128xi32, #tpu.memory_space<vmem>> -> memref<128xi32, #tpu.memory_space<vmem>>
        %dma_start3A_784 = arith.constant 0 : i32
        %dma_start3A_785 = arith.constant 0 : i32
        %dma_start3A_786 = tpu.memref_slice %arg9[%dma_start3A_784, %dma_start3A_785] : memref<10112x128xf32, #tpu.memory_space<vmem_shared>> -> memref<10112x128xf32, #tpu.memory_space<vmem_shared>>
        tpu.enqueue_indirect_dma source(%dma_start3A_780 : memref<128x128xf32, #tpu.memory_space<vmem>>) target(%dma_start3A_786 : memref<10112x128xf32, #tpu.memory_space<vmem_shared>>) offsets(%dma_start3A_783 : memref<128xi32, #tpu.memory_space<vmem>>) semaphore(%run_scoped3A_776 : memref<!tpu.dma_semaphore, #tpu.memory_space<semaphore_mem>>) {add = true}
        %dma_wait3A_787 = arith.constant 0 : i32
        %dma_wait3A_788 = arith.constant 0 : i32
        %dma_wait3A_789 = tpu.memref_slice %arg8[%run_scoped3A_766, %dma_wait3A_787, %dma_wait3A_788] : memref<2x128x128xf32, #tpu.memory_space<vmem>> -> memref<1x128x128xf32, #tpu.memory_space<vmem>>
        %dma_wait3A_790 = tpu.memref_squeeze %dma_wait3A_789 : memref<1x128x128xf32, #tpu.memory_space<vmem>> -> memref<128x128xf32, #tpu.memory_space<vmem>>
        %dma_wait3A_791 = arith.constant 0 : i32
        %dma_wait3A_792 = tpu.memref_slice %arg7[%run_scoped3A_767, %run_scoped3A_768, %dma_wait3A_791] : memref<2x8x128xi32, #tpu.memory_space<vmem>> -> memref<1x1x128xi32, #tpu.memory_space<vmem>>
        %dma_wait3A_793 = tpu.memref_squeeze %dma_wait3A_792 : memref<1x1x128xi32, #tpu.memory_space<vmem>> -> memref<128xi32, #tpu.memory_space<vmem>>
        %dma_wait3A_794 = arith.constant 0 : i32
        %dma_wait3A_795 = arith.constant 0 : i32
        %dma_wait3A_796 = tpu.memref_slice %arg9[%dma_wait3A_794, %dma_wait3A_795] : memref<10112x128xf32, #tpu.memory_space<vmem_shared>> -> memref<10112x128xf32, #tpu.memory_space<vmem_shared>>
        tpu.wait_indirect_dma semaphore(%run_scoped3A_776 : memref<!tpu.dma_semaphore, #tpu.memory_space<semaphore_mem>>) src(%dma_wait3A_790 : memref<128x128xf32, #tpu.memory_space<vmem>>) dst(%dma_wait3A_796 : memref<10112x128xf32, #tpu.memory_space<vmem_shared>>)
        tpu.yield
      }) : () -> ()
      %add3A_769 = arith.constant 24 : i32
      %add3A_770 = arith.addi %add3A_166, %add3A_769 : i32
      %lt3A_771 = arith.constant 80 : i32
      %lt3A_772 = arith.cmpi slt, %add3A_770, %lt3A_771 : i32
      %convert_element_type3A_773 = arith.extui %lt3A_772 : i1 to i32
      %cond3A_774 = arith.constant 0 : i32
      %cond3A_775 = arith.cmpi ne, %convert_element_type3A_773, %cond3A_774 : i32
      scf.if %cond3A_775 {
        %add3A_776 = arith.constant 24 : i32
        %add3A_777 = arith.addi %add3A_166, %add3A_776 : i32
        %dma_start3A_778 = arith.constant 1 : i32
        %dma_start3A_779 = arith.constant 1 : i32
        %dma_start3A_780 = arith.constant 0 : i32
        %dma_start3A_781 = arith.constant 0 : i32
        %dma_start3A_782 = tpu.memref_slice %arg6[%dma_start3A_778, %dma_start3A_780, %dma_start3A_781] : memref<2x8x128xi32, #tpu.memory_space<vmem>> -> memref<1x8x128xi32, #tpu.memory_space<vmem>>
        %dma_start3A_783 = tpu.memref_squeeze %dma_start3A_782 : memref<1x8x128xi32, #tpu.memory_space<vmem>> -> memref<8x128xi32, #tpu.memory_space<vmem>>
        %dma_start3A_784 = arith.constant 0 : i32
        %dma_start3A_785 = tpu.memref_slice %arg3[%add3A, %add3A_777, %dma_start3A_784] : memref<32x80x128xi32, #tpu.memory_space<hbm>> -> memref<1x8x128xi32, #tpu.memory_space<hbm>>
        %dma_start3A_786 = tpu.memref_squeeze %dma_start3A_785 : memref<1x8x128xi32, #tpu.memory_space<hbm>> -> memref<8x128xi32, #tpu.memory_space<hbm>>
        %dma_start3A_787 = tpu.memref_slice %arg11[%dma_start3A_779] : memref<2x!tpu.dma_semaphore, #tpu.memory_space<semaphore_mem>> -> memref<1x!tpu.dma_semaphore, #tpu.memory_space<semaphore_mem>>
        %dma_start3A_788 = tpu.memref_squeeze %dma_start3A_787 : memref<1x!tpu.dma_semaphore, #tpu.memory_space<semaphore_mem>> -> memref<!tpu.dma_semaphore, #tpu.memory_space<semaphore_mem>>
        %dma_start3A_789 = arith.constant 0 : i32
        %dma_start3A_790 = arith.constant 0 : i32
        %dma_start3A_791 = tpu.memref_slice %arg6[%dma_start3A_778, %dma_start3A_789, %dma_start3A_790] : memref<2x8x128xi32, #tpu.memory_space<vmem>> -> memref<1x8x128xi32, #tpu.memory_space<vmem>>
        %dma_start3A_792 = tpu.memref_squeeze %dma_start3A_791 : memref<1x8x128xi32, #tpu.memory_space<vmem>> -> memref<8x128xi32, #tpu.memory_space<vmem>>
        %dma_start3A_793 = arith.constant 0 : i32
        %dma_start3A_794 = tpu.memref_slice %arg3[%add3A, %add3A_777, %dma_start3A_793] : memref<32x80x128xi32, #tpu.memory_space<hbm>> -> memref<1x8x128xi32, #tpu.memory_space<hbm>>
        %dma_start3A_795 = tpu.memref_squeeze %dma_start3A_794 : memref<1x8x128xi32, #tpu.memory_space<hbm>> -> memref<8x128xi32, #tpu.memory_space<hbm>>
        tpu.enqueue_dma source(%dma_start3A_795 : memref<8x128xi32, #tpu.memory_space<hbm>>) target(%dma_start3A_792 : memref<8x128xi32, #tpu.memory_space<vmem>>) target_semaphore(%dma_start3A_788 : memref<!tpu.dma_semaphore, #tpu.memory_space<semaphore_mem>>)
        %dma_start3A_796 = arith.constant 1 : i32
        %dma_start3A_797 = arith.constant 1 : i32
        %dma_start3A_798 = arith.constant 0 : i32
        %dma_start3A_799 = arith.constant 0 : i32
        %dma_start3A_800 = tpu.memref_slice %arg7[%dma_start3A_796, %dma_start3A_798, %dma_start3A_799] : memref<2x8x128xi32, #tpu.memory_space<vmem>> -> memref<1x8x128xi32, #tpu.memory_space<vmem>>
        %dma_start3A_801 = tpu.memref_squeeze %dma_start3A_800 : memref<1x8x128xi32, #tpu.memory_space<vmem>> -> memref<8x128xi32, #tpu.memory_space<vmem>>
        %dma_start3A_802 = arith.constant 0 : i32
        %dma_start3A_803 = tpu.memref_slice %arg4[%add3A, %add3A_777, %dma_start3A_802] : memref<32x80x128xi32, #tpu.memory_space<hbm>> -> memref<1x8x128xi32, #tpu.memory_space<hbm>>
        %dma_start3A_804 = tpu.memref_squeeze %dma_start3A_803 : memref<1x8x128xi32, #tpu.memory_space<hbm>> -> memref<8x128xi32, #tpu.memory_space<hbm>>
        %dma_start3A_805 = tpu.memref_slice %arg11[%dma_start3A_797] : memref<2x!tpu.dma_semaphore, #tpu.memory_space<semaphore_mem>> -> memref<1x!tpu.dma_semaphore, #tpu.memory_space<semaphore_mem>>
        %dma_start3A_806 = tpu.memref_squeeze %dma_start3A_805 : memref<1x!tpu.dma_semaphore, #tpu.memory_space<semaphore_mem>> -> memref<!tpu.dma_semaphore, #tpu.memory_space<semaphore_mem>>
        %dma_start3A_807 = arith.constant 0 : i32
        %dma_start3A_808 = arith.constant 0 : i32
        %dma_start3A_809 = tpu.memref_slice %arg7[%dma_start3A_796, %dma_start3A_807, %dma_start3A_808] : memref<2x8x128xi32, #tpu.memory_space<vmem>> -> memref<1x8x128xi32, #tpu.memory_space<vmem>>
        %dma_start3A_810 = tpu.memref_squeeze %dma_start3A_809 : memref<1x8x128xi32, #tpu.memory_space<vmem>> -> memref<8x128xi32, #tpu.memory_space<vmem>>
        %dma_start3A_811 = arith.constant 0 : i32
        %dma_start3A_812 = tpu.memref_slice %arg4[%add3A, %add3A_777, %dma_start3A_811] : memref<32x80x128xi32, #tpu.memory_space<hbm>> -> memref<1x8x128xi32, #tpu.memory_space<hbm>>
        %dma_start3A_813 = tpu.memref_squeeze %dma_start3A_812 : memref<1x8x128xi32, #tpu.memory_space<hbm>> -> memref<8x128xi32, #tpu.memory_space<hbm>>
        tpu.enqueue_dma source(%dma_start3A_813 : memref<8x128xi32, #tpu.memory_space<hbm>>) target(%dma_start3A_810 : memref<8x128xi32, #tpu.memory_space<vmem>>) target_semaphore(%dma_start3A_806 : memref<!tpu.dma_semaphore, #tpu.memory_space<semaphore_mem>>)
      } else {
      }
    }
    %scan3A_160 = arith.constant 5 : i32
    %barrier3A_161 = arith.constant 0 : index
    tpu.barrier barrier_id(%barrier3A_161)
    "tpu.region"() ({
      %run_scoped3A_162 = tpu.sem_alloc : memref<!tpu.dma_semaphore, #tpu.memory_space<semaphore_mem>>
      %dma_start3A_163 = arith.constant 0 : i32
      %dma_start3A_164 = tpu.memref_slice %arg5[%arg0, %mul3A_2, %dma_start3A_163] : memref<2x10112x128xf32, #tpu.memory_space<hbm>> -> memref<1x632x128xf32, #tpu.memory_space<hbm>>
      %dma_start3A_165 = tpu.memref_squeeze %dma_start3A_164 : memref<1x632x128xf32, #tpu.memory_space<hbm>> -> memref<632x128xf32, #tpu.memory_space<hbm>>
      %dma_start3A_166 = arith.constant 0 : i32
      %dma_start3A_167 = tpu.memref_slice %arg9[%mul3A_2, %dma_start3A_166] : memref<10112x128xf32, #tpu.memory_space<vmem_shared>> -> memref<632x128xf32, #tpu.memory_space<vmem_shared>>
      tpu.enqueue_dma source(%dma_start3A_167 : memref<632x128xf32, #tpu.memory_space<vmem_shared>>) target(%dma_start3A_165 : memref<632x128xf32, #tpu.memory_space<hbm>>) target_semaphore(%run_scoped3A_162 : memref<!tpu.dma_semaphore, #tpu.memory_space<semaphore_mem>>)
      %dma_wait3A_168 = arith.constant 0 : i32
      %dma_wait3A_169 = tpu.memref_slice %arg5[%arg0, %mul3A_2, %dma_wait3A_168] : memref<2x10112x128xf32, #tpu.memory_space<hbm>> -> memref<1x632x128xf32, #tpu.memory_space<hbm>>
      %dma_wait3A_170 = tpu.memref_squeeze %dma_wait3A_169 : memref<1x632x128xf32, #tpu.memory_space<hbm>> -> memref<632x128xf32, #tpu.memory_space<hbm>>
      %dma_wait3A_171 = arith.constant 0 : i32
      %dma_wait3A_172 = tpu.memref_slice %arg9[%mul3A_2, %dma_wait3A_171] : memref<10112x128xf32, #tpu.memory_space<vmem_shared>> -> memref<632x128xf32, #tpu.memory_space<vmem_shared>>
      tpu.wait_dma2 semaphore(%run_scoped3A_162 : memref<!tpu.dma_semaphore, #tpu.memory_space<semaphore_mem>>) src(%dma_wait3A_172 : memref<632x128xf32, #tpu.memory_space<vmem_shared>>) dst(%dma_wait3A_170 : memref<632x128xf32, #tpu.memory_space<hbm>>)
      tpu.yield
    }) : () -> ()
    return
  }
}

#map = affine_map<(d0, d1) -> (0, 0, 0)>
module attributes {stable_mosaic.version = 14 : i64} {
  func.func @_sc_hist(%arg0: i32, %arg1: i32, %arg2: memref<32x80x128xi32, #tpu.memory_space<hbm>>, %arg3: memref<32x80x128xi32, #tpu.memory_space<hbm>>, %arg4: memref<2x32x10112xf32, #tpu.memory_space<hbm>>, %arg5: memref<80x128xi32, #tpu.memory_space<vmem>>, %arg6: memref<80x128xi32, #tpu.memory_space<vmem>>, %arg7: memref<10112xf32, #tpu.memory_space<vmem>>, %arg8: memref<10112xf32, #tpu.memory_space<vmem>>) attributes {dimension_semantics = [#tpu.dimension_semantics<core_parallel>, #tpu.dimension_semantics<subcore_parallel>], iteration_bounds = array<i64: 2, 16>, scalar_prefetch = 0 : i64, scratch_operands = 4 : i64, tpu.core_type = #tpu.core_type<sc_vector_subcore>, window_params = [{transform_indices = #map}, {transform_indices = #map}, {transform_indices = #map}]} {
    %mul3A = arith.constant 2 : i32
    %mul3A_0 = arith.muli %arg1, %mul3A : i32
    %add3A = arith.addi %mul3A_0, %arg0 : i32
    "tpu.region"() ({
      %run_scoped3A_12 = tpu.sem_alloc : memref<!tpu.dma_semaphore, #tpu.memory_space<semaphore_mem>>
      %dma_start3A = arith.constant 0 : i32
      %dma_start3A_13 = arith.constant 0 : i32
      %dma_start3A_14 = tpu.memref_slice %arg2[%add3A, %dma_start3A, %dma_start3A_13] : memref<32x80x128xi32, #tpu.memory_space<hbm>> -> memref<1x80x128xi32, #tpu.memory_space<hbm>>
      %dma_start3A_15 = tpu.memref_squeeze %dma_start3A_14 : memref<1x80x128xi32, #tpu.memory_space<hbm>> -> memref<80x128xi32, #tpu.memory_space<hbm>>
      %dma_start3A_16 = arith.constant 0 : i32
      %dma_start3A_17 = arith.constant 0 : i32
      %dma_start3A_18 = tpu.memref_slice %arg2[%add3A, %dma_start3A_16, %dma_start3A_17] : memref<32x80x128xi32, #tpu.memory_space<hbm>> -> memref<1x80x128xi32, #tpu.memory_space<hbm>>
      %dma_start3A_19 = tpu.memref_squeeze %dma_start3A_18 : memref<1x80x128xi32, #tpu.memory_space<hbm>> -> memref<80x128xi32, #tpu.memory_space<hbm>>
      tpu.enqueue_dma source(%dma_start3A_19 : memref<80x128xi32, #tpu.memory_space<hbm>>) target(%arg5 : memref<80x128xi32, #tpu.memory_space<vmem>>) target_semaphore(%run_scoped3A_12 : memref<!tpu.dma_semaphore, #tpu.memory_space<semaphore_mem>>)
      %dma_wait3A = arith.constant 0 : i32
      %dma_wait3A_20 = arith.constant 0 : i32
      %dma_wait3A_21 = tpu.memref_slice %arg2[%add3A, %dma_wait3A, %dma_wait3A_20] : memref<32x80x128xi32, #tpu.memory_space<hbm>> -> memref<1x80x128xi32, #tpu.memory_space<hbm>>
      %dma_wait3A_22 = tpu.memref_squeeze %dma_wait3A_21 : memref<1x80x128xi32, #tpu.memory_space<hbm>> -> memref<80x128xi32, #tpu.memory_space<hbm>>
      %dma_wait3A_23 = arith.constant 0 : i32
      %dma_wait3A_24 = arith.constant 0 : i32
      %dma_wait3A_25 = tpu.memref_slice %arg2[%add3A, %dma_wait3A_23, %dma_wait3A_24] : memref<32x80x128xi32, #tpu.memory_space<hbm>> -> memref<1x80x128xi32, #tpu.memory_space<hbm>>
      %dma_wait3A_26 = tpu.memref_squeeze %dma_wait3A_25 : memref<1x80x128xi32, #tpu.memory_space<hbm>> -> memref<80x128xi32, #tpu.memory_space<hbm>>
      tpu.wait_dma2 semaphore(%run_scoped3A_12 : memref<!tpu.dma_semaphore, #tpu.memory_space<semaphore_mem>>) src(%dma_wait3A_26 : memref<80x128xi32, #tpu.memory_space<hbm>>) dst(%arg5 : memref<80x128xi32, #tpu.memory_space<vmem>>)
      tpu.yield
    }) : () -> ()
    "tpu.region"() ({
      %run_scoped3A_12 = tpu.sem_alloc : memref<!tpu.dma_semaphore, #tpu.memory_space<semaphore_mem>>
      %dma_start3A = arith.constant 0 : i32
      %dma_start3A_13 = arith.constant 0 : i32
      %dma_start3A_14 = tpu.memref_slice %arg3[%add3A, %dma_start3A, %dma_start3A_13] : memref<32x80x128xi32, #tpu.memory_space<hbm>> -> memref<1x80x128xi32, #tpu.memory_space<hbm>>
      %dma_start3A_15 = tpu.memref_squeeze %dma_start3A_14 : memref<1x80x128xi32, #tpu.memory_space<hbm>> -> memref<80x128xi32, #tpu.memory_space<hbm>>
      %dma_start3A_16 = arith.constant 0 : i32
      %dma_start3A_17 = arith.constant 0 : i32
      %dma_start3A_18 = tpu.memref_slice %arg3[%add3A, %dma_start3A_16, %dma_start3A_17] : memref<32x80x128xi32, #tpu.memory_space<hbm>> -> memref<1x80x128xi32, #tpu.memory_space<hbm>>
      %dma_start3A_19 = tpu.memref_squeeze %dma_start3A_18 : memref<1x80x128xi32, #tpu.memory_space<hbm>> -> memref<80x128xi32, #tpu.memory_space<hbm>>
      tpu.enqueue_dma source(%dma_start3A_19 : memref<80x128xi32, #tpu.memory_space<hbm>>) target(%arg6 : memref<80x128xi32, #tpu.memory_space<vmem>>) target_semaphore(%run_scoped3A_12 : memref<!tpu.dma_semaphore, #tpu.memory_space<semaphore_mem>>)
      %dma_wait3A = arith.constant 0 : i32
      %dma_wait3A_20 = arith.constant 0 : i32
      %dma_wait3A_21 = tpu.memref_slice %arg3[%add3A, %dma_wait3A, %dma_wait3A_20] : memref<32x80x128xi32, #tpu.memory_space<hbm>> -> memref<1x80x128xi32, #tpu.memory_space<hbm>>
      %dma_wait3A_22 = tpu.memref_squeeze %dma_wait3A_21 : memref<1x80x128xi32, #tpu.memory_space<hbm>> -> memref<80x128xi32, #tpu.memory_space<hbm>>
      %dma_wait3A_23 = arith.constant 0 : i32
      %dma_wait3A_24 = arith.constant 0 : i32
      %dma_wait3A_25 = tpu.memref_slice %arg3[%add3A, %dma_wait3A_23, %dma_wait3A_24] : memref<32x80x128xi32, #tpu.memory_space<hbm>> -> memref<1x80x128xi32, #tpu.memory_space<hbm>>
      %dma_wait3A_26 = tpu.memref_squeeze %dma_wait3A_25 : memref<1x80x128xi32, #tpu.memory_space<hbm>> -> memref<80x128xi32, #tpu.memory_space<hbm>>
      tpu.wait_dma2 semaphore(%run_scoped3A_12 : memref<!tpu.dma_semaphore, #tpu.memory_space<semaphore_mem>>) src(%dma_wait3A_26 : memref<80x128xi32, #tpu.memory_space<hbm>>) dst(%arg6 : memref<80x128xi32, #tpu.memory_space<vmem>>)
      tpu.yield
    }) : () -> ()
    %scan3A = arith.constant 0 : i32
    %scan3A_1 = arith.constant 79 : i32
    %scan3A_2 = arith.addi %scan3A, %scan3A_1 : i32
    %scan3A_3 = arith.constant 1 : i32
    scf.for %scan3A_12 = %scan3A to %scan3A_2 step %scan3A_3  : i32 {
      %mul3A_13 = arith.constant 128 : i32
      %mul3A_14 = arith.muli %scan3A_12, %mul3A_13 : i32
      %add3A_15 = arith.constant 0 : i32
      %add3A_16 = arith.addi %add3A_15, %mul3A_14 : i32
      %broadcast_in_dim3A_17 = arith.constant 0.000000e+00 : f32
      %broadcast_in_dim3A_18 = vector.broadcast %broadcast_in_dim3A_17 : f32 to vector<16xf32>
      %add3A_19 = arith.constant 0 : i32
      %add3A_20 = arith.addi %add3A_16, %add3A_19 : i32
      %swap3A = arith.index_cast %add3A_20 : i32 to index
      %swap3A_21 = tpu.vector_load %arg7[%swap3A] {strides = array<i32>} : memref<10112xf32, #tpu.memory_space<vmem>>, vector<16xf32>,
      tpu.vector_store %arg7[%swap3A], %broadcast_in_dim3A_18 {strides = array<i32>} : memref<10112xf32, #tpu.memory_space<vmem>>, vector<16xf32>,
      %add3A_22 = arith.constant 0 : i32
      %add3A_23 = arith.addi %add3A_16, %add3A_22 : i32
      %swap3A_24 = arith.index_cast %add3A_23 : i32 to index
      %swap3A_25 = tpu.vector_load %arg8[%swap3A_24] {strides = array<i32>} : memref<10112xf32, #tpu.memory_space<vmem>>, vector<16xf32>,
      tpu.vector_store %arg8[%swap3A_24], %broadcast_in_dim3A_18 {strides = array<i32>} : memref<10112xf32, #tpu.memory_space<vmem>>, vector<16xf32>,
      %add3A_26 = arith.constant 16 : i32
      %add3A_27 = arith.addi %add3A_16, %add3A_26 : i32
      %swap3A_28 = arith.index_cast %add3A_27 : i32 to index
      %swap3A_29 = tpu.vector_load %arg7[%swap3A_28] {strides = array<i32>} : memref<10112xf32, #tpu.memory_space<vmem>>, vector<16xf32>,
      tpu.vector_store %arg7[%swap3A_28], %broadcast_in_dim3A_18 {strides = array<i32>} : memref<10112xf32, #tpu.memory_space<vmem>>, vector<16xf32>,
      %add3A_30 = arith.constant 16 : i32
      %add3A_31 = arith.addi %add3A_16, %add3A_30 : i32
      %swap3A_32 = arith.index_cast %add3A_31 : i32 to index
      %swap3A_33 = tpu.vector_load %arg8[%swap3A_32] {strides = array<i32>} : memref<10112xf32, #tpu.memory_space<vmem>>, vector<16xf32>,
      tpu.vector_store %arg8[%swap3A_32], %broadcast_in_dim3A_18 {strides = array<i32>} : memref<10112xf32, #tpu.memory_space<vmem>>, vector<16xf32>,
      %add3A_34 = arith.constant 32 : i32
      %add3A_35 = arith.addi %add3A_16, %add3A_34 : i32
      %swap3A_36 = arith.index_cast %add3A_35 : i32 to index
      %swap3A_37 = tpu.vector_load %arg7[%swap3A_36] {strides = array<i32>} : memref<10112xf32, #tpu.memory_space<vmem>>, vector<16xf32>,
      tpu.vector_store %arg7[%swap3A_36], %broadcast_in_dim3A_18 {strides = array<i32>} : memref<10112xf32, #tpu.memory_space<vmem>>, vector<16xf32>,
      %add3A_38 = arith.constant 32 : i32
      %add3A_39 = arith.addi %add3A_16, %add3A_38 : i32
      %swap3A_40 = arith.index_cast %add3A_39 : i32 to index
      %swap3A_41 = tpu.vector_load %arg8[%swap3A_40] {strides = array<i32>} : memref<10112xf32, #tpu.memory_space<vmem>>, vector<16xf32>,
      tpu.vector_store %arg8[%swap3A_40], %broadcast_in_dim3A_18 {strides = array<i32>} : memref<10112xf32, #tpu.memory_space<vmem>>, vector<16xf32>,
      %add3A_42 = arith.constant 48 : i32
      %add3A_43 = arith.addi %add3A_16, %add3A_42 : i32
      %swap3A_44 = arith.index_cast %add3A_43 : i32 to index
      %swap3A_45 = tpu.vector_load %arg7[%swap3A_44] {strides = array<i32>} : memref<10112xf32, #tpu.memory_space<vmem>>, vector<16xf32>,
      tpu.vector_store %arg7[%swap3A_44], %broadcast_in_dim3A_18 {strides = array<i32>} : memref<10112xf32, #tpu.memory_space<vmem>>, vector<16xf32>,
      %add3A_46 = arith.constant 48 : i32
      %add3A_47 = arith.addi %add3A_16, %add3A_46 : i32
      %swap3A_48 = arith.index_cast %add3A_47 : i32 to index
      %swap3A_49 = tpu.vector_load %arg8[%swap3A_48] {strides = array<i32>} : memref<10112xf32, #tpu.memory_space<vmem>>, vector<16xf32>,
      tpu.vector_store %arg8[%swap3A_48], %broadcast_in_dim3A_18 {strides = array<i32>} : memref<10112xf32, #tpu.memory_space<vmem>>, vector<16xf32>,
      %add3A_50 = arith.constant 64 : i32
      %add3A_51 = arith.addi %add3A_16, %add3A_50 : i32
      %swap3A_52 = arith.index_cast %add3A_51 : i32 to index
      %swap3A_53 = tpu.vector_load %arg7[%swap3A_52] {strides = array<i32>} : memref<10112xf32, #tpu.memory_space<vmem>>, vector<16xf32>,
      tpu.vector_store %arg7[%swap3A_52], %broadcast_in_dim3A_18 {strides = array<i32>} : memref<10112xf32, #tpu.memory_space<vmem>>, vector<16xf32>,
      %add3A_54 = arith.constant 64 : i32
      %add3A_55 = arith.addi %add3A_16, %add3A_54 : i32
      %swap3A_56 = arith.index_cast %add3A_55 : i32 to index
      %swap3A_57 = tpu.vector_load %arg8[%swap3A_56] {strides = array<i32>} : memref<10112xf32, #tpu.memory_space<vmem>>, vector<16xf32>,
      tpu.vector_store %arg8[%swap3A_56], %broadcast_in_dim3A_18 {strides = array<i32>} : memref<10112xf32, #tpu.memory_space<vmem>>, vector<16xf32>,
      %add3A_58 = arith.constant 80 : i32
      %add3A_59 = arith.addi %add3A_16, %add3A_58 : i32
      %swap3A_60 = arith.index_cast %add3A_59 : i32 to index
      %swap3A_61 = tpu.vector_load %arg7[%swap3A_60] {strides = array<i32>} : memref<10112xf32, #tpu.memory_space<vmem>>, vector<16xf32>,
      tpu.vector_store %arg7[%swap3A_60], %broadcast_in_dim3A_18 {strides = array<i32>} : memref<10112xf32, #tpu.memory_space<vmem>>, vector<16xf32>,
      %add3A_62 = arith.constant 80 : i32
      %add3A_63 = arith.addi %add3A_16, %add3A_62 : i32
      %swap3A_64 = arith.index_cast %add3A_63 : i32 to index
      %swap3A_65 = tpu.vector_load %arg8[%swap3A_64] {strides = array<i32>} : memref<10112xf32, #tpu.memory_space<vmem>>, vector<16xf32>,
      tpu.vector_store %arg8[%swap3A_64], %broadcast_in_dim3A_18 {strides = array<i32>} : memref<10112xf32, #tpu.memory_space<vmem>>, vector<16xf32>,
      %add3A_66 = arith.constant 96 : i32
      %add3A_67 = arith.addi %add3A_16, %add3A_66 : i32
      %swap3A_68 = arith.index_cast %add3A_67 : i32 to index
      %swap3A_69 = tpu.vector_load %arg7[%swap3A_68] {strides = array<i32>} : memref<10112xf32, #tpu.memory_space<vmem>>, vector<16xf32>,
      tpu.vector_store %arg7[%swap3A_68], %broadcast_in_dim3A_18 {strides = array<i32>} : memref<10112xf32, #tpu.memory_space<vmem>>, vector<16xf32>,
      %add3A_70 = arith.constant 96 : i32
      %add3A_71 = arith.addi %add3A_16, %add3A_70 : i32
      %swap3A_72 = arith.index_cast %add3A_71 : i32 to index
      %swap3A_73 = tpu.vector_load %arg8[%swap3A_72] {strides = array<i32>} : memref<10112xf32, #tpu.memory_space<vmem>>, vector<16xf32>,
      tpu.vector_store %arg8[%swap3A_72], %broadcast_in_dim3A_18 {strides = array<i32>} : memref<10112xf32, #tpu.memory_space<vmem>>, vector<16xf32>,
      %add3A_74 = arith.constant 112 : i32
      %add3A_75 = arith.addi %add3A_16, %add3A_74 : i32
      %swap3A_76 = arith.index_cast %add3A_75 : i32 to index
      %swap3A_77 = tpu.vector_load %arg7[%swap3A_76] {strides = array<i32>} : memref<10112xf32, #tpu.memory_space<vmem>>, vector<16xf32>,
      tpu.vector_store %arg7[%swap3A_76], %broadcast_in_dim3A_18 {strides = array<i32>} : memref<10112xf32, #tpu.memory_space<vmem>>, vector<16xf32>,
      %add3A_78 = arith.constant 112 : i32
      %add3A_79 = arith.addi %add3A_16, %add3A_78 : i32
      %swap3A_80 = arith.index_cast %add3A_79 : i32 to index
      %swap3A_81 = tpu.vector_load %arg8[%swap3A_80] {strides = array<i32>} : memref<10112xf32, #tpu.memory_space<vmem>>, vector<16xf32>,
      tpu.vector_store %arg8[%swap3A_80], %broadcast_in_dim3A_18 {strides = array<i32>} : memref<10112xf32, #tpu.memory_space<vmem>>, vector<16xf32>,
    }
    %scan3A_4 = arith.constant 79 : i32
    %broadcast_in_dim3A = arith.constant 1.000000e+00 : f32
    %broadcast_in_dim3A_5 = vector.broadcast %broadcast_in_dim3A : f32 to vector<16xf32>
    %scan3A_6 = arith.constant 0 : i32
    %scan3A_7 = arith.constant 80 : i32
    %scan3A_8 = arith.addi %scan3A_6, %scan3A_7 : i32
    %scan3A_9 = arith.constant 1 : i32
    scf.for %scan3A_12 = %scan3A_6 to %scan3A_8 step %scan3A_9  : i32 {
      %mul3A_13 = arith.constant 1 : i32
      %mul3A_14 = arith.muli %scan3A_12, %mul3A_13 : i32
      %add3A_15 = arith.constant 0 : i32
      %add3A_16 = arith.addi %add3A_15, %mul3A_14 : i32
      %get3A = arith.index_cast %add3A_16 : i32 to index
      %get3A_17 = arith.constant 0 : index
      %get3A_18 = tpu.vector_load %arg5[%get3A, %get3A_17] {strides = array<i32>} : memref<80x128xi32, #tpu.memory_space<vmem>>, vector<16xi32>,
      tpu.vector_store_idx %arg7[%get3A_18], %broadcast_in_dim3A_5 {add = true} : memref<10112xf32, #tpu.memory_space<vmem>>[vector<16xi32>], vector<16xf32>,
      %get3A_19 = arith.index_cast %add3A_16 : i32 to index
      %get3A_20 = arith.constant 0 : index
      %get3A_21 = tpu.vector_load %arg6[%get3A_19, %get3A_20] {strides = array<i32>} : memref<80x128xi32, #tpu.memory_space<vmem>>, vector<16xi32>,
      tpu.vector_store_idx %arg8[%get3A_21], %broadcast_in_dim3A_5 {add = true} : memref<10112xf32, #tpu.memory_space<vmem>>[vector<16xi32>], vector<16xf32>,
      %get3A_22 = arith.index_cast %add3A_16 : i32 to index
      %get3A_23 = arith.constant 16 : index
      %get3A_24 = tpu.vector_load %arg5[%get3A_22, %get3A_23] {strides = array<i32>} : memref<80x128xi32, #tpu.memory_space<vmem>>, vector<16xi32>,
      tpu.vector_store_idx %arg7[%get3A_24], %broadcast_in_dim3A_5 {add = true} : memref<10112xf32, #tpu.memory_space<vmem>>[vector<16xi32>], vector<16xf32>,
      %get3A_25 = arith.index_cast %add3A_16 : i32 to index
      %get3A_26 = arith.constant 16 : index
      %get3A_27 = tpu.vector_load %arg6[%get3A_25, %get3A_26] {strides = array<i32>} : memref<80x128xi32, #tpu.memory_space<vmem>>, vector<16xi32>,
      tpu.vector_store_idx %arg8[%get3A_27], %broadcast_in_dim3A_5 {add = true} : memref<10112xf32, #tpu.memory_space<vmem>>[vector<16xi32>], vector<16xf32>,
      %get3A_28 = arith.index_cast %add3A_16 : i32 to index
      %get3A_29 = arith.constant 32 : index
      %get3A_30 = tpu.vector_load %arg5[%get3A_28, %get3A_29] {strides = array<i32>} : memref<80x128xi32, #tpu.memory_space<vmem>>, vector<16xi32>,
      tpu.vector_store_idx %arg7[%get3A_30], %broadcast_in_dim3A_5 {add = true} : memref<10112xf32, #tpu.memory_space<vmem>>[vector<16xi32>], vector<16xf32>,
      %get3A_31 = arith.index_cast %add3A_16 : i32 to index
      %get3A_32 = arith.constant 32 : index
      %get3A_33 = tpu.vector_load %arg6[%get3A_31, %get3A_32] {strides = array<i32>} : memref<80x128xi32, #tpu.memory_space<vmem>>, vector<16xi32>,
      tpu.vector_store_idx %arg8[%get3A_33], %broadcast_in_dim3A_5 {add = true} : memref<10112xf32, #tpu.memory_space<vmem>>[vector<16xi32>], vector<16xf32>,
      %get3A_34 = arith.index_cast %add3A_16 : i32 to index
      %get3A_35 = arith.constant 48 : index
      %get3A_36 = tpu.vector_load %arg5[%get3A_34, %get3A_35] {strides = array<i32>} : memref<80x128xi32, #tpu.memory_space<vmem>>, vector<16xi32>,
      tpu.vector_store_idx %arg7[%get3A_36], %broadcast_in_dim3A_5 {add = true} : memref<10112xf32, #tpu.memory_space<vmem>>[vector<16xi32>], vector<16xf32>,
      %get3A_37 = arith.index_cast %add3A_16 : i32 to index
      %get3A_38 = arith.constant 48 : index
      %get3A_39 = tpu.vector_load %arg6[%get3A_37, %get3A_38] {strides = array<i32>} : memref<80x128xi32, #tpu.memory_space<vmem>>, vector<16xi32>,
      tpu.vector_store_idx %arg8[%get3A_39], %broadcast_in_dim3A_5 {add = true} : memref<10112xf32, #tpu.memory_space<vmem>>[vector<16xi32>], vector<16xf32>,
      %get3A_40 = arith.index_cast %add3A_16 : i32 to index
      %get3A_41 = arith.constant 64 : index
      %get3A_42 = tpu.vector_load %arg5[%get3A_40, %get3A_41] {strides = array<i32>} : memref<80x128xi32, #tpu.memory_space<vmem>>, vector<16xi32>,
      tpu.vector_store_idx %arg7[%get3A_42], %broadcast_in_dim3A_5 {add = true} : memref<10112xf32, #tpu.memory_space<vmem>>[vector<16xi32>], vector<16xf32>,
      %get3A_43 = arith.index_cast %add3A_16 : i32 to index
      %get3A_44 = arith.constant 64 : index
      %get3A_45 = tpu.vector_load %arg6[%get3A_43, %get3A_44] {strides = array<i32>} : memref<80x128xi32, #tpu.memory_space<vmem>>, vector<16xi32>,
      tpu.vector_store_idx %arg8[%get3A_45], %broadcast_in_dim3A_5 {add = true} : memref<10112xf32, #tpu.memory_space<vmem>>[vector<16xi32>], vector<16xf32>,
      %get3A_46 = arith.index_cast %add3A_16 : i32 to index
      %get3A_47 = arith.constant 80 : index
      %get3A_48 = tpu.vector_load %arg5[%get3A_46, %get3A_47] {strides = array<i32>} : memref<80x128xi32, #tpu.memory_space<vmem>>, vector<16xi32>,
      tpu.vector_store_idx %arg7[%get3A_48], %broadcast_in_dim3A_5 {add = true} : memref<10112xf32, #tpu.memory_space<vmem>>[vector<16xi32>], vector<16xf32>,
      %get3A_49 = arith.index_cast %add3A_16 : i32 to index
      %get3A_50 = arith.constant 80 : index
      %get3A_51 = tpu.vector_load %arg6[%get3A_49, %get3A_50] {strides = array<i32>} : memref<80x128xi32, #tpu.memory_space<vmem>>, vector<16xi32>,
      tpu.vector_store_idx %arg8[%get3A_51], %broadcast_in_dim3A_5 {add = true} : memref<10112xf32, #tpu.memory_space<vmem>>[vector<16xi32>], vector<16xf32>,
      %get3A_52 = arith.index_cast %add3A_16 : i32 to index
      %get3A_53 = arith.constant 96 : index
      %get3A_54 = tpu.vector_load %arg5[%get3A_52, %get3A_53] {strides = array<i32>} : memref<80x128xi32, #tpu.memory_space<vmem>>, vector<16xi32>,
      tpu.vector_store_idx %arg7[%get3A_54], %broadcast_in_dim3A_5 {add = true} : memref<10112xf32, #tpu.memory_space<vmem>>[vector<16xi32>], vector<16xf32>,
      %get3A_55 = arith.index_cast %add3A_16 : i32 to index
      %get3A_56 = arith.constant 96 : index
      %get3A_57 = tpu.vector_load %arg6[%get3A_55, %get3A_56] {strides = array<i32>} : memref<80x128xi32, #tpu.memory_space<vmem>>, vector<16xi32>,
      tpu.vector_store_idx %arg8[%get3A_57], %broadcast_in_dim3A_5 {add = true} : memref<10112xf32, #tpu.memory_space<vmem>>[vector<16xi32>], vector<16xf32>,
      %get3A_58 = arith.index_cast %add3A_16 : i32 to index
      %get3A_59 = arith.constant 112 : index
      %get3A_60 = tpu.vector_load %arg5[%get3A_58, %get3A_59] {strides = array<i32>} : memref<80x128xi32, #tpu.memory_space<vmem>>, vector<16xi32>,
      tpu.vector_store_idx %arg7[%get3A_60], %broadcast_in_dim3A_5 {add = true} : memref<10112xf32, #tpu.memory_space<vmem>>[vector<16xi32>], vector<16xf32>,
      %get3A_61 = arith.index_cast %add3A_16 : i32 to index
      %get3A_62 = arith.constant 112 : index
      %get3A_63 = tpu.vector_load %arg6[%get3A_61, %get3A_62] {strides = array<i32>} : memref<80x128xi32, #tpu.memory_space<vmem>>, vector<16xi32>,
      tpu.vector_store_idx %arg8[%get3A_63], %broadcast_in_dim3A_5 {add = true} : memref<10112xf32, #tpu.memory_space<vmem>>[vector<16xi32>], vector<16xf32>,
    }
    %scan3A_10 = arith.constant 80 : i32
    %run_scoped3A = arith.constant 0 : i32
    "tpu.region"() ({
      %run_scoped3A_12 = tpu.sem_alloc : memref<!tpu.dma_semaphore, #tpu.memory_space<semaphore_mem>>
      %dma_start3A = arith.constant 0 : i32
      %dma_start3A_13 = tpu.memref_slice %arg4[%run_scoped3A, %add3A, %dma_start3A] : memref<2x32x10112xf32, #tpu.memory_space<hbm>> -> memref<1x1x10112xf32, #tpu.memory_space<hbm>>
      %dma_start3A_14 = tpu.memref_squeeze %dma_start3A_13 : memref<1x1x10112xf32, #tpu.memory_space<hbm>> -> memref<10112xf32, #tpu.memory_space<hbm>>
      %dma_start3A_15 = arith.constant 0 : i32
      %dma_start3A_16 = tpu.memref_slice %arg4[%run_scoped3A, %add3A, %dma_start3A_15] : memref<2x32x10112xf32, #tpu.memory_space<hbm>> -> memref<1x1x10112xf32, #tpu.memory_space<hbm>>
      %dma_start3A_17 = tpu.memref_squeeze %dma_start3A_16 : memref<1x1x10112xf32, #tpu.memory_space<hbm>> -> memref<10112xf32, #tpu.memory_space<hbm>>
      tpu.enqueue_dma source(%arg7 : memref<10112xf32, #tpu.memory_space<vmem>>) target(%dma_start3A_17 : memref<10112xf32, #tpu.memory_space<hbm>>) target_semaphore(%run_scoped3A_12 : memref<!tpu.dma_semaphore, #tpu.memory_space<semaphore_mem>>)
      %dma_wait3A = arith.constant 0 : i32
      %dma_wait3A_18 = tpu.memref_slice %arg4[%run_scoped3A, %add3A, %dma_wait3A] : memref<2x32x10112xf32, #tpu.memory_space<hbm>> -> memref<1x1x10112xf32, #tpu.memory_space<hbm>>
      %dma_wait3A_19 = tpu.memref_squeeze %dma_wait3A_18 : memref<1x1x10112xf32, #tpu.memory_space<hbm>> -> memref<10112xf32, #tpu.memory_space<hbm>>
      %dma_wait3A_20 = arith.constant 0 : i32
      %dma_wait3A_21 = tpu.memref_slice %arg4[%run_scoped3A, %add3A, %dma_wait3A_20] : memref<2x32x10112xf32, #tpu.memory_space<hbm>> -> memref<1x1x10112xf32, #tpu.memory_space<hbm>>
      %dma_wait3A_22 = tpu.memref_squeeze %dma_wait3A_21 : memref<1x1x10112xf32, #tpu.memory_space<hbm>> -> memref<10112xf32, #tpu.memory_space<hbm>>
      tpu.wait_dma2 semaphore(%run_scoped3A_12 : memref<!tpu.dma_semaphore, #tpu.memory_space<semaphore_mem>>) src(%arg7 : memref<10112xf32, #tpu.memory_space<vmem>>) dst(%dma_wait3A_22 : memref<10112xf32, #tpu.memory_space<hbm>>)
      tpu.yield
    }) : () -> ()
    %run_scoped3A_11 = arith.constant 1 : i32
    "tpu.region"() ({
      %run_scoped3A_12 = tpu.sem_alloc : memref<!tpu.dma_semaphore, #tpu.memory_space<semaphore_mem>>
      %dma_start3A = arith.constant 0 : i32
      %dma_start3A_13 = tpu.memref_slice %arg4[%run_scoped3A_11, %add3A, %dma_start3A] : memref<2x32x10112xf32, #tpu.memory_space<hbm>> -> memref<1x1x10112xf32, #tpu.memory_space<hbm>>
      %dma_start3A_14 = tpu.memref_squeeze %dma_start3A_13 : memref<1x1x10112xf32, #tpu.memory_space<hbm>> -> memref<10112xf32, #tpu.memory_space<hbm>>
      %dma_start3A_15 = arith.constant 0 : i32
      %dma_start3A_16 = tpu.memref_slice %arg4[%run_scoped3A_11, %add3A, %dma_start3A_15] : memref<2x32x10112xf32, #tpu.memory_space<hbm>> -> memref<1x1x10112xf32, #tpu.memory_space<hbm>>
      %dma_start3A_17 = tpu.memref_squeeze %dma_start3A_16 : memref<1x1x10112xf32, #tpu.memory_space<hbm>> -> memref<10112xf32, #tpu.memory_space<hbm>>
      tpu.enqueue_dma source(%arg8 : memref<10112xf32, #tpu.memory_space<vmem>>) target(%dma_start3A_17 : memref<10112xf32, #tpu.memory_space<hbm>>) target_semaphore(%run_scoped3A_12 : memref<!tpu.dma_semaphore, #tpu.memory_space<semaphore_mem>>)
      %dma_wait3A = arith.constant 0 : i32
      %dma_wait3A_18 = tpu.memref_slice %arg4[%run_scoped3A_11, %add3A, %dma_wait3A] : memref<2x32x10112xf32, #tpu.memory_space<hbm>> -> memref<1x1x10112xf32, #tpu.memory_space<hbm>>
      %dma_wait3A_19 = tpu.memref_squeeze %dma_wait3A_18 : memref<1x1x10112xf32, #tpu.memory_space<hbm>> -> memref<10112xf32, #tpu.memory_space<hbm>>
      %dma_wait3A_20 = arith.constant 0 : i32
      %dma_wait3A_21 = tpu.memref_slice %arg4[%run_scoped3A_11, %add3A, %dma_wait3A_20] : memref<2x32x10112xf32, #tpu.memory_space<hbm>> -> memref<1x1x10112xf32, #tpu.memory_space<hbm>>
      %dma_wait3A_22 = tpu.memref_squeeze %dma_wait3A_21 : memref<1x1x10112xf32, #tpu.memory_space<hbm>> -> memref<10112xf32, #tpu.memory_space<hbm>>
      tpu.wait_dma2 semaphore(%run_scoped3A_12 : memref<!tpu.dma_semaphore, #tpu.memory_space<semaphore_mem>>) src(%arg8 : memref<10112xf32, #tpu.memory_space<vmem>>) dst(%dma_wait3A_22 : memref<10112xf32, #tpu.memory_space<hbm>>)
      tpu.yield
    }) : () -> ()
    return
  }
}

#map = affine_map<(d0, d1) -> (0, 0)>
#map1 = affine_map<(d0, d1) -> (0, 0, 0)>
module attributes {stable_mosaic.version = 14 : i64} {
  func.func @_sc_prop(%arg0: i32, %arg1: i32, %arg2: memref<10112x128xf32, #tpu.memory_space<hbm>>, %arg3: memref<32x80x128xi32, #tpu.memory_space<hbm>>, %arg4: memref<32x80x128xi32, #tpu.memory_space<hbm>>, %arg5: memref<2x10112x128xf32, #tpu.memory_space<hbm>>, %arg6: memref<2x8x128xi32, #tpu.memory_space<vmem>>, %arg7: memref<2x8x128xi32, #tpu.memory_space<vmem>>, %arg8: memref<2x128x128xf32, #tpu.memory_space<vmem>>, %arg9: memref<10112x128xf32, #tpu.memory_space<vmem_shared>>, %arg10: memref<2x!tpu.dma_semaphore, #tpu.memory_space<semaphore_mem>>, %arg11: memref<2x!tpu.dma_semaphore, #tpu.memory_space<semaphore_mem>>) attributes {dimension_semantics = [#tpu.dimension_semantics<core_parallel>, #tpu.dimension_semantics<subcore_parallel>], iteration_bounds = array<i64: 2, 16>, scalar_prefetch = 0 : i64, scratch_operands = 6 : i64, tpu.core_type = #tpu.core_type<sc_vector_subcore>, window_params = [{transform_indices = #map}, {transform_indices = #map1}, {transform_indices = #map1}, {transform_indices = #map1}]} {
    %mul3A = arith.constant 2 : i32
    %mul3A_0 = arith.muli %arg1, %mul3A : i32
    %add3A = arith.addi %mul3A_0, %arg0 : i32
    %mul3A_1 = arith.constant 632 : i32
    %mul3A_2 = arith.muli %arg1, %mul3A_1 : i32
    %dma_start3A = arith.constant 0 : i32
    %dma_start3A_3 = arith.constant 0 : i32
    %dma_start3A_4 = arith.constant 0 : i32
    %dma_start3A_5 = arith.constant 0 : i32
    %dma_start3A_6 = tpu.memref_slice %arg6[%dma_start3A, %dma_start3A_4, %dma_start3A_5] : memref<2x8x128xi32, #tpu.memory_space<vmem>> -> memref<1x8x128xi32, #tpu.memory_space<vmem>>
    %dma_start3A_7 = tpu.memref_squeeze %dma_start3A_6 : memref<1x8x128xi32, #tpu.memory_space<vmem>> -> memref<8x128xi32, #tpu.memory_space<vmem>>
    %dma_start3A_8 = arith.constant 0 : i32
    %dma_start3A_9 = arith.constant 0 : i32
    %dma_start3A_10 = tpu.memref_slice %arg3[%add3A, %dma_start3A_8, %dma_start3A_9] : memref<32x80x128xi32, #tpu.memory_space<hbm>> -> memref<1x8x128xi32, #tpu.memory_space<hbm>>
    %dma_start3A_11 = tpu.memref_squeeze %dma_start3A_10 : memref<1x8x128xi32, #tpu.memory_space<hbm>> -> memref<8x128xi32, #tpu.memory_space<hbm>>
    %dma_start3A_12 = tpu.memref_slice %arg11[%dma_start3A_3] : memref<2x!tpu.dma_semaphore, #tpu.memory_space<semaphore_mem>> -> memref<1x!tpu.dma_semaphore, #tpu.memory_space<semaphore_mem>>
    %dma_start3A_13 = tpu.memref_squeeze %dma_start3A_12 : memref<1x!tpu.dma_semaphore, #tpu.memory_space<semaphore_mem>> -> memref<!tpu.dma_semaphore, #tpu.memory_space<semaphore_mem>>
    %dma_start3A_14 = arith.constant 0 : i32
    %dma_start3A_15 = arith.constant 0 : i32
    %dma_start3A_16 = tpu.memref_slice %arg6[%dma_start3A, %dma_start3A_14, %dma_start3A_15] : memref<2x8x128xi32, #tpu.memory_space<vmem>> -> memref<1x8x128xi32, #tpu.memory_space<vmem>>
    %dma_start3A_17 = tpu.memref_squeeze %dma_start3A_16 : memref<1x8x128xi32, #tpu.memory_space<vmem>> -> memref<8x128xi32, #tpu.memory_space<vmem>>
    %dma_start3A_18 = arith.constant 0 : i32
    %dma_start3A_19 = arith.constant 0 : i32
    %dma_start3A_20 = tpu.memref_slice %arg3[%add3A, %dma_start3A_18, %dma_start3A_19] : memref<32x80x128xi32, #tpu.memory_space<hbm>> -> memref<1x8x128xi32, #tpu.memory_space<hbm>>
    %dma_start3A_21 = tpu.memref_squeeze %dma_start3A_20 : memref<1x8x128xi32, #tpu.memory_space<hbm>> -> memref<8x128xi32, #tpu.memory_space<hbm>>
    tpu.enqueue_dma source(%dma_start3A_21 : memref<8x128xi32, #tpu.memory_space<hbm>>) target(%dma_start3A_17 : memref<8x128xi32, #tpu.memory_space<vmem>>) target_semaphore(%dma_start3A_13 : memref<!tpu.dma_semaphore, #tpu.memory_space<semaphore_mem>>)
    %dma_start3A_22 = arith.constant 0 : i32
    %dma_start3A_23 = arith.constant 0 : i32
    %dma_start3A_24 = arith.constant 0 : i32
    %dma_start3A_25 = arith.constant 0 : i32
    %dma_start3A_26 = tpu.memref_slice %arg7[%dma_start3A_22, %dma_start3A_24, %dma_start3A_25] : memref<2x8x128xi32, #tpu.memory_space<vmem>> -> memref<1x8x128xi32, #tpu.memory_space<vmem>>
    %dma_start3A_27 = tpu.memref_squeeze %dma_start3A_26 : memref<1x8x128xi32, #tpu.memory_space<vmem>> -> memref<8x128xi32, #tpu.memory_space<vmem>>
    %dma_start3A_28 = arith.constant 0 : i32
    %dma_start3A_29 = arith.constant 0 : i32
    %dma_start3A_30 = tpu.memref_slice %arg4[%add3A, %dma_start3A_28, %dma_start3A_29] : memref<32x80x128xi32, #tpu.memory_space<hbm>> -> memref<1x8x128xi32, #tpu.memory_space<hbm>>
    %dma_start3A_31 = tpu.memref_squeeze %dma_start3A_30 : memref<1x8x128xi32, #tpu.memory_space<hbm>> -> memref<8x128xi32, #tpu.memory_space<hbm>>
    %dma_start3A_32 = tpu.memref_slice %arg11[%dma_start3A_23] : memref<2x!tpu.dma_semaphore, #tpu.memory_space<semaphore_mem>> -> memref<1x!tpu.dma_semaphore, #tpu.memory_space<semaphore_mem>>
    %dma_start3A_33 = tpu.memref_squeeze %dma_start3A_32 : memref<1x!tpu.dma_semaphore, #tpu.memory_space<semaphore_mem>> -> memref<!tpu.dma_semaphore, #tpu.memory_space<semaphore_mem>>
    %dma_start3A_34 = arith.constant 0 : i32
    %dma_start3A_35 = arith.constant 0 : i32
    %dma_start3A_36 = tpu.memref_slice %arg7[%dma_start3A_22, %dma_start3A_34, %dma_start3A_35] : memref<2x8x128xi32, #tpu.memory_space<vmem>> -> memref<1x8x128xi32, #tpu.memory_space<vmem>>
    %dma_start3A_37 = tpu.memref_squeeze %dma_start3A_36 : memref<1x8x128xi32, #tpu.memory_space<vmem>> -> memref<8x128xi32, #tpu.memory_space<vmem>>
    %dma_start3A_38 = arith.constant 0 : i32
    %dma_start3A_39 = arith.constant 0 : i32
    %dma_start3A_40 = tpu.memref_slice %arg4[%add3A, %dma_start3A_38, %dma_start3A_39] : memref<32x80x128xi32, #tpu.memory_space<hbm>> -> memref<1x8x128xi32, #tpu.memory_space<hbm>>
    %dma_start3A_41 = tpu.memref_squeeze %dma_start3A_40 : memref<1x8x128xi32, #tpu.memory_space<hbm>> -> memref<8x128xi32, #tpu.memory_space<hbm>>
    tpu.enqueue_dma source(%dma_start3A_41 : memref<8x128xi32, #tpu.memory_space<hbm>>) target(%dma_start3A_37 : memref<8x128xi32, #tpu.memory_space<vmem>>) target_semaphore(%dma_start3A_33 : memref<!tpu.dma_semaphore, #tpu.memory_space<semaphore_mem>>)
    %dma_start3A_42 = arith.constant 1 : i32
    %dma_start3A_43 = arith.constant 1 : i32
    %dma_start3A_44 = arith.constant 0 : i32
    %dma_start3A_45 = arith.constant 0 : i32
    %dma_start3A_46 = tpu.memref_slice %arg6[%dma_start3A_42, %dma_start3A_44, %dma_start3A_45] : memref<2x8x128xi32, #tpu.memory_space<vmem>> -> memref<1x8x128xi32, #tpu.memory_space<vmem>>
    %dma_start3A_47 = tpu.memref_squeeze %dma_start3A_46 : memref<1x8x128xi32, #tpu.memory_space<vmem>> -> memref<8x128xi32, #tpu.memory_space<vmem>>
    %dma_start3A_48 = arith.constant 8 : i32
    %dma_start3A_49 = arith.constant 0 : i32
    %dma_start3A_50 = tpu.memref_slice %arg3[%add3A, %dma_start3A_48, %dma_start3A_49] : memref<32x80x128xi32, #tpu.memory_space<hbm>> -> memref<1x8x128xi32, #tpu.memory_space<hbm>>
    %dma_start3A_51 = tpu.memref_squeeze %dma_start3A_50 : memref<1x8x128xi32, #tpu.memory_space<hbm>> -> memref<8x128xi32, #tpu.memory_space<hbm>>
    %dma_start3A_52 = tpu.memref_slice %arg11[%dma_start3A_43] : memref<2x!tpu.dma_semaphore, #tpu.memory_space<semaphore_mem>> -> memref<1x!tpu.dma_semaphore, #tpu.memory_space<semaphore_mem>>
    %dma_start3A_53 = tpu.memref_squeeze %dma_start3A_52 : memref<1x!tpu.dma_semaphore, #tpu.memory_space<semaphore_mem>> -> memref<!tpu.dma_semaphore, #tpu.memory_space<semaphore_mem>>
    %dma_start3A_54 = arith.constant 0 : i32
    %dma_start3A_55 = arith.constant 0 : i32
    %dma_start3A_56 = tpu.memref_slice %arg6[%dma_start3A_42, %dma_start3A_54, %dma_start3A_55] : memref<2x8x128xi32, #tpu.memory_space<vmem>> -> memref<1x8x128xi32, #tpu.memory_space<vmem>>
    %dma_start3A_57 = tpu.memref_squeeze %dma_start3A_56 : memref<1x8x128xi32, #tpu.memory_space<vmem>> -> memref<8x128xi32, #tpu.memory_space<vmem>>
    %dma_start3A_58 = arith.constant 8 : i32
    %dma_start3A_59 = arith.constant 0 : i32
    %dma_start3A_60 = tpu.memref_slice %arg3[%add3A, %dma_start3A_58, %dma_start3A_59] : memref<32x80x128xi32, #tpu.memory_space<hbm>> -> memref<1x8x128xi32, #tpu.memory_space<hbm>>
    %dma_start3A_61 = tpu.memref_squeeze %dma_start3A_60 : memref<1x8x128xi32, #tpu.memory_space<hbm>> -> memref<8x128xi32, #tpu.memory_space<hbm>>
    tpu.enqueue_dma source(%dma_start3A_61 : memref<8x128xi32, #tpu.memory_space<hbm>>) target(%dma_start3A_57 : memref<8x128xi32, #tpu.memory_space<vmem>>) target_semaphore(%dma_start3A_53 : memref<!tpu.dma_semaphore, #tpu.memory_space<semaphore_mem>>)
    %dma_start3A_62 = arith.constant 1 : i32
    %dma_start3A_63 = arith.constant 1 : i32
    %dma_start3A_64 = arith.constant 0 : i32
    %dma_start3A_65 = arith.constant 0 : i32
    %dma_start3A_66 = tpu.memref_slice %arg7[%dma_start3A_62, %dma_start3A_64, %dma_start3A_65] : memref<2x8x128xi32, #tpu.memory_space<vmem>> -> memref<1x8x128xi32, #tpu.memory_space<vmem>>
    %dma_start3A_67 = tpu.memref_squeeze %dma_start3A_66 : memref<1x8x128xi32, #tpu.memory_space<vmem>> -> memref<8x128xi32, #tpu.memory_space<vmem>>
    %dma_start3A_68 = arith.constant 8 : i32
    %dma_start3A_69 = arith.constant 0 : i32
    %dma_start3A_70 = tpu.memref_slice %arg4[%add3A, %dma_start3A_68, %dma_start3A_69] : memref<32x80x128xi32, #tpu.memory_space<hbm>> -> memref<1x8x128xi32, #tpu.memory_space<hbm>>
    %dma_start3A_71 = tpu.memref_squeeze %dma_start3A_70 : memref<1x8x128xi32, #tpu.memory_space<hbm>> -> memref<8x128xi32, #tpu.memory_space<hbm>>
    %dma_start3A_72 = tpu.memref_slice %arg11[%dma_start3A_63] : memref<2x!tpu.dma_semaphore, #tpu.memory_space<semaphore_mem>> -> memref<1x!tpu.dma_semaphore, #tpu.memory_space<semaphore_mem>>
    %dma_start3A_73 = tpu.memref_squeeze %dma_start3A_72 : memref<1x!tpu.dma_semaphore, #tpu.memory_space<semaphore_mem>> -> memref<!tpu.dma_semaphore, #tpu.memory_space<semaphore_mem>>
    %dma_start3A_74 = arith.constant 0 : i32
    %dma_start3A_75 = arith.constant 0 : i32
    %dma_start3A_76 = tpu.memref_slice %arg7[%dma_start3A_62, %dma_start3A_74, %dma_start3A_75] : memref<2x8x128xi32, #tpu.memory_space<vmem>> -> memref<1x8x128xi32, #tpu.memory_space<vmem>>
    %dma_start3A_77 = tpu.memref_squeeze %dma_start3A_76 : memref<1x8x128xi32, #tpu.memory_space<vmem>> -> memref<8x128xi32, #tpu.memory_space<vmem>>
    %dma_start3A_78 = arith.constant 8 : i32
    %dma_start3A_79 = arith.constant 0 : i32
    %dma_start3A_80 = tpu.memref_slice %arg4[%add3A, %dma_start3A_78, %dma_start3A_79] : memref<32x80x128xi32, #tpu.memory_space<hbm>> -> memref<1x8x128xi32, #tpu.memory_space<hbm>>
    %dma_start3A_81 = tpu.memref_squeeze %dma_start3A_80 : memref<1x8x128xi32, #tpu.memory_space<hbm>> -> memref<8x128xi32, #tpu.memory_space<hbm>>
    tpu.enqueue_dma source(%dma_start3A_81 : memref<8x128xi32, #tpu.memory_space<hbm>>) target(%dma_start3A_77 : memref<8x128xi32, #tpu.memory_space<vmem>>) target_semaphore(%dma_start3A_73 : memref<!tpu.dma_semaphore, #tpu.memory_space<semaphore_mem>>)
    %scan3A = arith.constant 0 : i32
    %scan3A_82 = arith.constant 128 : i32
    %scan3A_83 = arith.addi %scan3A, %scan3A_82 : i32
    %scan3A_84 = arith.constant 1 : i32
    scf.for %scan3A_162 = %scan3A to %scan3A_83 step %scan3A_84  : i32 {
      %mul3A_163 = arith.constant 1 : i32
      %mul3A_164 = arith.muli %scan3A_162, %mul3A_163 : i32
      %add3A_165 = arith.constant 0 : i32
      %add3A_166 = arith.addi %add3A_165, %mul3A_164 : i32
      %broadcast_in_dim3A = arith.constant 0.000000e+00 : f32
      %broadcast_in_dim3A_167 = vector.broadcast %broadcast_in_dim3A : f32 to vector<16xf32>
      %swap3A = arith.constant 0 : i32
      %swap3A_168 = arith.index_cast %swap3A : i32 to index
      %swap3A_169 = arith.index_cast %add3A_166 : i32 to index
      %swap3A_170 = arith.constant 0 : index
      %swap3A_171 = tpu.vector_load %arg8[%swap3A_168, %swap3A_169, %swap3A_170] {strides = array<i32>} : memref<2x128x128xf32, #tpu.memory_space<vmem>>, vector<1x1x16xf32>,
      %swap3A_172 = vector.shape_cast %swap3A_171 : vector<1x1x16xf32> to vector<16xf32>
      %swap3A_173 = vector.shape_cast %broadcast_in_dim3A_167 : vector<16xf32> to vector<1x1x16xf32>
      tpu.vector_store %arg8[%swap3A_168, %swap3A_169, %swap3A_170], %swap3A_173 {strides = array<i32>} : memref<2x128x128xf32, #tpu.memory_space<vmem>>, vector<1x1x16xf32>,
      %broadcast_in_dim3A_174 = arith.constant 0.000000e+00 : f32
      %broadcast_in_dim3A_175 = vector.broadcast %broadcast_in_dim3A_174 : f32 to vector<16xf32>
      %swap3A_176 = arith.constant 0 : i32
      %swap3A_177 = arith.index_cast %swap3A_176 : i32 to index
      %swap3A_178 = arith.index_cast %add3A_166 : i32 to index
      %swap3A_179 = arith.constant 16 : index
      %swap3A_180 = tpu.vector_load %arg8[%swap3A_177, %swap3A_178, %swap3A_179] {strides = array<i32>} : memref<2x128x128xf32, #tpu.memory_space<vmem>>, vector<1x1x16xf32>,
      %swap3A_181 = vector.shape_cast %swap3A_180 : vector<1x1x16xf32> to vector<16xf32>
      %swap3A_182 = vector.shape_cast %broadcast_in_dim3A_175 : vector<16xf32> to vector<1x1x16xf32>
      tpu.vector_store %arg8[%swap3A_177, %swap3A_178, %swap3A_179], %swap3A_182 {strides = array<i32>} : memref<2x128x128xf32, #tpu.memory_space<vmem>>, vector<1x1x16xf32>,
      %broadcast_in_dim3A_183 = arith.constant 0.000000e+00 : f32
      %broadcast_in_dim3A_184 = vector.broadcast %broadcast_in_dim3A_183 : f32 to vector<16xf32>
      %swap3A_185 = arith.constant 0 : i32
      %swap3A_186 = arith.index_cast %swap3A_185 : i32 to index
      %swap3A_187 = arith.index_cast %add3A_166 : i32 to index
      %swap3A_188 = arith.constant 32 : index
      %swap3A_189 = tpu.vector_load %arg8[%swap3A_186, %swap3A_187, %swap3A_188] {strides = array<i32>} : memref<2x128x128xf32, #tpu.memory_space<vmem>>, vector<1x1x16xf32>,
      %swap3A_190 = vector.shape_cast %swap3A_189 : vector<1x1x16xf32> to vector<16xf32>
      %swap3A_191 = vector.shape_cast %broadcast_in_dim3A_184 : vector<16xf32> to vector<1x1x16xf32>
      tpu.vector_store %arg8[%swap3A_186, %swap3A_187, %swap3A_188], %swap3A_191 {strides = array<i32>} : memref<2x128x128xf32, #tpu.memory_space<vmem>>, vector<1x1x16xf32>,
      %broadcast_in_dim3A_192 = arith.constant 0.000000e+00 : f32
      %broadcast_in_dim3A_193 = vector.broadcast %broadcast_in_dim3A_192 : f32 to vector<16xf32>
      %swap3A_194 = arith.constant 0 : i32
      %swap3A_195 = arith.index_cast %swap3A_194 : i32 to index
      %swap3A_196 = arith.index_cast %add3A_166 : i32 to index
      %swap3A_197 = arith.constant 48 : index
      %swap3A_198 = tpu.vector_load %arg8[%swap3A_195, %swap3A_196, %swap3A_197] {strides = array<i32>} : memref<2x128x128xf32, #tpu.memory_space<vmem>>, vector<1x1x16xf32>,
      %swap3A_199 = vector.shape_cast %swap3A_198 : vector<1x1x16xf32> to vector<16xf32>
      %swap3A_200 = vector.shape_cast %broadcast_in_dim3A_193 : vector<16xf32> to vector<1x1x16xf32>
      tpu.vector_store %arg8[%swap3A_195, %swap3A_196, %swap3A_197], %swap3A_200 {strides = array<i32>} : memref<2x128x128xf32, #tpu.memory_space<vmem>>, vector<1x1x16xf32>,
      %broadcast_in_dim3A_201 = arith.constant 0.000000e+00 : f32
      %broadcast_in_dim3A_202 = vector.broadcast %broadcast_in_dim3A_201 : f32 to vector<16xf32>
      %swap3A_203 = arith.constant 0 : i32
      %swap3A_204 = arith.index_cast %swap3A_203 : i32 to index
      %swap3A_205 = arith.index_cast %add3A_166 : i32 to index
      %swap3A_206 = arith.constant 64 : index
      %swap3A_207 = tpu.vector_load %arg8[%swap3A_204, %swap3A_205, %swap3A_206] {strides = array<i32>} : memref<2x128x128xf32, #tpu.memory_space<vmem>>, vector<1x1x16xf32>,
      %swap3A_208 = vector.shape_cast %swap3A_207 : vector<1x1x16xf32> to vector<16xf32>
      %swap3A_209 = vector.shape_cast %broadcast_in_dim3A_202 : vector<16xf32> to vector<1x1x16xf32>
      tpu.vector_store %arg8[%swap3A_204, %swap3A_205, %swap3A_206], %swap3A_209 {strides = array<i32>} : memref<2x128x128xf32, #tpu.memory_space<vmem>>, vector<1x1x16xf32>,
      %broadcast_in_dim3A_210 = arith.constant 0.000000e+00 : f32
      %broadcast_in_dim3A_211 = vector.broadcast %broadcast_in_dim3A_210 : f32 to vector<16xf32>
      %swap3A_212 = arith.constant 0 : i32
      %swap3A_213 = arith.index_cast %swap3A_212 : i32 to index
      %swap3A_214 = arith.index_cast %add3A_166 : i32 to index
      %swap3A_215 = arith.constant 80 : index
      %swap3A_216 = tpu.vector_load %arg8[%swap3A_213, %swap3A_214, %swap3A_215] {strides = array<i32>} : memref<2x128x128xf32, #tpu.memory_space<vmem>>, vector<1x1x16xf32>,
      %swap3A_217 = vector.shape_cast %swap3A_216 : vector<1x1x16xf32> to vector<16xf32>
      %swap3A_218 = vector.shape_cast %broadcast_in_dim3A_211 : vector<16xf32> to vector<1x1x16xf32>
      tpu.vector_store %arg8[%swap3A_213, %swap3A_214, %swap3A_215], %swap3A_218 {strides = array<i32>} : memref<2x128x128xf32, #tpu.memory_space<vmem>>, vector<1x1x16xf32>,
      %broadcast_in_dim3A_219 = arith.constant 0.000000e+00 : f32
      %broadcast_in_dim3A_220 = vector.broadcast %broadcast_in_dim3A_219 : f32 to vector<16xf32>
      %swap3A_221 = arith.constant 0 : i32
      %swap3A_222 = arith.index_cast %swap3A_221 : i32 to index
      %swap3A_223 = arith.index_cast %add3A_166 : i32 to index
      %swap3A_224 = arith.constant 96 : index
      %swap3A_225 = tpu.vector_load %arg8[%swap3A_222, %swap3A_223, %swap3A_224] {strides = array<i32>} : memref<2x128x128xf32, #tpu.memory_space<vmem>>, vector<1x1x16xf32>,
      %swap3A_226 = vector.shape_cast %swap3A_225 : vector<1x1x16xf32> to vector<16xf32>
      %swap3A_227 = vector.shape_cast %broadcast_in_dim3A_220 : vector<16xf32> to vector<1x1x16xf32>
      tpu.vector_store %arg8[%swap3A_222, %swap3A_223, %swap3A_224], %swap3A_227 {strides = array<i32>} : memref<2x128x128xf32, #tpu.memory_space<vmem>>, vector<1x1x16xf32>,
      %broadcast_in_dim3A_228 = arith.constant 0.000000e+00 : f32
      %broadcast_in_dim3A_229 = vector.broadcast %broadcast_in_dim3A_228 : f32 to vector<16xf32>
      %swap3A_230 = arith.constant 0 : i32
      %swap3A_231 = arith.index_cast %swap3A_230 : i32 to index
      %swap3A_232 = arith.index_cast %add3A_166 : i32 to index
      %swap3A_233 = arith.constant 112 : index
      %swap3A_234 = tpu.vector_load %arg8[%swap3A_231, %swap3A_232, %swap3A_233] {strides = array<i32>} : memref<2x128x128xf32, #tpu.memory_space<vmem>>, vector<1x1x16xf32>,
      %swap3A_235 = vector.shape_cast %swap3A_234 : vector<1x1x16xf32> to vector<16xf32>
      %swap3A_236 = vector.shape_cast %broadcast_in_dim3A_229 : vector<16xf32> to vector<1x1x16xf32>
      tpu.vector_store %arg8[%swap3A_231, %swap3A_232, %swap3A_233], %swap3A_236 {strides = array<i32>} : memref<2x128x128xf32, #tpu.memory_space<vmem>>, vector<1x1x16xf32>,
    }
    %scan3A_85 = arith.constant 128 : i32
    %add3A_86 = arith.constant 0 : i32
    %add3A_87 = arith.addi %mul3A_2, %add3A_86 : i32
    %run_scoped3A = arith.constant 0 : i32
    "tpu.region"() ({
      %run_scoped3A_162 = tpu.sem_alloc : memref<!tpu.dma_semaphore, #tpu.memory_space<semaphore_mem>>
      %dma_start3A_163 = arith.constant 0 : i32
      %dma_start3A_164 = arith.constant 0 : i32
      %dma_start3A_165 = tpu.memref_slice %arg8[%run_scoped3A, %dma_start3A_163, %dma_start3A_164] : memref<2x128x128xf32, #tpu.memory_space<vmem>> -> memref<1x128x128xf32, #tpu.memory_space<vmem>>
      %dma_start3A_166 = tpu.memref_squeeze %dma_start3A_165 : memref<1x128x128xf32, #tpu.memory_space<vmem>> -> memref<128x128xf32, #tpu.memory_space<vmem>>
      %dma_start3A_167 = arith.constant 0 : i32
      %dma_start3A_168 = tpu.memref_slice %arg9[%add3A_87, %dma_start3A_167] : memref<10112x128xf32, #tpu.memory_space<vmem_shared>> -> memref<128x128xf32, #tpu.memory_space<vmem_shared>>
      %dma_start3A_169 = arith.constant 0 : i32
      %dma_start3A_170 = tpu.memref_slice %arg9[%add3A_87, %dma_start3A_169] : memref<10112x128xf32, #tpu.memory_space<vmem_shared>> -> memref<128x128xf32, #tpu.memory_space<vmem_shared>>
      %dma_start3A_171 = arith.constant 0 : i32
      %dma_start3A_172 = arith.constant 0 : i32
      %dma_start3A_173 = tpu.memref_slice %arg8[%run_scoped3A, %dma_start3A_171, %dma_start3A_172] : memref<2x128x128xf32, #tpu.memory_space<vmem>> -> memref<1x128x128xf32, #tpu.memory_space<vmem>>
      %dma_start3A_174 = tpu.memref_squeeze %dma_start3A_173 : memref<1x128x128xf32, #tpu.memory_space<vmem>> -> memref<128x128xf32, #tpu.memory_space<vmem>>
      tpu.enqueue_dma source(%dma_start3A_174 : memref<128x128xf32, #tpu.memory_space<vmem>>) target(%dma_start3A_170 : memref<128x128xf32, #tpu.memory_space<vmem_shared>>) target_semaphore(%run_scoped3A_162 : memref<!tpu.dma_semaphore, #tpu.memory_space<semaphore_mem>>)
      %dma_wait3A_175 = arith.constant 0 : i32
      %dma_wait3A_176 = arith.constant 0 : i32
      %dma_wait3A_177 = tpu.memref_slice %arg8[%run_scoped3A, %dma_wait3A_175, %dma_wait3A_176] : memref<2x128x128xf32, #tpu.memory_space<vmem>> -> memref<1x128x128xf32, #tpu.memory_space<vmem>>
      %dma_wait3A_178 = tpu.memref_squeeze %dma_wait3A_177 : memref<1x128x128xf32, #tpu.memory_space<vmem>> -> memref<128x128xf32, #tpu.memory_space<vmem>>
      %dma_wait3A_179 = arith.constant 0 : i32
      %dma_wait3A_180 = tpu.memref_slice %arg9[%add3A_87, %dma_wait3A_179] : memref<10112x128xf32, #tpu.memory_space<vmem_shared>> -> memref<128x128xf32, #tpu.memory_space<vmem_shared>>
      %dma_wait3A_181 = arith.constant 0 : i32
      %dma_wait3A_182 = tpu.memref_slice %arg9[%add3A_87, %dma_wait3A_181] : memref<10112x128xf32, #tpu.memory_space<vmem_shared>> -> memref<128x128xf32, #tpu.memory_space<vmem_shared>>
      %dma_wait3A_183 = arith.constant 0 : i32
      %dma_wait3A_184 = arith.constant 0 : i32
      %dma_wait3A_185 = tpu.memref_slice %arg8[%run_scoped3A, %dma_wait3A_183, %dma_wait3A_184] : memref<2x128x128xf32, #tpu.memory_space<vmem>> -> memref<1x128x128xf32, #tpu.memory_space<vmem>>
      %dma_wait3A_186 = tpu.memref_squeeze %dma_wait3A_185 : memref<1x128x128xf32, #tpu.memory_space<vmem>> -> memref<128x128xf32, #tpu.memory_space<vmem>>
      tpu.wait_dma2 semaphore(%run_scoped3A_162 : memref<!tpu.dma_semaphore, #tpu.memory_space<semaphore_mem>>) src(%dma_wait3A_186 : memref<128x128xf32, #tpu.memory_space<vmem>>) dst(%dma_wait3A_182 : memref<128x128xf32, #tpu.memory_space<vmem_shared>>)
      tpu.yield
    }) : () -> ()
    %add3A_88 = arith.constant 128 : i32
    %add3A_89 = arith.addi %mul3A_2, %add3A_88 : i32
    %run_scoped3A_90 = arith.constant 0 : i32
    "tpu.region"() ({
      %run_scoped3A_162 = tpu.sem_alloc : memref<!tpu.dma_semaphore, #tpu.memory_space<semaphore_mem>>
      %dma_start3A_163 = arith.constant 0 : i32
      %dma_start3A_164 = arith.constant 0 : i32
      %dma_start3A_165 = tpu.memref_slice %arg8[%run_scoped3A_90, %dma_start3A_163, %dma_start3A_164] : memref<2x128x128xf32, #tpu.memory_space<vmem>> -> memref<1x128x128xf32, #tpu.memory_space<vmem>>
      %dma_start3A_166 = tpu.memref_squeeze %dma_start3A_165 : memref<1x128x128xf32, #tpu.memory_space<vmem>> -> memref<128x128xf32, #tpu.memory_space<vmem>>
      %dma_start3A_167 = arith.constant 0 : i32
      %dma_start3A_168 = tpu.memref_slice %arg9[%add3A_89, %dma_start3A_167] : memref<10112x128xf32, #tpu.memory_space<vmem_shared>> -> memref<128x128xf32, #tpu.memory_space<vmem_shared>>
      %dma_start3A_169 = arith.constant 0 : i32
      %dma_start3A_170 = tpu.memref_slice %arg9[%add3A_89, %dma_start3A_169] : memref<10112x128xf32, #tpu.memory_space<vmem_shared>> -> memref<128x128xf32, #tpu.memory_space<vmem_shared>>
      %dma_start3A_171 = arith.constant 0 : i32
      %dma_start3A_172 = arith.constant 0 : i32
      %dma_start3A_173 = tpu.memref_slice %arg8[%run_scoped3A_90, %dma_start3A_171, %dma_start3A_172] : memref<2x128x128xf32, #tpu.memory_space<vmem>> -> memref<1x128x128xf32, #tpu.memory_space<vmem>>
      %dma_start3A_174 = tpu.memref_squeeze %dma_start3A_173 : memref<1x128x128xf32, #tpu.memory_space<vmem>> -> memref<128x128xf32, #tpu.memory_space<vmem>>
      tpu.enqueue_dma source(%dma_start3A_174 : memref<128x128xf32, #tpu.memory_space<vmem>>) target(%dma_start3A_170 : memref<128x128xf32, #tpu.memory_space<vmem_shared>>) target_semaphore(%run_scoped3A_162 : memref<!tpu.dma_semaphore, #tpu.memory_space<semaphore_mem>>)
      %dma_wait3A_175 = arith.constant 0 : i32
      %dma_wait3A_176 = arith.constant 0 : i32
      %dma_wait3A_177 = tpu.memref_slice %arg8[%run_scoped3A_90, %dma_wait3A_175, %dma_wait3A_176] : memref<2x128x128xf32, #tpu.memory_space<vmem>> -> memref<1x128x128xf32, #tpu.memory_space<vmem>>
      %dma_wait3A_178 = tpu.memref_squeeze %dma_wait3A_177 : memref<1x128x128xf32, #tpu.memory_space<vmem>> -> memref<128x128xf32, #tpu.memory_space<vmem>>
      %dma_wait3A_179 = arith.constant 0 : i32
      %dma_wait3A_180 = tpu.memref_slice %arg9[%add3A_89, %dma_wait3A_179] : memref<10112x128xf32, #tpu.memory_space<vmem_shared>> -> memref<128x128xf32, #tpu.memory_space<vmem_shared>>
      %dma_wait3A_181 = arith.constant 0 : i32
      %dma_wait3A_182 = tpu.memref_slice %arg9[%add3A_89, %dma_wait3A_181] : memref<10112x128xf32, #tpu.memory_space<vmem_shared>> -> memref<128x128xf32, #tpu.memory_space<vmem_shared>>
      %dma_wait3A_183 = arith.constant 0 : i32
      %dma_wait3A_184 = arith.constant 0 : i32
      %dma_wait3A_185 = tpu.memref_slice %arg8[%run_scoped3A_90, %dma_wait3A_183, %dma_wait3A_184] : memref<2x128x128xf32, #tpu.memory_space<vmem>> -> memref<1x128x128xf32, #tpu.memory_space<vmem>>
      %dma_wait3A_186 = tpu.memref_squeeze %dma_wait3A_185 : memref<1x128x128xf32, #tpu.memory_space<vmem>> -> memref<128x128xf32, #tpu.memory_space<vmem>>
      tpu.wait_dma2 semaphore(%run_scoped3A_162 : memref<!tpu.dma_semaphore, #tpu.memory_space<semaphore_mem>>) src(%dma_wait3A_186 : memref<128x128xf32, #tpu.memory_space<vmem>>) dst(%dma_wait3A_182 : memref<128x128xf32, #tpu.memory_space<vmem_shared>>)
      tpu.yield
    }) : () -> ()
    %add3A_91 = arith.constant 256 : i32
    %add3A_92 = arith.addi %mul3A_2, %add3A_91 : i32
    %run_scoped3A_93 = arith.constant 0 : i32
    "tpu.region"() ({
      %run_scoped3A_162 = tpu.sem_alloc : memref<!tpu.dma_semaphore, #tpu.memory_space<semaphore_mem>>
      %dma_start3A_163 = arith.constant 0 : i32
      %dma_start3A_164 = arith.constant 0 : i32
      %dma_start3A_165 = tpu.memref_slice %arg8[%run_scoped3A_93, %dma_start3A_163, %dma_start3A_164] : memref<2x128x128xf32, #tpu.memory_space<vmem>> -> memref<1x128x128xf32, #tpu.memory_space<vmem>>
      %dma_start3A_166 = tpu.memref_squeeze %dma_start3A_165 : memref<1x128x128xf32, #tpu.memory_space<vmem>> -> memref<128x128xf32, #tpu.memory_space<vmem>>
      %dma_start3A_167 = arith.constant 0 : i32
      %dma_start3A_168 = tpu.memref_slice %arg9[%add3A_92, %dma_start3A_167] : memref<10112x128xf32, #tpu.memory_space<vmem_shared>> -> memref<128x128xf32, #tpu.memory_space<vmem_shared>>
      %dma_start3A_169 = arith.constant 0 : i32
      %dma_start3A_170 = tpu.memref_slice %arg9[%add3A_92, %dma_start3A_169] : memref<10112x128xf32, #tpu.memory_space<vmem_shared>> -> memref<128x128xf32, #tpu.memory_space<vmem_shared>>
      %dma_start3A_171 = arith.constant 0 : i32
      %dma_start3A_172 = arith.constant 0 : i32
      %dma_start3A_173 = tpu.memref_slice %arg8[%run_scoped3A_93, %dma_start3A_171, %dma_start3A_172] : memref<2x128x128xf32, #tpu.memory_space<vmem>> -> memref<1x128x128xf32, #tpu.memory_space<vmem>>
      %dma_start3A_174 = tpu.memref_squeeze %dma_start3A_173 : memref<1x128x128xf32, #tpu.memory_space<vmem>> -> memref<128x128xf32, #tpu.memory_space<vmem>>
      tpu.enqueue_dma source(%dma_start3A_174 : memref<128x128xf32, #tpu.memory_space<vmem>>) target(%dma_start3A_170 : memref<128x128xf32, #tpu.memory_space<vmem_shared>>) target_semaphore(%run_scoped3A_162 : memref<!tpu.dma_semaphore, #tpu.memory_space<semaphore_mem>>)
      %dma_wait3A_175 = arith.constant 0 : i32
      %dma_wait3A_176 = arith.constant 0 : i32
      %dma_wait3A_177 = tpu.memref_slice %arg8[%run_scoped3A_93, %dma_wait3A_175, %dma_wait3A_176] : memref<2x128x128xf32, #tpu.memory_space<vmem>> -> memref<1x128x128xf32, #tpu.memory_space<vmem>>
      %dma_wait3A_178 = tpu.memref_squeeze %dma_wait3A_177 : memref<1x128x128xf32, #tpu.memory_space<vmem>> -> memref<128x128xf32, #tpu.memory_space<vmem>>
      %dma_wait3A_179 = arith.constant 0 : i32
      %dma_wait3A_180 = tpu.memref_slice %arg9[%add3A_92, %dma_wait3A_179] : memref<10112x128xf32, #tpu.memory_space<vmem_shared>> -> memref<128x128xf32, #tpu.memory_space<vmem_shared>>
      %dma_wait3A_181 = arith.constant 0 : i32
      %dma_wait3A_182 = tpu.memref_slice %arg9[%add3A_92, %dma_wait3A_181] : memref<10112x128xf32, #tpu.memory_space<vmem_shared>> -> memref<128x128xf32, #tpu.memory_space<vmem_shared>>
      %dma_wait3A_183 = arith.constant 0 : i32
      %dma_wait3A_184 = arith.constant 0 : i32
      %dma_wait3A_185 = tpu.memref_slice %arg8[%run_scoped3A_93, %dma_wait3A_183, %dma_wait3A_184] : memref<2x128x128xf32, #tpu.memory_space<vmem>> -> memref<1x128x128xf32, #tpu.memory_space<vmem>>
      %dma_wait3A_186 = tpu.memref_squeeze %dma_wait3A_185 : memref<1x128x128xf32, #tpu.memory_space<vmem>> -> memref<128x128xf32, #tpu.memory_space<vmem>>
      tpu.wait_dma2 semaphore(%run_scoped3A_162 : memref<!tpu.dma_semaphore, #tpu.memory_space<semaphore_mem>>) src(%dma_wait3A_186 : memref<128x128xf32, #tpu.memory_space<vmem>>) dst(%dma_wait3A_182 : memref<128x128xf32, #tpu.memory_space<vmem_shared>>)
      tpu.yield
    }) : () -> ()
    %add3A_94 = arith.constant 384 : i32
    %add3A_95 = arith.addi %mul3A_2, %add3A_94 : i32
    %run_scoped3A_96 = arith.constant 0 : i32
    "tpu.region"() ({
      %run_scoped3A_162 = tpu.sem_alloc : memref<!tpu.dma_semaphore, #tpu.memory_space<semaphore_mem>>
      %dma_start3A_163 = arith.constant 0 : i32
      %dma_start3A_164 = arith.constant 0 : i32
      %dma_start3A_165 = tpu.memref_slice %arg8[%run_scoped3A_96, %dma_start3A_163, %dma_start3A_164] : memref<2x128x128xf32, #tpu.memory_space<vmem>> -> memref<1x128x128xf32, #tpu.memory_space<vmem>>
      %dma_start3A_166 = tpu.memref_squeeze %dma_start3A_165 : memref<1x128x128xf32, #tpu.memory_space<vmem>> -> memref<128x128xf32, #tpu.memory_space<vmem>>
      %dma_start3A_167 = arith.constant 0 : i32
      %dma_start3A_168 = tpu.memref_slice %arg9[%add3A_95, %dma_start3A_167] : memref<10112x128xf32, #tpu.memory_space<vmem_shared>> -> memref<128x128xf32, #tpu.memory_space<vmem_shared>>
      %dma_start3A_169 = arith.constant 0 : i32
      %dma_start3A_170 = tpu.memref_slice %arg9[%add3A_95, %dma_start3A_169] : memref<10112x128xf32, #tpu.memory_space<vmem_shared>> -> memref<128x128xf32, #tpu.memory_space<vmem_shared>>
      %dma_start3A_171 = arith.constant 0 : i32
      %dma_start3A_172 = arith.constant 0 : i32
      %dma_start3A_173 = tpu.memref_slice %arg8[%run_scoped3A_96, %dma_start3A_171, %dma_start3A_172] : memref<2x128x128xf32, #tpu.memory_space<vmem>> -> memref<1x128x128xf32, #tpu.memory_space<vmem>>
      %dma_start3A_174 = tpu.memref_squeeze %dma_start3A_173 : memref<1x128x128xf32, #tpu.memory_space<vmem>> -> memref<128x128xf32, #tpu.memory_space<vmem>>
      tpu.enqueue_dma source(%dma_start3A_174 : memref<128x128xf32, #tpu.memory_space<vmem>>) target(%dma_start3A_170 : memref<128x128xf32, #tpu.memory_space<vmem_shared>>) target_semaphore(%run_scoped3A_162 : memref<!tpu.dma_semaphore, #tpu.memory_space<semaphore_mem>>)
      %dma_wait3A_175 = arith.constant 0 : i32
      %dma_wait3A_176 = arith.constant 0 : i32
      %dma_wait3A_177 = tpu.memref_slice %arg8[%run_scoped3A_96, %dma_wait3A_175, %dma_wait3A_176] : memref<2x128x128xf32, #tpu.memory_space<vmem>> -> memref<1x128x128xf32, #tpu.memory_space<vmem>>
      %dma_wait3A_178 = tpu.memref_squeeze %dma_wait3A_177 : memref<1x128x128xf32, #tpu.memory_space<vmem>> -> memref<128x128xf32, #tpu.memory_space<vmem>>
      %dma_wait3A_179 = arith.constant 0 : i32
      %dma_wait3A_180 = tpu.memref_slice %arg9[%add3A_95, %dma_wait3A_179] : memref<10112x128xf32, #tpu.memory_space<vmem_shared>> -> memref<128x128xf32, #tpu.memory_space<vmem_shared>>
      %dma_wait3A_181 = arith.constant 0 : i32
      %dma_wait3A_182 = tpu.memref_slice %arg9[%add3A_95, %dma_wait3A_181] : memref<10112x128xf32, #tpu.memory_space<vmem_shared>> -> memref<128x128xf32, #tpu.memory_space<vmem_shared>>
      %dma_wait3A_183 = arith.constant 0 : i32
      %dma_wait3A_184 = arith.constant 0 : i32
      %dma_wait3A_185 = tpu.memref_slice %arg8[%run_scoped3A_96, %dma_wait3A_183, %dma_wait3A_184] : memref<2x128x128xf32, #tpu.memory_space<vmem>> -> memref<1x128x128xf32, #tpu.memory_space<vmem>>
      %dma_wait3A_186 = tpu.memref_squeeze %dma_wait3A_185 : memref<1x128x128xf32, #tpu.memory_space<vmem>> -> memref<128x128xf32, #tpu.memory_space<vmem>>
      tpu.wait_dma2 semaphore(%run_scoped3A_162 : memref<!tpu.dma_semaphore, #tpu.memory_space<semaphore_mem>>) src(%dma_wait3A_186 : memref<128x128xf32, #tpu.memory_space<vmem>>) dst(%dma_wait3A_182 : memref<128x128xf32, #tpu.memory_space<vmem_shared>>)
      tpu.yield
    }) : () -> ()
    %add3A_97 = arith.constant 632 : i32
    %add3A_98 = arith.addi %mul3A_2, %add3A_97 : i32
    %sub3A = arith.constant 120 : i32
    %sub3A_99 = arith.subi %add3A_98, %sub3A : i32
    %run_scoped3A_100 = arith.constant 0 : i32
    "tpu.region"() ({
      %run_scoped3A_162 = tpu.sem_alloc : memref<!tpu.dma_semaphore, #tpu.memory_space<semaphore_mem>>
      %dma_start3A_163 = arith.constant 0 : i32
      %dma_start3A_164 = arith.constant 0 : i32
      %dma_start3A_165 = tpu.memref_slice %arg8[%run_scoped3A_100, %dma_start3A_163, %dma_start3A_164] : memref<2x128x128xf32, #tpu.memory_space<vmem>> -> memref<1x120x128xf32, #tpu.memory_space<vmem>>
      %dma_start3A_166 = tpu.memref_squeeze %dma_start3A_165 : memref<1x120x128xf32, #tpu.memory_space<vmem>> -> memref<120x128xf32, #tpu.memory_space<vmem>>
      %dma_start3A_167 = arith.constant 0 : i32
      %dma_start3A_168 = tpu.memref_slice %arg9[%sub3A_99, %dma_start3A_167] : memref<10112x128xf32, #tpu.memory_space<vmem_shared>> -> memref<120x128xf32, #tpu.memory_space<vmem_shared>>
      %dma_start3A_169 = arith.constant 0 : i32
      %dma_start3A_170 = tpu.memref_slice %arg9[%sub3A_99, %dma_start3A_169] : memref<10112x128xf32, #tpu.memory_space<vmem_shared>> -> memref<120x128xf32, #tpu.memory_space<vmem_shared>>
      %dma_start3A_171 = arith.constant 0 : i32
      %dma_start3A_172 = arith.constant 0 : i32
      %dma_start3A_173 = tpu.memref_slice %arg8[%run_scoped3A_100, %dma_start3A_171, %dma_start3A_172] : memref<2x128x128xf32, #tpu.memory_space<vmem>> -> memref<1x120x128xf32, #tpu.memory_space<vmem>>
      %dma_start3A_174 = tpu.memref_squeeze %dma_start3A_173 : memref<1x120x128xf32, #tpu.memory_space<vmem>> -> memref<120x128xf32, #tpu.memory_space<vmem>>
      tpu.enqueue_dma source(%dma_start3A_174 : memref<120x128xf32, #tpu.memory_space<vmem>>) target(%dma_start3A_170 : memref<120x128xf32, #tpu.memory_space<vmem_shared>>) target_semaphore(%run_scoped3A_162 : memref<!tpu.dma_semaphore, #tpu.memory_space<semaphore_mem>>)
      %dma_wait3A_175 = arith.constant 0 : i32
      %dma_wait3A_176 = arith.constant 0 : i32
      %dma_wait3A_177 = tpu.memref_slice %arg8[%run_scoped3A_100, %dma_wait3A_175, %dma_wait3A_176] : memref<2x128x128xf32, #tpu.memory_space<vmem>> -> memref<1x120x128xf32, #tpu.memory_space<vmem>>
      %dma_wait3A_178 = tpu.memref_squeeze %dma_wait3A_177 : memref<1x120x128xf32, #tpu.memory_space<vmem>> -> memref<120x128xf32, #tpu.memory_space<vmem>>
      %dma_wait3A_179 = arith.constant 0 : i32
      %dma_wait3A_180 = tpu.memref_slice %arg9[%sub3A_99, %dma_wait3A_179] : memref<10112x128xf32, #tpu.memory_space<vmem_shared>> -> memref<120x128xf32, #tpu.memory_space<vmem_shared>>
      %dma_wait3A_181 = arith.constant 0 : i32
      %dma_wait3A_182 = tpu.memref_slice %arg9[%sub3A_99, %dma_wait3A_181] : memref<10112x128xf32, #tpu.memory_space<vmem_shared>> -> memref<120x128xf32, #tpu.memory_space<vmem_shared>>
      %dma_wait3A_183 = arith.constant 0 : i32
      %dma_wait3A_184 = arith.constant 0 : i32
      %dma_wait3A_185 = tpu.memref_slice %arg8[%run_scoped3A_100, %dma_wait3A_183, %dma_wait3A_184] : memref<2x128x128xf32, #tpu.memory_space<vmem>> -> memref<1x120x128xf32, #tpu.memory_space<vmem>>
      %dma_wait3A_186 = tpu.memref_squeeze %dma_wait3A_185 : memref<1x120x128xf32, #tpu.memory_space<vmem>> -> memref<120x128xf32, #tpu.memory_space<vmem>>
      tpu.wait_dma2 semaphore(%run_scoped3A_162 : memref<!tpu.dma_semaphore, #tpu.memory_space<semaphore_mem>>) src(%dma_wait3A_186 : memref<120x128xf32, #tpu.memory_space<vmem>>) dst(%dma_wait3A_182 : memref<120x128xf32, #tpu.memory_space<vmem_shared>>)
      tpu.yield
    }) : () -> ()
    %dma_wait3A = arith.constant 0 : i32
    %dma_wait3A_101 = arith.constant 0 : i32
    %dma_wait3A_102 = arith.constant 0 : i32
    %dma_wait3A_103 = arith.constant 0 : i32
    %dma_wait3A_104 = tpu.memref_slice %arg6[%dma_wait3A, %dma_wait3A_102, %dma_wait3A_103] : memref<2x8x128xi32, #tpu.memory_space<vmem>> -> memref<1x8x128xi32, #tpu.memory_space<vmem>>
    %dma_wait3A_105 = tpu.memref_squeeze %dma_wait3A_104 : memref<1x8x128xi32, #tpu.memory_space<vmem>> -> memref<8x128xi32, #tpu.memory_space<vmem>>
    %dma_wait3A_106 = arith.constant 0 : i32
    %dma_wait3A_107 = arith.constant 0 : i32
    %dma_wait3A_108 = tpu.memref_slice %arg3[%add3A, %dma_wait3A_106, %dma_wait3A_107] : memref<32x80x128xi32, #tpu.memory_space<hbm>> -> memref<1x8x128xi32, #tpu.memory_space<hbm>>
    %dma_wait3A_109 = tpu.memref_squeeze %dma_wait3A_108 : memref<1x8x128xi32, #tpu.memory_space<hbm>> -> memref<8x128xi32, #tpu.memory_space<hbm>>
    %dma_wait3A_110 = tpu.memref_slice %arg11[%dma_wait3A_101] : memref<2x!tpu.dma_semaphore, #tpu.memory_space<semaphore_mem>> -> memref<1x!tpu.dma_semaphore, #tpu.memory_space<semaphore_mem>>
    %dma_wait3A_111 = tpu.memref_squeeze %dma_wait3A_110 : memref<1x!tpu.dma_semaphore, #tpu.memory_space<semaphore_mem>> -> memref<!tpu.dma_semaphore, #tpu.memory_space<semaphore_mem>>
    %dma_wait3A_112 = arith.constant 0 : i32
    %dma_wait3A_113 = arith.constant 0 : i32
    %dma_wait3A_114 = tpu.memref_slice %arg6[%dma_wait3A, %dma_wait3A_112, %dma_wait3A_113] : memref<2x8x128xi32, #tpu.memory_space<vmem>> -> memref<1x8x128xi32, #tpu.memory_space<vmem>>
    %dma_wait3A_115 = tpu.memref_squeeze %dma_wait3A_114 : memref<1x8x128xi32, #tpu.memory_space<vmem>> -> memref<8x128xi32, #tpu.memory_space<vmem>>
    %dma_wait3A_116 = arith.constant 0 : i32
    %dma_wait3A_117 = arith.constant 0 : i32
    %dma_wait3A_118 = tpu.memref_slice %arg3[%add3A, %dma_wait3A_116, %dma_wait3A_117] : memref<32x80x128xi32, #tpu.memory_space<hbm>> -> memref<1x8x128xi32, #tpu.memory_space<hbm>>
    %dma_wait3A_119 = tpu.memref_squeeze %dma_wait3A_118 : memref<1x8x128xi32, #tpu.memory_space<hbm>> -> memref<8x128xi32, #tpu.memory_space<hbm>>
    tpu.wait_dma2 semaphore(%dma_wait3A_111 : memref<!tpu.dma_semaphore, #tpu.memory_space<semaphore_mem>>) src(%dma_wait3A_119 : memref<8x128xi32, #tpu.memory_space<hbm>>) dst(%dma_wait3A_115 : memref<8x128xi32, #tpu.memory_space<vmem>>)
    %dma_wait3A_120 = arith.constant 0 : i32
    %dma_wait3A_121 = arith.constant 0 : i32
    %dma_wait3A_122 = arith.constant 0 : i32
    %dma_wait3A_123 = arith.constant 0 : i32
    %dma_wait3A_124 = tpu.memref_slice %arg7[%dma_wait3A_120, %dma_wait3A_122, %dma_wait3A_123] : memref<2x8x128xi32, #tpu.memory_space<vmem>> -> memref<1x8x128xi32, #tpu.memory_space<vmem>>
    %dma_wait3A_125 = tpu.memref_squeeze %dma_wait3A_124 : memref<1x8x128xi32, #tpu.memory_space<vmem>> -> memref<8x128xi32, #tpu.memory_space<vmem>>
    %dma_wait3A_126 = arith.constant 0 : i32
    %dma_wait3A_127 = arith.constant 0 : i32
    %dma_wait3A_128 = tpu.memref_slice %arg4[%add3A, %dma_wait3A_126, %dma_wait3A_127] : memref<32x80x128xi32, #tpu.memory_space<hbm>> -> memref<1x8x128xi32, #tpu.memory_space<hbm>>
    %dma_wait3A_129 = tpu.memref_squeeze %dma_wait3A_128 : memref<1x8x128xi32, #tpu.memory_space<hbm>> -> memref<8x128xi32, #tpu.memory_space<hbm>>
    %dma_wait3A_130 = tpu.memref_slice %arg11[%dma_wait3A_121] : memref<2x!tpu.dma_semaphore, #tpu.memory_space<semaphore_mem>> -> memref<1x!tpu.dma_semaphore, #tpu.memory_space<semaphore_mem>>
    %dma_wait3A_131 = tpu.memref_squeeze %dma_wait3A_130 : memref<1x!tpu.dma_semaphore, #tpu.memory_space<semaphore_mem>> -> memref<!tpu.dma_semaphore, #tpu.memory_space<semaphore_mem>>
    %dma_wait3A_132 = arith.constant 0 : i32
    %dma_wait3A_133 = arith.constant 0 : i32
    %dma_wait3A_134 = tpu.memref_slice %arg7[%dma_wait3A_120, %dma_wait3A_132, %dma_wait3A_133] : memref<2x8x128xi32, #tpu.memory_space<vmem>> -> memref<1x8x128xi32, #tpu.memory_space<vmem>>
    %dma_wait3A_135 = tpu.memref_squeeze %dma_wait3A_134 : memref<1x8x128xi32, #tpu.memory_space<vmem>> -> memref<8x128xi32, #tpu.memory_space<vmem>>
    %dma_wait3A_136 = arith.constant 0 : i32
    %dma_wait3A_137 = arith.constant 0 : i32
    %dma_wait3A_138 = tpu.memref_slice %arg4[%add3A, %dma_wait3A_136, %dma_wait3A_137] : memref<32x80x128xi32, #tpu.memory_space<hbm>> -> memref<1x8x128xi32, #tpu.memory_space<hbm>>
    %dma_wait3A_139 = tpu.memref_squeeze %dma_wait3A_138 : memref<1x8x128xi32, #tpu.memory_space<hbm>> -> memref<8x128xi32, #tpu.memory_space<hbm>>
    tpu.wait_dma2 semaphore(%dma_wait3A_131 : memref<!tpu.dma_semaphore, #tpu.memory_space<semaphore_mem>>) src(%dma_wait3A_139 : memref<8x128xi32, #tpu.memory_space<hbm>>) dst(%dma_wait3A_135 : memref<8x128xi32, #tpu.memory_space<vmem>>)
    %barrier3A = arith.constant 0 : index
    tpu.barrier barrier_id(%barrier3A)
    %dma_start3A_140 = arith.constant 0 : i32
    %dma_start3A_141 = arith.constant 0 : i32
    %dma_start3A_142 = arith.constant 0 : i32
    %dma_start3A_143 = arith.constant 0 : i32
    %dma_start3A_144 = arith.constant 0 : i32
    %dma_start3A_145 = arith.constant 0 : i32
    %dma_start3A_146 = tpu.memref_slice %arg8[%dma_start3A_142, %dma_start3A_144, %dma_start3A_145] : memref<2x128x128xf32, #tpu.memory_space<vmem>> -> memref<1x128x128xf32, #tpu.memory_space<vmem>>
    %dma_start3A_147 = tpu.memref_squeeze %dma_start3A_146 : memref<1x128x128xf32, #tpu.memory_space<vmem>> -> memref<128x128xf32, #tpu.memory_space<vmem>>
    %dma_start3A_148 = arith.constant 0 : i32
    %dma_start3A_149 = tpu.memref_slice %arg6[%dma_start3A_140, %dma_start3A_141, %dma_start3A_148] : memref<2x8x128xi32, #tpu.memory_space<vmem>> -> memref<1x1x128xi32, #tpu.memory_space<vmem>>
    %dma_start3A_150 = tpu.memref_squeeze %dma_start3A_149 : memref<1x1x128xi32, #tpu.memory_space<vmem>> -> memref<128xi32, #tpu.memory_space<vmem>>
    %dma_start3A_151 = arith.constant 0 : i32
    %dma_start3A_152 = arith.constant 0 : i32
    %dma_start3A_153 = tpu.memref_slice %arg2[%dma_start3A_151, %dma_start3A_152] : memref<10112x128xf32, #tpu.memory_space<hbm>> -> memref<10112x128xf32, #tpu.memory_space<hbm>>
    %dma_start3A_154 = tpu.memref_slice %arg10[%dma_start3A_143] : memref<2x!tpu.dma_semaphore, #tpu.memory_space<semaphore_mem>> -> memref<1x!tpu.dma_semaphore, #tpu.memory_space<semaphore_mem>>
    %dma_start3A_155 = tpu.memref_squeeze %dma_start3A_154 : memref<1x!tpu.dma_semaphore, #tpu.memory_space<semaphore_mem>> -> memref<!tpu.dma_semaphore, #tpu.memory_space<semaphore_mem>>
    tpu.enqueue_indirect_dma source(%dma_start3A_153 : memref<10112x128xf32, #tpu.memory_space<hbm>>) target(%dma_start3A_147 : memref<128x128xf32, #tpu.memory_space<vmem>>) offsets(%dma_start3A_150 : memref<128xi32, #tpu.memory_space<vmem>>) semaphore(%dma_start3A_155 : memref<!tpu.dma_semaphore, #tpu.memory_space<semaphore_mem>>)
    %scan3A_156 = arith.constant 0 : i32
    %scan3A_157 = arith.constant 5 : i32
    %scan3A_158 = arith.addi %scan3A_156, %scan3A_157 : i32
    %scan3A_159 = arith.constant 1 : i32
    scf.for %scan3A_162 = %scan3A_156 to %scan3A_158 step %scan3A_159  : i32 {
      %mul3A_163 = arith.constant 16 : i32
      %mul3A_164 = arith.muli %scan3A_162, %mul3A_163 : i32
      %add3A_165 = arith.constant 0 : i32
      %add3A_166 = arith.addi %add3A_165, %mul3A_164 : i32
      %dma_wait3A_167 = arith.constant 0 : i32
      %dma_wait3A_168 = arith.constant 0 : i32
      %dma_wait3A_169 = arith.constant 0 : i32
      %dma_wait3A_170 = arith.constant 0 : i32
      %dma_wait3A_171 = arith.constant 0 : i32
      %dma_wait3A_172 = arith.constant 0 : i32
      %dma_wait3A_173 = tpu.memref_slice %arg8[%dma_wait3A_169, %dma_wait3A_171, %dma_wait3A_172] : memref<2x128x128xf32, #tpu.memory_space<vmem>> -> memref<1x128x128xf32, #tpu.memory_space<vmem>>
      %dma_wait3A_174 = tpu.memref_squeeze %dma_wait3A_173 : memref<1x128x128xf32, #tpu.memory_space<vmem>> -> memref<128x128xf32, #tpu.memory_space<vmem>>
      %dma_wait3A_175 = arith.constant 0 : i32
      %dma_wait3A_176 = tpu.memref_slice %arg6[%dma_wait3A_167, %dma_wait3A_168, %dma_wait3A_175] : memref<2x8x128xi32, #tpu.memory_space<vmem>> -> memref<1x1x128xi32, #tpu.memory_space<vmem>>
      %dma_wait3A_177 = tpu.memref_squeeze %dma_wait3A_176 : memref<1x1x128xi32, #tpu.memory_space<vmem>> -> memref<128xi32, #tpu.memory_space<vmem>>
      %dma_wait3A_178 = arith.constant 0 : i32
      %dma_wait3A_179 = arith.constant 0 : i32
      %dma_wait3A_180 = tpu.memref_slice %arg2[%dma_wait3A_178, %dma_wait3A_179] : memref<10112x128xf32, #tpu.memory_space<hbm>> -> memref<10112x128xf32, #tpu.memory_space<hbm>>
      %dma_wait3A_181 = tpu.memref_slice %arg10[%dma_wait3A_170] : memref<2x!tpu.dma_semaphore, #tpu.memory_space<semaphore_mem>> -> memref<1x!tpu.dma_semaphore, #tpu.memory_space<semaphore_mem>>
      %dma_wait3A_182 = tpu.memref_squeeze %dma_wait3A_181 : memref<1x!tpu.dma_semaphore, #tpu.memory_space<semaphore_mem>> -> memref<!tpu.dma_semaphore, #tpu.memory_space<semaphore_mem>>
      tpu.wait_indirect_dma semaphore(%dma_wait3A_182 : memref<!tpu.dma_semaphore, #tpu.memory_space<semaphore_mem>>) src(%dma_wait3A_180 : memref<10112x128xf32, #tpu.memory_space<hbm>>) dst(%dma_wait3A_174 : memref<128x128xf32, #tpu.memory_space<vmem>>)
      %dma_start3A_183 = arith.constant 0 : i32
      %dma_start3A_184 = arith.constant 1 : i32
      %dma_start3A_185 = arith.constant 1 : i32
      %dma_start3A_186 = arith.constant 1 : i32
      %dma_start3A_187 = arith.constant 0 : i32
      %dma_start3A_188 = arith.constant 0 : i32
      %dma_start3A_189 = tpu.memref_slice %arg8[%dma_start3A_185, %dma_start3A_187, %dma_start3A_188] : memref<2x128x128xf32, #tpu.memory_space<vmem>> -> memref<1x128x128xf32, #tpu.memory_space<vmem>>
      %dma_start3A_190 = tpu.memref_squeeze %dma_start3A_189 : memref<1x128x128xf32, #tpu.memory_space<vmem>> -> memref<128x128xf32, #tpu.memory_space<vmem>>
      %dma_start3A_191 = arith.constant 0 : i32
      %dma_start3A_192 = tpu.memref_slice %arg6[%dma_start3A_183, %dma_start3A_184, %dma_start3A_191] : memref<2x8x128xi32, #tpu.memory_space<vmem>> -> memref<1x1x128xi32, #tpu.memory_space<vmem>>
      %dma_start3A_193 = tpu.memref_squeeze %dma_start3A_192 : memref<1x1x128xi32, #tpu.memory_space<vmem>> -> memref<128xi32, #tpu.memory_space<vmem>>
      %dma_start3A_194 = arith.constant 0 : i32
      %dma_start3A_195 = arith.constant 0 : i32
      %dma_start3A_196 = tpu.memref_slice %arg2[%dma_start3A_194, %dma_start3A_195] : memref<10112x128xf32, #tpu.memory_space<hbm>> -> memref<10112x128xf32, #tpu.memory_space<hbm>>
      %dma_start3A_197 = tpu.memref_slice %arg10[%dma_start3A_186] : memref<2x!tpu.dma_semaphore, #tpu.memory_space<semaphore_mem>> -> memref<1x!tpu.dma_semaphore, #tpu.memory_space<semaphore_mem>>
      %dma_start3A_198 = tpu.memref_squeeze %dma_start3A_197 : memref<1x!tpu.dma_semaphore, #tpu.memory_space<semaphore_mem>> -> memref<!tpu.dma_semaphore, #tpu.memory_space<semaphore_mem>>
      tpu.enqueue_indirect_dma source(%dma_start3A_196 : memref<10112x128xf32, #tpu.memory_space<hbm>>) target(%dma_start3A_190 : memref<128x128xf32, #tpu.memory_space<vmem>>) offsets(%dma_start3A_193 : memref<128xi32, #tpu.memory_space<vmem>>) semaphore(%dma_start3A_198 : memref<!tpu.dma_semaphore, #tpu.memory_space<semaphore_mem>>)
      %run_scoped3A_199 = arith.constant 0 : i32
      %run_scoped3A_200 = arith.constant 0 : i32
      %run_scoped3A_201 = arith.constant 0 : i32
      "tpu.region"() ({
        %run_scoped3A_776 = tpu.sem_alloc : memref<!tpu.dma_semaphore, #tpu.memory_space<semaphore_mem>>
        %dma_start3A_777 = arith.constant 0 : i32
        %dma_start3A_778 = arith.constant 0 : i32
        %dma_start3A_779 = tpu.memref_slice %arg8[%run_scoped3A_199, %dma_start3A_777, %dma_start3A_778] : memref<2x128x128xf32, #tpu.memory_space<vmem>> -> memref<1x128x128xf32, #tpu.memory_space<vmem>>
        %dma_start3A_780 = tpu.memref_squeeze %dma_start3A_779 : memref<1x128x128xf32, #tpu.memory_space<vmem>> -> memref<128x128xf32, #tpu.memory_space<vmem>>
        %dma_start3A_781 = arith.constant 0 : i32
        %dma_start3A_782 = tpu.memref_slice %arg7[%run_scoped3A_200, %run_scoped3A_201, %dma_start3A_781] : memref<2x8x128xi32, #tpu.memory_space<vmem>> -> memref<1x1x128xi32, #tpu.memory_space<vmem>>
        %dma_start3A_783 = tpu.memref_squeeze %dma_start3A_782 : memref<1x1x128xi32, #tpu.memory_space<vmem>> -> memref<128xi32, #tpu.memory_space<vmem>>
        %dma_start3A_784 = arith.constant 0 : i32
        %dma_start3A_785 = arith.constant 0 : i32
        %dma_start3A_786 = tpu.memref_slice %arg9[%dma_start3A_784, %dma_start3A_785] : memref<10112x128xf32, #tpu.memory_space<vmem_shared>> -> memref<10112x128xf32, #tpu.memory_space<vmem_shared>>
        tpu.enqueue_indirect_dma source(%dma_start3A_780 : memref<128x128xf32, #tpu.memory_space<vmem>>) target(%dma_start3A_786 : memref<10112x128xf32, #tpu.memory_space<vmem_shared>>) offsets(%dma_start3A_783 : memref<128xi32, #tpu.memory_space<vmem>>) semaphore(%run_scoped3A_776 : memref<!tpu.dma_semaphore, #tpu.memory_space<semaphore_mem>>) {add = true}
        %dma_wait3A_787 = arith.constant 0 : i32
        %dma_wait3A_788 = arith.constant 0 : i32
        %dma_wait3A_789 = tpu.memref_slice %arg8[%run_scoped3A_199, %dma_wait3A_787, %dma_wait3A_788] : memref<2x128x128xf32, #tpu.memory_space<vmem>> -> memref<1x128x128xf32, #tpu.memory_space<vmem>>
        %dma_wait3A_790 = tpu.memref_squeeze %dma_wait3A_789 : memref<1x128x128xf32, #tpu.memory_space<vmem>> -> memref<128x128xf32, #tpu.memory_space<vmem>>
        %dma_wait3A_791 = arith.constant 0 : i32
        %dma_wait3A_792 = tpu.memref_slice %arg7[%run_scoped3A_200, %run_scoped3A_201, %dma_wait3A_791] : memref<2x8x128xi32, #tpu.memory_space<vmem>> -> memref<1x1x128xi32, #tpu.memory_space<vmem>>
        %dma_wait3A_793 = tpu.memref_squeeze %dma_wait3A_792 : memref<1x1x128xi32, #tpu.memory_space<vmem>> -> memref<128xi32, #tpu.memory_space<vmem>>
        %dma_wait3A_794 = arith.constant 0 : i32
        %dma_wait3A_795 = arith.constant 0 : i32
        %dma_wait3A_796 = tpu.memref_slice %arg9[%dma_wait3A_794, %dma_wait3A_795] : memref<10112x128xf32, #tpu.memory_space<vmem_shared>> -> memref<10112x128xf32, #tpu.memory_space<vmem_shared>>
        tpu.wait_indirect_dma semaphore(%run_scoped3A_776 : memref<!tpu.dma_semaphore, #tpu.memory_space<semaphore_mem>>) src(%dma_wait3A_790 : memref<128x128xf32, #tpu.memory_space<vmem>>) dst(%dma_wait3A_796 : memref<10112x128xf32, #tpu.memory_space<vmem_shared>>)
        tpu.yield
      }) : () -> ()
      %dma_wait3A_202 = arith.constant 0 : i32
      %dma_wait3A_203 = arith.constant 1 : i32
      %dma_wait3A_204 = arith.constant 1 : i32
      %dma_wait3A_205 = arith.constant 1 : i32
      %dma_wait3A_206 = arith.constant 0 : i32
      %dma_wait3A_207 = arith.constant 0 : i32
      %dma_wait3A_208 = tpu.memref_slice %arg8[%dma_wait3A_204, %dma_wait3A_206, %dma_wait3A_207] : memref<2x128x128xf32, #tpu.memory_space<vmem>> -> memref<1x128x128xf32, #tpu.memory_space<vmem>>
      %dma_wait3A_209 = tpu.memref_squeeze %dma_wait3A_208 : memref<1x128x128xf32, #tpu.memory_space<vmem>> -> memref<128x128xf32, #tpu.memory_space<vmem>>
      %dma_wait3A_210 = arith.constant 0 : i32
      %dma_wait3A_211 = tpu.memref_slice %arg6[%dma_wait3A_202, %dma_wait3A_203, %dma_wait3A_210] : memref<2x8x128xi32, #tpu.memory_space<vmem>> -> memref<1x1x128xi32, #tpu.memory_space<vmem>>
      %dma_wait3A_212 = tpu.memref_squeeze %dma_wait3A_211 : memref<1x1x128xi32, #tpu.memory_space<vmem>> -> memref<128xi32, #tpu.memory_space<vmem>>
      %dma_wait3A_213 = arith.constant 0 : i32
      %dma_wait3A_214 = arith.constant 0 : i32
      %dma_wait3A_215 = tpu.memref_slice %arg2[%dma_wait3A_213, %dma_wait3A_214] : memref<10112x128xf32, #tpu.memory_space<hbm>> -> memref<10112x128xf32, #tpu.memory_space<hbm>>
      %dma_wait3A_216 = tpu.memref_slice %arg10[%dma_wait3A_205] : memref<2x!tpu.dma_semaphore, #tpu.memory_space<semaphore_mem>> -> memref<1x!tpu.dma_semaphore, #tpu.memory_space<semaphore_mem>>
      %dma_wait3A_217 = tpu.memref_squeeze %dma_wait3A_216 : memref<1x!tpu.dma_semaphore, #tpu.memory_space<semaphore_mem>> -> memref<!tpu.dma_semaphore, #tpu.memory_space<semaphore_mem>>
      tpu.wait_indirect_dma semaphore(%dma_wait3A_217 : memref<!tpu.dma_semaphore, #tpu.memory_space<semaphore_mem>>) src(%dma_wait3A_215 : memref<10112x128xf32, #tpu.memory_space<hbm>>) dst(%dma_wait3A_209 : memref<128x128xf32, #tpu.memory_space<vmem>>)
      %dma_start3A_218 = arith.constant 0 : i32
      %dma_start3A_219 = arith.constant 2 : i32
      %dma_start3A_220 = arith.constant 0 : i32
      %dma_start3A_221 = arith.constant 0 : i32
      %dma_start3A_222 = arith.constant 0 : i32
      %dma_start3A_223 = arith.constant 0 : i32
      %dma_start3A_224 = tpu.memref_slice %arg8[%dma_start3A_220, %dma_start3A_222, %dma_start3A_223] : memref<2x128x128xf32, #tpu.memory_space<vmem>> -> memref<1x128x128xf32, #tpu.memory_space<vmem>>
      %dma_start3A_225 = tpu.memref_squeeze %dma_start3A_224 : memref<1x128x128xf32, #tpu.memory_space<vmem>> -> memref<128x128xf32, #tpu.memory_space<vmem>>
      %dma_start3A_226 = arith.constant 0 : i32
      %dma_start3A_227 = tpu.memref_slice %arg6[%dma_start3A_218, %dma_start3A_219, %dma_start3A_226] : memref<2x8x128xi32, #tpu.memory_space<vmem>> -> memref<1x1x128xi32, #tpu.memory_space<vmem>>
      %dma_start3A_228 = tpu.memref_squeeze %dma_start3A_227 : memref<1x1x128xi32, #tpu.memory_space<vmem>> -> memref<128xi32, #tpu.memory_space<vmem>>
      %dma_start3A_229 = arith.constant 0 : i32
      %dma_start3A_230 = arith.constant 0 : i32
      %dma_start3A_231 = tpu.memref_slice %arg2[%dma_start3A_229, %dma_start3A_230] : memref<10112x128xf32, #tpu.memory_space<hbm>> -> memref<10112x128xf32, #tpu.memory_space<hbm>>
      %dma_start3A_232 = tpu.memref_slice %arg10[%dma_start3A_221] : memref<2x!tpu.dma_semaphore, #tpu.memory_space<semaphore_mem>> -> memref<1x!tpu.dma_semaphore, #tpu.memory_space<semaphore_mem>>
      %dma_start3A_233 = tpu.memref_squeeze %dma_start3A_232 : memref<1x!tpu.dma_semaphore, #tpu.memory_space<semaphore_mem>> -> memref<!tpu.dma_semaphore, #tpu.memory_space<semaphore_mem>>
      tpu.enqueue_indirect_dma source(%dma_start3A_231 : memref<10112x128xf32, #tpu.memory_space<hbm>>) target(%dma_start3A_225 : memref<128x128xf32, #tpu.memory_space<vmem>>) offsets(%dma_start3A_228 : memref<128xi32, #tpu.memory_space<vmem>>) semaphore(%dma_start3A_233 : memref<!tpu.dma_semaphore, #tpu.memory_space<semaphore_mem>>)
      %run_scoped3A_234 = arith.constant 1 : i32
      %run_scoped3A_235 = arith.constant 0 : i32
      %run_scoped3A_236 = arith.constant 1 : i32
      "tpu.region"() ({
        %run_scoped3A_776 = tpu.sem_alloc : memref<!tpu.dma_semaphore, #tpu.memory_space<semaphore_mem>>
        %dma_start3A_777 = arith.constant 0 : i32
        %dma_start3A_778 = arith.constant 0 : i32
        %dma_start3A_779 = tpu.memref_slice %arg8[%run_scoped3A_234, %dma_start3A_777, %dma_start3A_778] : memref<2x128x128xf32, #tpu.memory_space<vmem>> -> memref<1x128x128xf32, #tpu.memory_space<vmem>>
        %dma_start3A_780 = tpu.memref_squeeze %dma_start3A_779 : memref<1x128x128xf32, #tpu.memory_space<vmem>> -> memref<128x128xf32, #tpu.memory_space<vmem>>
        %dma_start3A_781 = arith.constant 0 : i32
        %dma_start3A_782 = tpu.memref_slice %arg7[%run_scoped3A_235, %run_scoped3A_236, %dma_start3A_781] : memref<2x8x128xi32, #tpu.memory_space<vmem>> -> memref<1x1x128xi32, #tpu.memory_space<vmem>>
        %dma_start3A_783 = tpu.memref_squeeze %dma_start3A_782 : memref<1x1x128xi32, #tpu.memory_space<vmem>> -> memref<128xi32, #tpu.memory_space<vmem>>
        %dma_start3A_784 = arith.constant 0 : i32
        %dma_start3A_785 = arith.constant 0 : i32
        %dma_start3A_786 = tpu.memref_slice %arg9[%dma_start3A_784, %dma_start3A_785] : memref<10112x128xf32, #tpu.memory_space<vmem_shared>> -> memref<10112x128xf32, #tpu.memory_space<vmem_shared>>
        tpu.enqueue_indirect_dma source(%dma_start3A_780 : memref<128x128xf32, #tpu.memory_space<vmem>>) target(%dma_start3A_786 : memref<10112x128xf32, #tpu.memory_space<vmem_shared>>) offsets(%dma_start3A_783 : memref<128xi32, #tpu.memory_space<vmem>>) semaphore(%run_scoped3A_776 : memref<!tpu.dma_semaphore, #tpu.memory_space<semaphore_mem>>) {add = true}
        %dma_wait3A_787 = arith.constant 0 : i32
        %dma_wait3A_788 = arith.constant 0 : i32
        %dma_wait3A_789 = tpu.memref_slice %arg8[%run_scoped3A_234, %dma_wait3A_787, %dma_wait3A_788] : memref<2x128x128xf32, #tpu.memory_space<vmem>> -> memref<1x128x128xf32, #tpu.memory_space<vmem>>
        %dma_wait3A_790 = tpu.memref_squeeze %dma_wait3A_789 : memref<1x128x128xf32, #tpu.memory_space<vmem>> -> memref<128x128xf32, #tpu.memory_space<vmem>>
        %dma_wait3A_791 = arith.constant 0 : i32
        %dma_wait3A_792 = tpu.memref_slice %arg7[%run_scoped3A_235, %run_scoped3A_236, %dma_wait3A_791] : memref<2x8x128xi32, #tpu.memory_space<vmem>> -> memref<1x1x128xi32, #tpu.memory_space<vmem>>
        %dma_wait3A_793 = tpu.memref_squeeze %dma_wait3A_792 : memref<1x1x128xi32, #tpu.memory_space<vmem>> -> memref<128xi32, #tpu.memory_space<vmem>>
        %dma_wait3A_794 = arith.constant 0 : i32
        %dma_wait3A_795 = arith.constant 0 : i32
        %dma_wait3A_796 = tpu.memref_slice %arg9[%dma_wait3A_794, %dma_wait3A_795] : memref<10112x128xf32, #tpu.memory_space<vmem_shared>> -> memref<10112x128xf32, #tpu.memory_space<vmem_shared>>
        tpu.wait_indirect_dma semaphore(%run_scoped3A_776 : memref<!tpu.dma_semaphore, #tpu.memory_space<semaphore_mem>>) src(%dma_wait3A_790 : memref<128x128xf32, #tpu.memory_space<vmem>>) dst(%dma_wait3A_796 : memref<10112x128xf32, #tpu.memory_space<vmem_shared>>)
        tpu.yield
      }) : () -> ()
      %dma_wait3A_237 = arith.constant 0 : i32
      %dma_wait3A_238 = arith.constant 2 : i32
      %dma_wait3A_239 = arith.constant 0 : i32
      %dma_wait3A_240 = arith.constant 0 : i32
      %dma_wait3A_241 = arith.constant 0 : i32
      %dma_wait3A_242 = arith.constant 0 : i32
      %dma_wait3A_243 = tpu.memref_slice %arg8[%dma_wait3A_239, %dma_wait3A_241, %dma_wait3A_242] : memref<2x128x128xf32, #tpu.memory_space<vmem>> -> memref<1x128x128xf32, #tpu.memory_space<vmem>>
      %dma_wait3A_244 = tpu.memref_squeeze %dma_wait3A_243 : memref<1x128x128xf32, #tpu.memory_space<vmem>> -> memref<128x128xf32, #tpu.memory_space<vmem>>
      %dma_wait3A_245 = arith.constant 0 : i32
      %dma_wait3A_246 = tpu.memref_slice %arg6[%dma_wait3A_237, %dma_wait3A_238, %dma_wait3A_245] : memref<2x8x128xi32, #tpu.memory_space<vmem>> -> memref<1x1x128xi32, #tpu.memory_space<vmem>>
      %dma_wait3A_247 = tpu.memref_squeeze %dma_wait3A_246 : memref<1x1x128xi32, #tpu.memory_space<vmem>> -> memref<128xi32, #tpu.memory_space<vmem>>
      %dma_wait3A_248 = arith.constant 0 : i32
      %dma_wait3A_249 = arith.constant 0 : i32
      %dma_wait3A_250 = tpu.memref_slice %arg2[%dma_wait3A_248, %dma_wait3A_249] : memref<10112x128xf32, #tpu.memory_space<hbm>> -> memref<10112x128xf32, #tpu.memory_space<hbm>>
      %dma_wait3A_251 = tpu.memref_slice %arg10[%dma_wait3A_240] : memref<2x!tpu.dma_semaphore, #tpu.memory_space<semaphore_mem>> -> memref<1x!tpu.dma_semaphore, #tpu.memory_space<semaphore_mem>>
      %dma_wait3A_252 = tpu.memref_squeeze %dma_wait3A_251 : memref<1x!tpu.dma_semaphore, #tpu.memory_space<semaphore_mem>> -> memref<!tpu.dma_semaphore, #tpu.memory_space<semaphore_mem>>
      tpu.wait_indirect_dma semaphore(%dma_wait3A_252 : memref<!tpu.dma_semaphore, #tpu.memory_space<semaphore_mem>>) src(%dma_wait3A_250 : memref<10112x128xf32, #tpu.memory_space<hbm>>) dst(%dma_wait3A_244 : memref<128x128xf32, #tpu.memory_space<vmem>>)
      %dma_start3A_253 = arith.constant 0 : i32
      %dma_start3A_254 = arith.constant 3 : i32
      %dma_start3A_255 = arith.constant 1 : i32
      %dma_start3A_256 = arith.constant 1 : i32
      %dma_start3A_257 = arith.constant 0 : i32
      %dma_start3A_258 = arith.constant 0 : i32
      %dma_start3A_259 = tpu.memref_slice %arg8[%dma_start3A_255, %dma_start3A_257, %dma_start3A_258] : memref<2x128x128xf32, #tpu.memory_space<vmem>> -> memref<1x128x128xf32, #tpu.memory_space<vmem>>
      %dma_start3A_260 = tpu.memref_squeeze %dma_start3A_259 : memref<1x128x128xf32, #tpu.memory_space<vmem>> -> memref<128x128xf32, #tpu.memory_space<vmem>>
      %dma_start3A_261 = arith.constant 0 : i32
      %dma_start3A_262 = tpu.memref_slice %arg6[%dma_start3A_253, %dma_start3A_254, %dma_start3A_261] : memref<2x8x128xi32, #tpu.memory_space<vmem>> -> memref<1x1x128xi32, #tpu.memory_space<vmem>>
      %dma_start3A_263 = tpu.memref_squeeze %dma_start3A_262 : memref<1x1x128xi32, #tpu.memory_space<vmem>> -> memref<128xi32, #tpu.memory_space<vmem>>
      %dma_start3A_264 = arith.constant 0 : i32
      %dma_start3A_265 = arith.constant 0 : i32
      %dma_start3A_266 = tpu.memref_slice %arg2[%dma_start3A_264, %dma_start3A_265] : memref<10112x128xf32, #tpu.memory_space<hbm>> -> memref<10112x128xf32, #tpu.memory_space<hbm>>
      %dma_start3A_267 = tpu.memref_slice %arg10[%dma_start3A_256] : memref<2x!tpu.dma_semaphore, #tpu.memory_space<semaphore_mem>> -> memref<1x!tpu.dma_semaphore, #tpu.memory_space<semaphore_mem>>
      %dma_start3A_268 = tpu.memref_squeeze %dma_start3A_267 : memref<1x!tpu.dma_semaphore, #tpu.memory_space<semaphore_mem>> -> memref<!tpu.dma_semaphore, #tpu.memory_space<semaphore_mem>>
      tpu.enqueue_indirect_dma source(%dma_start3A_266 : memref<10112x128xf32, #tpu.memory_space<hbm>>) target(%dma_start3A_260 : memref<128x128xf32, #tpu.memory_space<vmem>>) offsets(%dma_start3A_263 : memref<128xi32, #tpu.memory_space<vmem>>) semaphore(%dma_start3A_268 : memref<!tpu.dma_semaphore, #tpu.memory_space<semaphore_mem>>)
      %run_scoped3A_269 = arith.constant 0 : i32
      %run_scoped3A_270 = arith.constant 0 : i32
      %run_scoped3A_271 = arith.constant 2 : i32
      "tpu.region"() ({
        %run_scoped3A_776 = tpu.sem_alloc : memref<!tpu.dma_semaphore, #tpu.memory_space<semaphore_mem>>
        %dma_start3A_777 = arith.constant 0 : i32
        %dma_start3A_778 = arith.constant 0 : i32
        %dma_start3A_779 = tpu.memref_slice %arg8[%run_scoped3A_269, %dma_start3A_777, %dma_start3A_778] : memref<2x128x128xf32, #tpu.memory_space<vmem>> -> memref<1x128x128xf32, #tpu.memory_space<vmem>>
        %dma_start3A_780 = tpu.memref_squeeze %dma_start3A_779 : memref<1x128x128xf32, #tpu.memory_space<vmem>> -> memref<128x128xf32, #tpu.memory_space<vmem>>
        %dma_start3A_781 = arith.constant 0 : i32
        %dma_start3A_782 = tpu.memref_slice %arg7[%run_scoped3A_270, %run_scoped3A_271, %dma_start3A_781] : memref<2x8x128xi32, #tpu.memory_space<vmem>> -> memref<1x1x128xi32, #tpu.memory_space<vmem>>
        %dma_start3A_783 = tpu.memref_squeeze %dma_start3A_782 : memref<1x1x128xi32, #tpu.memory_space<vmem>> -> memref<128xi32, #tpu.memory_space<vmem>>
        %dma_start3A_784 = arith.constant 0 : i32
        %dma_start3A_785 = arith.constant 0 : i32
        %dma_start3A_786 = tpu.memref_slice %arg9[%dma_start3A_784, %dma_start3A_785] : memref<10112x128xf32, #tpu.memory_space<vmem_shared>> -> memref<10112x128xf32, #tpu.memory_space<vmem_shared>>
        tpu.enqueue_indirect_dma source(%dma_start3A_780 : memref<128x128xf32, #tpu.memory_space<vmem>>) target(%dma_start3A_786 : memref<10112x128xf32, #tpu.memory_space<vmem_shared>>) offsets(%dma_start3A_783 : memref<128xi32, #tpu.memory_space<vmem>>) semaphore(%run_scoped3A_776 : memref<!tpu.dma_semaphore, #tpu.memory_space<semaphore_mem>>) {add = true}
        %dma_wait3A_787 = arith.constant 0 : i32
        %dma_wait3A_788 = arith.constant 0 : i32
        %dma_wait3A_789 = tpu.memref_slice %arg8[%run_scoped3A_269, %dma_wait3A_787, %dma_wait3A_788] : memref<2x128x128xf32, #tpu.memory_space<vmem>> -> memref<1x128x128xf32, #tpu.memory_space<vmem>>
        %dma_wait3A_790 = tpu.memref_squeeze %dma_wait3A_789 : memref<1x128x128xf32, #tpu.memory_space<vmem>> -> memref<128x128xf32, #tpu.memory_space<vmem>>
        %dma_wait3A_791 = arith.constant 0 : i32
        %dma_wait3A_792 = tpu.memref_slice %arg7[%run_scoped3A_270, %run_scoped3A_271, %dma_wait3A_791] : memref<2x8x128xi32, #tpu.memory_space<vmem>> -> memref<1x1x128xi32, #tpu.memory_space<vmem>>
        %dma_wait3A_793 = tpu.memref_squeeze %dma_wait3A_792 : memref<1x1x128xi32, #tpu.memory_space<vmem>> -> memref<128xi32, #tpu.memory_space<vmem>>
        %dma_wait3A_794 = arith.constant 0 : i32
        %dma_wait3A_795 = arith.constant 0 : i32
        %dma_wait3A_796 = tpu.memref_slice %arg9[%dma_wait3A_794, %dma_wait3A_795] : memref<10112x128xf32, #tpu.memory_space<vmem_shared>> -> memref<10112x128xf32, #tpu.memory_space<vmem_shared>>
        tpu.wait_indirect_dma semaphore(%run_scoped3A_776 : memref<!tpu.dma_semaphore, #tpu.memory_space<semaphore_mem>>) src(%dma_wait3A_790 : memref<128x128xf32, #tpu.memory_space<vmem>>) dst(%dma_wait3A_796 : memref<10112x128xf32, #tpu.memory_space<vmem_shared>>)
        tpu.yield
      }) : () -> ()
      %dma_wait3A_272 = arith.constant 0 : i32
      %dma_wait3A_273 = arith.constant 3 : i32
      %dma_wait3A_274 = arith.constant 1 : i32
      %dma_wait3A_275 = arith.constant 1 : i32
      %dma_wait3A_276 = arith.constant 0 : i32
      %dma_wait3A_277 = arith.constant 0 : i32
      %dma_wait3A_278 = tpu.memref_slice %arg8[%dma_wait3A_274, %dma_wait3A_276, %dma_wait3A_277] : memref<2x128x128xf32, #tpu.memory_space<vmem>> -> memref<1x128x128xf32, #tpu.memory_space<vmem>>
      %dma_wait3A_279 = tpu.memref_squeeze %dma_wait3A_278 : memref<1x128x128xf32, #tpu.memory_space<vmem>> -> memref<128x128xf32, #tpu.memory_space<vmem>>
      %dma_wait3A_280 = arith.constant 0 : i32
      %dma_wait3A_281 = tpu.memref_slice %arg6[%dma_wait3A_272, %dma_wait3A_273, %dma_wait3A_280] : memref<2x8x128xi32, #tpu.memory_space<vmem>> -> memref<1x1x128xi32, #tpu.memory_space<vmem>>
      %dma_wait3A_282 = tpu.memref_squeeze %dma_wait3A_281 : memref<1x1x128xi32, #tpu.memory_space<vmem>> -> memref<128xi32, #tpu.memory_space<vmem>>
      %dma_wait3A_283 = arith.constant 0 : i32
      %dma_wait3A_284 = arith.constant 0 : i32
      %dma_wait3A_285 = tpu.memref_slice %arg2[%dma_wait3A_283, %dma_wait3A_284] : memref<10112x128xf32, #tpu.memory_space<hbm>> -> memref<10112x128xf32, #tpu.memory_space<hbm>>
      %dma_wait3A_286 = tpu.memref_slice %arg10[%dma_wait3A_275] : memref<2x!tpu.dma_semaphore, #tpu.memory_space<semaphore_mem>> -> memref<1x!tpu.dma_semaphore, #tpu.memory_space<semaphore_mem>>
      %dma_wait3A_287 = tpu.memref_squeeze %dma_wait3A_286 : memref<1x!tpu.dma_semaphore, #tpu.memory_space<semaphore_mem>> -> memref<!tpu.dma_semaphore, #tpu.memory_space<semaphore_mem>>
      tpu.wait_indirect_dma semaphore(%dma_wait3A_287 : memref<!tpu.dma_semaphore, #tpu.memory_space<semaphore_mem>>) src(%dma_wait3A_285 : memref<10112x128xf32, #tpu.memory_space<hbm>>) dst(%dma_wait3A_279 : memref<128x128xf32, #tpu.memory_space<vmem>>)
      %dma_start3A_288 = arith.constant 0 : i32
      %dma_start3A_289 = arith.constant 4 : i32
      %dma_start3A_290 = arith.constant 0 : i32
      %dma_start3A_291 = arith.constant 0 : i32
      %dma_start3A_292 = arith.constant 0 : i32
      %dma_start3A_293 = arith.constant 0 : i32
      %dma_start3A_294 = tpu.memref_slice %arg8[%dma_start3A_290, %dma_start3A_292, %dma_start3A_293] : memref<2x128x128xf32, #tpu.memory_space<vmem>> -> memref<1x128x128xf32, #tpu.memory_space<vmem>>
      %dma_start3A_295 = tpu.memref_squeeze %dma_start3A_294 : memref<1x128x128xf32, #tpu.memory_space<vmem>> -> memref<128x128xf32, #tpu.memory_space<vmem>>
      %dma_start3A_296 = arith.constant 0 : i32
      %dma_start3A_297 = tpu.memref_slice %arg6[%dma_start3A_288, %dma_start3A_289, %dma_start3A_296] : memref<2x8x128xi32, #tpu.memory_space<vmem>> -> memref<1x1x128xi32, #tpu.memory_space<vmem>>
      %dma_start3A_298 = tpu.memref_squeeze %dma_start3A_297 : memref<1x1x128xi32, #tpu.memory_space<vmem>> -> memref<128xi32, #tpu.memory_space<vmem>>
      %dma_start3A_299 = arith.constant 0 : i32
      %dma_start3A_300 = arith.constant 0 : i32
      %dma_start3A_301 = tpu.memref_slice %arg2[%dma_start3A_299, %dma_start3A_300] : memref<10112x128xf32, #tpu.memory_space<hbm>> -> memref<10112x128xf32, #tpu.memory_space<hbm>>
      %dma_start3A_302 = tpu.memref_slice %arg10[%dma_start3A_291] : memref<2x!tpu.dma_semaphore, #tpu.memory_space<semaphore_mem>> -> memref<1x!tpu.dma_semaphore, #tpu.memory_space<semaphore_mem>>
      %dma_start3A_303 = tpu.memref_squeeze %dma_start3A_302 : memref<1x!tpu.dma_semaphore, #tpu.memory_space<semaphore_mem>> -> memref<!tpu.dma_semaphore, #tpu.memory_space<semaphore_mem>>
      tpu.enqueue_indirect_dma source(%dma_start3A_301 : memref<10112x128xf32, #tpu.memory_space<hbm>>) target(%dma_start3A_295 : memref<128x128xf32, #tpu.memory_space<vmem>>) offsets(%dma_start3A_298 : memref<128xi32, #tpu.memory_space<vmem>>) semaphore(%dma_start3A_303 : memref<!tpu.dma_semaphore, #tpu.memory_space<semaphore_mem>>)
      %run_scoped3A_304 = arith.constant 1 : i32
      %run_scoped3A_305 = arith.constant 0 : i32
      %run_scoped3A_306 = arith.constant 3 : i32
      "tpu.region"() ({
        %run_scoped3A_776 = tpu.sem_alloc : memref<!tpu.dma_semaphore, #tpu.memory_space<semaphore_mem>>
        %dma_start3A_777 = arith.constant 0 : i32
        %dma_start3A_778 = arith.constant 0 : i32
        %dma_start3A_779 = tpu.memref_slice %arg8[%run_scoped3A_304, %dma_start3A_777, %dma_start3A_778] : memref<2x128x128xf32, #tpu.memory_space<vmem>> -> memref<1x128x128xf32, #tpu.memory_space<vmem>>
        %dma_start3A_780 = tpu.memref_squeeze %dma_start3A_779 : memref<1x128x128xf32, #tpu.memory_space<vmem>> -> memref<128x128xf32, #tpu.memory_space<vmem>>
        %dma_start3A_781 = arith.constant 0 : i32
        %dma_start3A_782 = tpu.memref_slice %arg7[%run_scoped3A_305, %run_scoped3A_306, %dma_start3A_781] : memref<2x8x128xi32, #tpu.memory_space<vmem>> -> memref<1x1x128xi32, #tpu.memory_space<vmem>>
        %dma_start3A_783 = tpu.memref_squeeze %dma_start3A_782 : memref<1x1x128xi32, #tpu.memory_space<vmem>> -> memref<128xi32, #tpu.memory_space<vmem>>
        %dma_start3A_784 = arith.constant 0 : i32
        %dma_start3A_785 = arith.constant 0 : i32
        %dma_start3A_786 = tpu.memref_slice %arg9[%dma_start3A_784, %dma_start3A_785] : memref<10112x128xf32, #tpu.memory_space<vmem_shared>> -> memref<10112x128xf32, #tpu.memory_space<vmem_shared>>
        tpu.enqueue_indirect_dma source(%dma_start3A_780 : memref<128x128xf32, #tpu.memory_space<vmem>>) target(%dma_start3A_786 : memref<10112x128xf32, #tpu.memory_space<vmem_shared>>) offsets(%dma_start3A_783 : memref<128xi32, #tpu.memory_space<vmem>>) semaphore(%run_scoped3A_776 : memref<!tpu.dma_semaphore, #tpu.memory_space<semaphore_mem>>) {add = true}
        %dma_wait3A_787 = arith.constant 0 : i32
        %dma_wait3A_788 = arith.constant 0 : i32
        %dma_wait3A_789 = tpu.memref_slice %arg8[%run_scoped3A_304, %dma_wait3A_787, %dma_wait3A_788] : memref<2x128x128xf32, #tpu.memory_space<vmem>> -> memref<1x128x128xf32, #tpu.memory_space<vmem>>
        %dma_wait3A_790 = tpu.memref_squeeze %dma_wait3A_789 : memref<1x128x128xf32, #tpu.memory_space<vmem>> -> memref<128x128xf32, #tpu.memory_space<vmem>>
        %dma_wait3A_791 = arith.constant 0 : i32
        %dma_wait3A_792 = tpu.memref_slice %arg7[%run_scoped3A_305, %run_scoped3A_306, %dma_wait3A_791] : memref<2x8x128xi32, #tpu.memory_space<vmem>> -> memref<1x1x128xi32, #tpu.memory_space<vmem>>
        %dma_wait3A_793 = tpu.memref_squeeze %dma_wait3A_792 : memref<1x1x128xi32, #tpu.memory_space<vmem>> -> memref<128xi32, #tpu.memory_space<vmem>>
        %dma_wait3A_794 = arith.constant 0 : i32
        %dma_wait3A_795 = arith.constant 0 : i32
        %dma_wait3A_796 = tpu.memref_slice %arg9[%dma_wait3A_794, %dma_wait3A_795] : memref<10112x128xf32, #tpu.memory_space<vmem_shared>> -> memref<10112x128xf32, #tpu.memory_space<vmem_shared>>
        tpu.wait_indirect_dma semaphore(%run_scoped3A_776 : memref<!tpu.dma_semaphore, #tpu.memory_space<semaphore_mem>>) src(%dma_wait3A_790 : memref<128x128xf32, #tpu.memory_space<vmem>>) dst(%dma_wait3A_796 : memref<10112x128xf32, #tpu.memory_space<vmem_shared>>)
        tpu.yield
      }) : () -> ()
      %dma_wait3A_307 = arith.constant 0 : i32
      %dma_wait3A_308 = arith.constant 4 : i32
      %dma_wait3A_309 = arith.constant 0 : i32
      %dma_wait3A_310 = arith.constant 0 : i32
      %dma_wait3A_311 = arith.constant 0 : i32
      %dma_wait3A_312 = arith.constant 0 : i32
      %dma_wait3A_313 = tpu.memref_slice %arg8[%dma_wait3A_309, %dma_wait3A_311, %dma_wait3A_312] : memref<2x128x128xf32, #tpu.memory_space<vmem>> -> memref<1x128x128xf32, #tpu.memory_space<vmem>>
      %dma_wait3A_314 = tpu.memref_squeeze %dma_wait3A_313 : memref<1x128x128xf32, #tpu.memory_space<vmem>> -> memref<128x128xf32, #tpu.memory_space<vmem>>
      %dma_wait3A_315 = arith.constant 0 : i32
      %dma_wait3A_316 = tpu.memref_slice %arg6[%dma_wait3A_307, %dma_wait3A_308, %dma_wait3A_315] : memref<2x8x128xi32, #tpu.memory_space<vmem>> -> memref<1x1x128xi32, #tpu.memory_space<vmem>>
      %dma_wait3A_317 = tpu.memref_squeeze %dma_wait3A_316 : memref<1x1x128xi32, #tpu.memory_space<vmem>> -> memref<128xi32, #tpu.memory_space<vmem>>
      %dma_wait3A_318 = arith.constant 0 : i32
      %dma_wait3A_319 = arith.constant 0 : i32
      %dma_wait3A_320 = tpu.memref_slice %arg2[%dma_wait3A_318, %dma_wait3A_319] : memref<10112x128xf32, #tpu.memory_space<hbm>> -> memref<10112x128xf32, #tpu.memory_space<hbm>>
      %dma_wait3A_321 = tpu.memref_slice %arg10[%dma_wait3A_310] : memref<2x!tpu.dma_semaphore, #tpu.memory_space<semaphore_mem>> -> memref<1x!tpu.dma_semaphore, #tpu.memory_space<semaphore_mem>>
      %dma_wait3A_322 = tpu.memref_squeeze %dma_wait3A_321 : memref<1x!tpu.dma_semaphore, #tpu.memory_space<semaphore_mem>> -> memref<!tpu.dma_semaphore, #tpu.memory_space<semaphore_mem>>
      tpu.wait_indirect_dma semaphore(%dma_wait3A_322 : memref<!tpu.dma_semaphore, #tpu.memory_space<semaphore_mem>>) src(%dma_wait3A_320 : memref<10112x128xf32, #tpu.memory_space<hbm>>) dst(%dma_wait3A_314 : memref<128x128xf32, #tpu.memory_space<vmem>>)
      %dma_start3A_323 = arith.constant 0 : i32
      %dma_start3A_324 = arith.constant 5 : i32
      %dma_start3A_325 = arith.constant 1 : i32
      %dma_start3A_326 = arith.constant 1 : i32
      %dma_start3A_327 = arith.constant 0 : i32
      %dma_start3A_328 = arith.constant 0 : i32
      %dma_start3A_329 = tpu.memref_slice %arg8[%dma_start3A_325, %dma_start3A_327, %dma_start3A_328] : memref<2x128x128xf32, #tpu.memory_space<vmem>> -> memref<1x128x128xf32, #tpu.memory_space<vmem>>
      %dma_start3A_330 = tpu.memref_squeeze %dma_start3A_329 : memref<1x128x128xf32, #tpu.memory_space<vmem>> -> memref<128x128xf32, #tpu.memory_space<vmem>>
      %dma_start3A_331 = arith.constant 0 : i32
      %dma_start3A_332 = tpu.memref_slice %arg6[%dma_start3A_323, %dma_start3A_324, %dma_start3A_331] : memref<2x8x128xi32, #tpu.memory_space<vmem>> -> memref<1x1x128xi32, #tpu.memory_space<vmem>>
      %dma_start3A_333 = tpu.memref_squeeze %dma_start3A_332 : memref<1x1x128xi32, #tpu.memory_space<vmem>> -> memref<128xi32, #tpu.memory_space<vmem>>
      %dma_start3A_334 = arith.constant 0 : i32
      %dma_start3A_335 = arith.constant 0 : i32
      %dma_start3A_336 = tpu.memref_slice %arg2[%dma_start3A_334, %dma_start3A_335] : memref<10112x128xf32, #tpu.memory_space<hbm>> -> memref<10112x128xf32, #tpu.memory_space<hbm>>
      %dma_start3A_337 = tpu.memref_slice %arg10[%dma_start3A_326] : memref<2x!tpu.dma_semaphore, #tpu.memory_space<semaphore_mem>> -> memref<1x!tpu.dma_semaphore, #tpu.memory_space<semaphore_mem>>
      %dma_start3A_338 = tpu.memref_squeeze %dma_start3A_337 : memref<1x!tpu.dma_semaphore, #tpu.memory_space<semaphore_mem>> -> memref<!tpu.dma_semaphore, #tpu.memory_space<semaphore_mem>>
      tpu.enqueue_indirect_dma source(%dma_start3A_336 : memref<10112x128xf32, #tpu.memory_space<hbm>>) target(%dma_start3A_330 : memref<128x128xf32, #tpu.memory_space<vmem>>) offsets(%dma_start3A_333 : memref<128xi32, #tpu.memory_space<vmem>>) semaphore(%dma_start3A_338 : memref<!tpu.dma_semaphore, #tpu.memory_space<semaphore_mem>>)
      %run_scoped3A_339 = arith.constant 0 : i32
      %run_scoped3A_340 = arith.constant 0 : i32
      %run_scoped3A_341 = arith.constant 4 : i32
      "tpu.region"() ({
        %run_scoped3A_776 = tpu.sem_alloc : memref<!tpu.dma_semaphore, #tpu.memory_space<semaphore_mem>>
        %dma_start3A_777 = arith.constant 0 : i32
        %dma_start3A_778 = arith.constant 0 : i32
        %dma_start3A_779 = tpu.memref_slice %arg8[%run_scoped3A_339, %dma_start3A_777, %dma_start3A_778] : memref<2x128x128xf32, #tpu.memory_space<vmem>> -> memref<1x128x128xf32, #tpu.memory_space<vmem>>
        %dma_start3A_780 = tpu.memref_squeeze %dma_start3A_779 : memref<1x128x128xf32, #tpu.memory_space<vmem>> -> memref<128x128xf32, #tpu.memory_space<vmem>>
        %dma_start3A_781 = arith.constant 0 : i32
        %dma_start3A_782 = tpu.memref_slice %arg7[%run_scoped3A_340, %run_scoped3A_341, %dma_start3A_781] : memref<2x8x128xi32, #tpu.memory_space<vmem>> -> memref<1x1x128xi32, #tpu.memory_space<vmem>>
        %dma_start3A_783 = tpu.memref_squeeze %dma_start3A_782 : memref<1x1x128xi32, #tpu.memory_space<vmem>> -> memref<128xi32, #tpu.memory_space<vmem>>
        %dma_start3A_784 = arith.constant 0 : i32
        %dma_start3A_785 = arith.constant 0 : i32
        %dma_start3A_786 = tpu.memref_slice %arg9[%dma_start3A_784, %dma_start3A_785] : memref<10112x128xf32, #tpu.memory_space<vmem_shared>> -> memref<10112x128xf32, #tpu.memory_space<vmem_shared>>
        tpu.enqueue_indirect_dma source(%dma_start3A_780 : memref<128x128xf32, #tpu.memory_space<vmem>>) target(%dma_start3A_786 : memref<10112x128xf32, #tpu.memory_space<vmem_shared>>) offsets(%dma_start3A_783 : memref<128xi32, #tpu.memory_space<vmem>>) semaphore(%run_scoped3A_776 : memref<!tpu.dma_semaphore, #tpu.memory_space<semaphore_mem>>) {add = true}
        %dma_wait3A_787 = arith.constant 0 : i32
        %dma_wait3A_788 = arith.constant 0 : i32
        %dma_wait3A_789 = tpu.memref_slice %arg8[%run_scoped3A_339, %dma_wait3A_787, %dma_wait3A_788] : memref<2x128x128xf32, #tpu.memory_space<vmem>> -> memref<1x128x128xf32, #tpu.memory_space<vmem>>
        %dma_wait3A_790 = tpu.memref_squeeze %dma_wait3A_789 : memref<1x128x128xf32, #tpu.memory_space<vmem>> -> memref<128x128xf32, #tpu.memory_space<vmem>>
        %dma_wait3A_791 = arith.constant 0 : i32
        %dma_wait3A_792 = tpu.memref_slice %arg7[%run_scoped3A_340, %run_scoped3A_341, %dma_wait3A_791] : memref<2x8x128xi32, #tpu.memory_space<vmem>> -> memref<1x1x128xi32, #tpu.memory_space<vmem>>
        %dma_wait3A_793 = tpu.memref_squeeze %dma_wait3A_792 : memref<1x1x128xi32, #tpu.memory_space<vmem>> -> memref<128xi32, #tpu.memory_space<vmem>>
        %dma_wait3A_794 = arith.constant 0 : i32
        %dma_wait3A_795 = arith.constant 0 : i32
        %dma_wait3A_796 = tpu.memref_slice %arg9[%dma_wait3A_794, %dma_wait3A_795] : memref<10112x128xf32, #tpu.memory_space<vmem_shared>> -> memref<10112x128xf32, #tpu.memory_space<vmem_shared>>
        tpu.wait_indirect_dma semaphore(%run_scoped3A_776 : memref<!tpu.dma_semaphore, #tpu.memory_space<semaphore_mem>>) src(%dma_wait3A_790 : memref<128x128xf32, #tpu.memory_space<vmem>>) dst(%dma_wait3A_796 : memref<10112x128xf32, #tpu.memory_space<vmem_shared>>)
        tpu.yield
      }) : () -> ()
      %dma_wait3A_342 = arith.constant 0 : i32
      %dma_wait3A_343 = arith.constant 5 : i32
      %dma_wait3A_344 = arith.constant 1 : i32
      %dma_wait3A_345 = arith.constant 1 : i32
      %dma_wait3A_346 = arith.constant 0 : i32
      %dma_wait3A_347 = arith.constant 0 : i32
      %dma_wait3A_348 = tpu.memref_slice %arg8[%dma_wait3A_344, %dma_wait3A_346, %dma_wait3A_347] : memref<2x128x128xf32, #tpu.memory_space<vmem>> -> memref<1x128x128xf32, #tpu.memory_space<vmem>>
      %dma_wait3A_349 = tpu.memref_squeeze %dma_wait3A_348 : memref<1x128x128xf32, #tpu.memory_space<vmem>> -> memref<128x128xf32, #tpu.memory_space<vmem>>
      %dma_wait3A_350 = arith.constant 0 : i32
      %dma_wait3A_351 = tpu.memref_slice %arg6[%dma_wait3A_342, %dma_wait3A_343, %dma_wait3A_350] : memref<2x8x128xi32, #tpu.memory_space<vmem>> -> memref<1x1x128xi32, #tpu.memory_space<vmem>>
      %dma_wait3A_352 = tpu.memref_squeeze %dma_wait3A_351 : memref<1x1x128xi32, #tpu.memory_space<vmem>> -> memref<128xi32, #tpu.memory_space<vmem>>
      %dma_wait3A_353 = arith.constant 0 : i32
      %dma_wait3A_354 = arith.constant 0 : i32
      %dma_wait3A_355 = tpu.memref_slice %arg2[%dma_wait3A_353, %dma_wait3A_354] : memref<10112x128xf32, #tpu.memory_space<hbm>> -> memref<10112x128xf32, #tpu.memory_space<hbm>>
      %dma_wait3A_356 = tpu.memref_slice %arg10[%dma_wait3A_345] : memref<2x!tpu.dma_semaphore, #tpu.memory_space<semaphore_mem>> -> memref<1x!tpu.dma_semaphore, #tpu.memory_space<semaphore_mem>>
      %dma_wait3A_357 = tpu.memref_squeeze %dma_wait3A_356 : memref<1x!tpu.dma_semaphore, #tpu.memory_space<semaphore_mem>> -> memref<!tpu.dma_semaphore, #tpu.memory_space<semaphore_mem>>
      tpu.wait_indirect_dma semaphore(%dma_wait3A_357 : memref<!tpu.dma_semaphore, #tpu.memory_space<semaphore_mem>>) src(%dma_wait3A_355 : memref<10112x128xf32, #tpu.memory_space<hbm>>) dst(%dma_wait3A_349 : memref<128x128xf32, #tpu.memory_space<vmem>>)
      %dma_start3A_358 = arith.constant 0 : i32
      %dma_start3A_359 = arith.constant 6 : i32
      %dma_start3A_360 = arith.constant 0 : i32
      %dma_start3A_361 = arith.constant 0 : i32
      %dma_start3A_362 = arith.constant 0 : i32
      %dma_start3A_363 = arith.constant 0 : i32
      %dma_start3A_364 = tpu.memref_slice %arg8[%dma_start3A_360, %dma_start3A_362, %dma_start3A_363] : memref<2x128x128xf32, #tpu.memory_space<vmem>> -> memref<1x128x128xf32, #tpu.memory_space<vmem>>
      %dma_start3A_365 = tpu.memref_squeeze %dma_start3A_364 : memref<1x128x128xf32, #tpu.memory_space<vmem>> -> memref<128x128xf32, #tpu.memory_space<vmem>>
      %dma_start3A_366 = arith.constant 0 : i32
      %dma_start3A_367 = tpu.memref_slice %arg6[%dma_start3A_358, %dma_start3A_359, %dma_start3A_366] : memref<2x8x128xi32, #tpu.memory_space<vmem>> -> memref<1x1x128xi32, #tpu.memory_space<vmem>>
      %dma_start3A_368 = tpu.memref_squeeze %dma_start3A_367 : memref<1x1x128xi32, #tpu.memory_space<vmem>> -> memref<128xi32, #tpu.memory_space<vmem>>
      %dma_start3A_369 = arith.constant 0 : i32
      %dma_start3A_370 = arith.constant 0 : i32
      %dma_start3A_371 = tpu.memref_slice %arg2[%dma_start3A_369, %dma_start3A_370] : memref<10112x128xf32, #tpu.memory_space<hbm>> -> memref<10112x128xf32, #tpu.memory_space<hbm>>
      %dma_start3A_372 = tpu.memref_slice %arg10[%dma_start3A_361] : memref<2x!tpu.dma_semaphore, #tpu.memory_space<semaphore_mem>> -> memref<1x!tpu.dma_semaphore, #tpu.memory_space<semaphore_mem>>
      %dma_start3A_373 = tpu.memref_squeeze %dma_start3A_372 : memref<1x!tpu.dma_semaphore, #tpu.memory_space<semaphore_mem>> -> memref<!tpu.dma_semaphore, #tpu.memory_space<semaphore_mem>>
      tpu.enqueue_indirect_dma source(%dma_start3A_371 : memref<10112x128xf32, #tpu.memory_space<hbm>>) target(%dma_start3A_365 : memref<128x128xf32, #tpu.memory_space<vmem>>) offsets(%dma_start3A_368 : memref<128xi32, #tpu.memory_space<vmem>>) semaphore(%dma_start3A_373 : memref<!tpu.dma_semaphore, #tpu.memory_space<semaphore_mem>>)
      %run_scoped3A_374 = arith.constant 1 : i32
      %run_scoped3A_375 = arith.constant 0 : i32
      %run_scoped3A_376 = arith.constant 5 : i32
      "tpu.region"() ({
        %run_scoped3A_776 = tpu.sem_alloc : memref<!tpu.dma_semaphore, #tpu.memory_space<semaphore_mem>>
        %dma_start3A_777 = arith.constant 0 : i32
        %dma_start3A_778 = arith.constant 0 : i32
        %dma_start3A_779 = tpu.memref_slice %arg8[%run_scoped3A_374, %dma_start3A_777, %dma_start3A_778] : memref<2x128x128xf32, #tpu.memory_space<vmem>> -> memref<1x128x128xf32, #tpu.memory_space<vmem>>
        %dma_start3A_780 = tpu.memref_squeeze %dma_start3A_779 : memref<1x128x128xf32, #tpu.memory_space<vmem>> -> memref<128x128xf32, #tpu.memory_space<vmem>>
        %dma_start3A_781 = arith.constant 0 : i32
        %dma_start3A_782 = tpu.memref_slice %arg7[%run_scoped3A_375, %run_scoped3A_376, %dma_start3A_781] : memref<2x8x128xi32, #tpu.memory_space<vmem>> -> memref<1x1x128xi32, #tpu.memory_space<vmem>>
        %dma_start3A_783 = tpu.memref_squeeze %dma_start3A_782 : memref<1x1x128xi32, #tpu.memory_space<vmem>> -> memref<128xi32, #tpu.memory_space<vmem>>
        %dma_start3A_784 = arith.constant 0 : i32
        %dma_start3A_785 = arith.constant 0 : i32
        %dma_start3A_786 = tpu.memref_slice %arg9[%dma_start3A_784, %dma_start3A_785] : memref<10112x128xf32, #tpu.memory_space<vmem_shared>> -> memref<10112x128xf32, #tpu.memory_space<vmem_shared>>
        tpu.enqueue_indirect_dma source(%dma_start3A_780 : memref<128x128xf32, #tpu.memory_space<vmem>>) target(%dma_start3A_786 : memref<10112x128xf32, #tpu.memory_space<vmem_shared>>) offsets(%dma_start3A_783 : memref<128xi32, #tpu.memory_space<vmem>>) semaphore(%run_scoped3A_776 : memref<!tpu.dma_semaphore, #tpu.memory_space<semaphore_mem>>) {add = true}
        %dma_wait3A_787 = arith.constant 0 : i32
        %dma_wait3A_788 = arith.constant 0 : i32
        %dma_wait3A_789 = tpu.memref_slice %arg8[%run_scoped3A_374, %dma_wait3A_787, %dma_wait3A_788] : memref<2x128x128xf32, #tpu.memory_space<vmem>> -> memref<1x128x128xf32, #tpu.memory_space<vmem>>
        %dma_wait3A_790 = tpu.memref_squeeze %dma_wait3A_789 : memref<1x128x128xf32, #tpu.memory_space<vmem>> -> memref<128x128xf32, #tpu.memory_space<vmem>>
        %dma_wait3A_791 = arith.constant 0 : i32
        %dma_wait3A_792 = tpu.memref_slice %arg7[%run_scoped3A_375, %run_scoped3A_376, %dma_wait3A_791] : memref<2x8x128xi32, #tpu.memory_space<vmem>> -> memref<1x1x128xi32, #tpu.memory_space<vmem>>
        %dma_wait3A_793 = tpu.memref_squeeze %dma_wait3A_792 : memref<1x1x128xi32, #tpu.memory_space<vmem>> -> memref<128xi32, #tpu.memory_space<vmem>>
        %dma_wait3A_794 = arith.constant 0 : i32
        %dma_wait3A_795 = arith.constant 0 : i32
        %dma_wait3A_796 = tpu.memref_slice %arg9[%dma_wait3A_794, %dma_wait3A_795] : memref<10112x128xf32, #tpu.memory_space<vmem_shared>> -> memref<10112x128xf32, #tpu.memory_space<vmem_shared>>
        tpu.wait_indirect_dma semaphore(%run_scoped3A_776 : memref<!tpu.dma_semaphore, #tpu.memory_space<semaphore_mem>>) src(%dma_wait3A_790 : memref<128x128xf32, #tpu.memory_space<vmem>>) dst(%dma_wait3A_796 : memref<10112x128xf32, #tpu.memory_space<vmem_shared>>)
        tpu.yield
      }) : () -> ()
      %dma_wait3A_377 = arith.constant 0 : i32
      %dma_wait3A_378 = arith.constant 6 : i32
      %dma_wait3A_379 = arith.constant 0 : i32
      %dma_wait3A_380 = arith.constant 0 : i32
      %dma_wait3A_381 = arith.constant 0 : i32
      %dma_wait3A_382 = arith.constant 0 : i32
      %dma_wait3A_383 = tpu.memref_slice %arg8[%dma_wait3A_379, %dma_wait3A_381, %dma_wait3A_382] : memref<2x128x128xf32, #tpu.memory_space<vmem>> -> memref<1x128x128xf32, #tpu.memory_space<vmem>>
      %dma_wait3A_384 = tpu.memref_squeeze %dma_wait3A_383 : memref<1x128x128xf32, #tpu.memory_space<vmem>> -> memref<128x128xf32, #tpu.memory_space<vmem>>
      %dma_wait3A_385 = arith.constant 0 : i32
      %dma_wait3A_386 = tpu.memref_slice %arg6[%dma_wait3A_377, %dma_wait3A_378, %dma_wait3A_385] : memref<2x8x128xi32, #tpu.memory_space<vmem>> -> memref<1x1x128xi32, #tpu.memory_space<vmem>>
      %dma_wait3A_387 = tpu.memref_squeeze %dma_wait3A_386 : memref<1x1x128xi32, #tpu.memory_space<vmem>> -> memref<128xi32, #tpu.memory_space<vmem>>
      %dma_wait3A_388 = arith.constant 0 : i32
      %dma_wait3A_389 = arith.constant 0 : i32
      %dma_wait3A_390 = tpu.memref_slice %arg2[%dma_wait3A_388, %dma_wait3A_389] : memref<10112x128xf32, #tpu.memory_space<hbm>> -> memref<10112x128xf32, #tpu.memory_space<hbm>>
      %dma_wait3A_391 = tpu.memref_slice %arg10[%dma_wait3A_380] : memref<2x!tpu.dma_semaphore, #tpu.memory_space<semaphore_mem>> -> memref<1x!tpu.dma_semaphore, #tpu.memory_space<semaphore_mem>>
      %dma_wait3A_392 = tpu.memref_squeeze %dma_wait3A_391 : memref<1x!tpu.dma_semaphore, #tpu.memory_space<semaphore_mem>> -> memref<!tpu.dma_semaphore, #tpu.memory_space<semaphore_mem>>
      tpu.wait_indirect_dma semaphore(%dma_wait3A_392 : memref<!tpu.dma_semaphore, #tpu.memory_space<semaphore_mem>>) src(%dma_wait3A_390 : memref<10112x128xf32, #tpu.memory_space<hbm>>) dst(%dma_wait3A_384 : memref<128x128xf32, #tpu.memory_space<vmem>>)
      %dma_start3A_393 = arith.constant 0 : i32
      %dma_start3A_394 = arith.constant 7 : i32
      %dma_start3A_395 = arith.constant 1 : i32
      %dma_start3A_396 = arith.constant 1 : i32
      %dma_start3A_397 = arith.constant 0 : i32
      %dma_start3A_398 = arith.constant 0 : i32
      %dma_start3A_399 = tpu.memref_slice %arg8[%dma_start3A_395, %dma_start3A_397, %dma_start3A_398] : memref<2x128x128xf32, #tpu.memory_space<vmem>> -> memref<1x128x128xf32, #tpu.memory_space<vmem>>
      %dma_start3A_400 = tpu.memref_squeeze %dma_start3A_399 : memref<1x128x128xf32, #tpu.memory_space<vmem>> -> memref<128x128xf32, #tpu.memory_space<vmem>>
      %dma_start3A_401 = arith.constant 0 : i32
      %dma_start3A_402 = tpu.memref_slice %arg6[%dma_start3A_393, %dma_start3A_394, %dma_start3A_401] : memref<2x8x128xi32, #tpu.memory_space<vmem>> -> memref<1x1x128xi32, #tpu.memory_space<vmem>>
      %dma_start3A_403 = tpu.memref_squeeze %dma_start3A_402 : memref<1x1x128xi32, #tpu.memory_space<vmem>> -> memref<128xi32, #tpu.memory_space<vmem>>
      %dma_start3A_404 = arith.constant 0 : i32
      %dma_start3A_405 = arith.constant 0 : i32
      %dma_start3A_406 = tpu.memref_slice %arg2[%dma_start3A_404, %dma_start3A_405] : memref<10112x128xf32, #tpu.memory_space<hbm>> -> memref<10112x128xf32, #tpu.memory_space<hbm>>
      %dma_start3A_407 = tpu.memref_slice %arg10[%dma_start3A_396] : memref<2x!tpu.dma_semaphore, #tpu.memory_space<semaphore_mem>> -> memref<1x!tpu.dma_semaphore, #tpu.memory_space<semaphore_mem>>
      %dma_start3A_408 = tpu.memref_squeeze %dma_start3A_407 : memref<1x!tpu.dma_semaphore, #tpu.memory_space<semaphore_mem>> -> memref<!tpu.dma_semaphore, #tpu.memory_space<semaphore_mem>>
      tpu.enqueue_indirect_dma source(%dma_start3A_406 : memref<10112x128xf32, #tpu.memory_space<hbm>>) target(%dma_start3A_400 : memref<128x128xf32, #tpu.memory_space<vmem>>) offsets(%dma_start3A_403 : memref<128xi32, #tpu.memory_space<vmem>>) semaphore(%dma_start3A_408 : memref<!tpu.dma_semaphore, #tpu.memory_space<semaphore_mem>>)
      %run_scoped3A_409 = arith.constant 0 : i32
      %run_scoped3A_410 = arith.constant 0 : i32
      %run_scoped3A_411 = arith.constant 6 : i32
      "tpu.region"() ({
        %run_scoped3A_776 = tpu.sem_alloc : memref<!tpu.dma_semaphore, #tpu.memory_space<semaphore_mem>>
        %dma_start3A_777 = arith.constant 0 : i32
        %dma_start3A_778 = arith.constant 0 : i32
        %dma_start3A_779 = tpu.memref_slice %arg8[%run_scoped3A_409, %dma_start3A_777, %dma_start3A_778] : memref<2x128x128xf32, #tpu.memory_space<vmem>> -> memref<1x128x128xf32, #tpu.memory_space<vmem>>
        %dma_start3A_780 = tpu.memref_squeeze %dma_start3A_779 : memref<1x128x128xf32, #tpu.memory_space<vmem>> -> memref<128x128xf32, #tpu.memory_space<vmem>>
        %dma_start3A_781 = arith.constant 0 : i32
        %dma_start3A_782 = tpu.memref_slice %arg7[%run_scoped3A_410, %run_scoped3A_411, %dma_start3A_781] : memref<2x8x128xi32, #tpu.memory_space<vmem>> -> memref<1x1x128xi32, #tpu.memory_space<vmem>>
        %dma_start3A_783 = tpu.memref_squeeze %dma_start3A_782 : memref<1x1x128xi32, #tpu.memory_space<vmem>> -> memref<128xi32, #tpu.memory_space<vmem>>
        %dma_start3A_784 = arith.constant 0 : i32
        %dma_start3A_785 = arith.constant 0 : i32
        %dma_start3A_786 = tpu.memref_slice %arg9[%dma_start3A_784, %dma_start3A_785] : memref<10112x128xf32, #tpu.memory_space<vmem_shared>> -> memref<10112x128xf32, #tpu.memory_space<vmem_shared>>
        tpu.enqueue_indirect_dma source(%dma_start3A_780 : memref<128x128xf32, #tpu.memory_space<vmem>>) target(%dma_start3A_786 : memref<10112x128xf32, #tpu.memory_space<vmem_shared>>) offsets(%dma_start3A_783 : memref<128xi32, #tpu.memory_space<vmem>>) semaphore(%run_scoped3A_776 : memref<!tpu.dma_semaphore, #tpu.memory_space<semaphore_mem>>) {add = true}
        %dma_wait3A_787 = arith.constant 0 : i32
        %dma_wait3A_788 = arith.constant 0 : i32
        %dma_wait3A_789 = tpu.memref_slice %arg8[%run_scoped3A_409, %dma_wait3A_787, %dma_wait3A_788] : memref<2x128x128xf32, #tpu.memory_space<vmem>> -> memref<1x128x128xf32, #tpu.memory_space<vmem>>
        %dma_wait3A_790 = tpu.memref_squeeze %dma_wait3A_789 : memref<1x128x128xf32, #tpu.memory_space<vmem>> -> memref<128x128xf32, #tpu.memory_space<vmem>>
        %dma_wait3A_791 = arith.constant 0 : i32
        %dma_wait3A_792 = tpu.memref_slice %arg7[%run_scoped3A_410, %run_scoped3A_411, %dma_wait3A_791] : memref<2x8x128xi32, #tpu.memory_space<vmem>> -> memref<1x1x128xi32, #tpu.memory_space<vmem>>
        %dma_wait3A_793 = tpu.memref_squeeze %dma_wait3A_792 : memref<1x1x128xi32, #tpu.memory_space<vmem>> -> memref<128xi32, #tpu.memory_space<vmem>>
        %dma_wait3A_794 = arith.constant 0 : i32
        %dma_wait3A_795 = arith.constant 0 : i32
        %dma_wait3A_796 = tpu.memref_slice %arg9[%dma_wait3A_794, %dma_wait3A_795] : memref<10112x128xf32, #tpu.memory_space<vmem_shared>> -> memref<10112x128xf32, #tpu.memory_space<vmem_shared>>
        tpu.wait_indirect_dma semaphore(%run_scoped3A_776 : memref<!tpu.dma_semaphore, #tpu.memory_space<semaphore_mem>>) src(%dma_wait3A_790 : memref<128x128xf32, #tpu.memory_space<vmem>>) dst(%dma_wait3A_796 : memref<10112x128xf32, #tpu.memory_space<vmem_shared>>)
        tpu.yield
      }) : () -> ()
      %dma_wait3A_412 = arith.constant 1 : i32
      %dma_wait3A_413 = arith.constant 1 : i32
      %dma_wait3A_414 = arith.constant 0 : i32
      %dma_wait3A_415 = arith.constant 0 : i32
      %dma_wait3A_416 = tpu.memref_slice %arg6[%dma_wait3A_412, %dma_wait3A_414, %dma_wait3A_415] : memref<2x8x128xi32, #tpu.memory_space<vmem>> -> memref<1x8x128xi32, #tpu.memory_space<vmem>>
      %dma_wait3A_417 = tpu.memref_squeeze %dma_wait3A_416 : memref<1x8x128xi32, #tpu.memory_space<vmem>> -> memref<8x128xi32, #tpu.memory_space<vmem>>
      %dma_wait3A_418 = arith.constant 0 : i32
      %dma_wait3A_419 = arith.constant 0 : i32
      %dma_wait3A_420 = tpu.memref_slice %arg3[%add3A, %dma_wait3A_418, %dma_wait3A_419] : memref<32x80x128xi32, #tpu.memory_space<hbm>> -> memref<1x8x128xi32, #tpu.memory_space<hbm>>
      %dma_wait3A_421 = tpu.memref_squeeze %dma_wait3A_420 : memref<1x8x128xi32, #tpu.memory_space<hbm>> -> memref<8x128xi32, #tpu.memory_space<hbm>>
      %dma_wait3A_422 = tpu.memref_slice %arg11[%dma_wait3A_413] : memref<2x!tpu.dma_semaphore, #tpu.memory_space<semaphore_mem>> -> memref<1x!tpu.dma_semaphore, #tpu.memory_space<semaphore_mem>>
      %dma_wait3A_423 = tpu.memref_squeeze %dma_wait3A_422 : memref<1x!tpu.dma_semaphore, #tpu.memory_space<semaphore_mem>> -> memref<!tpu.dma_semaphore, #tpu.memory_space<semaphore_mem>>
      %dma_wait3A_424 = arith.constant 0 : i32
      %dma_wait3A_425 = arith.constant 0 : i32
      %dma_wait3A_426 = tpu.memref_slice %arg6[%dma_wait3A_412, %dma_wait3A_424, %dma_wait3A_425] : memref<2x8x128xi32, #tpu.memory_space<vmem>> -> memref<1x8x128xi32, #tpu.memory_space<vmem>>
      %dma_wait3A_427 = tpu.memref_squeeze %dma_wait3A_426 : memref<1x8x128xi32, #tpu.memory_space<vmem>> -> memref<8x128xi32, #tpu.memory_space<vmem>>
      %dma_wait3A_428 = arith.constant 0 : i32
      %dma_wait3A_429 = arith.constant 0 : i32
      %dma_wait3A_430 = tpu.memref_slice %arg3[%add3A, %dma_wait3A_428, %dma_wait3A_429] : memref<32x80x128xi32, #tpu.memory_space<hbm>> -> memref<1x8x128xi32, #tpu.memory_space<hbm>>
      %dma_wait3A_431 = tpu.memref_squeeze %dma_wait3A_430 : memref<1x8x128xi32, #tpu.memory_space<hbm>> -> memref<8x128xi32, #tpu.memory_space<hbm>>
      tpu.wait_dma2 semaphore(%dma_wait3A_423 : memref<!tpu.dma_semaphore, #tpu.memory_space<semaphore_mem>>) src(%dma_wait3A_431 : memref<8x128xi32, #tpu.memory_space<hbm>>) dst(%dma_wait3A_427 : memref<8x128xi32, #tpu.memory_space<vmem>>)
      %dma_wait3A_432 = arith.constant 1 : i32
      %dma_wait3A_433 = arith.constant 1 : i32
      %dma_wait3A_434 = arith.constant 0 : i32
      %dma_wait3A_435 = arith.constant 0 : i32
      %dma_wait3A_436 = tpu.memref_slice %arg7[%dma_wait3A_432, %dma_wait3A_434, %dma_wait3A_435] : memref<2x8x128xi32, #tpu.memory_space<vmem>> -> memref<1x8x128xi32, #tpu.memory_space<vmem>>
      %dma_wait3A_437 = tpu.memref_squeeze %dma_wait3A_436 : memref<1x8x128xi32, #tpu.memory_space<vmem>> -> memref<8x128xi32, #tpu.memory_space<vmem>>
      %dma_wait3A_438 = arith.constant 0 : i32
      %dma_wait3A_439 = arith.constant 0 : i32
      %dma_wait3A_440 = tpu.memref_slice %arg4[%add3A, %dma_wait3A_438, %dma_wait3A_439] : memref<32x80x128xi32, #tpu.memory_space<hbm>> -> memref<1x8x128xi32, #tpu.memory_space<hbm>>
      %dma_wait3A_441 = tpu.memref_squeeze %dma_wait3A_440 : memref<1x8x128xi32, #tpu.memory_space<hbm>> -> memref<8x128xi32, #tpu.memory_space<hbm>>
      %dma_wait3A_442 = tpu.memref_slice %arg11[%dma_wait3A_433] : memref<2x!tpu.dma_semaphore, #tpu.memory_space<semaphore_mem>> -> memref<1x!tpu.dma_semaphore, #tpu.memory_space<semaphore_mem>>
      %dma_wait3A_443 = tpu.memref_squeeze %dma_wait3A_442 : memref<1x!tpu.dma_semaphore, #tpu.memory_space<semaphore_mem>> -> memref<!tpu.dma_semaphore, #tpu.memory_space<semaphore_mem>>
      %dma_wait3A_444 = arith.constant 0 : i32
      %dma_wait3A_445 = arith.constant 0 : i32
      %dma_wait3A_446 = tpu.memref_slice %arg7[%dma_wait3A_432, %dma_wait3A_444, %dma_wait3A_445] : memref<2x8x128xi32, #tpu.memory_space<vmem>> -> memref<1x8x128xi32, #tpu.memory_space<vmem>>
      %dma_wait3A_447 = tpu.memref_squeeze %dma_wait3A_446 : memref<1x8x128xi32, #tpu.memory_space<vmem>> -> memref<8x128xi32, #tpu.memory_space<vmem>>
      %dma_wait3A_448 = arith.constant 0 : i32
      %dma_wait3A_449 = arith.constant 0 : i32
      %dma_wait3A_450 = tpu.memref_slice %arg4[%add3A, %dma_wait3A_448, %dma_wait3A_449] : memref<32x80x128xi32, #tpu.memory_space<hbm>> -> memref<1x8x128xi32, #tpu.memory_space<hbm>>
      %dma_wait3A_451 = tpu.memref_squeeze %dma_wait3A_450 : memref<1x8x128xi32, #tpu.memory_space<hbm>> -> memref<8x128xi32, #tpu.memory_space<hbm>>
      tpu.wait_dma2 semaphore(%dma_wait3A_443 : memref<!tpu.dma_semaphore, #tpu.memory_space<semaphore_mem>>) src(%dma_wait3A_451 : memref<8x128xi32, #tpu.memory_space<hbm>>) dst(%dma_wait3A_447 : memref<8x128xi32, #tpu.memory_space<vmem>>)
      %dma_wait3A_452 = arith.constant 0 : i32
      %dma_wait3A_453 = arith.constant 7 : i32
      %dma_wait3A_454 = arith.constant 1 : i32
      %dma_wait3A_455 = arith.constant 1 : i32
      %dma_wait3A_456 = arith.constant 0 : i32
      %dma_wait3A_457 = arith.constant 0 : i32
      %dma_wait3A_458 = tpu.memref_slice %arg8[%dma_wait3A_454, %dma_wait3A_456, %dma_wait3A_457] : memref<2x128x128xf32, #tpu.memory_space<vmem>> -> memref<1x128x128xf32, #tpu.memory_space<vmem>>
      %dma_wait3A_459 = tpu.memref_squeeze %dma_wait3A_458 : memref<1x128x128xf32, #tpu.memory_space<vmem>> -> memref<128x128xf32, #tpu.memory_space<vmem>>
      %dma_wait3A_460 = arith.constant 0 : i32
      %dma_wait3A_461 = tpu.memref_slice %arg6[%dma_wait3A_452, %dma_wait3A_453, %dma_wait3A_460] : memref<2x8x128xi32, #tpu.memory_space<vmem>> -> memref<1x1x128xi32, #tpu.memory_space<vmem>>
      %dma_wait3A_462 = tpu.memref_squeeze %dma_wait3A_461 : memref<1x1x128xi32, #tpu.memory_space<vmem>> -> memref<128xi32, #tpu.memory_space<vmem>>
      %dma_wait3A_463 = arith.constant 0 : i32
      %dma_wait3A_464 = arith.constant 0 : i32
      %dma_wait3A_465 = tpu.memref_slice %arg2[%dma_wait3A_463, %dma_wait3A_464] : memref<10112x128xf32, #tpu.memory_space<hbm>> -> memref<10112x128xf32, #tpu.memory_space<hbm>>
      %dma_wait3A_466 = tpu.memref_slice %arg10[%dma_wait3A_455] : memref<2x!tpu.dma_semaphore, #tpu.memory_space<semaphore_mem>> -> memref<1x!tpu.dma_semaphore, #tpu.memory_space<semaphore_mem>>
      %dma_wait3A_467 = tpu.memref_squeeze %dma_wait3A_466 : memref<1x!tpu.dma_semaphore, #tpu.memory_space<semaphore_mem>> -> memref<!tpu.dma_semaphore, #tpu.memory_space<semaphore_mem>>
      tpu.wait_indirect_dma semaphore(%dma_wait3A_467 : memref<!tpu.dma_semaphore, #tpu.memory_space<semaphore_mem>>) src(%dma_wait3A_465 : memref<10112x128xf32, #tpu.memory_space<hbm>>) dst(%dma_wait3A_459 : memref<128x128xf32, #tpu.memory_space<vmem>>)
      %dma_start3A_468 = arith.constant 1 : i32
      %dma_start3A_469 = arith.constant 0 : i32
      %dma_start3A_470 = arith.constant 0 : i32
      %dma_start3A_471 = arith.constant 0 : i32
      %dma_start3A_472 = arith.constant 0 : i32
      %dma_start3A_473 = arith.constant 0 : i32
      %dma_start3A_474 = tpu.memref_slice %arg8[%dma_start3A_470, %dma_start3A_472, %dma_start3A_473] : memref<2x128x128xf32, #tpu.memory_space<vmem>> -> memref<1x128x128xf32, #tpu.memory_space<vmem>>
      %dma_start3A_475 = tpu.memref_squeeze %dma_start3A_474 : memref<1x128x128xf32, #tpu.memory_space<vmem>> -> memref<128x128xf32, #tpu.memory_space<vmem>>
      %dma_start3A_476 = arith.constant 0 : i32
      %dma_start3A_477 = tpu.memref_slice %arg6[%dma_start3A_468, %dma_start3A_469, %dma_start3A_476] : memref<2x8x128xi32, #tpu.memory_space<vmem>> -> memref<1x1x128xi32, #tpu.memory_space<vmem>>
      %dma_start3A_478 = tpu.memref_squeeze %dma_start3A_477 : memref<1x1x128xi32, #tpu.memory_space<vmem>> -> memref<128xi32, #tpu.memory_space<vmem>>
      %dma_start3A_479 = arith.constant 0 : i32
      %dma_start3A_480 = arith.constant 0 : i32
      %dma_start3A_481 = tpu.memref_slice %arg2[%dma_start3A_479, %dma_start3A_480] : memref<10112x128xf32, #tpu.memory_space<hbm>> -> memref<10112x128xf32, #tpu.memory_space<hbm>>
      %dma_start3A_482 = tpu.memref_slice %arg10[%dma_start3A_471] : memref<2x!tpu.dma_semaphore, #tpu.memory_space<semaphore_mem>> -> memref<1x!tpu.dma_semaphore, #tpu.memory_space<semaphore_mem>>
      %dma_start3A_483 = tpu.memref_squeeze %dma_start3A_482 : memref<1x!tpu.dma_semaphore, #tpu.memory_space<semaphore_mem>> -> memref<!tpu.dma_semaphore, #tpu.memory_space<semaphore_mem>>
      tpu.enqueue_indirect_dma source(%dma_start3A_481 : memref<10112x128xf32, #tpu.memory_space<hbm>>) target(%dma_start3A_475 : memref<128x128xf32, #tpu.memory_space<vmem>>) offsets(%dma_start3A_478 : memref<128xi32, #tpu.memory_space<vmem>>) semaphore(%dma_start3A_483 : memref<!tpu.dma_semaphore, #tpu.memory_space<semaphore_mem>>)
      %run_scoped3A_484 = arith.constant 1 : i32
      %run_scoped3A_485 = arith.constant 0 : i32
      %run_scoped3A_486 = arith.constant 7 : i32
      "tpu.region"() ({
        %run_scoped3A_776 = tpu.sem_alloc : memref<!tpu.dma_semaphore, #tpu.memory_space<semaphore_mem>>
        %dma_start3A_777 = arith.constant 0 : i32
        %dma_start3A_778 = arith.constant 0 : i32
        %dma_start3A_779 = tpu.memref_slice %arg8[%run_scoped3A_484, %dma_start3A_777, %dma_start3A_778] : memref<2x128x128xf32, #tpu.memory_space<vmem>> -> memref<1x128x128xf32, #tpu.memory_space<vmem>>
        %dma_start3A_780 = tpu.memref_squeeze %dma_start3A_779 : memref<1x128x128xf32, #tpu.memory_space<vmem>> -> memref<128x128xf32, #tpu.memory_space<vmem>>
        %dma_start3A_781 = arith.constant 0 : i32
        %dma_start3A_782 = tpu.memref_slice %arg7[%run_scoped3A_485, %run_scoped3A_486, %dma_start3A_781] : memref<2x8x128xi32, #tpu.memory_space<vmem>> -> memref<1x1x128xi32, #tpu.memory_space<vmem>>
        %dma_start3A_783 = tpu.memref_squeeze %dma_start3A_782 : memref<1x1x128xi32, #tpu.memory_space<vmem>> -> memref<128xi32, #tpu.memory_space<vmem>>
        %dma_start3A_784 = arith.constant 0 : i32
        %dma_start3A_785 = arith.constant 0 : i32
        %dma_start3A_786 = tpu.memref_slice %arg9[%dma_start3A_784, %dma_start3A_785] : memref<10112x128xf32, #tpu.memory_space<vmem_shared>> -> memref<10112x128xf32, #tpu.memory_space<vmem_shared>>
        tpu.enqueue_indirect_dma source(%dma_start3A_780 : memref<128x128xf32, #tpu.memory_space<vmem>>) target(%dma_start3A_786 : memref<10112x128xf32, #tpu.memory_space<vmem_shared>>) offsets(%dma_start3A_783 : memref<128xi32, #tpu.memory_space<vmem>>) semaphore(%run_scoped3A_776 : memref<!tpu.dma_semaphore, #tpu.memory_space<semaphore_mem>>) {add = true}
        %dma_wait3A_787 = arith.constant 0 : i32
        %dma_wait3A_788 = arith.constant 0 : i32
        %dma_wait3A_789 = tpu.memref_slice %arg8[%run_scoped3A_484, %dma_wait3A_787, %dma_wait3A_788] : memref<2x128x128xf32, #tpu.memory_space<vmem>> -> memref<1x128x128xf32, #tpu.memory_space<vmem>>
        %dma_wait3A_790 = tpu.memref_squeeze %dma_wait3A_789 : memref<1x128x128xf32, #tpu.memory_space<vmem>> -> memref<128x128xf32, #tpu.memory_space<vmem>>
        %dma_wait3A_791 = arith.constant 0 : i32
        %dma_wait3A_792 = tpu.memref_slice %arg7[%run_scoped3A_485, %run_scoped3A_486, %dma_wait3A_791] : memref<2x8x128xi32, #tpu.memory_space<vmem>> -> memref<1x1x128xi32, #tpu.memory_space<vmem>>
        %dma_wait3A_793 = tpu.memref_squeeze %dma_wait3A_792 : memref<1x1x128xi32, #tpu.memory_space<vmem>> -> memref<128xi32, #tpu.memory_space<vmem>>
        %dma_wait3A_794 = arith.constant 0 : i32
        %dma_wait3A_795 = arith.constant 0 : i32
        %dma_wait3A_796 = tpu.memref_slice %arg9[%dma_wait3A_794, %dma_wait3A_795] : memref<10112x128xf32, #tpu.memory_space<vmem_shared>> -> memref<10112x128xf32, #tpu.memory_space<vmem_shared>>
        tpu.wait_indirect_dma semaphore(%run_scoped3A_776 : memref<!tpu.dma_semaphore, #tpu.memory_space<semaphore_mem>>) src(%dma_wait3A_790 : memref<128x128xf32, #tpu.memory_space<vmem>>) dst(%dma_wait3A_796 : memref<10112x128xf32, #tpu.memory_space<vmem_shared>>)
        tpu.yield
      }) : () -> ()
      %add3A_487 = arith.constant 16 : i32
      %add3A_488 = arith.addi %add3A_166, %add3A_487 : i32
      %lt3A = arith.constant 80 : i32
      %lt3A_489 = arith.cmpi slt, %add3A_488, %lt3A : i32
      %convert_element_type3A = arith.extui %lt3A_489 : i1 to i32
      %cond3A = arith.constant 0 : i32
      %cond3A_490 = arith.cmpi ne, %convert_element_type3A, %cond3A : i32
      scf.if %cond3A_490 {
        %add3A_776 = arith.constant 16 : i32
        %add3A_777 = arith.addi %add3A_166, %add3A_776 : i32
        %dma_start3A_778 = arith.constant 0 : i32
        %dma_start3A_779 = arith.constant 0 : i32
        %dma_start3A_780 = arith.constant 0 : i32
        %dma_start3A_781 = arith.constant 0 : i32
        %dma_start3A_782 = tpu.memref_slice %arg6[%dma_start3A_778, %dma_start3A_780, %dma_start3A_781] : memref<2x8x128xi32, #tpu.memory_space<vmem>> -> memref<1x8x128xi32, #tpu.memory_space<vmem>>
        %dma_start3A_783 = tpu.memref_squeeze %dma_start3A_782 : memref<1x8x128xi32, #tpu.memory_space<vmem>> -> memref<8x128xi32, #tpu.memory_space<vmem>>
        %dma_start3A_784 = arith.constant 0 : i32
        %dma_start3A_785 = tpu.memref_slice %arg3[%add3A, %add3A_777, %dma_start3A_784] : memref<32x80x128xi32, #tpu.memory_space<hbm>> -> memref<1x8x128xi32, #tpu.memory_space<hbm>>
        %dma_start3A_786 = tpu.memref_squeeze %dma_start3A_785 : memref<1x8x128xi32, #tpu.memory_space<hbm>> -> memref<8x128xi32, #tpu.memory_space<hbm>>
        %dma_start3A_787 = tpu.memref_slice %arg11[%dma_start3A_779] : memref<2x!tpu.dma_semaphore, #tpu.memory_space<semaphore_mem>> -> memref<1x!tpu.dma_semaphore, #tpu.memory_space<semaphore_mem>>
        %dma_start3A_788 = tpu.memref_squeeze %dma_start3A_787 : memref<1x!tpu.dma_semaphore, #tpu.memory_space<semaphore_mem>> -> memref<!tpu.dma_semaphore, #tpu.memory_space<semaphore_mem>>
        %dma_start3A_789 = arith.constant 0 : i32
        %dma_start3A_790 = arith.constant 0 : i32
        %dma_start3A_791 = tpu.memref_slice %arg6[%dma_start3A_778, %dma_start3A_789, %dma_start3A_790] : memref<2x8x128xi32, #tpu.memory_space<vmem>> -> memref<1x8x128xi32, #tpu.memory_space<vmem>>
        %dma_start3A_792 = tpu.memref_squeeze %dma_start3A_791 : memref<1x8x128xi32, #tpu.memory_space<vmem>> -> memref<8x128xi32, #tpu.memory_space<vmem>>
        %dma_start3A_793 = arith.constant 0 : i32
        %dma_start3A_794 = tpu.memref_slice %arg3[%add3A, %add3A_777, %dma_start3A_793] : memref<32x80x128xi32, #tpu.memory_space<hbm>> -> memref<1x8x128xi32, #tpu.memory_space<hbm>>
        %dma_start3A_795 = tpu.memref_squeeze %dma_start3A_794 : memref<1x8x128xi32, #tpu.memory_space<hbm>> -> memref<8x128xi32, #tpu.memory_space<hbm>>
        tpu.enqueue_dma source(%dma_start3A_795 : memref<8x128xi32, #tpu.memory_space<hbm>>) target(%dma_start3A_792 : memref<8x128xi32, #tpu.memory_space<vmem>>) target_semaphore(%dma_start3A_788 : memref<!tpu.dma_semaphore, #tpu.memory_space<semaphore_mem>>)
        %dma_start3A_796 = arith.constant 0 : i32
        %dma_start3A_797 = arith.constant 0 : i32
        %dma_start3A_798 = arith.constant 0 : i32
        %dma_start3A_799 = arith.constant 0 : i32
        %dma_start3A_800 = tpu.memref_slice %arg7[%dma_start3A_796, %dma_start3A_798, %dma_start3A_799] : memref<2x8x128xi32, #tpu.memory_space<vmem>> -> memref<1x8x128xi32, #tpu.memory_space<vmem>>
        %dma_start3A_801 = tpu.memref_squeeze %dma_start3A_800 : memref<1x8x128xi32, #tpu.memory_space<vmem>> -> memref<8x128xi32, #tpu.memory_space<vmem>>
        %dma_start3A_802 = arith.constant 0 : i32
        %dma_start3A_803 = tpu.memref_slice %arg4[%add3A, %add3A_777, %dma_start3A_802] : memref<32x80x128xi32, #tpu.memory_space<hbm>> -> memref<1x8x128xi32, #tpu.memory_space<hbm>>
        %dma_start3A_804 = tpu.memref_squeeze %dma_start3A_803 : memref<1x8x128xi32, #tpu.memory_space<hbm>> -> memref<8x128xi32, #tpu.memory_space<hbm>>
        %dma_start3A_805 = tpu.memref_slice %arg11[%dma_start3A_797] : memref<2x!tpu.dma_semaphore, #tpu.memory_space<semaphore_mem>> -> memref<1x!tpu.dma_semaphore, #tpu.memory_space<semaphore_mem>>
        %dma_start3A_806 = tpu.memref_squeeze %dma_start3A_805 : memref<1x!tpu.dma_semaphore, #tpu.memory_space<semaphore_mem>> -> memref<!tpu.dma_semaphore, #tpu.memory_space<semaphore_mem>>
        %dma_start3A_807 = arith.constant 0 : i32
        %dma_start3A_808 = arith.constant 0 : i32
        %dma_start3A_809 = tpu.memref_slice %arg7[%dma_start3A_796, %dma_start3A_807, %dma_start3A_808] : memref<2x8x128xi32, #tpu.memory_space<vmem>> -> memref<1x8x128xi32, #tpu.memory_space<vmem>>
        %dma_start3A_810 = tpu.memref_squeeze %dma_start3A_809 : memref<1x8x128xi32, #tpu.memory_space<vmem>> -> memref<8x128xi32, #tpu.memory_space<vmem>>
        %dma_start3A_811 = arith.constant 0 : i32
        %dma_start3A_812 = tpu.memref_slice %arg4[%add3A, %add3A_777, %dma_start3A_811] : memref<32x80x128xi32, #tpu.memory_space<hbm>> -> memref<1x8x128xi32, #tpu.memory_space<hbm>>
        %dma_start3A_813 = tpu.memref_squeeze %dma_start3A_812 : memref<1x8x128xi32, #tpu.memory_space<hbm>> -> memref<8x128xi32, #tpu.memory_space<hbm>>
        tpu.enqueue_dma source(%dma_start3A_813 : memref<8x128xi32, #tpu.memory_space<hbm>>) target(%dma_start3A_810 : memref<8x128xi32, #tpu.memory_space<vmem>>) target_semaphore(%dma_start3A_806 : memref<!tpu.dma_semaphore, #tpu.memory_space<semaphore_mem>>)
      } else {
      }
      %dma_wait3A_491 = arith.constant 1 : i32
      %dma_wait3A_492 = arith.constant 0 : i32
      %dma_wait3A_493 = arith.constant 0 : i32
      %dma_wait3A_494 = arith.constant 0 : i32
      %dma_wait3A_495 = arith.constant 0 : i32
      %dma_wait3A_496 = arith.constant 0 : i32
      %dma_wait3A_497 = tpu.memref_slice %arg8[%dma_wait3A_493, %dma_wait3A_495, %dma_wait3A_496] : memref<2x128x128xf32, #tpu.memory_space<vmem>> -> memref<1x128x128xf32, #tpu.memory_space<vmem>>
      %dma_wait3A_498 = tpu.memref_squeeze %dma_wait3A_497 : memref<1x128x128xf32, #tpu.memory_space<vmem>> -> memref<128x128xf32, #tpu.memory_space<vmem>>
      %dma_wait3A_499 = arith.constant 0 : i32
      %dma_wait3A_500 = tpu.memref_slice %arg6[%dma_wait3A_491, %dma_wait3A_492, %dma_wait3A_499] : memref<2x8x128xi32, #tpu.memory_space<vmem>> -> memref<1x1x128xi32, #tpu.memory_space<vmem>>
      %dma_wait3A_501 = tpu.memref_squeeze %dma_wait3A_500 : memref<1x1x128xi32, #tpu.memory_space<vmem>> -> memref<128xi32, #tpu.memory_space<vmem>>
      %dma_wait3A_502 = arith.constant 0 : i32
      %dma_wait3A_503 = arith.constant 0 : i32
      %dma_wait3A_504 = tpu.memref_slice %arg2[%dma_wait3A_502, %dma_wait3A_503] : memref<10112x128xf32, #tpu.memory_space<hbm>> -> memref<10112x128xf32, #tpu.memory_space<hbm>>
      %dma_wait3A_505 = tpu.memref_slice %arg10[%dma_wait3A_494] : memref<2x!tpu.dma_semaphore, #tpu.memory_space<semaphore_mem>> -> memref<1x!tpu.dma_semaphore, #tpu.memory_space<semaphore_mem>>
      %dma_wait3A_506 = tpu.memref_squeeze %dma_wait3A_505 : memref<1x!tpu.dma_semaphore, #tpu.memory_space<semaphore_mem>> -> memref<!tpu.dma_semaphore, #tpu.memory_space<semaphore_mem>>
      tpu.wait_indirect_dma semaphore(%dma_wait3A_506 : memref<!tpu.dma_semaphore, #tpu.memory_space<semaphore_mem>>) src(%dma_wait3A_504 : memref<10112x128xf32, #tpu.memory_space<hbm>>) dst(%dma_wait3A_498 : memref<128x128xf32, #tpu.memory_space<vmem>>)
      %dma_start3A_507 = arith.constant 1 : i32
      %dma_start3A_508 = arith.constant 1 : i32
      %dma_start3A_509 = arith.constant 1 : i32
      %dma_start3A_510 = arith.constant 1 : i32
      %dma_start3A_511 = arith.constant 0 : i32
      %dma_start3A_512 = arith.constant 0 : i32
      %dma_start3A_513 = tpu.memref_slice %arg8[%dma_start3A_509, %dma_start3A_511, %dma_start3A_512] : memref<2x128x128xf32, #tpu.memory_space<vmem>> -> memref<1x128x128xf32, #tpu.memory_space<vmem>>
      %dma_start3A_514 = tpu.memref_squeeze %dma_start3A_513 : memref<1x128x128xf32, #tpu.memory_space<vmem>> -> memref<128x128xf32, #tpu.memory_space<vmem>>
      %dma_start3A_515 = arith.constant 0 : i32
      %dma_start3A_516 = tpu.memref_slice %arg6[%dma_start3A_507, %dma_start3A_508, %dma_start3A_515] : memref<2x8x128xi32, #tpu.memory_space<vmem>> -> memref<1x1x128xi32, #tpu.memory_space<vmem>>
      %dma_start3A_517 = tpu.memref_squeeze %dma_start3A_516 : memref<1x1x128xi32, #tpu.memory_space<vmem>> -> memref<128xi32, #tpu.memory_space<vmem>>
      %dma_start3A_518 = arith.constant 0 : i32
      %dma_start3A_519 = arith.constant 0 : i32
      %dma_start3A_520 = tpu.memref_slice %arg2[%dma_start3A_518, %dma_start3A_519] : memref<10112x128xf32, #tpu.memory_space<hbm>> -> memref<10112x128xf32, #tpu.memory_space<hbm>>
      %dma_start3A_521 = tpu.memref_slice %arg10[%dma_start3A_510] : memref<2x!tpu.dma_semaphore, #tpu.memory_space<semaphore_mem>> -> memref<1x!tpu.dma_semaphore, #tpu.memory_space<semaphore_mem>>
      %dma_start3A_522 = tpu.memref_squeeze %dma_start3A_521 : memref<1x!tpu.dma_semaphore, #tpu.memory_space<semaphore_mem>> -> memref<!tpu.dma_semaphore, #tpu.memory_space<semaphore_mem>>
      tpu.enqueue_indirect_dma source(%dma_start3A_520 : memref<10112x128xf32, #tpu.memory_space<hbm>>) target(%dma_start3A_514 : memref<128x128xf32, #tpu.memory_space<vmem>>) offsets(%dma_start3A_517 : memref<128xi32, #tpu.memory_space<vmem>>) semaphore(%dma_start3A_522 : memref<!tpu.dma_semaphore, #tpu.memory_space<semaphore_mem>>)
      %run_scoped3A_523 = arith.constant 0 : i32
      %run_scoped3A_524 = arith.constant 1 : i32
      %run_scoped3A_525 = arith.constant 0 : i32
      "tpu.region"() ({
        %run_scoped3A_776 = tpu.sem_alloc : memref<!tpu.dma_semaphore, #tpu.memory_space<semaphore_mem>>
        %dma_start3A_777 = arith.constant 0 : i32
        %dma_start3A_778 = arith.constant 0 : i32
        %dma_start3A_779 = tpu.memref_slice %arg8[%run_scoped3A_523, %dma_start3A_777, %dma_start3A_778] : memref<2x128x128xf32, #tpu.memory_space<vmem>> -> memref<1x128x128xf32, #tpu.memory_space<vmem>>
        %dma_start3A_780 = tpu.memref_squeeze %dma_start3A_779 : memref<1x128x128xf32, #tpu.memory_space<vmem>> -> memref<128x128xf32, #tpu.memory_space<vmem>>
        %dma_start3A_781 = arith.constant 0 : i32
        %dma_start3A_782 = tpu.memref_slice %arg7[%run_scoped3A_524, %run_scoped3A_525, %dma_start3A_781] : memref<2x8x128xi32, #tpu.memory_space<vmem>> -> memref<1x1x128xi32, #tpu.memory_space<vmem>>
        %dma_start3A_783 = tpu.memref_squeeze %dma_start3A_782 : memref<1x1x128xi32, #tpu.memory_space<vmem>> -> memref<128xi32, #tpu.memory_space<vmem>>
        %dma_start3A_784 = arith.constant 0 : i32
        %dma_start3A_785 = arith.constant 0 : i32
        %dma_start3A_786 = tpu.memref_slice %arg9[%dma_start3A_784, %dma_start3A_785] : memref<10112x128xf32, #tpu.memory_space<vmem_shared>> -> memref<10112x128xf32, #tpu.memory_space<vmem_shared>>
        tpu.enqueue_indirect_dma source(%dma_start3A_780 : memref<128x128xf32, #tpu.memory_space<vmem>>) target(%dma_start3A_786 : memref<10112x128xf32, #tpu.memory_space<vmem_shared>>) offsets(%dma_start3A_783 : memref<128xi32, #tpu.memory_space<vmem>>) semaphore(%run_scoped3A_776 : memref<!tpu.dma_semaphore, #tpu.memory_space<semaphore_mem>>) {add = true}
        %dma_wait3A_787 = arith.constant 0 : i32
        %dma_wait3A_788 = arith.constant 0 : i32
        %dma_wait3A_789 = tpu.memref_slice %arg8[%run_scoped3A_523, %dma_wait3A_787, %dma_wait3A_788] : memref<2x128x128xf32, #tpu.memory_space<vmem>> -> memref<1x128x128xf32, #tpu.memory_space<vmem>>
        %dma_wait3A_790 = tpu.memref_squeeze %dma_wait3A_789 : memref<1x128x128xf32, #tpu.memory_space<vmem>> -> memref<128x128xf32, #tpu.memory_space<vmem>>
        %dma_wait3A_791 = arith.constant 0 : i32
        %dma_wait3A_792 = tpu.memref_slice %arg7[%run_scoped3A_524, %run_scoped3A_525, %dma_wait3A_791] : memref<2x8x128xi32, #tpu.memory_space<vmem>> -> memref<1x1x128xi32, #tpu.memory_space<vmem>>
        %dma_wait3A_793 = tpu.memref_squeeze %dma_wait3A_792 : memref<1x1x128xi32, #tpu.memory_space<vmem>> -> memref<128xi32, #tpu.memory_space<vmem>>
        %dma_wait3A_794 = arith.constant 0 : i32
        %dma_wait3A_795 = arith.constant 0 : i32
        %dma_wait3A_796 = tpu.memref_slice %arg9[%dma_wait3A_794, %dma_wait3A_795] : memref<10112x128xf32, #tpu.memory_space<vmem_shared>> -> memref<10112x128xf32, #tpu.memory_space<vmem_shared>>
        tpu.wait_indirect_dma semaphore(%run_scoped3A_776 : memref<!tpu.dma_semaphore, #tpu.memory_space<semaphore_mem>>) src(%dma_wait3A_790 : memref<128x128xf32, #tpu.memory_space<vmem>>) dst(%dma_wait3A_796 : memref<10112x128xf32, #tpu.memory_space<vmem_shared>>)
        tpu.yield
      }) : () -> ()
      %dma_wait3A_526 = arith.constant 1 : i32
      %dma_wait3A_527 = arith.constant 1 : i32
      %dma_wait3A_528 = arith.constant 1 : i32
      %dma_wait3A_529 = arith.constant 1 : i32
      %dma_wait3A_530 = arith.constant 0 : i32
      %dma_wait3A_531 = arith.constant 0 : i32
      %dma_wait3A_532 = tpu.memref_slice %arg8[%dma_wait3A_528, %dma_wait3A_530, %dma_wait3A_531] : memref<2x128x128xf32, #tpu.memory_space<vmem>> -> memref<1x128x128xf32, #tpu.memory_space<vmem>>
      %dma_wait3A_533 = tpu.memref_squeeze %dma_wait3A_532 : memref<1x128x128xf32, #tpu.memory_space<vmem>> -> memref<128x128xf32, #tpu.memory_space<vmem>>
      %dma_wait3A_534 = arith.constant 0 : i32
      %dma_wait3A_535 = tpu.memref_slice %arg6[%dma_wait3A_526, %dma_wait3A_527, %dma_wait3A_534] : memref<2x8x128xi32, #tpu.memory_space<vmem>> -> memref<1x1x128xi32, #tpu.memory_space<vmem>>
      %dma_wait3A_536 = tpu.memref_squeeze %dma_wait3A_535 : memref<1x1x128xi32, #tpu.memory_space<vmem>> -> memref<128xi32, #tpu.memory_space<vmem>>
      %dma_wait3A_537 = arith.constant 0 : i32
      %dma_wait3A_538 = arith.constant 0 : i32
      %dma_wait3A_539 = tpu.memref_slice %arg2[%dma_wait3A_537, %dma_wait3A_538] : memref<10112x128xf32, #tpu.memory_space<hbm>> -> memref<10112x128xf32, #tpu.memory_space<hbm>>
      %dma_wait3A_540 = tpu.memref_slice %arg10[%dma_wait3A_529] : memref<2x!tpu.dma_semaphore, #tpu.memory_space<semaphore_mem>> -> memref<1x!tpu.dma_semaphore, #tpu.memory_space<semaphore_mem>>
      %dma_wait3A_541 = tpu.memref_squeeze %dma_wait3A_540 : memref<1x!tpu.dma_semaphore, #tpu.memory_space<semaphore_mem>> -> memref<!tpu.dma_semaphore, #tpu.memory_space<semaphore_mem>>
      tpu.wait_indirect_dma semaphore(%dma_wait3A_541 : memref<!tpu.dma_semaphore, #tpu.memory_space<semaphore_mem>>) src(%dma_wait3A_539 : memref<10112x128xf32, #tpu.memory_space<hbm>>) dst(%dma_wait3A_533 : memref<128x128xf32, #tpu.memory_space<vmem>>)
      %dma_start3A_542 = arith.constant 1 : i32
      %dma_start3A_543 = arith.constant 2 : i32
      %dma_start3A_544 = arith.constant 0 : i32
      %dma_start3A_545 = arith.constant 0 : i32
      %dma_start3A_546 = arith.constant 0 : i32
      %dma_start3A_547 = arith.constant 0 : i32
      %dma_start3A_548 = tpu.memref_slice %arg8[%dma_start3A_544, %dma_start3A_546, %dma_start3A_547] : memref<2x128x128xf32, #tpu.memory_space<vmem>> -> memref<1x128x128xf32, #tpu.memory_space<vmem>>
      %dma_start3A_549 = tpu.memref_squeeze %dma_start3A_548 : memref<1x128x128xf32, #tpu.memory_space<vmem>> -> memref<128x128xf32, #tpu.memory_space<vmem>>
      %dma_start3A_550 = arith.constant 0 : i32
      %dma_start3A_551 = tpu.memref_slice %arg6[%dma_start3A_542, %dma_start3A_543, %dma_start3A_550] : memref<2x8x128xi32, #tpu.memory_space<vmem>> -> memref<1x1x128xi32, #tpu.memory_space<vmem>>
      %dma_start3A_552 = tpu.memref_squeeze %dma_start3A_551 : memref<1x1x128xi32, #tpu.memory_space<vmem>> -> memref<128xi32, #tpu.memory_space<vmem>>
      %dma_start3A_553 = arith.constant 0 : i32
      %dma_start3A_554 = arith.constant 0 : i32
      %dma_start3A_555 = tpu.memref_slice %arg2[%dma_start3A_553, %dma_start3A_554] : memref<10112x128xf32, #tpu.memory_space<hbm>> -> memref<10112x128xf32, #tpu.memory_space<hbm>>
      %dma_start3A_556 = tpu.memref_slice %arg10[%dma_start3A_545] : memref<2x!tpu.dma_semaphore, #tpu.memory_space<semaphore_mem>> -> memref<1x!tpu.dma_semaphore, #tpu.memory_space<semaphore_mem>>
      %dma_start3A_557 = tpu.memref_squeeze %dma_start3A_556 : memref<1x!tpu.dma_semaphore, #tpu.memory_space<semaphore_mem>> -> memref<!tpu.dma_semaphore, #tpu.memory_space<semaphore_mem>>
      tpu.enqueue_indirect_dma source(%dma_start3A_555 : memref<10112x128xf32, #tpu.memory_space<hbm>>) target(%dma_start3A_549 : memref<128x128xf32, #tpu.memory_space<vmem>>) offsets(%dma_start3A_552 : memref<128xi32, #tpu.memory_space<vmem>>) semaphore(%dma_start3A_557 : memref<!tpu.dma_semaphore, #tpu.memory_space<semaphore_mem>>)
      %run_scoped3A_558 = arith.constant 1 : i32
      %run_scoped3A_559 = arith.constant 1 : i32
      %run_scoped3A_560 = arith.constant 1 : i32
      "tpu.region"() ({
        %run_scoped3A_776 = tpu.sem_alloc : memref<!tpu.dma_semaphore, #tpu.memory_space<semaphore_mem>>
        %dma_start3A_777 = arith.constant 0 : i32
        %dma_start3A_778 = arith.constant 0 : i32
        %dma_start3A_779 = tpu.memref_slice %arg8[%run_scoped3A_558, %dma_start3A_777, %dma_start3A_778] : memref<2x128x128xf32, #tpu.memory_space<vmem>> -> memref<1x128x128xf32, #tpu.memory_space<vmem>>
        %dma_start3A_780 = tpu.memref_squeeze %dma_start3A_779 : memref<1x128x128xf32, #tpu.memory_space<vmem>> -> memref<128x128xf32, #tpu.memory_space<vmem>>
        %dma_start3A_781 = arith.constant 0 : i32
        %dma_start3A_782 = tpu.memref_slice %arg7[%run_scoped3A_559, %run_scoped3A_560, %dma_start3A_781] : memref<2x8x128xi32, #tpu.memory_space<vmem>> -> memref<1x1x128xi32, #tpu.memory_space<vmem>>
        %dma_start3A_783 = tpu.memref_squeeze %dma_start3A_782 : memref<1x1x128xi32, #tpu.memory_space<vmem>> -> memref<128xi32, #tpu.memory_space<vmem>>
        %dma_start3A_784 = arith.constant 0 : i32
        %dma_start3A_785 = arith.constant 0 : i32
        %dma_start3A_786 = tpu.memref_slice %arg9[%dma_start3A_784, %dma_start3A_785] : memref<10112x128xf32, #tpu.memory_space<vmem_shared>> -> memref<10112x128xf32, #tpu.memory_space<vmem_shared>>
        tpu.enqueue_indirect_dma source(%dma_start3A_780 : memref<128x128xf32, #tpu.memory_space<vmem>>) target(%dma_start3A_786 : memref<10112x128xf32, #tpu.memory_space<vmem_shared>>) offsets(%dma_start3A_783 : memref<128xi32, #tpu.memory_space<vmem>>) semaphore(%run_scoped3A_776 : memref<!tpu.dma_semaphore, #tpu.memory_space<semaphore_mem>>) {add = true}
        %dma_wait3A_787 = arith.constant 0 : i32
        %dma_wait3A_788 = arith.constant 0 : i32
        %dma_wait3A_789 = tpu.memref_slice %arg8[%run_scoped3A_558, %dma_wait3A_787, %dma_wait3A_788] : memref<2x128x128xf32, #tpu.memory_space<vmem>> -> memref<1x128x128xf32, #tpu.memory_space<vmem>>
        %dma_wait3A_790 = tpu.memref_squeeze %dma_wait3A_789 : memref<1x128x128xf32, #tpu.memory_space<vmem>> -> memref<128x128xf32, #tpu.memory_space<vmem>>
        %dma_wait3A_791 = arith.constant 0 : i32
        %dma_wait3A_792 = tpu.memref_slice %arg7[%run_scoped3A_559, %run_scoped3A_560, %dma_wait3A_791] : memref<2x8x128xi32, #tpu.memory_space<vmem>> -> memref<1x1x128xi32, #tpu.memory_space<vmem>>
        %dma_wait3A_793 = tpu.memref_squeeze %dma_wait3A_792 : memref<1x1x128xi32, #tpu.memory_space<vmem>> -> memref<128xi32, #tpu.memory_space<vmem>>
        %dma_wait3A_794 = arith.constant 0 : i32
        %dma_wait3A_795 = arith.constant 0 : i32
        %dma_wait3A_796 = tpu.memref_slice %arg9[%dma_wait3A_794, %dma_wait3A_795] : memref<10112x128xf32, #tpu.memory_space<vmem_shared>> -> memref<10112x128xf32, #tpu.memory_space<vmem_shared>>
        tpu.wait_indirect_dma semaphore(%run_scoped3A_776 : memref<!tpu.dma_semaphore, #tpu.memory_space<semaphore_mem>>) src(%dma_wait3A_790 : memref<128x128xf32, #tpu.memory_space<vmem>>) dst(%dma_wait3A_796 : memref<10112x128xf32, #tpu.memory_space<vmem_shared>>)
        tpu.yield
      }) : () -> ()
      %dma_wait3A_561 = arith.constant 1 : i32
      %dma_wait3A_562 = arith.constant 2 : i32
      %dma_wait3A_563 = arith.constant 0 : i32
      %dma_wait3A_564 = arith.constant 0 : i32
      %dma_wait3A_565 = arith.constant 0 : i32
      %dma_wait3A_566 = arith.constant 0 : i32
      %dma_wait3A_567 = tpu.memref_slice %arg8[%dma_wait3A_563, %dma_wait3A_565, %dma_wait3A_566] : memref<2x128x128xf32, #tpu.memory_space<vmem>> -> memref<1x128x128xf32, #tpu.memory_space<vmem>>
      %dma_wait3A_568 = tpu.memref_squeeze %dma_wait3A_567 : memref<1x128x128xf32, #tpu.memory_space<vmem>> -> memref<128x128xf32, #tpu.memory_space<vmem>>
      %dma_wait3A_569 = arith.constant 0 : i32
      %dma_wait3A_570 = tpu.memref_slice %arg6[%dma_wait3A_561, %dma_wait3A_562, %dma_wait3A_569] : memref<2x8x128xi32, #tpu.memory_space<vmem>> -> memref<1x1x128xi32, #tpu.memory_space<vmem>>
      %dma_wait3A_571 = tpu.memref_squeeze %dma_wait3A_570 : memref<1x1x128xi32, #tpu.memory_space<vmem>> -> memref<128xi32, #tpu.memory_space<vmem>>
      %dma_wait3A_572 = arith.constant 0 : i32
      %dma_wait3A_573 = arith.constant 0 : i32
      %dma_wait3A_574 = tpu.memref_slice %arg2[%dma_wait3A_572, %dma_wait3A_573] : memref<10112x128xf32, #tpu.memory_space<hbm>> -> memref<10112x128xf32, #tpu.memory_space<hbm>>
      %dma_wait3A_575 = tpu.memref_slice %arg10[%dma_wait3A_564] : memref<2x!tpu.dma_semaphore, #tpu.memory_space<semaphore_mem>> -> memref<1x!tpu.dma_semaphore, #tpu.memory_space<semaphore_mem>>
      %dma_wait3A_576 = tpu.memref_squeeze %dma_wait3A_575 : memref<1x!tpu.dma_semaphore, #tpu.memory_space<semaphore_mem>> -> memref<!tpu.dma_semaphore, #tpu.memory_space<semaphore_mem>>
      tpu.wait_indirect_dma semaphore(%dma_wait3A_576 : memref<!tpu.dma_semaphore, #tpu.memory_space<semaphore_mem>>) src(%dma_wait3A_574 : memref<10112x128xf32, #tpu.memory_space<hbm>>) dst(%dma_wait3A_568 : memref<128x128xf32, #tpu.memory_space<vmem>>)
      %dma_start3A_577 = arith.constant 1 : i32
      %dma_start3A_578 = arith.constant 3 : i32
      %dma_start3A_579 = arith.constant 1 : i32
      %dma_start3A_580 = arith.constant 1 : i32
      %dma_start3A_581 = arith.constant 0 : i32
      %dma_start3A_582 = arith.constant 0 : i32
      %dma_start3A_583 = tpu.memref_slice %arg8[%dma_start3A_579, %dma_start3A_581, %dma_start3A_582] : memref<2x128x128xf32, #tpu.memory_space<vmem>> -> memref<1x128x128xf32, #tpu.memory_space<vmem>>
      %dma_start3A_584 = tpu.memref_squeeze %dma_start3A_583 : memref<1x128x128xf32, #tpu.memory_space<vmem>> -> memref<128x128xf32, #tpu.memory_space<vmem>>
      %dma_start3A_585 = arith.constant 0 : i32
      %dma_start3A_586 = tpu.memref_slice %arg6[%dma_start3A_577, %dma_start3A_578, %dma_start3A_585] : memref<2x8x128xi32, #tpu.memory_space<vmem>> -> memref<1x1x128xi32, #tpu.memory_space<vmem>>
      %dma_start3A_587 = tpu.memref_squeeze %dma_start3A_586 : memref<1x1x128xi32, #tpu.memory_space<vmem>> -> memref<128xi32, #tpu.memory_space<vmem>>
      %dma_start3A_588 = arith.constant 0 : i32
      %dma_start3A_589 = arith.constant 0 : i32
      %dma_start3A_590 = tpu.memref_slice %arg2[%dma_start3A_588, %dma_start3A_589] : memref<10112x128xf32, #tpu.memory_space<hbm>> -> memref<10112x128xf32, #tpu.memory_space<hbm>>
      %dma_start3A_591 = tpu.memref_slice %arg10[%dma_start3A_580] : memref<2x!tpu.dma_semaphore, #tpu.memory_space<semaphore_mem>> -> memref<1x!tpu.dma_semaphore, #tpu.memory_space<semaphore_mem>>
      %dma_start3A_592 = tpu.memref_squeeze %dma_start3A_591 : memref<1x!tpu.dma_semaphore, #tpu.memory_space<semaphore_mem>> -> memref<!tpu.dma_semaphore, #tpu.memory_space<semaphore_mem>>
      tpu.enqueue_indirect_dma source(%dma_start3A_590 : memref<10112x128xf32, #tpu.memory_space<hbm>>) target(%dma_start3A_584 : memref<128x128xf32, #tpu.memory_space<vmem>>) offsets(%dma_start3A_587 : memref<128xi32, #tpu.memory_space<vmem>>) semaphore(%dma_start3A_592 : memref<!tpu.dma_semaphore, #tpu.memory_space<semaphore_mem>>)
      %run_scoped3A_593 = arith.constant 0 : i32
      %run_scoped3A_594 = arith.constant 1 : i32
      %run_scoped3A_595 = arith.constant 2 : i32
      "tpu.region"() ({
        %run_scoped3A_776 = tpu.sem_alloc : memref<!tpu.dma_semaphore, #tpu.memory_space<semaphore_mem>>
        %dma_start3A_777 = arith.constant 0 : i32
        %dma_start3A_778 = arith.constant 0 : i32
        %dma_start3A_779 = tpu.memref_slice %arg8[%run_scoped3A_593, %dma_start3A_777, %dma_start3A_778] : memref<2x128x128xf32, #tpu.memory_space<vmem>> -> memref<1x128x128xf32, #tpu.memory_space<vmem>>
        %dma_start3A_780 = tpu.memref_squeeze %dma_start3A_779 : memref<1x128x128xf32, #tpu.memory_space<vmem>> -> memref<128x128xf32, #tpu.memory_space<vmem>>
        %dma_start3A_781 = arith.constant 0 : i32
        %dma_start3A_782 = tpu.memref_slice %arg7[%run_scoped3A_594, %run_scoped3A_595, %dma_start3A_781] : memref<2x8x128xi32, #tpu.memory_space<vmem>> -> memref<1x1x128xi32, #tpu.memory_space<vmem>>
        %dma_start3A_783 = tpu.memref_squeeze %dma_start3A_782 : memref<1x1x128xi32, #tpu.memory_space<vmem>> -> memref<128xi32, #tpu.memory_space<vmem>>
        %dma_start3A_784 = arith.constant 0 : i32
        %dma_start3A_785 = arith.constant 0 : i32
        %dma_start3A_786 = tpu.memref_slice %arg9[%dma_start3A_784, %dma_start3A_785] : memref<10112x128xf32, #tpu.memory_space<vmem_shared>> -> memref<10112x128xf32, #tpu.memory_space<vmem_shared>>
        tpu.enqueue_indirect_dma source(%dma_start3A_780 : memref<128x128xf32, #tpu.memory_space<vmem>>) target(%dma_start3A_786 : memref<10112x128xf32, #tpu.memory_space<vmem_shared>>) offsets(%dma_start3A_783 : memref<128xi32, #tpu.memory_space<vmem>>) semaphore(%run_scoped3A_776 : memref<!tpu.dma_semaphore, #tpu.memory_space<semaphore_mem>>) {add = true}
        %dma_wait3A_787 = arith.constant 0 : i32
        %dma_wait3A_788 = arith.constant 0 : i32
        %dma_wait3A_789 = tpu.memref_slice %arg8[%run_scoped3A_593, %dma_wait3A_787, %dma_wait3A_788] : memref<2x128x128xf32, #tpu.memory_space<vmem>> -> memref<1x128x128xf32, #tpu.memory_space<vmem>>
        %dma_wait3A_790 = tpu.memref_squeeze %dma_wait3A_789 : memref<1x128x128xf32, #tpu.memory_space<vmem>> -> memref<128x128xf32, #tpu.memory_space<vmem>>
        %dma_wait3A_791 = arith.constant 0 : i32
        %dma_wait3A_792 = tpu.memref_slice %arg7[%run_scoped3A_594, %run_scoped3A_595, %dma_wait3A_791] : memref<2x8x128xi32, #tpu.memory_space<vmem>> -> memref<1x1x128xi32, #tpu.memory_space<vmem>>
        %dma_wait3A_793 = tpu.memref_squeeze %dma_wait3A_792 : memref<1x1x128xi32, #tpu.memory_space<vmem>> -> memref<128xi32, #tpu.memory_space<vmem>>
        %dma_wait3A_794 = arith.constant 0 : i32
        %dma_wait3A_795 = arith.constant 0 : i32
        %dma_wait3A_796 = tpu.memref_slice %arg9[%dma_wait3A_794, %dma_wait3A_795] : memref<10112x128xf32, #tpu.memory_space<vmem_shared>> -> memref<10112x128xf32, #tpu.memory_space<vmem_shared>>
        tpu.wait_indirect_dma semaphore(%run_scoped3A_776 : memref<!tpu.dma_semaphore, #tpu.memory_space<semaphore_mem>>) src(%dma_wait3A_790 : memref<128x128xf32, #tpu.memory_space<vmem>>) dst(%dma_wait3A_796 : memref<10112x128xf32, #tpu.memory_space<vmem_shared>>)
        tpu.yield
      }) : () -> ()
      %dma_wait3A_596 = arith.constant 1 : i32
      %dma_wait3A_597 = arith.constant 3 : i32
      %dma_wait3A_598 = arith.constant 1 : i32
      %dma_wait3A_599 = arith.constant 1 : i32
      %dma_wait3A_600 = arith.constant 0 : i32
      %dma_wait3A_601 = arith.constant 0 : i32
      %dma_wait3A_602 = tpu.memref_slice %arg8[%dma_wait3A_598, %dma_wait3A_600, %dma_wait3A_601] : memref<2x128x128xf32, #tpu.memory_space<vmem>> -> memref<1x128x128xf32, #tpu.memory_space<vmem>>
      %dma_wait3A_603 = tpu.memref_squeeze %dma_wait3A_602 : memref<1x128x128xf32, #tpu.memory_space<vmem>> -> memref<128x128xf32, #tpu.memory_space<vmem>>
      %dma_wait3A_604 = arith.constant 0 : i32
      %dma_wait3A_605 = tpu.memref_slice %arg6[%dma_wait3A_596, %dma_wait3A_597, %dma_wait3A_604] : memref<2x8x128xi32, #tpu.memory_space<vmem>> -> memref<1x1x128xi32, #tpu.memory_space<vmem>>
      %dma_wait3A_606 = tpu.memref_squeeze %dma_wait3A_605 : memref<1x1x128xi32, #tpu.memory_space<vmem>> -> memref<128xi32, #tpu.memory_space<vmem>>
      %dma_wait3A_607 = arith.constant 0 : i32
      %dma_wait3A_608 = arith.constant 0 : i32
      %dma_wait3A_609 = tpu.memref_slice %arg2[%dma_wait3A_607, %dma_wait3A_608] : memref<10112x128xf32, #tpu.memory_space<hbm>> -> memref<10112x128xf32, #tpu.memory_space<hbm>>
      %dma_wait3A_610 = tpu.memref_slice %arg10[%dma_wait3A_599] : memref<2x!tpu.dma_semaphore, #tpu.memory_space<semaphore_mem>> -> memref<1x!tpu.dma_semaphore, #tpu.memory_space<semaphore_mem>>
      %dma_wait3A_611 = tpu.memref_squeeze %dma_wait3A_610 : memref<1x!tpu.dma_semaphore, #tpu.memory_space<semaphore_mem>> -> memref<!tpu.dma_semaphore, #tpu.memory_space<semaphore_mem>>
      tpu.wait_indirect_dma semaphore(%dma_wait3A_611 : memref<!tpu.dma_semaphore, #tpu.memory_space<semaphore_mem>>) src(%dma_wait3A_609 : memref<10112x128xf32, #tpu.memory_space<hbm>>) dst(%dma_wait3A_603 : memref<128x128xf32, #tpu.memory_space<vmem>>)
      %dma_start3A_612 = arith.constant 1 : i32
      %dma_start3A_613 = arith.constant 4 : i32
      %dma_start3A_614 = arith.constant 0 : i32
      %dma_start3A_615 = arith.constant 0 : i32
      %dma_start3A_616 = arith.constant 0 : i32
      %dma_start3A_617 = arith.constant 0 : i32
      %dma_start3A_618 = tpu.memref_slice %arg8[%dma_start3A_614, %dma_start3A_616, %dma_start3A_617] : memref<2x128x128xf32, #tpu.memory_space<vmem>> -> memref<1x128x128xf32, #tpu.memory_space<vmem>>
      %dma_start3A_619 = tpu.memref_squeeze %dma_start3A_618 : memref<1x128x128xf32, #tpu.memory_space<vmem>> -> memref<128x128xf32, #tpu.memory_space<vmem>>
      %dma_start3A_620 = arith.constant 0 : i32
      %dma_start3A_621 = tpu.memref_slice %arg6[%dma_start3A_612, %dma_start3A_613, %dma_start3A_620] : memref<2x8x128xi32, #tpu.memory_space<vmem>> -> memref<1x1x128xi32, #tpu.memory_space<vmem>>
      %dma_start3A_622 = tpu.memref_squeeze %dma_start3A_621 : memref<1x1x128xi32, #tpu.memory_space<vmem>> -> memref<128xi32, #tpu.memory_space<vmem>>
      %dma_start3A_623 = arith.constant 0 : i32
      %dma_start3A_624 = arith.constant 0 : i32
      %dma_start3A_625 = tpu.memref_slice %arg2[%dma_start3A_623, %dma_start3A_624] : memref<10112x128xf32, #tpu.memory_space<hbm>> -> memref<10112x128xf32, #tpu.memory_space<hbm>>
      %dma_start3A_626 = tpu.memref_slice %arg10[%dma_start3A_615] : memref<2x!tpu.dma_semaphore, #tpu.memory_space<semaphore_mem>> -> memref<1x!tpu.dma_semaphore, #tpu.memory_space<semaphore_mem>>
      %dma_start3A_627 = tpu.memref_squeeze %dma_start3A_626 : memref<1x!tpu.dma_semaphore, #tpu.memory_space<semaphore_mem>> -> memref<!tpu.dma_semaphore, #tpu.memory_space<semaphore_mem>>
      tpu.enqueue_indirect_dma source(%dma_start3A_625 : memref<10112x128xf32, #tpu.memory_space<hbm>>) target(%dma_start3A_619 : memref<128x128xf32, #tpu.memory_space<vmem>>) offsets(%dma_start3A_622 : memref<128xi32, #tpu.memory_space<vmem>>) semaphore(%dma_start3A_627 : memref<!tpu.dma_semaphore, #tpu.memory_space<semaphore_mem>>)
      %run_scoped3A_628 = arith.constant 1 : i32
      %run_scoped3A_629 = arith.constant 1 : i32
      %run_scoped3A_630 = arith.constant 3 : i32
      "tpu.region"() ({
        %run_scoped3A_776 = tpu.sem_alloc : memref<!tpu.dma_semaphore, #tpu.memory_space<semaphore_mem>>
        %dma_start3A_777 = arith.constant 0 : i32
        %dma_start3A_778 = arith.constant 0 : i32
        %dma_start3A_779 = tpu.memref_slice %arg8[%run_scoped3A_628, %dma_start3A_777, %dma_start3A_778] : memref<2x128x128xf32, #tpu.memory_space<vmem>> -> memref<1x128x128xf32, #tpu.memory_space<vmem>>
        %dma_start3A_780 = tpu.memref_squeeze %dma_start3A_779 : memref<1x128x128xf32, #tpu.memory_space<vmem>> -> memref<128x128xf32, #tpu.memory_space<vmem>>
        %dma_start3A_781 = arith.constant 0 : i32
        %dma_start3A_782 = tpu.memref_slice %arg7[%run_scoped3A_629, %run_scoped3A_630, %dma_start3A_781] : memref<2x8x128xi32, #tpu.memory_space<vmem>> -> memref<1x1x128xi32, #tpu.memory_space<vmem>>
        %dma_start3A_783 = tpu.memref_squeeze %dma_start3A_782 : memref<1x1x128xi32, #tpu.memory_space<vmem>> -> memref<128xi32, #tpu.memory_space<vmem>>
        %dma_start3A_784 = arith.constant 0 : i32
        %dma_start3A_785 = arith.constant 0 : i32
        %dma_start3A_786 = tpu.memref_slice %arg9[%dma_start3A_784, %dma_start3A_785] : memref<10112x128xf32, #tpu.memory_space<vmem_shared>> -> memref<10112x128xf32, #tpu.memory_space<vmem_shared>>
        tpu.enqueue_indirect_dma source(%dma_start3A_780 : memref<128x128xf32, #tpu.memory_space<vmem>>) target(%dma_start3A_786 : memref<10112x128xf32, #tpu.memory_space<vmem_shared>>) offsets(%dma_start3A_783 : memref<128xi32, #tpu.memory_space<vmem>>) semaphore(%run_scoped3A_776 : memref<!tpu.dma_semaphore, #tpu.memory_space<semaphore_mem>>) {add = true}
        %dma_wait3A_787 = arith.constant 0 : i32
        %dma_wait3A_788 = arith.constant 0 : i32
        %dma_wait3A_789 = tpu.memref_slice %arg8[%run_scoped3A_628, %dma_wait3A_787, %dma_wait3A_788] : memref<2x128x128xf32, #tpu.memory_space<vmem>> -> memref<1x128x128xf32, #tpu.memory_space<vmem>>
        %dma_wait3A_790 = tpu.memref_squeeze %dma_wait3A_789 : memref<1x128x128xf32, #tpu.memory_space<vmem>> -> memref<128x128xf32, #tpu.memory_space<vmem>>
        %dma_wait3A_791 = arith.constant 0 : i32
        %dma_wait3A_792 = tpu.memref_slice %arg7[%run_scoped3A_629, %run_scoped3A_630, %dma_wait3A_791] : memref<2x8x128xi32, #tpu.memory_space<vmem>> -> memref<1x1x128xi32, #tpu.memory_space<vmem>>
        %dma_wait3A_793 = tpu.memref_squeeze %dma_wait3A_792 : memref<1x1x128xi32, #tpu.memory_space<vmem>> -> memref<128xi32, #tpu.memory_space<vmem>>
        %dma_wait3A_794 = arith.constant 0 : i32
        %dma_wait3A_795 = arith.constant 0 : i32
        %dma_wait3A_796 = tpu.memref_slice %arg9[%dma_wait3A_794, %dma_wait3A_795] : memref<10112x128xf32, #tpu.memory_space<vmem_shared>> -> memref<10112x128xf32, #tpu.memory_space<vmem_shared>>
        tpu.wait_indirect_dma semaphore(%run_scoped3A_776 : memref<!tpu.dma_semaphore, #tpu.memory_space<semaphore_mem>>) src(%dma_wait3A_790 : memref<128x128xf32, #tpu.memory_space<vmem>>) dst(%dma_wait3A_796 : memref<10112x128xf32, #tpu.memory_space<vmem_shared>>)
        tpu.yield
      }) : () -> ()
      %dma_wait3A_631 = arith.constant 1 : i32
      %dma_wait3A_632 = arith.constant 4 : i32
      %dma_wait3A_633 = arith.constant 0 : i32
      %dma_wait3A_634 = arith.constant 0 : i32
      %dma_wait3A_635 = arith.constant 0 : i32
      %dma_wait3A_636 = arith.constant 0 : i32
      %dma_wait3A_637 = tpu.memref_slice %arg8[%dma_wait3A_633, %dma_wait3A_635, %dma_wait3A_636] : memref<2x128x128xf32, #tpu.memory_space<vmem>> -> memref<1x128x128xf32, #tpu.memory_space<vmem>>
      %dma_wait3A_638 = tpu.memref_squeeze %dma_wait3A_637 : memref<1x128x128xf32, #tpu.memory_space<vmem>> -> memref<128x128xf32, #tpu.memory_space<vmem>>
      %dma_wait3A_639 = arith.constant 0 : i32
      %dma_wait3A_640 = tpu.memref_slice %arg6[%dma_wait3A_631, %dma_wait3A_632, %dma_wait3A_639] : memref<2x8x128xi32, #tpu.memory_space<vmem>> -> memref<1x1x128xi32, #tpu.memory_space<vmem>>
      %dma_wait3A_641 = tpu.memref_squeeze %dma_wait3A_640 : memref<1x1x128xi32, #tpu.memory_space<vmem>> -> memref<128xi32, #tpu.memory_space<vmem>>
      %dma_wait3A_642 = arith.constant 0 : i32
      %dma_wait3A_643 = arith.constant 0 : i32
      %dma_wait3A_644 = tpu.memref_slice %arg2[%dma_wait3A_642, %dma_wait3A_643] : memref<10112x128xf32, #tpu.memory_space<hbm>> -> memref<10112x128xf32, #tpu.memory_space<hbm>>
      %dma_wait3A_645 = tpu.memref_slice %arg10[%dma_wait3A_634] : memref<2x!tpu.dma_semaphore, #tpu.memory_space<semaphore_mem>> -> memref<1x!tpu.dma_semaphore, #tpu.memory_space<semaphore_mem>>
      %dma_wait3A_646 = tpu.memref_squeeze %dma_wait3A_645 : memref<1x!tpu.dma_semaphore, #tpu.memory_space<semaphore_mem>> -> memref<!tpu.dma_semaphore, #tpu.memory_space<semaphore_mem>>
      tpu.wait_indirect_dma semaphore(%dma_wait3A_646 : memref<!tpu.dma_semaphore, #tpu.memory_space<semaphore_mem>>) src(%dma_wait3A_644 : memref<10112x128xf32, #tpu.memory_space<hbm>>) dst(%dma_wait3A_638 : memref<128x128xf32, #tpu.memory_space<vmem>>)
      %dma_start3A_647 = arith.constant 1 : i32
      %dma_start3A_648 = arith.constant 5 : i32
      %dma_start3A_649 = arith.constant 1 : i32
      %dma_start3A_650 = arith.constant 1 : i32
      %dma_start3A_651 = arith.constant 0 : i32
      %dma_start3A_652 = arith.constant 0 : i32
      %dma_start3A_653 = tpu.memref_slice %arg8[%dma_start3A_649, %dma_start3A_651, %dma_start3A_652] : memref<2x128x128xf32, #tpu.memory_space<vmem>> -> memref<1x128x128xf32, #tpu.memory_space<vmem>>
      %dma_start3A_654 = tpu.memref_squeeze %dma_start3A_653 : memref<1x128x128xf32, #tpu.memory_space<vmem>> -> memref<128x128xf32, #tpu.memory_space<vmem>>
      %dma_start3A_655 = arith.constant 0 : i32
      %dma_start3A_656 = tpu.memref_slice %arg6[%dma_start3A_647, %dma_start3A_648, %dma_start3A_655] : memref<2x8x128xi32, #tpu.memory_space<vmem>> -> memref<1x1x128xi32, #tpu.memory_space<vmem>>
      %dma_start3A_657 = tpu.memref_squeeze %dma_start3A_656 : memref<1x1x128xi32, #tpu.memory_space<vmem>> -> memref<128xi32, #tpu.memory_space<vmem>>
      %dma_start3A_658 = arith.constant 0 : i32
      %dma_start3A_659 = arith.constant 0 : i32
      %dma_start3A_660 = tpu.memref_slice %arg2[%dma_start3A_658, %dma_start3A_659] : memref<10112x128xf32, #tpu.memory_space<hbm>> -> memref<10112x128xf32, #tpu.memory_space<hbm>>
      %dma_start3A_661 = tpu.memref_slice %arg10[%dma_start3A_650] : memref<2x!tpu.dma_semaphore, #tpu.memory_space<semaphore_mem>> -> memref<1x!tpu.dma_semaphore, #tpu.memory_space<semaphore_mem>>
      %dma_start3A_662 = tpu.memref_squeeze %dma_start3A_661 : memref<1x!tpu.dma_semaphore, #tpu.memory_space<semaphore_mem>> -> memref<!tpu.dma_semaphore, #tpu.memory_space<semaphore_mem>>
      tpu.enqueue_indirect_dma source(%dma_start3A_660 : memref<10112x128xf32, #tpu.memory_space<hbm>>) target(%dma_start3A_654 : memref<128x128xf32, #tpu.memory_space<vmem>>) offsets(%dma_start3A_657 : memref<128xi32, #tpu.memory_space<vmem>>) semaphore(%dma_start3A_662 : memref<!tpu.dma_semaphore, #tpu.memory_space<semaphore_mem>>)
      %run_scoped3A_663 = arith.constant 0 : i32
      %run_scoped3A_664 = arith.constant 1 : i32
      %run_scoped3A_665 = arith.constant 4 : i32
      "tpu.region"() ({
        %run_scoped3A_776 = tpu.sem_alloc : memref<!tpu.dma_semaphore, #tpu.memory_space<semaphore_mem>>
        %dma_start3A_777 = arith.constant 0 : i32
        %dma_start3A_778 = arith.constant 0 : i32
        %dma_start3A_779 = tpu.memref_slice %arg8[%run_scoped3A_663, %dma_start3A_777, %dma_start3A_778] : memref<2x128x128xf32, #tpu.memory_space<vmem>> -> memref<1x128x128xf32, #tpu.memory_space<vmem>>
        %dma_start3A_780 = tpu.memref_squeeze %dma_start3A_779 : memref<1x128x128xf32, #tpu.memory_space<vmem>> -> memref<128x128xf32, #tpu.memory_space<vmem>>
        %dma_start3A_781 = arith.constant 0 : i32
        %dma_start3A_782 = tpu.memref_slice %arg7[%run_scoped3A_664, %run_scoped3A_665, %dma_start3A_781] : memref<2x8x128xi32, #tpu.memory_space<vmem>> -> memref<1x1x128xi32, #tpu.memory_space<vmem>>
        %dma_start3A_783 = tpu.memref_squeeze %dma_start3A_782 : memref<1x1x128xi32, #tpu.memory_space<vmem>> -> memref<128xi32, #tpu.memory_space<vmem>>
        %dma_start3A_784 = arith.constant 0 : i32
        %dma_start3A_785 = arith.constant 0 : i32
        %dma_start3A_786 = tpu.memref_slice %arg9[%dma_start3A_784, %dma_start3A_785] : memref<10112x128xf32, #tpu.memory_space<vmem_shared>> -> memref<10112x128xf32, #tpu.memory_space<vmem_shared>>
        tpu.enqueue_indirect_dma source(%dma_start3A_780 : memref<128x128xf32, #tpu.memory_space<vmem>>) target(%dma_start3A_786 : memref<10112x128xf32, #tpu.memory_space<vmem_shared>>) offsets(%dma_start3A_783 : memref<128xi32, #tpu.memory_space<vmem>>) semaphore(%run_scoped3A_776 : memref<!tpu.dma_semaphore, #tpu.memory_space<semaphore_mem>>) {add = true}
        %dma_wait3A_787 = arith.constant 0 : i32
        %dma_wait3A_788 = arith.constant 0 : i32
        %dma_wait3A_789 = tpu.memref_slice %arg8[%run_scoped3A_663, %dma_wait3A_787, %dma_wait3A_788] : memref<2x128x128xf32, #tpu.memory_space<vmem>> -> memref<1x128x128xf32, #tpu.memory_space<vmem>>
        %dma_wait3A_790 = tpu.memref_squeeze %dma_wait3A_789 : memref<1x128x128xf32, #tpu.memory_space<vmem>> -> memref<128x128xf32, #tpu.memory_space<vmem>>
        %dma_wait3A_791 = arith.constant 0 : i32
        %dma_wait3A_792 = tpu.memref_slice %arg7[%run_scoped3A_664, %run_scoped3A_665, %dma_wait3A_791] : memref<2x8x128xi32, #tpu.memory_space<vmem>> -> memref<1x1x128xi32, #tpu.memory_space<vmem>>
        %dma_wait3A_793 = tpu.memref_squeeze %dma_wait3A_792 : memref<1x1x128xi32, #tpu.memory_space<vmem>> -> memref<128xi32, #tpu.memory_space<vmem>>
        %dma_wait3A_794 = arith.constant 0 : i32
        %dma_wait3A_795 = arith.constant 0 : i32
        %dma_wait3A_796 = tpu.memref_slice %arg9[%dma_wait3A_794, %dma_wait3A_795] : memref<10112x128xf32, #tpu.memory_space<vmem_shared>> -> memref<10112x128xf32, #tpu.memory_space<vmem_shared>>
        tpu.wait_indirect_dma semaphore(%run_scoped3A_776 : memref<!tpu.dma_semaphore, #tpu.memory_space<semaphore_mem>>) src(%dma_wait3A_790 : memref<128x128xf32, #tpu.memory_space<vmem>>) dst(%dma_wait3A_796 : memref<10112x128xf32, #tpu.memory_space<vmem_shared>>)
        tpu.yield
      }) : () -> ()
      %dma_wait3A_666 = arith.constant 1 : i32
      %dma_wait3A_667 = arith.constant 5 : i32
      %dma_wait3A_668 = arith.constant 1 : i32
      %dma_wait3A_669 = arith.constant 1 : i32
      %dma_wait3A_670 = arith.constant 0 : i32
      %dma_wait3A_671 = arith.constant 0 : i32
      %dma_wait3A_672 = tpu.memref_slice %arg8[%dma_wait3A_668, %dma_wait3A_670, %dma_wait3A_671] : memref<2x128x128xf32, #tpu.memory_space<vmem>> -> memref<1x128x128xf32, #tpu.memory_space<vmem>>
      %dma_wait3A_673 = tpu.memref_squeeze %dma_wait3A_672 : memref<1x128x128xf32, #tpu.memory_space<vmem>> -> memref<128x128xf32, #tpu.memory_space<vmem>>
      %dma_wait3A_674 = arith.constant 0 : i32
      %dma_wait3A_675 = tpu.memref_slice %arg6[%dma_wait3A_666, %dma_wait3A_667, %dma_wait3A_674] : memref<2x8x128xi32, #tpu.memory_space<vmem>> -> memref<1x1x128xi32, #tpu.memory_space<vmem>>
      %dma_wait3A_676 = tpu.memref_squeeze %dma_wait3A_675 : memref<1x1x128xi32, #tpu.memory_space<vmem>> -> memref<128xi32, #tpu.memory_space<vmem>>
      %dma_wait3A_677 = arith.constant 0 : i32
      %dma_wait3A_678 = arith.constant 0 : i32
      %dma_wait3A_679 = tpu.memref_slice %arg2[%dma_wait3A_677, %dma_wait3A_678] : memref<10112x128xf32, #tpu.memory_space<hbm>> -> memref<10112x128xf32, #tpu.memory_space<hbm>>
      %dma_wait3A_680 = tpu.memref_slice %arg10[%dma_wait3A_669] : memref<2x!tpu.dma_semaphore, #tpu.memory_space<semaphore_mem>> -> memref<1x!tpu.dma_semaphore, #tpu.memory_space<semaphore_mem>>
      %dma_wait3A_681 = tpu.memref_squeeze %dma_wait3A_680 : memref<1x!tpu.dma_semaphore, #tpu.memory_space<semaphore_mem>> -> memref<!tpu.dma_semaphore, #tpu.memory_space<semaphore_mem>>
      tpu.wait_indirect_dma semaphore(%dma_wait3A_681 : memref<!tpu.dma_semaphore, #tpu.memory_space<semaphore_mem>>) src(%dma_wait3A_679 : memref<10112x128xf32, #tpu.memory_space<hbm>>) dst(%dma_wait3A_673 : memref<128x128xf32, #tpu.memory_space<vmem>>)
      %dma_start3A_682 = arith.constant 1 : i32
      %dma_start3A_683 = arith.constant 6 : i32
      %dma_start3A_684 = arith.constant 0 : i32
      %dma_start3A_685 = arith.constant 0 : i32
      %dma_start3A_686 = arith.constant 0 : i32
      %dma_start3A_687 = arith.constant 0 : i32
      %dma_start3A_688 = tpu.memref_slice %arg8[%dma_start3A_684, %dma_start3A_686, %dma_start3A_687] : memref<2x128x128xf32, #tpu.memory_space<vmem>> -> memref<1x128x128xf32, #tpu.memory_space<vmem>>
      %dma_start3A_689 = tpu.memref_squeeze %dma_start3A_688 : memref<1x128x128xf32, #tpu.memory_space<vmem>> -> memref<128x128xf32, #tpu.memory_space<vmem>>
      %dma_start3A_690 = arith.constant 0 : i32
      %dma_start3A_691 = tpu.memref_slice %arg6[%dma_start3A_682, %dma_start3A_683, %dma_start3A_690] : memref<2x8x128xi32, #tpu.memory_space<vmem>> -> memref<1x1x128xi32, #tpu.memory_space<vmem>>
      %dma_start3A_692 = tpu.memref_squeeze %dma_start3A_691 : memref<1x1x128xi32, #tpu.memory_space<vmem>> -> memref<128xi32, #tpu.memory_space<vmem>>
      %dma_start3A_693 = arith.constant 0 : i32
      %dma_start3A_694 = arith.constant 0 : i32
      %dma_start3A_695 = tpu.memref_slice %arg2[%dma_start3A_693, %dma_start3A_694] : memref<10112x128xf32, #tpu.memory_space<hbm>> -> memref<10112x128xf32, #tpu.memory_space<hbm>>
      %dma_start3A_696 = tpu.memref_slice %arg10[%dma_start3A_685] : memref<2x!tpu.dma_semaphore, #tpu.memory_space<semaphore_mem>> -> memref<1x!tpu.dma_semaphore, #tpu.memory_space<semaphore_mem>>
      %dma_start3A_697 = tpu.memref_squeeze %dma_start3A_696 : memref<1x!tpu.dma_semaphore, #tpu.memory_space<semaphore_mem>> -> memref<!tpu.dma_semaphore, #tpu.memory_space<semaphore_mem>>
      tpu.enqueue_indirect_dma source(%dma_start3A_695 : memref<10112x128xf32, #tpu.memory_space<hbm>>) target(%dma_start3A_689 : memref<128x128xf32, #tpu.memory_space<vmem>>) offsets(%dma_start3A_692 : memref<128xi32, #tpu.memory_space<vmem>>) semaphore(%dma_start3A_697 : memref<!tpu.dma_semaphore, #tpu.memory_space<semaphore_mem>>)
      %run_scoped3A_698 = arith.constant 1 : i32
      %run_scoped3A_699 = arith.constant 1 : i32
      %run_scoped3A_700 = arith.constant 5 : i32
      "tpu.region"() ({
        %run_scoped3A_776 = tpu.sem_alloc : memref<!tpu.dma_semaphore, #tpu.memory_space<semaphore_mem>>
        %dma_start3A_777 = arith.constant 0 : i32
        %dma_start3A_778 = arith.constant 0 : i32
        %dma_start3A_779 = tpu.memref_slice %arg8[%run_scoped3A_698, %dma_start3A_777, %dma_start3A_778] : memref<2x128x128xf32, #tpu.memory_space<vmem>> -> memref<1x128x128xf32, #tpu.memory_space<vmem>>
        %dma_start3A_780 = tpu.memref_squeeze %dma_start3A_779 : memref<1x128x128xf32, #tpu.memory_space<vmem>> -> memref<128x128xf32, #tpu.memory_space<vmem>>
        %dma_start3A_781 = arith.constant 0 : i32
        %dma_start3A_782 = tpu.memref_slice %arg7[%run_scoped3A_699, %run_scoped3A_700, %dma_start3A_781] : memref<2x8x128xi32, #tpu.memory_space<vmem>> -> memref<1x1x128xi32, #tpu.memory_space<vmem>>
        %dma_start3A_783 = tpu.memref_squeeze %dma_start3A_782 : memref<1x1x128xi32, #tpu.memory_space<vmem>> -> memref<128xi32, #tpu.memory_space<vmem>>
        %dma_start3A_784 = arith.constant 0 : i32
        %dma_start3A_785 = arith.constant 0 : i32
        %dma_start3A_786 = tpu.memref_slice %arg9[%dma_start3A_784, %dma_start3A_785] : memref<10112x128xf32, #tpu.memory_space<vmem_shared>> -> memref<10112x128xf32, #tpu.memory_space<vmem_shared>>
        tpu.enqueue_indirect_dma source(%dma_start3A_780 : memref<128x128xf32, #tpu.memory_space<vmem>>) target(%dma_start3A_786 : memref<10112x128xf32, #tpu.memory_space<vmem_shared>>) offsets(%dma_start3A_783 : memref<128xi32, #tpu.memory_space<vmem>>) semaphore(%run_scoped3A_776 : memref<!tpu.dma_semaphore, #tpu.memory_space<semaphore_mem>>) {add = true}
        %dma_wait3A_787 = arith.constant 0 : i32
        %dma_wait3A_788 = arith.constant 0 : i32
        %dma_wait3A_789 = tpu.memref_slice %arg8[%run_scoped3A_698, %dma_wait3A_787, %dma_wait3A_788] : memref<2x128x128xf32, #tpu.memory_space<vmem>> -> memref<1x128x128xf32, #tpu.memory_space<vmem>>
        %dma_wait3A_790 = tpu.memref_squeeze %dma_wait3A_789 : memref<1x128x128xf32, #tpu.memory_space<vmem>> -> memref<128x128xf32, #tpu.memory_space<vmem>>
        %dma_wait3A_791 = arith.constant 0 : i32
        %dma_wait3A_792 = tpu.memref_slice %arg7[%run_scoped3A_699, %run_scoped3A_700, %dma_wait3A_791] : memref<2x8x128xi32, #tpu.memory_space<vmem>> -> memref<1x1x128xi32, #tpu.memory_space<vmem>>
        %dma_wait3A_793 = tpu.memref_squeeze %dma_wait3A_792 : memref<1x1x128xi32, #tpu.memory_space<vmem>> -> memref<128xi32, #tpu.memory_space<vmem>>
        %dma_wait3A_794 = arith.constant 0 : i32
        %dma_wait3A_795 = arith.constant 0 : i32
        %dma_wait3A_796 = tpu.memref_slice %arg9[%dma_wait3A_794, %dma_wait3A_795] : memref<10112x128xf32, #tpu.memory_space<vmem_shared>> -> memref<10112x128xf32, #tpu.memory_space<vmem_shared>>
        tpu.wait_indirect_dma semaphore(%run_scoped3A_776 : memref<!tpu.dma_semaphore, #tpu.memory_space<semaphore_mem>>) src(%dma_wait3A_790 : memref<128x128xf32, #tpu.memory_space<vmem>>) dst(%dma_wait3A_796 : memref<10112x128xf32, #tpu.memory_space<vmem_shared>>)
        tpu.yield
      }) : () -> ()
      %dma_wait3A_701 = arith.constant 1 : i32
      %dma_wait3A_702 = arith.constant 6 : i32
      %dma_wait3A_703 = arith.constant 0 : i32
      %dma_wait3A_704 = arith.constant 0 : i32
      %dma_wait3A_705 = arith.constant 0 : i32
      %dma_wait3A_706 = arith.constant 0 : i32
      %dma_wait3A_707 = tpu.memref_slice %arg8[%dma_wait3A_703, %dma_wait3A_705, %dma_wait3A_706] : memref<2x128x128xf32, #tpu.memory_space<vmem>> -> memref<1x128x128xf32, #tpu.memory_space<vmem>>
      %dma_wait3A_708 = tpu.memref_squeeze %dma_wait3A_707 : memref<1x128x128xf32, #tpu.memory_space<vmem>> -> memref<128x128xf32, #tpu.memory_space<vmem>>
      %dma_wait3A_709 = arith.constant 0 : i32
      %dma_wait3A_710 = tpu.memref_slice %arg6[%dma_wait3A_701, %dma_wait3A_702, %dma_wait3A_709] : memref<2x8x128xi32, #tpu.memory_space<vmem>> -> memref<1x1x128xi32, #tpu.memory_space<vmem>>
      %dma_wait3A_711 = tpu.memref_squeeze %dma_wait3A_710 : memref<1x1x128xi32, #tpu.memory_space<vmem>> -> memref<128xi32, #tpu.memory_space<vmem>>
      %dma_wait3A_712 = arith.constant 0 : i32
      %dma_wait3A_713 = arith.constant 0 : i32
      %dma_wait3A_714 = tpu.memref_slice %arg2[%dma_wait3A_712, %dma_wait3A_713] : memref<10112x128xf32, #tpu.memory_space<hbm>> -> memref<10112x128xf32, #tpu.memory_space<hbm>>
      %dma_wait3A_715 = tpu.memref_slice %arg10[%dma_wait3A_704] : memref<2x!tpu.dma_semaphore, #tpu.memory_space<semaphore_mem>> -> memref<1x!tpu.dma_semaphore, #tpu.memory_space<semaphore_mem>>
      %dma_wait3A_716 = tpu.memref_squeeze %dma_wait3A_715 : memref<1x!tpu.dma_semaphore, #tpu.memory_space<semaphore_mem>> -> memref<!tpu.dma_semaphore, #tpu.memory_space<semaphore_mem>>
      tpu.wait_indirect_dma semaphore(%dma_wait3A_716 : memref<!tpu.dma_semaphore, #tpu.memory_space<semaphore_mem>>) src(%dma_wait3A_714 : memref<10112x128xf32, #tpu.memory_space<hbm>>) dst(%dma_wait3A_708 : memref<128x128xf32, #tpu.memory_space<vmem>>)
      %dma_start3A_717 = arith.constant 1 : i32
      %dma_start3A_718 = arith.constant 7 : i32
      %dma_start3A_719 = arith.constant 1 : i32
      %dma_start3A_720 = arith.constant 1 : i32
      %dma_start3A_721 = arith.constant 0 : i32
      %dma_start3A_722 = arith.constant 0 : i32
      %dma_start3A_723 = tpu.memref_slice %arg8[%dma_start3A_719, %dma_start3A_721, %dma_start3A_722] : memref<2x128x128xf32, #tpu.memory_space<vmem>> -> memref<1x128x128xf32, #tpu.memory_space<vmem>>
      %dma_start3A_724 = tpu.memref_squeeze %dma_start3A_723 : memref<1x128x128xf32, #tpu.memory_space<vmem>> -> memref<128x128xf32, #tpu.memory_space<vmem>>
      %dma_start3A_725 = arith.constant 0 : i32
      %dma_start3A_726 = tpu.memref_slice %arg6[%dma_start3A_717, %dma_start3A_718, %dma_start3A_725] : memref<2x8x128xi32, #tpu.memory_space<vmem>> -> memref<1x1x128xi32, #tpu.memory_space<vmem>>
      %dma_start3A_727 = tpu.memref_squeeze %dma_start3A_726 : memref<1x1x128xi32, #tpu.memory_space<vmem>> -> memref<128xi32, #tpu.memory_space<vmem>>
      %dma_start3A_728 = arith.constant 0 : i32
      %dma_start3A_729 = arith.constant 0 : i32
      %dma_start3A_730 = tpu.memref_slice %arg2[%dma_start3A_728, %dma_start3A_729] : memref<10112x128xf32, #tpu.memory_space<hbm>> -> memref<10112x128xf32, #tpu.memory_space<hbm>>
      %dma_start3A_731 = tpu.memref_slice %arg10[%dma_start3A_720] : memref<2x!tpu.dma_semaphore, #tpu.memory_space<semaphore_mem>> -> memref<1x!tpu.dma_semaphore, #tpu.memory_space<semaphore_mem>>
      %dma_start3A_732 = tpu.memref_squeeze %dma_start3A_731 : memref<1x!tpu.dma_semaphore, #tpu.memory_space<semaphore_mem>> -> memref<!tpu.dma_semaphore, #tpu.memory_space<semaphore_mem>>
      tpu.enqueue_indirect_dma source(%dma_start3A_730 : memref<10112x128xf32, #tpu.memory_space<hbm>>) target(%dma_start3A_724 : memref<128x128xf32, #tpu.memory_space<vmem>>) offsets(%dma_start3A_727 : memref<128xi32, #tpu.memory_space<vmem>>) semaphore(%dma_start3A_732 : memref<!tpu.dma_semaphore, #tpu.memory_space<semaphore_mem>>)
      %run_scoped3A_733 = arith.constant 0 : i32
      %run_scoped3A_734 = arith.constant 1 : i32
      %run_scoped3A_735 = arith.constant 6 : i32
      "tpu.region"() ({
        %run_scoped3A_776 = tpu.sem_alloc : memref<!tpu.dma_semaphore, #tpu.memory_space<semaphore_mem>>
        %dma_start3A_777 = arith.constant 0 : i32
        %dma_start3A_778 = arith.constant 0 : i32
        %dma_start3A_779 = tpu.memref_slice %arg8[%run_scoped3A_733, %dma_start3A_777, %dma_start3A_778] : memref<2x128x128xf32, #tpu.memory_space<vmem>> -> memref<1x128x128xf32, #tpu.memory_space<vmem>>
        %dma_start3A_780 = tpu.memref_squeeze %dma_start3A_779 : memref<1x128x128xf32, #tpu.memory_space<vmem>> -> memref<128x128xf32, #tpu.memory_space<vmem>>
        %dma_start3A_781 = arith.constant 0 : i32
        %dma_start3A_782 = tpu.memref_slice %arg7[%run_scoped3A_734, %run_scoped3A_735, %dma_start3A_781] : memref<2x8x128xi32, #tpu.memory_space<vmem>> -> memref<1x1x128xi32, #tpu.memory_space<vmem>>
        %dma_start3A_783 = tpu.memref_squeeze %dma_start3A_782 : memref<1x1x128xi32, #tpu.memory_space<vmem>> -> memref<128xi32, #tpu.memory_space<vmem>>
        %dma_start3A_784 = arith.constant 0 : i32
        %dma_start3A_785 = arith.constant 0 : i32
        %dma_start3A_786 = tpu.memref_slice %arg9[%dma_start3A_784, %dma_start3A_785] : memref<10112x128xf32, #tpu.memory_space<vmem_shared>> -> memref<10112x128xf32, #tpu.memory_space<vmem_shared>>
        tpu.enqueue_indirect_dma source(%dma_start3A_780 : memref<128x128xf32, #tpu.memory_space<vmem>>) target(%dma_start3A_786 : memref<10112x128xf32, #tpu.memory_space<vmem_shared>>) offsets(%dma_start3A_783 : memref<128xi32, #tpu.memory_space<vmem>>) semaphore(%run_scoped3A_776 : memref<!tpu.dma_semaphore, #tpu.memory_space<semaphore_mem>>) {add = true}
        %dma_wait3A_787 = arith.constant 0 : i32
        %dma_wait3A_788 = arith.constant 0 : i32
        %dma_wait3A_789 = tpu.memref_slice %arg8[%run_scoped3A_733, %dma_wait3A_787, %dma_wait3A_788] : memref<2x128x128xf32, #tpu.memory_space<vmem>> -> memref<1x128x128xf32, #tpu.memory_space<vmem>>
        %dma_wait3A_790 = tpu.memref_squeeze %dma_wait3A_789 : memref<1x128x128xf32, #tpu.memory_space<vmem>> -> memref<128x128xf32, #tpu.memory_space<vmem>>
        %dma_wait3A_791 = arith.constant 0 : i32
        %dma_wait3A_792 = tpu.memref_slice %arg7[%run_scoped3A_734, %run_scoped3A_735, %dma_wait3A_791] : memref<2x8x128xi32, #tpu.memory_space<vmem>> -> memref<1x1x128xi32, #tpu.memory_space<vmem>>
        %dma_wait3A_793 = tpu.memref_squeeze %dma_wait3A_792 : memref<1x1x128xi32, #tpu.memory_space<vmem>> -> memref<128xi32, #tpu.memory_space<vmem>>
        %dma_wait3A_794 = arith.constant 0 : i32
        %dma_wait3A_795 = arith.constant 0 : i32
        %dma_wait3A_796 = tpu.memref_slice %arg9[%dma_wait3A_794, %dma_wait3A_795] : memref<10112x128xf32, #tpu.memory_space<vmem_shared>> -> memref<10112x128xf32, #tpu.memory_space<vmem_shared>>
        tpu.wait_indirect_dma semaphore(%run_scoped3A_776 : memref<!tpu.dma_semaphore, #tpu.memory_space<semaphore_mem>>) src(%dma_wait3A_790 : memref<128x128xf32, #tpu.memory_space<vmem>>) dst(%dma_wait3A_796 : memref<10112x128xf32, #tpu.memory_space<vmem_shared>>)
        tpu.yield
      }) : () -> ()
      %add3A_736 = arith.constant 16 : i32
      %add3A_737 = arith.addi %add3A_166, %add3A_736 : i32
      %lt3A_738 = arith.constant 80 : i32
      %lt3A_739 = arith.cmpi slt, %add3A_737, %lt3A_738 : i32
      %convert_element_type3A_740 = arith.extui %lt3A_739 : i1 to i32
      %cond3A_741 = arith.constant 0 : i32
      %cond3A_742 = arith.cmpi ne, %convert_element_type3A_740, %cond3A_741 : i32
      scf.if %cond3A_742 {
        %dma_wait3A_776 = arith.constant 0 : i32
        %dma_wait3A_777 = arith.constant 0 : i32
        %dma_wait3A_778 = arith.constant 0 : i32
        %dma_wait3A_779 = arith.constant 0 : i32
        %dma_wait3A_780 = tpu.memref_slice %arg6[%dma_wait3A_776, %dma_wait3A_778, %dma_wait3A_779] : memref<2x8x128xi32, #tpu.memory_space<vmem>> -> memref<1x8x128xi32, #tpu.memory_space<vmem>>
        %dma_wait3A_781 = tpu.memref_squeeze %dma_wait3A_780 : memref<1x8x128xi32, #tpu.memory_space<vmem>> -> memref<8x128xi32, #tpu.memory_space<vmem>>
        %dma_wait3A_782 = arith.constant 0 : i32
        %dma_wait3A_783 = arith.constant 0 : i32
        %dma_wait3A_784 = tpu.memref_slice %arg3[%add3A, %dma_wait3A_782, %dma_wait3A_783] : memref<32x80x128xi32, #tpu.memory_space<hbm>> -> memref<1x8x128xi32, #tpu.memory_space<hbm>>
        %dma_wait3A_785 = tpu.memref_squeeze %dma_wait3A_784 : memref<1x8x128xi32, #tpu.memory_space<hbm>> -> memref<8x128xi32, #tpu.memory_space<hbm>>
        %dma_wait3A_786 = tpu.memref_slice %arg11[%dma_wait3A_777] : memref<2x!tpu.dma_semaphore, #tpu.memory_space<semaphore_mem>> -> memref<1x!tpu.dma_semaphore, #tpu.memory_space<semaphore_mem>>
        %dma_wait3A_787 = tpu.memref_squeeze %dma_wait3A_786 : memref<1x!tpu.dma_semaphore, #tpu.memory_space<semaphore_mem>> -> memref<!tpu.dma_semaphore, #tpu.memory_space<semaphore_mem>>
        %dma_wait3A_788 = arith.constant 0 : i32
        %dma_wait3A_789 = arith.constant 0 : i32
        %dma_wait3A_790 = tpu.memref_slice %arg6[%dma_wait3A_776, %dma_wait3A_788, %dma_wait3A_789] : memref<2x8x128xi32, #tpu.memory_space<vmem>> -> memref<1x8x128xi32, #tpu.memory_space<vmem>>
        %dma_wait3A_791 = tpu.memref_squeeze %dma_wait3A_790 : memref<1x8x128xi32, #tpu.memory_space<vmem>> -> memref<8x128xi32, #tpu.memory_space<vmem>>
        %dma_wait3A_792 = arith.constant 0 : i32
        %dma_wait3A_793 = arith.constant 0 : i32
        %dma_wait3A_794 = tpu.memref_slice %arg3[%add3A, %dma_wait3A_792, %dma_wait3A_793] : memref<32x80x128xi32, #tpu.memory_space<hbm>> -> memref<1x8x128xi32, #tpu.memory_space<hbm>>
        %dma_wait3A_795 = tpu.memref_squeeze %dma_wait3A_794 : memref<1x8x128xi32, #tpu.memory_space<hbm>> -> memref<8x128xi32, #tpu.memory_space<hbm>>
        tpu.wait_dma2 semaphore(%dma_wait3A_787 : memref<!tpu.dma_semaphore, #tpu.memory_space<semaphore_mem>>) src(%dma_wait3A_795 : memref<8x128xi32, #tpu.memory_space<hbm>>) dst(%dma_wait3A_791 : memref<8x128xi32, #tpu.memory_space<vmem>>)
        %dma_wait3A_796 = arith.constant 0 : i32
        %dma_wait3A_797 = arith.constant 0 : i32
        %dma_wait3A_798 = arith.constant 0 : i32
        %dma_wait3A_799 = arith.constant 0 : i32
        %dma_wait3A_800 = tpu.memref_slice %arg7[%dma_wait3A_796, %dma_wait3A_798, %dma_wait3A_799] : memref<2x8x128xi32, #tpu.memory_space<vmem>> -> memref<1x8x128xi32, #tpu.memory_space<vmem>>
        %dma_wait3A_801 = tpu.memref_squeeze %dma_wait3A_800 : memref<1x8x128xi32, #tpu.memory_space<vmem>> -> memref<8x128xi32, #tpu.memory_space<vmem>>
        %dma_wait3A_802 = arith.constant 0 : i32
        %dma_wait3A_803 = arith.constant 0 : i32
        %dma_wait3A_804 = tpu.memref_slice %arg4[%add3A, %dma_wait3A_802, %dma_wait3A_803] : memref<32x80x128xi32, #tpu.memory_space<hbm>> -> memref<1x8x128xi32, #tpu.memory_space<hbm>>
        %dma_wait3A_805 = tpu.memref_squeeze %dma_wait3A_804 : memref<1x8x128xi32, #tpu.memory_space<hbm>> -> memref<8x128xi32, #tpu.memory_space<hbm>>
        %dma_wait3A_806 = tpu.memref_slice %arg11[%dma_wait3A_797] : memref<2x!tpu.dma_semaphore, #tpu.memory_space<semaphore_mem>> -> memref<1x!tpu.dma_semaphore, #tpu.memory_space<semaphore_mem>>
        %dma_wait3A_807 = tpu.memref_squeeze %dma_wait3A_806 : memref<1x!tpu.dma_semaphore, #tpu.memory_space<semaphore_mem>> -> memref<!tpu.dma_semaphore, #tpu.memory_space<semaphore_mem>>
        %dma_wait3A_808 = arith.constant 0 : i32
        %dma_wait3A_809 = arith.constant 0 : i32
        %dma_wait3A_810 = tpu.memref_slice %arg7[%dma_wait3A_796, %dma_wait3A_808, %dma_wait3A_809] : memref<2x8x128xi32, #tpu.memory_space<vmem>> -> memref<1x8x128xi32, #tpu.memory_space<vmem>>
        %dma_wait3A_811 = tpu.memref_squeeze %dma_wait3A_810 : memref<1x8x128xi32, #tpu.memory_space<vmem>> -> memref<8x128xi32, #tpu.memory_space<vmem>>
        %dma_wait3A_812 = arith.constant 0 : i32
        %dma_wait3A_813 = arith.constant 0 : i32
        %dma_wait3A_814 = tpu.memref_slice %arg4[%add3A, %dma_wait3A_812, %dma_wait3A_813] : memref<32x80x128xi32, #tpu.memory_space<hbm>> -> memref<1x8x128xi32, #tpu.memory_space<hbm>>
        %dma_wait3A_815 = tpu.memref_squeeze %dma_wait3A_814 : memref<1x8x128xi32, #tpu.memory_space<hbm>> -> memref<8x128xi32, #tpu.memory_space<hbm>>
        tpu.wait_dma2 semaphore(%dma_wait3A_807 : memref<!tpu.dma_semaphore, #tpu.memory_space<semaphore_mem>>) src(%dma_wait3A_815 : memref<8x128xi32, #tpu.memory_space<hbm>>) dst(%dma_wait3A_811 : memref<8x128xi32, #tpu.memory_space<vmem>>)
      } else {
      }
      %dma_wait3A_743 = arith.constant 1 : i32
      %dma_wait3A_744 = arith.constant 7 : i32
      %dma_wait3A_745 = arith.constant 1 : i32
      %dma_wait3A_746 = arith.constant 1 : i32
      %dma_wait3A_747 = arith.constant 0 : i32
      %dma_wait3A_748 = arith.constant 0 : i32
      %dma_wait3A_749 = tpu.memref_slice %arg8[%dma_wait3A_745, %dma_wait3A_747, %dma_wait3A_748] : memref<2x128x128xf32, #tpu.memory_space<vmem>> -> memref<1x128x128xf32, #tpu.memory_space<vmem>>
      %dma_wait3A_750 = tpu.memref_squeeze %dma_wait3A_749 : memref<1x128x128xf32, #tpu.memory_space<vmem>> -> memref<128x128xf32, #tpu.memory_space<vmem>>
      %dma_wait3A_751 = arith.constant 0 : i32
      %dma_wait3A_752 = tpu.memref_slice %arg6[%dma_wait3A_743, %dma_wait3A_744, %dma_wait3A_751] : memref<2x8x128xi32, #tpu.memory_space<vmem>> -> memref<1x1x128xi32, #tpu.memory_space<vmem>>
      %dma_wait3A_753 = tpu.memref_squeeze %dma_wait3A_752 : memref<1x1x128xi32, #tpu.memory_space<vmem>> -> memref<128xi32, #tpu.memory_space<vmem>>
      %dma_wait3A_754 = arith.constant 0 : i32
      %dma_wait3A_755 = arith.constant 0 : i32
      %dma_wait3A_756 = tpu.memref_slice %arg2[%dma_wait3A_754, %dma_wait3A_755] : memref<10112x128xf32, #tpu.memory_space<hbm>> -> memref<10112x128xf32, #tpu.memory_space<hbm>>
      %dma_wait3A_757 = tpu.memref_slice %arg10[%dma_wait3A_746] : memref<2x!tpu.dma_semaphore, #tpu.memory_space<semaphore_mem>> -> memref<1x!tpu.dma_semaphore, #tpu.memory_space<semaphore_mem>>
      %dma_wait3A_758 = tpu.memref_squeeze %dma_wait3A_757 : memref<1x!tpu.dma_semaphore, #tpu.memory_space<semaphore_mem>> -> memref<!tpu.dma_semaphore, #tpu.memory_space<semaphore_mem>>
      tpu.wait_indirect_dma semaphore(%dma_wait3A_758 : memref<!tpu.dma_semaphore, #tpu.memory_space<semaphore_mem>>) src(%dma_wait3A_756 : memref<10112x128xf32, #tpu.memory_space<hbm>>) dst(%dma_wait3A_750 : memref<128x128xf32, #tpu.memory_space<vmem>>)
      %add3A_759 = arith.constant 16 : i32
      %add3A_760 = arith.addi %add3A_166, %add3A_759 : i32
      %lt3A_761 = arith.constant 80 : i32
      %lt3A_762 = arith.cmpi slt, %add3A_760, %lt3A_761 : i32
      %convert_element_type3A_763 = arith.extui %lt3A_762 : i1 to i32
      %cond3A_764 = arith.constant 0 : i32
      %cond3A_765 = arith.cmpi ne, %convert_element_type3A_763, %cond3A_764 : i32
      scf.if %cond3A_765 {
        %dma_start3A_776 = arith.constant 0 : i32
        %dma_start3A_777 = arith.constant 0 : i32
        %dma_start3A_778 = arith.constant 0 : i32
        %dma_start3A_779 = arith.constant 0 : i32
        %dma_start3A_780 = arith.constant 0 : i32
        %dma_start3A_781 = arith.constant 0 : i32
        %dma_start3A_782 = tpu.memref_slice %arg8[%dma_start3A_778, %dma_start3A_780, %dma_start3A_781] : memref<2x128x128xf32, #tpu.memory_space<vmem>> -> memref<1x128x128xf32, #tpu.memory_space<vmem>>
        %dma_start3A_783 = tpu.memref_squeeze %dma_start3A_782 : memref<1x128x128xf32, #tpu.memory_space<vmem>> -> memref<128x128xf32, #tpu.memory_space<vmem>>
        %dma_start3A_784 = arith.constant 0 : i32
        %dma_start3A_785 = tpu.memref_slice %arg6[%dma_start3A_776, %dma_start3A_777, %dma_start3A_784] : memref<2x8x128xi32, #tpu.memory_space<vmem>> -> memref<1x1x128xi32, #tpu.memory_space<vmem>>
        %dma_start3A_786 = tpu.memref_squeeze %dma_start3A_785 : memref<1x1x128xi32, #tpu.memory_space<vmem>> -> memref<128xi32, #tpu.memory_space<vmem>>
        %dma_start3A_787 = arith.constant 0 : i32
        %dma_start3A_788 = arith.constant 0 : i32
        %dma_start3A_789 = tpu.memref_slice %arg2[%dma_start3A_787, %dma_start3A_788] : memref<10112x128xf32, #tpu.memory_space<hbm>> -> memref<10112x128xf32, #tpu.memory_space<hbm>>
        %dma_start3A_790 = tpu.memref_slice %arg10[%dma_start3A_779] : memref<2x!tpu.dma_semaphore, #tpu.memory_space<semaphore_mem>> -> memref<1x!tpu.dma_semaphore, #tpu.memory_space<semaphore_mem>>
        %dma_start3A_791 = tpu.memref_squeeze %dma_start3A_790 : memref<1x!tpu.dma_semaphore, #tpu.memory_space<semaphore_mem>> -> memref<!tpu.dma_semaphore, #tpu.memory_space<semaphore_mem>>
        tpu.enqueue_indirect_dma source(%dma_start3A_789 : memref<10112x128xf32, #tpu.memory_space<hbm>>) target(%dma_start3A_783 : memref<128x128xf32, #tpu.memory_space<vmem>>) offsets(%dma_start3A_786 : memref<128xi32, #tpu.memory_space<vmem>>) semaphore(%dma_start3A_791 : memref<!tpu.dma_semaphore, #tpu.memory_space<semaphore_mem>>)
      } else {
      }
      %run_scoped3A_766 = arith.constant 1 : i32
      %run_scoped3A_767 = arith.constant 1 : i32
      %run_scoped3A_768 = arith.constant 7 : i32
      "tpu.region"() ({
        %run_scoped3A_776 = tpu.sem_alloc : memref<!tpu.dma_semaphore, #tpu.memory_space<semaphore_mem>>
        %dma_start3A_777 = arith.constant 0 : i32
        %dma_start3A_778 = arith.constant 0 : i32
        %dma_start3A_779 = tpu.memref_slice %arg8[%run_scoped3A_766, %dma_start3A_777, %dma_start3A_778] : memref<2x128x128xf32, #tpu.memory_space<vmem>> -> memref<1x128x128xf32, #tpu.memory_space<vmem>>
        %dma_start3A_780 = tpu.memref_squeeze %dma_start3A_779 : memref<1x128x128xf32, #tpu.memory_space<vmem>> -> memref<128x128xf32, #tpu.memory_space<vmem>>
        %dma_start3A_781 = arith.constant 0 : i32
        %dma_start3A_782 = tpu.memref_slice %arg7[%run_scoped3A_767, %run_scoped3A_768, %dma_start3A_781] : memref<2x8x128xi32, #tpu.memory_space<vmem>> -> memref<1x1x128xi32, #tpu.memory_space<vmem>>
        %dma_start3A_783 = tpu.memref_squeeze %dma_start3A_782 : memref<1x1x128xi32, #tpu.memory_space<vmem>> -> memref<128xi32, #tpu.memory_space<vmem>>
        %dma_start3A_784 = arith.constant 0 : i32
        %dma_start3A_785 = arith.constant 0 : i32
        %dma_start3A_786 = tpu.memref_slice %arg9[%dma_start3A_784, %dma_start3A_785] : memref<10112x128xf32, #tpu.memory_space<vmem_shared>> -> memref<10112x128xf32, #tpu.memory_space<vmem_shared>>
        tpu.enqueue_indirect_dma source(%dma_start3A_780 : memref<128x128xf32, #tpu.memory_space<vmem>>) target(%dma_start3A_786 : memref<10112x128xf32, #tpu.memory_space<vmem_shared>>) offsets(%dma_start3A_783 : memref<128xi32, #tpu.memory_space<vmem>>) semaphore(%run_scoped3A_776 : memref<!tpu.dma_semaphore, #tpu.memory_space<semaphore_mem>>) {add = true}
        %dma_wait3A_787 = arith.constant 0 : i32
        %dma_wait3A_788 = arith.constant 0 : i32
        %dma_wait3A_789 = tpu.memref_slice %arg8[%run_scoped3A_766, %dma_wait3A_787, %dma_wait3A_788] : memref<2x128x128xf32, #tpu.memory_space<vmem>> -> memref<1x128x128xf32, #tpu.memory_space<vmem>>
        %dma_wait3A_790 = tpu.memref_squeeze %dma_wait3A_789 : memref<1x128x128xf32, #tpu.memory_space<vmem>> -> memref<128x128xf32, #tpu.memory_space<vmem>>
        %dma_wait3A_791 = arith.constant 0 : i32
        %dma_wait3A_792 = tpu.memref_slice %arg7[%run_scoped3A_767, %run_scoped3A_768, %dma_wait3A_791] : memref<2x8x128xi32, #tpu.memory_space<vmem>> -> memref<1x1x128xi32, #tpu.memory_space<vmem>>
        %dma_wait3A_793 = tpu.memref_squeeze %dma_wait3A_792 : memref<1x1x128xi32, #tpu.memory_space<vmem>> -> memref<128xi32, #tpu.memory_space<vmem>>
        %dma_wait3A_794 = arith.constant 0 : i32
        %dma_wait3A_795 = arith.constant 0 : i32
        %dma_wait3A_796 = tpu.memref_slice %arg9[%dma_wait3A_794, %dma_wait3A_795] : memref<10112x128xf32, #tpu.memory_space<vmem_shared>> -> memref<10112x128xf32, #tpu.memory_space<vmem_shared>>
        tpu.wait_indirect_dma semaphore(%run_scoped3A_776 : memref<!tpu.dma_semaphore, #tpu.memory_space<semaphore_mem>>) src(%dma_wait3A_790 : memref<128x128xf32, #tpu.memory_space<vmem>>) dst(%dma_wait3A_796 : memref<10112x128xf32, #tpu.memory_space<vmem_shared>>)
        tpu.yield
      }) : () -> ()
      %add3A_769 = arith.constant 24 : i32
      %add3A_770 = arith.addi %add3A_166, %add3A_769 : i32
      %lt3A_771 = arith.constant 80 : i32
      %lt3A_772 = arith.cmpi slt, %add3A_770, %lt3A_771 : i32
      %convert_element_type3A_773 = arith.extui %lt3A_772 : i1 to i32
      %cond3A_774 = arith.constant 0 : i32
      %cond3A_775 = arith.cmpi ne, %convert_element_type3A_773, %cond3A_774 : i32
      scf.if %cond3A_775 {
        %add3A_776 = arith.constant 24 : i32
        %add3A_777 = arith.addi %add3A_166, %add3A_776 : i32
        %dma_start3A_778 = arith.constant 1 : i32
        %dma_start3A_779 = arith.constant 1 : i32
        %dma_start3A_780 = arith.constant 0 : i32
        %dma_start3A_781 = arith.constant 0 : i32
        %dma_start3A_782 = tpu.memref_slice %arg6[%dma_start3A_778, %dma_start3A_780, %dma_start3A_781] : memref<2x8x128xi32, #tpu.memory_space<vmem>> -> memref<1x8x128xi32, #tpu.memory_space<vmem>>
        %dma_start3A_783 = tpu.memref_squeeze %dma_start3A_782 : memref<1x8x128xi32, #tpu.memory_space<vmem>> -> memref<8x128xi32, #tpu.memory_space<vmem>>
        %dma_start3A_784 = arith.constant 0 : i32
        %dma_start3A_785 = tpu.memref_slice %arg3[%add3A, %add3A_777, %dma_start3A_784] : memref<32x80x128xi32, #tpu.memory_space<hbm>> -> memref<1x8x128xi32, #tpu.memory_space<hbm>>
        %dma_start3A_786 = tpu.memref_squeeze %dma_start3A_785 : memref<1x8x128xi32, #tpu.memory_space<hbm>> -> memref<8x128xi32, #tpu.memory_space<hbm>>
        %dma_start3A_787 = tpu.memref_slice %arg11[%dma_start3A_779] : memref<2x!tpu.dma_semaphore, #tpu.memory_space<semaphore_mem>> -> memref<1x!tpu.dma_semaphore, #tpu.memory_space<semaphore_mem>>
        %dma_start3A_788 = tpu.memref_squeeze %dma_start3A_787 : memref<1x!tpu.dma_semaphore, #tpu.memory_space<semaphore_mem>> -> memref<!tpu.dma_semaphore, #tpu.memory_space<semaphore_mem>>
        %dma_start3A_789 = arith.constant 0 : i32
        %dma_start3A_790 = arith.constant 0 : i32
        %dma_start3A_791 = tpu.memref_slice %arg6[%dma_start3A_778, %dma_start3A_789, %dma_start3A_790] : memref<2x8x128xi32, #tpu.memory_space<vmem>> -> memref<1x8x128xi32, #tpu.memory_space<vmem>>
        %dma_start3A_792 = tpu.memref_squeeze %dma_start3A_791 : memref<1x8x128xi32, #tpu.memory_space<vmem>> -> memref<8x128xi32, #tpu.memory_space<vmem>>
        %dma_start3A_793 = arith.constant 0 : i32
        %dma_start3A_794 = tpu.memref_slice %arg3[%add3A, %add3A_777, %dma_start3A_793] : memref<32x80x128xi32, #tpu.memory_space<hbm>> -> memref<1x8x128xi32, #tpu.memory_space<hbm>>
        %dma_start3A_795 = tpu.memref_squeeze %dma_start3A_794 : memref<1x8x128xi32, #tpu.memory_space<hbm>> -> memref<8x128xi32, #tpu.memory_space<hbm>>
        tpu.enqueue_dma source(%dma_start3A_795 : memref<8x128xi32, #tpu.memory_space<hbm>>) target(%dma_start3A_792 : memref<8x128xi32, #tpu.memory_space<vmem>>) target_semaphore(%dma_start3A_788 : memref<!tpu.dma_semaphore, #tpu.memory_space<semaphore_mem>>)
        %dma_start3A_796 = arith.constant 1 : i32
        %dma_start3A_797 = arith.constant 1 : i32
        %dma_start3A_798 = arith.constant 0 : i32
        %dma_start3A_799 = arith.constant 0 : i32
        %dma_start3A_800 = tpu.memref_slice %arg7[%dma_start3A_796, %dma_start3A_798, %dma_start3A_799] : memref<2x8x128xi32, #tpu.memory_space<vmem>> -> memref<1x8x128xi32, #tpu.memory_space<vmem>>
        %dma_start3A_801 = tpu.memref_squeeze %dma_start3A_800 : memref<1x8x128xi32, #tpu.memory_space<vmem>> -> memref<8x128xi32, #tpu.memory_space<vmem>>
        %dma_start3A_802 = arith.constant 0 : i32
        %dma_start3A_803 = tpu.memref_slice %arg4[%add3A, %add3A_777, %dma_start3A_802] : memref<32x80x128xi32, #tpu.memory_space<hbm>> -> memref<1x8x128xi32, #tpu.memory_space<hbm>>
        %dma_start3A_804 = tpu.memref_squeeze %dma_start3A_803 : memref<1x8x128xi32, #tpu.memory_space<hbm>> -> memref<8x128xi32, #tpu.memory_space<hbm>>
        %dma_start3A_805 = tpu.memref_slice %arg11[%dma_start3A_797] : memref<2x!tpu.dma_semaphore, #tpu.memory_space<semaphore_mem>> -> memref<1x!tpu.dma_semaphore, #tpu.memory_space<semaphore_mem>>
        %dma_start3A_806 = tpu.memref_squeeze %dma_start3A_805 : memref<1x!tpu.dma_semaphore, #tpu.memory_space<semaphore_mem>> -> memref<!tpu.dma_semaphore, #tpu.memory_space<semaphore_mem>>
        %dma_start3A_807 = arith.constant 0 : i32
        %dma_start3A_808 = arith.constant 0 : i32
        %dma_start3A_809 = tpu.memref_slice %arg7[%dma_start3A_796, %dma_start3A_807, %dma_start3A_808] : memref<2x8x128xi32, #tpu.memory_space<vmem>> -> memref<1x8x128xi32, #tpu.memory_space<vmem>>
        %dma_start3A_810 = tpu.memref_squeeze %dma_start3A_809 : memref<1x8x128xi32, #tpu.memory_space<vmem>> -> memref<8x128xi32, #tpu.memory_space<vmem>>
        %dma_start3A_811 = arith.constant 0 : i32
        %dma_start3A_812 = tpu.memref_slice %arg4[%add3A, %add3A_777, %dma_start3A_811] : memref<32x80x128xi32, #tpu.memory_space<hbm>> -> memref<1x8x128xi32, #tpu.memory_space<hbm>>
        %dma_start3A_813 = tpu.memref_squeeze %dma_start3A_812 : memref<1x8x128xi32, #tpu.memory_space<hbm>> -> memref<8x128xi32, #tpu.memory_space<hbm>>
        tpu.enqueue_dma source(%dma_start3A_813 : memref<8x128xi32, #tpu.memory_space<hbm>>) target(%dma_start3A_810 : memref<8x128xi32, #tpu.memory_space<vmem>>) target_semaphore(%dma_start3A_806 : memref<!tpu.dma_semaphore, #tpu.memory_space<semaphore_mem>>)
      } else {
      }
    }
    %scan3A_160 = arith.constant 5 : i32
    %barrier3A_161 = arith.constant 0 : index
    tpu.barrier barrier_id(%barrier3A_161)
    "tpu.region"() ({
      %run_scoped3A_162 = tpu.sem_alloc : memref<!tpu.dma_semaphore, #tpu.memory_space<semaphore_mem>>
      %dma_start3A_163 = arith.constant 0 : i32
      %dma_start3A_164 = tpu.memref_slice %arg5[%arg0, %mul3A_2, %dma_start3A_163] : memref<2x10112x128xf32, #tpu.memory_space<hbm>> -> memref<1x632x128xf32, #tpu.memory_space<hbm>>
      %dma_start3A_165 = tpu.memref_squeeze %dma_start3A_164 : memref<1x632x128xf32, #tpu.memory_space<hbm>> -> memref<632x128xf32, #tpu.memory_space<hbm>>
      %dma_start3A_166 = arith.constant 0 : i32
      %dma_start3A_167 = tpu.memref_slice %arg9[%mul3A_2, %dma_start3A_166] : memref<10112x128xf32, #tpu.memory_space<vmem_shared>> -> memref<632x128xf32, #tpu.memory_space<vmem_shared>>
      tpu.enqueue_dma source(%dma_start3A_167 : memref<632x128xf32, #tpu.memory_space<vmem_shared>>) target(%dma_start3A_165 : memref<632x128xf32, #tpu.memory_space<hbm>>) target_semaphore(%run_scoped3A_162 : memref<!tpu.dma_semaphore, #tpu.memory_space<semaphore_mem>>)
      %dma_wait3A_168 = arith.constant 0 : i32
      %dma_wait3A_169 = tpu.memref_slice %arg5[%arg0, %mul3A_2, %dma_wait3A_168] : memref<2x10112x128xf32, #tpu.memory_space<hbm>> -> memref<1x632x128xf32, #tpu.memory_space<hbm>>
      %dma_wait3A_170 = tpu.memref_squeeze %dma_wait3A_169 : memref<1x632x128xf32, #tpu.memory_space<hbm>> -> memref<632x128xf32, #tpu.memory_space<hbm>>
      %dma_wait3A_171 = arith.constant 0 : i32
      %dma_wait3A_172 = tpu.memref_slice %arg9[%mul3A_2, %dma_wait3A_171] : memref<10112x128xf32, #tpu.memory_space<vmem_shared>> -> memref<632x128xf32, #tpu.memory_space<vmem_shared>>
      tpu.wait_dma2 semaphore(%run_scoped3A_162 : memref<!tpu.dma_semaphore, #tpu.memory_space<semaphore_mem>>) src(%dma_wait3A_172 : memref<632x128xf32, #tpu.memory_space<vmem_shared>>) dst(%dma_wait3A_170 : memref<632x128xf32, #tpu.memory_space<hbm>>)
      tpu.yield
    }) : () -> ()
    return
  }
}

module attributes {stable_mosaic.version = 14 : i64} {
  func.func @_tc_layer_body(%arg0: memref<2x10112x128xf32, #tpu.memory_space<vmem>>, %arg1: memref<10112x1xf32, #tpu.memory_space<vmem>>, %arg2: memref<10112x1xf32, #tpu.memory_space<vmem>>, %arg3: memref<128x128xf32, #tpu.memory_space<vmem>>, %arg4: memref<1x128xf32, #tpu.memory_space<vmem>>, %arg5: memref<10112x128xf32, #tpu.memory_space<vmem>>) attributes {dimension_semantics = [], scalar_prefetch = 0 : i64, scratch_operands = 0 : i64, tpu.core_type = #tpu.core_type<tc>} {
    %get3A = arith.constant 0 : index
    %get3A_0 = arith.constant 0 : index
    %get3A_1 = arith.constant 0 : index
    %get3A_2 = vector.load %arg0[%get3A, %get3A_0, %get3A_1] : memref<2x10112x128xf32, #tpu.memory_space<vmem>>, vector<1x10112x128xf32>
    %get3A_3 = vector.shape_cast %get3A_2 : vector<1x10112x128xf32> to vector<10112x128xf32>
    %get3A_4 = arith.constant 1 : index
    %get3A_5 = arith.constant 0 : index
    %get3A_6 = arith.constant 0 : index
    %get3A_7 = vector.load %arg0[%get3A_4, %get3A_5, %get3A_6] : memref<2x10112x128xf32, #tpu.memory_space<vmem>>, vector<1x10112x128xf32>
    %get3A_8 = vector.shape_cast %get3A_7 : vector<1x10112x128xf32> to vector<10112x128xf32>
    %add3A = arith.addf %get3A_3, %get3A_8 : vector<10112x128xf32>
    %get3A_9 = arith.constant 0 : index
    %get3A_10 = arith.constant 0 : index
    %get3A_11 = vector.load %arg1[%get3A_9, %get3A_10] : memref<10112x1xf32, #tpu.memory_space<vmem>>, vector<10112x1xf32>
    %mul3A = vector.broadcast %get3A_11 : vector<10112x1xf32> to vector<10112x128xf32>
    %mul3A_12 = arith.mulf %add3A, %mul3A : vector<10112x128xf32>
    %get3A_13 = arith.constant 0 : index
    %get3A_14 = arith.constant 0 : index
    %get3A_15 = vector.load %arg3[%get3A_13, %get3A_14] : memref<128x128xf32, #tpu.memory_space<vmem>>, vector<128x128xf32>
    %dot_general3A = arith.constant dense<0.000000e+00> : vector<10112x128xf32>
    %dot_general3A_16 = tpu.matmul %mul3A_12, %get3A_15, %dot_general3A {dimension_numbers = #tpu.dot_dimension_numbers<[1], [0], [0], [1], [0, 0, 1, 1], [], []>, transpose_lhs_hint = false} : vector<10112x128xf32>, vector<128x128xf32>, vector<10112x128xf32> -> vector<10112x128xf32>
    %get3A_17 = arith.constant 0 : index
    %get3A_18 = arith.constant 0 : index
    %get3A_19 = vector.load %arg4[%get3A_17, %get3A_18] : memref<1x128xf32, #tpu.memory_space<vmem>>, vector<1x128xf32>
    %add3A_20 = vector.broadcast %get3A_19 : vector<1x128xf32> to vector<10112x128xf32>
    %add3A_21 = arith.addf %dot_general3A_16, %add3A_20 : vector<10112x128xf32>
    %get3A_22 = arith.constant 0 : index
    %get3A_23 = arith.constant 0 : index
    %get3A_24 = vector.load %arg2[%get3A_22, %get3A_23] : memref<10112x1xf32, #tpu.memory_space<vmem>>, vector<10112x1xf32>
    %mul3A_25 = vector.broadcast %get3A_24 : vector<10112x1xf32> to vector<10112x128xf32>
    %mul3A_26 = arith.mulf %add3A_21, %mul3A_25 : vector<10112x128xf32>
    %swap3A = arith.constant 0 : index
    %swap3A_27 = arith.constant 0 : index
    %swap3A_28 = vector.load %arg5[%swap3A, %swap3A_27] : memref<10112x128xf32, #tpu.memory_space<vmem>>, vector<10112x128xf32>
    tpu.vector_store %arg5[%swap3A, %swap3A_27], %mul3A_26 {strides = array<i32>} : memref<10112x128xf32, #tpu.memory_space<vmem>>, vector<10112x128xf32>,
    return
  }
}

module attributes {stable_mosaic.version = 14 : i64} {
  func.func @_tc_prep_body(%arg0: memref<2x32x10112xf32, #tpu.memory_space<vmem>>, %arg1: memref<10000x128xf32, #tpu.memory_space<vmem>>, %arg2: memref<10112x1xf32, #tpu.memory_space<vmem>>, %arg3: memref<10112x1xf32, #tpu.memory_space<vmem>>, %arg4: memref<10112x128xf32, #tpu.memory_space<vmem>>) attributes {dimension_semantics = [], scalar_prefetch = 0 : i64, scratch_operands = 0 : i64, tpu.core_type = #tpu.core_type<tc>} {
    %get3A = arith.constant 0 : index
    %get3A_0 = arith.constant 0 : index
    %get3A_1 = arith.constant 0 : index
    %get3A_2 = vector.load %arg0[%get3A, %get3A_0, %get3A_1] : memref<2x32x10112xf32, #tpu.memory_space<vmem>>, vector<2x32x10112xf32>
    %reduce_sum3A = arith.constant dense<0.000000e+00> : vector<2x10112xf32>
    %reduce_sum3A_3 = vector.multi_reduction <add>, %get3A_2, %reduce_sum3A [1] : vector<2x32x10112xf32> to vector<2x10112xf32>
    %max3A = arith.constant 1.000000e+00 : f32
    %max3A_4 = vector.broadcast %max3A : f32 to vector<2x10112xf32>
    %max3A_5 = arith.maximumf %reduce_sum3A_3, %max3A_4 : vector<2x10112xf32>
    %rsqrt3A = math.rsqrt %max3A_5 : vector<2x10112xf32>
    %slice3A = vector.extract_strided_slice %rsqrt3A {offsets = [0, 0], sizes = [1, 10112], strides = [1, 1]} : vector<2x10112xf32> to vector<1x10112xf32>
    %squeeze3A = vector.shape_cast %slice3A : vector<1x10112xf32> to vector<10112xf32>
    %broadcast_in_dim3A = vector.shape_cast %squeeze3A : vector<10112xf32> to vector<10112x1xf32>
    %slice3A_6 = vector.extract_strided_slice %rsqrt3A {offsets = [1, 0], sizes = [1, 10112], strides = [1, 1]} : vector<2x10112xf32> to vector<1x10112xf32>
    %squeeze3A_7 = vector.shape_cast %slice3A_6 : vector<1x10112xf32> to vector<10112xf32>
    %broadcast_in_dim3A_8 = vector.shape_cast %squeeze3A_7 : vector<10112xf32> to vector<10112x1xf32>
    %swap3A = arith.constant 0 : index
    %swap3A_9 = arith.constant 0 : index
    %swap3A_10 = vector.load %arg2[%swap3A, %swap3A_9] : memref<10112x1xf32, #tpu.memory_space<vmem>>, vector<10112x1xf32>
    tpu.vector_store %arg2[%swap3A, %swap3A_9], %broadcast_in_dim3A {strides = array<i32>} : memref<10112x1xf32, #tpu.memory_space<vmem>>, vector<10112x1xf32>,
    %swap3A_11 = arith.constant 0 : index
    %swap3A_12 = arith.constant 0 : index
    %swap3A_13 = vector.load %arg3[%swap3A_11, %swap3A_12] : memref<10112x1xf32, #tpu.memory_space<vmem>>, vector<10112x1xf32>
    tpu.vector_store %arg3[%swap3A_11, %swap3A_12], %broadcast_in_dim3A_8 {strides = array<i32>} : memref<10112x1xf32, #tpu.memory_space<vmem>>, vector<10112x1xf32>,
    %get3A_14 = arith.constant 0 : index
    %get3A_15 = arith.constant 0 : index
    %get3A_16 = vector.load %arg1[%get3A_14, %get3A_15] : memref<10000x128xf32, #tpu.memory_space<vmem>>, vector<10000x128xf32>
    %slice3A_17 = vector.extract_strided_slice %broadcast_in_dim3A {offsets = [0, 0], sizes = [10000, 1], strides = [1, 1]} : vector<10112x1xf32> to vector<10000x1xf32>
    %mul3A = vector.broadcast %slice3A_17 : vector<10000x1xf32> to vector<10000x128xf32>
    %mul3A_18 = arith.mulf %get3A_16, %mul3A : vector<10000x128xf32>
    %swap3A_19 = arith.constant 0 : index
    %swap3A_20 = arith.constant 0 : index
    %swap3A_21 = vector.load %arg4[%swap3A_19, %swap3A_20] : memref<10112x128xf32, #tpu.memory_space<vmem>>, vector<10000x128xf32>
    tpu.vector_store %arg4[%swap3A_19, %swap3A_20], %mul3A_18 {strides = array<i32>} : memref<10112x128xf32, #tpu.memory_space<vmem>>, vector<10000x128xf32>,
    %broadcast_in_dim3A_22 = arith.constant 0.000000e+00 : f32
    %broadcast_in_dim3A_23 = vector.broadcast %broadcast_in_dim3A_22 : f32 to vector<112x128xf32>
    %swap3A_24 = arith.constant 10000 : index
    %swap3A_25 = arith.constant 0 : index
    %swap3A_26 = vector.load %arg4[%swap3A_24, %swap3A_25] : memref<10112x128xf32, #tpu.memory_space<vmem>>, vector<112x128xf32>
    tpu.vector_store %arg4[%swap3A_24, %swap3A_25], %broadcast_in_dim3A_23 {strides = array<i32>} : memref<10112x128xf32, #tpu.memory_space<vmem>>, vector<112x128xf32>,
    return
  }
}

module attributes {stable_mosaic.version = 14 : i64} {
  func.func @_tc_layer_body(%arg0: memref<2x10112x128xf32, #tpu.memory_space<vmem>>, %arg1: memref<10112x1xf32, #tpu.memory_space<vmem>>, %arg2: memref<10112x1xf32, #tpu.memory_space<vmem>>, %arg3: memref<128x128xf32, #tpu.memory_space<vmem>>, %arg4: memref<1x128xf32, #tpu.memory_space<vmem>>, %arg5: memref<10000x128xf32, #tpu.memory_space<vmem>>) attributes {dimension_semantics = [], scalar_prefetch = 0 : i64, scratch_operands = 0 : i64, tpu.core_type = #tpu.core_type<tc>} {
    %get3A = arith.constant 0 : index
    %get3A_0 = arith.constant 0 : index
    %get3A_1 = arith.constant 0 : index
    %get3A_2 = vector.load %arg0[%get3A, %get3A_0, %get3A_1] : memref<2x10112x128xf32, #tpu.memory_space<vmem>>, vector<1x10112x128xf32>
    %get3A_3 = vector.shape_cast %get3A_2 : vector<1x10112x128xf32> to vector<10112x128xf32>
    %get3A_4 = arith.constant 1 : index
    %get3A_5 = arith.constant 0 : index
    %get3A_6 = arith.constant 0 : index
    %get3A_7 = vector.load %arg0[%get3A_4, %get3A_5, %get3A_6] : memref<2x10112x128xf32, #tpu.memory_space<vmem>>, vector<1x10112x128xf32>
    %get3A_8 = vector.shape_cast %get3A_7 : vector<1x10112x128xf32> to vector<10112x128xf32>
    %add3A = arith.addf %get3A_3, %get3A_8 : vector<10112x128xf32>
    %get3A_9 = arith.constant 0 : index
    %get3A_10 = arith.constant 0 : index
    %get3A_11 = vector.load %arg1[%get3A_9, %get3A_10] : memref<10112x1xf32, #tpu.memory_space<vmem>>, vector<10112x1xf32>
    %mul3A = vector.broadcast %get3A_11 : vector<10112x1xf32> to vector<10112x128xf32>
    %mul3A_12 = arith.mulf %add3A, %mul3A : vector<10112x128xf32>
    %get3A_13 = arith.constant 0 : index
    %get3A_14 = arith.constant 0 : index
    %get3A_15 = vector.load %arg3[%get3A_13, %get3A_14] : memref<128x128xf32, #tpu.memory_space<vmem>>, vector<128x128xf32>
    %dot_general3A = arith.constant dense<0.000000e+00> : vector<10112x128xf32>
    %dot_general3A_16 = tpu.matmul %mul3A_12, %get3A_15, %dot_general3A {dimension_numbers = #tpu.dot_dimension_numbers<[1], [0], [0], [1], [0, 0, 1, 1], [], []>, transpose_lhs_hint = false} : vector<10112x128xf32>, vector<128x128xf32>, vector<10112x128xf32> -> vector<10112x128xf32>
    %get3A_17 = arith.constant 0 : index
    %get3A_18 = arith.constant 0 : index
    %get3A_19 = vector.load %arg4[%get3A_17, %get3A_18] : memref<1x128xf32, #tpu.memory_space<vmem>>, vector<1x128xf32>
    %add3A_20 = vector.broadcast %get3A_19 : vector<1x128xf32> to vector<10112x128xf32>
    %add3A_21 = arith.addf %dot_general3A_16, %add3A_20 : vector<10112x128xf32>
    %slice3A = vector.extract_strided_slice %add3A_21 {offsets = [0, 0], sizes = [10000, 128], strides = [1, 1]} : vector<10112x128xf32> to vector<10000x128xf32>
    %swap3A = arith.constant 0 : index
    %swap3A_22 = arith.constant 0 : index
    %swap3A_23 = vector.load %arg5[%swap3A, %swap3A_22] : memref<10000x128xf32, #tpu.memory_space<vmem>>, vector<10000x128xf32>
    tpu.vector_store %arg5[%swap3A, %swap3A_22], %slice3A {strides = array<i32>} : memref<10000x128xf32, #tpu.memory_space<vmem>>, vector<10000x128xf32>,
    return
  }
}

</mosaic_0001>

<sc_bundles>
// kernel: kernel.11.cloned.1.call-start
scs
__scs_entry_jumppad:
0x0: {  	(pc) =	sbr.rel $0x88, $3  }
0x1: {  	(tag) =	ssettag $0x0;
	lr =	simm.s32 $0x1  }
0x2: {  	[smem:$0x3F9B] =	sst lr;
	_ =	strace $0xD0000000  }
0x3: {  	_ = 	snop  }
0x4: {  	_ = 	snop  }
0x5: {  	_ = 	snop  }
0x6: {  	_ = 	snop  }
0x7: {  	_ = 	snop  }
__scs_overlays_trampoline_lowered:
0x8: {  	[smem:$0x3FAA] =	sst s0  }
0x9: {  	[smem:$0x3FAB] =	sst s1  }
0xa: {  	[smem:$0x3FAC] =	sst s2  }
0xb: {  	[smem:$0x3FAD] =	sst s3  }
0xc: {  	[smem:$0x3FAE] =	sst s4  }
0xd: {  	[smem:$0x3FAF] =	sst s5  }
0xe: {  	[smem:$0x3FB0] =	sst s6  }
0xf: {  	[smem:$0x3FB1] =	sst s7  }
0x10: {  	[smem:$0x3FB2] =	sst s8  }
0x11: {  	[smem:$0x3FB3] =	sst s9;
	s0 =	simm.s32 @!p0 $0x0  }
0x12: {  	s1 =	sld [smem:$0x3F99];
	s0 =	simm.s32 @p0 $0x1  }
0x13: {  	[smem:$0x3FB4] =	sst s0;
	s0 =	simm.s32 @!p1 $0x0  }
0x14: {  	s2 =	sld [smem:$0x3F98];
	s0 =	simm.s32 @p1 $0x1  }
0x15: {  	[smem:$0x3FB5] =	sst s0;
	s0 =	simm.s32 @!p2 $0x0  }
0x16: {  	s3 =	sld [smem:$0x3FDB];
	s0 =	simm.s32 @p2 $0x1  }
0x17: {  	s4 =	simm.s32 $0x1BF5;
	[smem:$0x3FB7] =	sst s0  }
0x18: {  	s0 =	sld [smem:$0x3F9A];
	_ =	swait.ge [sflag:s4], $0x0  }
0x19: {  	s7 =	sld [smem:$0x3F9B]  }
0x1a: {  	s8 =	sadd.s32 $0xFFFFE003, lr  }
0x1b: {  	s9 =	sadd.s32 $0xFFFFFEF7, lr;
	s5 =	simm.s32 $0xFFFFFFFF;
	p2 =	slt.u32 s8, $0xFFFFF086  }
0x1c: {  	p1 =	slt.u32 s9, $0xF7A;
	s5 =	simm.s32 @!p2 $0x0  }
0x1d: {  	s5 =	simm.s32 @p1 $0x1;
	p0 =	seq.s32 s7, s2  }
0x1e: {  	s7 =	smul.u32 @!p0 $0xF7A, s2;
	p2 =	seq.s32 @!p0 s5, $0x0  }
0x1f: {  	s9 =	smul.u32 $0xF7A, s1;
	s8 =	simm.s32 @!p0 $0x1BF5;
	p2 =	por !p2, p0  }
0x20: {  	[sflag:s8] =	ssyncset.s32 @!p0 $0xFFFFF086;
	s6 =	sadd.s32 @!p0 s3, s7;
	s7 =	simm.s32 @!p0 $0x108  }
0x21: {  	s3 =	sadd.s32 s3, s9;
	s6 =	sadd.s32 @!p0 $0x88, s6;
	s7 =	simm.s32 @p2 $0x1082  }
0x22: {  	[simem:s7], [sflag:s8] =	dma.local @!p0 [hbm:s6], $0xF7A  }
0x23: {  	s9 =	sor.u32 $0xD0000000, s2;
	s6 =	simm.s32 $0x108;
	_ =	swait.ge @!p0 [sflag:s8], $0x0  }
0x24: {  	s3 =	sadd.s32 $0x88, s3;
	s6 =	simm.s32 @!p1 $0x1082;
	[sflag:s4] =	ssyncset.s32 $0xFFFFF086  }
0x25: {  	[simem:s6], [sflag:s4] =	dma.local [hbm:s3], $0xF7A  }
0x26: {  	[smem:$0x3F9B] =	sst s1;
	(tag) =	ssettag s2;
	_ =	strace s9  }
0x27: {  	s1 =	sld [smem:$0x3FAB]  }
0x28: {  	s2 =	sld [smem:$0x3FAC]  }
0x29: {  	s4 =	sld [smem:$0x3FAE]  }
0x2a: {  	p0 =	seq.s32 s5, $0x0;
	s5 =	sld [smem:$0x3FAF]  }
0x2b: {  	s6 =	sld [smem:$0x3FB0]  }
0x2c: {  	s7 =	sld [smem:$0x3FB1]  }
0x2d: {  	s3 =	simm.s32 $0x108;
	s8 =	sld [smem:$0x3FB2]  }
0x2e: {  	s3 =	simm.s32 @!p0 $0x1082;
	s9 =	sld [smem:$0x3FB3]  }
0x2f: {  	lr =	sadd.s32 s0, s3;
	s0 =	sld [smem:$0x3FAA]  }
0x30: {  	s3 =	sld [smem:$0x3FAD]  }
0x31: {  	[smem:$0x3FB6] =	sst s10  }
0x32: {  	s10 =	sld [smem:$0x3FB4];
	_ =	sdelay $0x3  }
0x33: {  	p0 =	seq.s32 s10, $0x1;
	s10 =	sld [smem:$0x3FB6];
	_ =	sdelay $0x3  }
0x34: {  	[smem:$0x3FB6] =	sst s10  }
0x35: {  	s10 =	sld [smem:$0x3FB5];
	_ =	sdelay $0x3  }
0x36: {  	p1 =	seq.s32 s10, $0x1;
	s10 =	sld [smem:$0x3FB6];
	_ =	sdelay $0x3  }
0x37: {  	[smem:$0x3FB6] =	sst s10  }
0x38: {  	s10 =	sld [smem:$0x3FB7]  }
0x39: {  	_ = 	snop;
	(pc) =	sbr.ind lr, $3  }
0x3a: {  	_ = 	snop  }
0x3b: {  	_ = 	snop  }
0x3c: {  	p2 =	seq.s32 s10, $0x1;
	s10 =	sld [smem:$0x3FB6]  }
0x3d: {  	_ =	shalt  }
0x3e: {  	_ =	shalt  }
0x3f: {  	_ =	shalt  }
0x40: {  	_ =	shalt  }
0x41: {  	_ =	shalt  }
0x42: {  	_ =	shalt  }
0x43: {  	_ =	shalt  }
0x44: {  	_ =	shalt  }
0x45: {  	_ =	shalt  }
0x46: {  	_ =	shalt  }
0x47: {  	_ =	shalt  }
0x48: {  	_ =	shalt  }
0x49: {  	_ =	shalt  }
0x4a: {  	_ =	shalt  }
0x4b: {  	_ =	shalt  }
0x4c: {  	_ =	shalt  }
0x4d: {  	_ =	shalt  }
0x4e: {  	_ =	shalt  }
0x4f: {  	_ =	shalt  }
0x50: {  	_ =	shalt  }
0x51: {  	_ =	shalt  }
0x52: {  	_ =	shalt  }
0x53: {  	_ =	shalt  }
0x54: {  	_ =	shalt  }
0x55: {  	_ =	shalt  }
0x56: {  	_ =	shalt  }
0x57: {  	_ =	shalt  }
0x58: {  	_ =	shalt  }
0x59: {  	_ =	shalt  }
0x5a: {  	_ =	shalt  }
0x5b: {  	_ =	shalt  }
0x5c: {  	_ =	shalt  }
0x5d: {  	_ =	shalt  }
0x5e: {  	_ =	shalt  }
0x5f: {  	_ =	shalt  }
0x60: {  	_ =	shalt  }
0x61: {  	_ =	shalt  }
0x62: {  	_ =	shalt  }
0x63: {  	_ =	shalt  }
0x64: {  	_ =	shalt  }
0x65: {  	_ =	shalt  }
0x66: {  	_ =	shalt  }
0x67: {  	_ =	shalt  }
0x68: {  	_ =	shalt  }
0x69: {  	_ =	shalt  }
0x6a: {  	_ =	shalt  }
0x6b: {  	_ =	shalt  }
0x6c: {  	_ =	shalt  }
0x6d: {  	_ =	shalt  }
0x6e: {  	_ =	shalt  }
0x6f: {  	_ =	shalt  }
0x70: {  	_ =	shalt  }
0x71: {  	_ =	shalt  }
0x72: {  	_ =	shalt  }
0x73: {  	_ =	shalt  }
0x74: {  	_ =	shalt  }
0x75: {  	_ =	shalt  }
0x76: {  	_ =	shalt  }
0x77: {  	_ =	shalt  }
0x78: {  	_ =	shalt  }
0x79: {  	_ =	shalt  }
0x7a: {  	_ =	shalt  }
0x7b: {  	_ =	shalt  }
0x7c: {  	_ =	shalt  }
0x7d: {  	_ =	shalt  }
0x7e: {  	_ =	shalt  }
0x7f: {  	_ =	shalt  }
0x80: {  	_ =	shalt  }
0x81: {  	_ =	shalt  }
0x82: {  	_ =	shalt  }
0x83: {  	_ =	shalt  }
0x84: {  	_ =	shalt  }
0x85: {  	_ =	shalt  }
0x86: {  	_ =	shalt  }
0x87: {  	_ =	shalt  }
.Lfunc_end0:
.L_simem_size_0:
called_computation.1_lowered:
.L_overlay_start_0:
0x88: {  	s2 =	sld [smem:$0x3FD9]  }
0x89: {  	s3 =	sld [smem:$0x3FFE];
	_ =	sdelay $0x1  }
0x8a: {  	s1 =	srdreg.scid  }
0x8b: {  	s0 =	sand.u32 $0x1, s1  }
0x8c: {  	s16 =	sshll.u32 s0, $0xA;
	s2 =	sadd.s32 s3, s2  }
0x8d: {  	s2 =	sadd.s32 s2, s16  }
0x8e: {  	[smem:$0x3FC2] =	sst s2  }
0x8f: {  	_ = 	snop  }
0x90: {  	(tm) =	ssettm $0x1  }
0x91: {  	s17 =	sld [smem:$0x3FFB];
	_ =	sdelay $0x3  }
0x92: {  	_ =	strace s17  }
0x93: {  	s2 =	sld [smem:$0x3FFC];
	_ =	sdelay $0x3  }
0x94: {  	_ =	strace s2  }
0x95: {  	s2 =	sld [smem:$0x3FFD];
	_ =	sdelay $0x3  }
0x96: {  	_ =	strace s2  }
0x97: {  	_ =	strace $0x8FFFFFFF  }
0x98: {  	s18 =	sld [smem:$0x3FDB];
	_ =	sdelay $0x1  }
0x99: {  	s19 =	simm.s32 $_scs_section_size  }
0x9a: {  	s4 =	simm.s32 $_size__tile_overlayer_lowered;
	s5 =	simm.s32 $_tile_overlayer_lowered  }
0x9b: {  	s22 =	simm.s32 $0x1BFF;
	s21 =	sshll.u32 s5, $0x1;
	s2 =	sadd.s32 s19, s18  }
0x9c: {  	s6 =	simm.s32 $0x0;
	s20 =	sshll.u32 s4, $0x1;
	s4 =	sadd.s32 s21, s2  }
0x9d: {  	[timem:s6], [sflag:s22] =	dma.local [hbm:s4], s20  }
0x9e: {  	_ =	swait.ge [sflag:s22], s20  }
0x9f: {  	s3 =	ssub.s32 $0x0, s20;
	[sflag:s22] =	ssyncset.done $0x0  }
0xa0: {  	[sflag:s22] =	ssyncadd.s32 s3;
	_ =	sdelay $0x1  }
0xa1: {  	s23 =	simm.s32 $0x1B8B  }
0xa2: {  	_ =	swait.ge [sflag:s23], $0x1  }
0xa3: {  	[sflag:s23] =	ssyncset.done $0x0  }
0xa4: {  	s25 =	simm.s32 $0x1B8E;
	s24 =	sld [smem:$0x3FFE];
	[sflag:s23] =	ssyncadd.s32 $0xFFFFFFFF  }
0xa5: {  	s26 =	simm.s32 $execute0_lowered;
	[smem:$0x3FD2] =	sst s25  }
0xa6: {  	s4 =	sshll.u32 s26, $0x1;
	_ =	strace $0x80000049;
	[dreg:$0x1] =	wrdreg $0xFFFFFFFF  }
0xa7: {  	s28 =	simm.s32 $_size_execute0_lowered;
	s2 =	sadd.s32 s2, s4;
	[dreg:$0x0] =	wrdreg $0x0  }
0xa8: {  	s4 =	sshll.u32 s28, $0x1;
	[dreg:$0x2] =	wrdreg s2  }
0xa9: {  	[dreg:$0x3] =	wrdreg s4  }
0xaa: {  	[dreg:$0x4] =	wrdreg $0xC0  }
0xab: {  	_ =	task [dreg:s6], $0x5FFFF  }
0xac: {  	[dreg:$0x1] =	wrdreg $0xFFFFFFFF  }
0xad: {  	[dreg:$0x0] =	wrdreg $0x60  }
0xae: {  	[dreg:$0x2] =	wrdreg s24  }
0xaf: {  	[dreg:$0x3] =	wrdreg $0x90000  }
0xb0: {  	[dreg:$0x4] =	wrdreg $0x9  }
0xb1: {  	_ =	task.clear_ibuf [dreg:s6], $0x5FFFF;
	_ =	strace $0x90000049  }
0xb2: {  	s29 =	simm.s32 $0x9;
	_ =	strace $0x8000004B  }
0xb3: {  	_ =	swait.ge [sflag:s29], $0x1  }
0xb4: {  	[sflag:s29] =	ssyncadd.s32 $0xFFFFFFFF  }
0xb5: {  	_ =	strace $0x9000004B  }
0xb6: {  	_ =	sfence  }
0xb7: {  	s30 =	sld [smem:$0x0];
	_ =	sdelay $0x2  }
0xb8: {  	s31 =	sshll.u32 s1, $0xD;
	s1 =	sshrl.u32 s1, $0x2  }
0xb9: {  	s3 =	sand.u32 $0x4000, s31;
	s1 =	sadd.s32 s1, s30  }
0xba: {  	s0 =	sor.u32 s3, s0;
	s1 =	sshll.u32 s1, $0x11  }
0xbb: {  	s0 =	sor.u32 s1, s0  }
0xbc: {  	s0 =	sadd.s32 $0x8F2B, s0  }
0xbd: {  	[sflag:s0] =	ssyncadd.remote.s32 $0x1  }
0xbe: {  	_ =	sfence.sel $0xFFFF  }
0xbf: {  	[dreg:$0x0] =	wrdreg $0xFFFFFFFF;
	(pc) =	sbr.abs _section_cstart, $3  }
0xc0: {  	[dreg:$0x1] =	wrdreg $0xFFFFFFFF  }
0xc1: {  	_ =	task.clear_ibuf [dreg:s6], $0x2FFFF;
	_ =	strace $0x9FFFFFFF  }
0xc2: {  	(tm) =	ssettm $0x7FFFFFFF  }
0xc3: {  	_ =	shalt  }
tec
execute0_lowered:
.L_overlay_start_1:
0x0: {  	(tag) =	ssettag $0x1  }
0x1: {  	s0 =	rddreg [dreg:$0x0]  }
0x2: {  	s1 =	rddreg [dreg:$0x1];
	s2 =	srdreg.scid  }
0x3: {  	s3 =	simm.s32 $0x0;
	s10 =	stileid.u32;
	s28 =	simm.s32 $0x80  }
0x4: {  	s29 =	simm.s32 $0x1;
	s30 =	simm.s32 $0x5000;
	s7 =	smul.u32 $0x13C00, s10  }
0x5: {  	s31 =	simm.s32 $0x2;
	s2 =	sand.u32 $0x1, s2;
	s15 =	smul.u32 $0x4F000, s10  }
0x6: {  	[smem:$0x7FF] =	sst s3;
	s8 =	sshll.u32 s10, $0x1;
	s10 =	smul.u32 $0x5000, s10  }
0x7: {  	s4 =	sadd.s32 $0x15E00, s0;
	s5 =	sadd.s32 $0xBE00, s0;
	s6 =	smul.u32 $0x13C000, s2  }
0x8: {  	_ =	strace $0x8000004A;
	s12 =	sor.u32 s2, s8;
	s9 =	ssub.s32 $0x2, s2  }
0x9: {  	s2 =	smul.u32 $0x2800, s2;
	s14 =	sshrl.u32 s9, $0x1;
	s6 =	sadd.s32 s7, s6  }
0xa: {  	s7 =	smul.u32 $0x2800, s12;
	s8 =	ssub.s32 s9, s14;
	s9 =	sshrl.u32 s15, $0x2  }
0xb: {  	s2 =	sadd.s32 s2, s10;
	s10 =	simm.s32 $0x680;
	s12 =	simm.s32 $0xE00  }
0xc: {  	s14 =	simm.s32 $0xE80;
	s15 =	simm.s32 $0x780;
	s13 =	sshrl.u32 s6, $0x3  }
0xd: {  	s6 =	sadd.s32 $0x1E00, s0;
	s26 =	sadd.s32 s9, s1;
	s22 =	sadd.s32 $0xC00, s2  }
0xe: {  	s23 =	smax.u32 s8, $0x1;
	s25 =	sadd.s32 $0x800, s2;
	s8 =	simm.s32 $0x600  }
0xf: {  	s9 =	simm.s32 $0xD80;
	s2 =	simm.s32 $0x0;
	s0 =	sadd.s32 s13, s0  }
0x10: {  	s7 =	sshrl.u32 s7, $0x3;
	s18 =	sadd.s32 $0x4000, s26;
	[dreg:$0xd] =	wrdreg s23  }
0x11: {  	s19 =	sadd.s32 $0x8000, s26;
	s20 =	sadd.s32 $0xC000, s26;
	[dreg:$0xe] =	wrdreg s25  }
0x12: {  	s21 =	sadd.s32 $0x10000, s26;
	s24 =	sshrl.u32 s22, $0x3;
	[dreg:$0x7] =	wrdreg s26  }
0x13: {  	s22 =	simm.s32 $0x400;
	s23 =	simm.s32 $0xC00;
	[dreg:$0x8] =	wrdreg s18  }
0x14: {  	s25 =	simm.s32 $0x5;
	s13 =	simm.s32 $0x700;
	[dreg:$0x9] =	wrdreg s19  }
0x15: {  	s11 =	sadd.s32 s5, s7;
	s16 =	sadd.s32 s6, s7;
	[dreg:$0xa] =	wrdreg s20  }
0x16: {  	s7 =	sor.u32 $0x80, s7;
	[dreg:$0xb] =	wrdreg s21;
	s0 =	sadd.s32 $0x3D600, s0  }
.Ltmp0:
0x17: {  	s18 =	sadd.s32 s24, s6;
	[dreg:$0x3] =	wrdreg s11;
	(pc) =	sbr.rel .LBB2_1-.Ltmp0, $4  }
0x18: {  	s19 =	sadd.s32 s24, s5;
	s24 =	simm.s32 $0x1000;
	[dreg:$0x4] =	wrdreg s16  }
0x19: {  	s20 =	simm.s32 $0x4;
	s17 =	sadd.s32 s5, s7;
	[dreg:$0xc] =	wrdreg s0  }
0x1a: {  	s7 =	sadd.s32 s6, s7;
	s16 =	simm.s32 $0xF00;
	[dreg:$0x5] =	wrdreg s17  }
0x1b: {  	v0 =	vimm.f32 $0.0e+00;
	[dreg:$0x6] =	wrdreg s7;
	s7 =	simm.s32 $0xD00;
	s17 =	simm.s32 $0xF80  }
.LBB2_6:
0x1c: {  	s0 =	stileid.u32;
	[bflag:$0x0] =	sbarrier.arrive $0xFFFF  }
0x1d: {  	s0 =	sshll.u32 s0, $0x6;
	s26 =	rddreg [dreg:$0x7]  }
0x1e: {  	s11 =	rddreg [dreg:$0xc];
	s0 =	sor.u32 $0x1C05, s0;
	s2 =	sshrl.u32 s26, $0x3  }
0x1f: {  	[hbm:s11], [sflag:s0] =	dma.local [spmem:s2], $0x2780  }
0x20: {  	_ =	swait.ge [sflag:s25], $0x2780  }
0x21: {  	s11 =	rddreg [dreg:$0xf]  }
0x22: {  	s21 =	rddreg [dreg:$0xd];
	s2 =	sadd.s32 $0x1, s11  }
0x23: {  	p0 =	sne.s32 s2, s21  }
.Ltmp1:
0x24: {  	_ = 	snop;
	(pc) =	sbr.rel @!p0 .LBB2_7-.Ltmp1, $3  }
0x25: {  	_ =	sdelay $0x1  }
0x26: {  	[sflag:s25] =	ssyncset.done $0x0  }
0x27: {  	[sflag:s25] =	ssyncadd.s32 $0xFFFFD880  }
.LBB2_1:
0x28: {  	s0 =	rddreg [dreg:$0x3]  }
0x29: {  	[tilespmem:s3], [sflag:$0x3] =	stream.linear.gather [hbm4b:s0+s3], $0x400, $0x38;
	[tilespmem:$0x1CC00] =	vst v63  }
0x2a: {  	s11 =	rddreg [dreg:$0x4];
	s21 =	simm.s32 $0x800  }
0x2b: {  	[tilespmem:s21], [sflag:$0x3] =	stream.linear.gather [hbm4b:s11+s3], $0x400, $0x38;
	[tilespmem:$0x1CC00] =	vst v63  }
0x2c: {  	s11 =	rddreg [dreg:$0x5]  }
0x2d: {  	[tilespmem:s22], [sflag:$0x4] =	stream.linear.gather [hbm4b:s11+s3], $0x400, $0x38;
	[tilespmem:$0x1CC00] =	vst v63  }
0x2e: {  	s21 =	rddreg [dreg:$0x6]  }
0x2f: {  	[tilespmem:s23], [sflag:$0x4] =	stream.linear.gather [hbm4b:s21+s3], $0x400, $0x38;
	[tilespmem:$0x1CC00] =	vst v63  }
0x30: {  	[dreg:$0xf] =	wrdreg s2;
	s11 =	simm.s32 $0x0;
	s21 =	simm.s32 $0x200  }
.LBB2_2:
0x31: {  	p0 =	sne.s32 s21, $0xFE00;
	[tilespmem:s11+$0x1070] =	vst v0  }
0x32: {  	[tilespmem:s11+$0x1000] =	vst v0  }
0x33: {  	[tilespmem:s11+$0x1010] =	vst v0  }
.Ltmp2:
0x34: {  	[tilespmem:s11+$0x1020] =	vst v0;
	(pc) =	sbr.rel @p0 .LBB2_2-.Ltmp2, $4  }
0x35: {  	[tilespmem:s11+$0x1030] =	vst v0  }
0x36: {  	[tilespmem:s11+$0x1040] =	vst v0  }
0x37: {  	[tilespmem:s11+$0x1050] =	vst v0  }
0x38: {  	[tilespmem:s11+$0x1060] =	vst v0;
	s11 =	sshra.s32 s21, $0x2;
	s21 =	sadd.s32 $0x200, s21  }
0x39: {  	[tilespmem:s11+$0x1070] =	vst v0  }
0x3a: {  	[tilespmem:s11+$0x1000] =	vst v0  }
0x3b: {  	[tilespmem:s11+$0x1010] =	vst v0  }
0x3c: {  	[tilespmem:s11+$0x1020] =	vst v0  }
0x3d: {  	[tilespmem:s11+$0x1030] =	vst v0  }
0x3e: {  	[tilespmem:s11+$0x1040] =	vst v0  }
0x3f: {  	[tilespmem:s11+$0x1050] =	vst v0  }
0x40: {  	[tilespmem:s11+$0x1060] =	vst v0  }
0x41: {  	[spmem:s26] =	stream.linear.scatter [tilespmem:s24], [sflag:$0x5], $0x4000, $0x38;
	[tilespmem:$0x1CC00] =	vst v63  }
0x42: {  	_ =	swait.ge [sflag:s25], $0x4000  }
0x43: {  	[sflag:s25] =	ssyncset.done $0x0  }
0x44: {  	s0 =	rddreg [dreg:$0x8];
	[sflag:s25] =	ssyncadd.s32 $0xFFFFC000  }
0x45: {  	[spmem:s0] =	stream.linear.scatter [tilespmem:s24], [sflag:$0x5], $0x4000, $0x38;
	[tilespmem:$0x1CC00] =	vst v63  }
0x46: {  	_ =	swait.ge [sflag:s25], $0x4000  }
0x47: {  	[sflag:s25] =	ssyncset.done $0x0  }
0x48: {  	s2 =	rddreg [dreg:$0x9];
	[sflag:s25] =	ssyncadd.s32 $0xFFFFC000  }
0x49: {  	[spmem:s2] =	stream.linear.scatter [tilespmem:s24], [sflag:$0x5], $0x4000, $0x38;
	[tilespmem:$0x1CC00] =	vst v63  }
0x4a: {  	_ =	swait.ge [sflag:s25], $0x4000  }
0x4b: {  	[sflag:s25] =	ssyncset.done $0x0  }
0x4c: {  	s11 =	rddreg [dreg:$0xa];
	[sflag:s25] =	ssyncadd.s32 $0xFFFFC000  }
0x4d: {  	[spmem:s11] =	stream.linear.scatter [tilespmem:s24], [sflag:$0x5], $0x4000, $0x38;
	[tilespmem:$0x1CC00] =	vst v63  }
0x4e: {  	_ =	swait.ge [sflag:s25], $0x4000  }
0x4f: {  	[sflag:s25] =	ssyncset.done $0x0  }
0x50: {  	s21 =	rddreg [dreg:$0xb];
	[sflag:s25] =	ssyncadd.s32 $0xFFFFC000  }
0x51: {  	[spmem:s21] =	stream.linear.scatter [tilespmem:s24], [sflag:$0x5], $0x3C00, $0x38;
	[tilespmem:$0x1CC00] =	vst v63  }
0x52: {  	_ =	swait.ge [sflag:s25], $0x3C00  }
0x53: {  	[sflag:s25] =	ssyncset.done $0x0  }
0x54: {  	s26 =	simm.s32 $0x3;
	[sflag:s25] =	ssyncadd.s32 $0xFFFFC400  }
0x55: {  	_ =	swait.ge [sflag:s26], $0x400  }
0x56: {  	[sflag:s26] =	ssyncset.done $0x0  }
0x57: {  	[sflag:s26] =	ssyncadd.s32 $0xFFFFFC00  }
0x58: {  	_ =	swait.ge [sflag:s26], $0x400  }
0x59: {  	[sflag:s26] =	ssyncset.done $0x0  }
0x5a: {  	[sflag:s26] =	ssyncadd.s32 $0xFFFFFC00  }
0x5b: {  	s11 =	simm.s32 $0x0;
	[bflag:$0x0] =	sbarrier.arrive $0xFFFF  }
0x5c: {  	[tilespmem:s24], [sflag:$0x1] =	stream.indirect.gather [hbm4b:s4+s28], $0x80, s11, s28, $0xb8;
	[tilespmem:$0x1CC00] =	vst v63  }
0x5d: {  	s26 =	rddreg [dreg:$0xe]  }
.LBB2_4:
0x5e: {  	_ =	swait.ge [sflag:s29], $0x4000  }
0x5f: {  	[sflag:s29] =	ssyncset.done $0x0  }
0x60: {  	[sflag:s29] =	ssyncadd.s32 $0xFFFFC000  }
0x61: {  	[tilespmem:s30], [sflag:$0x2] =	stream.indirect.gather [hbm4b:s4+s28], $0x80, s28, s28, $0xb8;
	[tilespmem:$0x1CC00] =	vst v63  }
0x62: {  	s0 =	simm.s32 $0x800  }
0x63: {  	[spmem:s1] =	stream.indirect.scatter.add.f32 [tilespmem:s24], [sflag:$0x5], $0x80, s0, s28, $0xb8;
	[tilespmem:$0x1CC00] =	vst v63  }
0x64: {  	_ =	swait.ge [sflag:s25], $0x4000  }
0x65: {  	[sflag:s25] =	ssyncset.done $0x0  }
0x66: {  	[sflag:s25] =	ssyncadd.s32 $0xFFFFC000  }
0x67: {  	_ =	swait.ge [sflag:s31], $0x4000  }
0x68: {  	[sflag:s31] =	ssyncset.done $0x0  }
0x69: {  	s21 =	simm.s32 $0x100;
	[sflag:s31] =	ssyncadd.s32 $0xFFFFC000  }
0x6a: {  	[tilespmem:s24], [sflag:$0x1] =	stream.indirect.gather [hbm4b:s4+s28], $0x80, s21, s28, $0xb8;
	[tilespmem:$0x1CC00] =	vst v63  }
0x6b: {  	s2 =	simm.s32 $0x880  }
0x6c: {  	[spmem:s1] =	stream.indirect.scatter.add.f32 [tilespmem:s30], [sflag:$0x5], $0x80, s2, s28, $0xb8;
	[tilespmem:$0x1CC00] =	vst v63  }
0x6d: {  	_ =	swait.ge [sflag:s25], $0x4000  }
0x6e: {  	[sflag:s25] =	ssyncset.done $0x0  }
0x6f: {  	[sflag:s25] =	ssyncadd.s32 $0xFFFFC000  }
0x70: {  	_ =	swait.ge [sflag:s29], $0x4000  }
0x71: {  	[sflag:s29] =	ssyncset.done $0x0  }
0x72: {  	s21 =	simm.s32 $0x180;
	[sflag:s29] =	ssyncadd.s32 $0xFFFFC000  }
0x73: {  	[tilespmem:s30], [sflag:$0x2] =	stream.indirect.gather [hbm4b:s4+s28], $0x80, s21, s28, $0xb8;
	[tilespmem:$0x1CC00] =	vst v63  }
0x74: {  	s2 =	simm.s32 $0x900  }
0x75: {  	[spmem:s1] =	stream.indirect.scatter.add.f32 [tilespmem:s24], [sflag:$0x5], $0x80, s2, s28, $0xb8;
	[tilespmem:$0x1CC00] =	vst v63  }
0x76: {  	_ =	swait.ge [sflag:s25], $0x4000  }
0x77: {  	[sflag:s25] =	ssyncset.done $0x0  }
0x78: {  	[sflag:s25] =	ssyncadd.s32 $0xFFFFC000  }
0x79: {  	_ =	swait.ge [sflag:s31], $0x4000  }
0x7a: {  	[sflag:s31] =	ssyncset.done $0x0  }
0x7b: {  	s21 =	simm.s32 $0x200;
	[sflag:s31] =	ssyncadd.s32 $0xFFFFC000  }
0x7c: {  	[tilespmem:s24], [sflag:$0x1] =	stream.indirect.gather [hbm4b:s4+s28], $0x80, s21, s28, $0xb8;
	[tilespmem:$0x1CC00] =	vst v63  }
0x7d: {  	s2 =	simm.s32 $0x980  }
0x7e: {  	[spmem:s1] =	stream.indirect.scatter.add.f32 [tilespmem:s30], [sflag:$0x5], $0x80, s2, s28, $0xb8;
	[tilespmem:$0x1CC00] =	vst v63  }
0x7f: {  	_ =	swait.ge [sflag:s25], $0x4000  }
0x80: {  	[sflag:s25] =	ssyncset.done $0x0  }
0x81: {  	[sflag:s25] =	ssyncadd.s32 $0xFFFFC000  }
0x82: {  	_ =	swait.ge [sflag:s29], $0x4000  }
0x83: {  	[sflag:s29] =	ssyncset.done $0x0  }
0x84: {  	s21 =	simm.s32 $0x280;
	[sflag:s29] =	ssyncadd.s32 $0xFFFFC000  }
0x85: {  	[tilespmem:s30], [sflag:$0x2] =	stream.indirect.gather [hbm4b:s4+s28], $0x80, s21, s28, $0xb8;
	[tilespmem:$0x1CC00] =	vst v63  }
0x86: {  	s2 =	simm.s32 $0xA00  }
0x87: {  	[spmem:s1] =	stream.indirect.scatter.add.f32 [tilespmem:s24], [sflag:$0x5], $0x80, s2, s28, $0xb8;
	[tilespmem:$0x1CC00] =	vst v63  }
0x88: {  	_ =	swait.ge [sflag:s25], $0x4000  }
0x89: {  	[sflag:s25] =	ssyncset.done $0x0  }
0x8a: {  	[sflag:s25] =	ssyncadd.s32 $0xFFFFC000  }
0x8b: {  	_ =	swait.ge [sflag:s31], $0x4000  }
0x8c: {  	[sflag:s31] =	ssyncset.done $0x0  }
0x8d: {  	s21 =	simm.s32 $0x300;
	[sflag:s31] =	ssyncadd.s32 $0xFFFFC000  }
0x8e: {  	[tilespmem:s24], [sflag:$0x1] =	stream.indirect.gather [hbm4b:s4+s28], $0x80, s21, s28, $0xb8;
	[tilespmem:$0x1CC00] =	vst v63  }
0x8f: {  	s2 =	simm.s32 $0xA80  }
0x90: {  	[spmem:s1] =	stream.indirect.scatter.add.f32 [tilespmem:s30], [sflag:$0x5], $0x80, s2, s28, $0xb8;
	[tilespmem:$0x1CC00] =	vst v63  }
0x91: {  	_ =	swait.ge [sflag:s25], $0x4000  }
0x92: {  	[sflag:s25] =	ssyncset.done $0x0  }
0x93: {  	[sflag:s25] =	ssyncadd.s32 $0xFFFFC000  }
0x94: {  	_ =	swait.ge [sflag:s29], $0x4000  }
0x95: {  	[sflag:s29] =	ssyncset.done $0x0  }
0x96: {  	s21 =	simm.s32 $0x380;
	[sflag:s29] =	ssyncadd.s32 $0xFFFFC000  }
0x97: {  	[tilespmem:s30], [sflag:$0x2] =	stream.indirect.gather [hbm4b:s4+s28], $0x80, s21, s28, $0xb8;
	[tilespmem:$0x1CC00] =	vst v63  }
0x98: {  	s2 =	simm.s32 $0xB00  }
0x99: {  	[spmem:s1] =	stream.indirect.scatter.add.f32 [tilespmem:s24], [sflag:$0x5], $0x80, s2, s28, $0xb8;
	[tilespmem:$0x1CC00] =	vst v63  }
0x9a: {  	_ =	swait.ge [sflag:s25], $0x4000  }
0x9b: {  	[sflag:s25] =	ssyncset.done $0x0  }
0x9c: {  	[sflag:s25] =	ssyncadd.s32 $0xFFFFC000  }
0x9d: {  	_ =	swait.ge [sflag:s20], $0x400  }
0x9e: {  	[sflag:s20] =	ssyncset.done $0x0  }
0x9f: {  	[sflag:s20] =	ssyncadd.s32 $0xFFFFFC00  }
0xa0: {  	_ =	swait.ge [sflag:s20], $0x400  }
0xa1: {  	[sflag:s20] =	ssyncset.done $0x0  }
0xa2: {  	[sflag:s20] =	ssyncadd.s32 $0xFFFFFC00  }
0xa3: {  	_ =	swait.ge [sflag:s31], $0x4000  }
0xa4: {  	[sflag:s31] =	ssyncset.done $0x0  }
0xa5: {  	[sflag:s31] =	ssyncadd.s32 $0xFFFFC000  }
0xa6: {  	[tilespmem:s24], [sflag:$0x1] =	stream.indirect.gather [hbm4b:s4+s28], $0x80, s22, s28, $0xb8;
	[tilespmem:$0x1CC00] =	vst v63  }
0xa7: {  	s21 =	simm.s32 $0xB80  }
0xa8: {  	[spmem:s1] =	stream.indirect.scatter.add.f32 [tilespmem:s30], [sflag:$0x5], $0x80, s21, s28, $0xb8;
	[tilespmem:$0x1CC00] =	vst v63  }
0xa9: {  	p0 =	seq.s32 s11, $0x400;
	_ =	swait.ge [sflag:s25], $0x4000  }
0xaa: {  	s0 =	sshrl.u32 @!p0 s26, $0x3;
	[sflag:s25] =	ssyncset.done $0x0  }
0xab: {  	s2 =	sadd.s32 @!p0 s5, s0;
	s21 =	simm.s32 @!p0 $0x0;
	[sflag:s25] =	ssyncadd.s32 $0xFFFFC000  }
0xac: {  	[tilespmem:s21], [sflag:$0x3] =	stream.linear.gather @!p0 [hbm4b:s2+s21], $0x400, $0x38;
	[tilespmem:$0x1CC00] =	vst v63  }
0xad: {  	s0 =	sadd.s32 @!p0 s6, s0;
	s2 =	simm.s32 @!p0 $0x800  }
0xae: {  	[tilespmem:s2], [sflag:$0x3] =	stream.linear.gather @!p0 [hbm4b:s0+s21], $0x400, $0x38;
	[tilespmem:$0x1CC00] =	vst v63  }
0xaf: {  	_ =	swait.ge [sflag:s29], $0x4000  }
0xb0: {  	[sflag:s29] =	ssyncset.done $0x0  }
0xb1: {  	s2 =	simm.s32 $0x480;
	[sflag:s29] =	ssyncadd.s32 $0xFFFFC000  }
0xb2: {  	[tilespmem:s30], [sflag:$0x2] =	stream.indirect.gather [hbm4b:s4+s28], $0x80, s2, s28, $0xb8;
	[tilespmem:$0x1CC00] =	vst v63  }
0xb3: {  	_ = 	snop  }
0xb4: {  	[spmem:s1] =	stream.indirect.scatter.add.f32 [tilespmem:s24], [sflag:$0x5], $0x80, s23, s28, $0xb8;
	[tilespmem:$0x1CC00] =	vst v63  }
0xb5: {  	_ =	swait.ge [sflag:s25], $0x4000  }
0xb6: {  	[sflag:s25] =	ssyncset.done $0x0  }
0xb7: {  	[sflag:s25] =	ssyncadd.s32 $0xFFFFC000  }
0xb8: {  	_ =	swait.ge [sflag:s31], $0x4000  }
0xb9: {  	[sflag:s31] =	ssyncset.done $0x0  }
0xba: {  	s2 =	simm.s32 $0x500;
	[sflag:s31] =	ssyncadd.s32 $0xFFFFC000  }
0xbb: {  	[tilespmem:s24], [sflag:$0x1] =	stream.indirect.gather [hbm4b:s4+s28], $0x80, s2, s28, $0xb8;
	[tilespmem:$0x1CC00] =	vst v63  }
0xbc: {  	s2 =	simm.s32 $0xC80  }
0xbd: {  	[spmem:s1] =	stream.indirect.scatter.add.f32 [tilespmem:s30], [sflag:$0x5], $0x80, s2, s28, $0xb8;
	[tilespmem:$0x1CC00] =	vst v63  }
0xbe: {  	_ =	swait.ge [sflag:s25], $0x4000  }
0xbf: {  	[sflag:s25] =	ssyncset.done $0x0  }
0xc0: {  	[sflag:s25] =	ssyncadd.s32 $0xFFFFC000  }
0xc1: {  	_ =	swait.ge [sflag:s29], $0x4000  }
0xc2: {  	[sflag:s29] =	ssyncset.done $0x0  }
0xc3: {  	s2 =	simm.s32 $0x580;
	[sflag:s29] =	ssyncadd.s32 $0xFFFFC000  }
0xc4: {  	[tilespmem:s30], [sflag:$0x2] =	stream.indirect.gather [hbm4b:s4+s28], $0x80, s2, s28, $0xb8;
	[tilespmem:$0x1CC00] =	vst v63  }
0xc5: {  	_ = 	snop  }
0xc6: {  	[spmem:s1] =	stream.indirect.scatter.add.f32 [tilespmem:s24], [sflag:$0x5], $0x80, s7, s28, $0xb8;
	[tilespmem:$0x1CC00] =	vst v63  }
0xc7: {  	_ =	swait.ge [sflag:s25], $0x4000  }
0xc8: {  	[sflag:s25] =	ssyncset.done $0x0  }
0xc9: {  	[sflag:s25] =	ssyncadd.s32 $0xFFFFC000  }
0xca: {  	_ =	swait.ge [sflag:s31], $0x4000  }
0xcb: {  	[sflag:s31] =	ssyncset.done $0x0  }
0xcc: {  	[sflag:s31] =	ssyncadd.s32 $0xFFFFC000  }
0xcd: {  	[tilespmem:s24], [sflag:$0x1] =	stream.indirect.gather [hbm4b:s4+s28], $0x80, s8, s28, $0xb8;
	[tilespmem:$0x1CC00] =	vst v63  }
0xce: {  	_ = 	snop  }
0xcf: {  	[spmem:s1] =	stream.indirect.scatter.add.f32 [tilespmem:s30], [sflag:$0x5], $0x80, s9, s28, $0xb8;
	[tilespmem:$0x1CC00] =	vst v63  }
0xd0: {  	_ =	swait.ge [sflag:s25], $0x4000  }
0xd1: {  	[sflag:s25] =	ssyncset.done $0x0  }
0xd2: {  	[sflag:s25] =	ssyncadd.s32 $0xFFFFC000  }
0xd3: {  	_ =	swait.ge [sflag:s29], $0x4000  }
0xd4: {  	[sflag:s29] =	ssyncset.done $0x0  }
0xd5: {  	[sflag:s29] =	ssyncadd.s32 $0xFFFFC000  }
0xd6: {  	[tilespmem:s30], [sflag:$0x2] =	stream.indirect.gather [hbm4b:s4+s28], $0x80, s10, s28, $0xb8;
	[tilespmem:$0x1CC00] =	vst v63  }
0xd7: {  	_ = 	snop  }
0xd8: {  	[spmem:s1] =	stream.indirect.scatter.add.f32 [tilespmem:s24], [sflag:$0x5], $0x80, s12, s28, $0xb8;
	[tilespmem:$0x1CC00] =	vst v63  }
0xd9: {  	_ =	swait.ge [sflag:s25], $0x4000  }
0xda: {  	[sflag:s25] =	ssyncset.done $0x0  }
0xdb: {  	[sflag:s25] =	ssyncadd.s32 $0xFFFFC000  }
0xdc: {  	_ =	swait.ge [sflag:s31], $0x4000  }
0xdd: {  	[sflag:s31] =	ssyncset.done $0x0  }
0xde: {  	[sflag:s31] =	ssyncadd.s32 $0xFFFFC000  }
0xdf: {  	[tilespmem:s24], [sflag:$0x1] =	stream.indirect.gather [hbm4b:s4+s28], $0x80, s13, s28, $0xb8;
	[tilespmem:$0x1CC00] =	vst v63  }
0xe0: {  	_ = 	snop  }
0xe1: {  	[spmem:s1] =	stream.indirect.scatter.add.f32 [tilespmem:s30], [sflag:$0x5], $0x80, s14, s28, $0xb8;
	[tilespmem:$0x1CC00] =	vst v63  }
0xe2: {  	_ =	swait.ge [sflag:s25], $0x4000  }
0xe3: {  	[sflag:s25] =	ssyncset.done $0x0  }
0xe4: {  	[sflag:s25] =	ssyncadd.s32 $0xFFFFC000  }
0xe5: {  	_ =	swait.ge [sflag:s29], $0x4000  }
0xe6: {  	[sflag:s29] =	ssyncset.done $0x0  }
0xe7: {  	[sflag:s29] =	ssyncadd.s32 $0xFFFFC000  }
0xe8: {  	[tilespmem:s30], [sflag:$0x2] =	stream.indirect.gather [hbm4b:s4+s28], $0x80, s15, s28, $0xb8;
	[tilespmem:$0x1CC00] =	vst v63  }
0xe9: {  	_ = 	snop  }
0xea: {  	[spmem:s1] =	stream.indirect.scatter.add.f32 [tilespmem:s24], [sflag:$0x5], $0x80, s16, s28, $0xb8;
	[tilespmem:$0x1CC00] =	vst v63  }
0xeb: {  	_ =	swait.ge [sflag:s25], $0x4000  }
0xec: {  	[sflag:s25] =	ssyncset.done $0x0  }
0xed: {  	s0 =	simm.s32 @p0 $0x2;
	[sflag:s25] =	ssyncadd.s32 $0xFFFFC000  }
0xee: {  	_ =	swait.ge @p0 [sflag:s0], $0x4000  }
0xef: {  	[sflag:s0] =	ssyncset.done @p0 $0x0  }
0xf0: {  	[sflag:s0] =	ssyncadd.s32 @p0 $0xFFFFC000;
	s0 =	simm.s32 @!p0 $0x3  }
0xf1: {  	_ =	swait.ge @!p0 [sflag:s0], $0x400  }
0xf2: {  	[sflag:s0] =	ssyncset.done @!p0 $0x0  }
0xf3: {  	[sflag:s0] =	ssyncadd.s32 @!p0 $0xFFFFFC00  }
0xf4: {  	_ =	swait.ge @!p0 [sflag:s0], $0x400  }
0xf5: {  	[sflag:s0] =	ssyncset.done @!p0 $0x0  }
0xf6: {  	[sflag:s0] =	ssyncadd.s32 @!p0 $0xFFFFFC00;
	s0 =	simm.s32 @!p0 $0x2  }
0xf7: {  	_ =	swait.ge @!p0 [sflag:s0], $0x4000  }
0xf8: {  	[sflag:s0] =	ssyncset.done @!p0 $0x0  }
0xf9: {  	s2 =	simm.s32 @!p0 $0x1000;
	[sflag:s0] =	ssyncadd.s32 @!p0 $0xFFFFC000;
	s0 =	simm.s32 @!p0 $0x80  }
0xfa: {  	[tilespmem:s2], [sflag:$0x1] =	stream.indirect.gather @!p0 [hbm4b:s4+s0], $0x80, s21, s0, $0xb8;
	[tilespmem:$0x1CC00] =	vst v63  }
.Ltmp3:
0xfb: {  	_ = 	snop;
	(pc) =	sbr.rel @p0 .LBB2_6-.Ltmp3, $4  }
0xfc: {  	[spmem:s1] =	stream.indirect.scatter.add.f32 [tilespmem:s30], [sflag:$0x5], $0x80, s17, s28, $0xb8;
	[tilespmem:$0x1CC00] =	vst v63  }
0xfd: {  	_ =	swait.ge [sflag:s25], $0x4000  }
0xfe: {  	[sflag:s25] =	ssyncset.done $0x0  }
0xff: {  	[sflag:s25] =	ssyncadd.s32 $0xFFFFC000  }
.Ltmp4:
0x100: {  	(pc) =	sbr.rel .LBB2_4-.Ltmp4, $4  }
0x101: {  	s0 =	sadd.s32 s11, s19  }
0x102: {  	[tilespmem:s22], [sflag:$0x4] =	stream.linear.gather [hbm4b:s0+s3], $0x400, $0x38;
	[tilespmem:$0x1CC00] =	vst v63  }
0x103: {  	s21 =	sadd.s32 s11, s18;
	s11 =	sadd.s32 $0x100, s11;
	s26 =	sadd.s32 $0x800, s26  }
0x104: {  	[tilespmem:s23], [sflag:$0x4] =	stream.linear.gather [hbm4b:s21+s3], $0x400, $0x38;
	[tilespmem:$0x1CC00] =	vst v63  }
.LBB2_7:
0x105: {  	_ =	sfence.sel $0x180000  }
0x106: {  	[bflag:$0x0] =	sbarrier.arrive $0xFFFF  }
0x107: {  	_ =	strace $0x9000004A  }
0x108: {  	s0 =	stileid.u32;
	[bflag:$0x2] =	sbarrier.arrive $0xFFFF  }
0x109: {  	p0 =	sne.s32 s0, $0x0;
	s0 =	rddreg [dreg:$0x2]  }
0x10a: {  	s0 =	sadd.s32 @!p0 $0x100000, s0  }
0x10b: {  	[sflag:s0] =	ssyncadd.tile.s32 @!p0 $0x1;
	_ =	shalt  }
.Lfunc_end2:
_tile_overlayer_lowered:
.L_overlay_start_2:
0x10c: {  	(tag) =	ssettag $0x2  }
0x10d: {  	s0 =	rddreg [dreg:$0x0];
	s2 =	stileid.u32  }
0x10e: {  	s1 =	rddreg [dreg:$0x1];
	p0 =	sne.s32 s2, $0x0  }
0x10f: {  	s3 =	rddreg [dreg:$0x2];
	[bflag:$0x3] =	sbarrier.arrive $0xFFFF;
	s2 =	simm.s32 @!p0 $0x1C05  }
0x110: {  	[timem:s3], [sflag:s2] =	dma.local @!p0 [hbm:s0], s1  }
0x111: {  	s0 =	simm.s32 @!p0 $0x5  }
0x112: {  	_ =	swait.ge @!p0 [sflag:s0], s1  }
0x113: {  	s1 =	ssub.s32 @!p0 $0x0, s1;
	[sflag:s0] =	ssyncset.done @!p0 $0x0  }
0x114: {  	[sflag:s0] =	ssyncadd.s32 @!p0 s1  }
0x115: {  	[bflag:$0x3] =	sbarrier.arrive $0xFFFF  }
0x116: {  	_ =	shalt  }

// kernel: kernel.14.cloned.1.call-start
scs
__scs_entry_jumppad:
0x0: {  	(pc) =	sbr.rel $0x88, $3  }
0x1: {  	(tag) =	ssettag $0x0;
	lr =	simm.s32 $0x1  }
0x2: {  	[smem:$0x3F9B] =	sst lr;
	_ =	strace $0xD0000000  }
0x3: {  	_ = 	snop  }
0x4: {  	_ = 	snop  }
0x5: {  	_ = 	snop  }
0x6: {  	_ = 	snop  }
0x7: {  	_ = 	snop  }
__scs_overlays_trampoline_lowered:
0x8: {  	[smem:$0x3FAA] =	sst s0  }
0x9: {  	[smem:$0x3FAB] =	sst s1  }
0xa: {  	[smem:$0x3FAC] =	sst s2  }
0xb: {  	[smem:$0x3FAD] =	sst s3  }
0xc: {  	[smem:$0x3FAE] =	sst s4  }
0xd: {  	[smem:$0x3FAF] =	sst s5  }
0xe: {  	[smem:$0x3FB0] =	sst s6  }
0xf: {  	[smem:$0x3FB1] =	sst s7  }
0x10: {  	[smem:$0x3FB2] =	sst s8  }
0x11: {  	[smem:$0x3FB3] =	sst s9;
	s0 =	simm.s32 @!p0 $0x0  }
0x12: {  	s1 =	sld [smem:$0x3F99];
	s0 =	simm.s32 @p0 $0x1  }
0x13: {  	[smem:$0x3FB4] =	sst s0;
	s0 =	simm.s32 @!p1 $0x0  }
0x14: {  	s2 =	sld [smem:$0x3F98];
	s0 =	simm.s32 @p1 $0x1  }
0x15: {  	[smem:$0x3FB5] =	sst s0;
	s0 =	simm.s32 @!p2 $0x0  }
0x16: {  	s3 =	sld [smem:$0x3FDB];
	s0 =	simm.s32 @p2 $0x1  }
0x17: {  	s4 =	simm.s32 $0x1BF5;
	[smem:$0x3FB7] =	sst s0  }
0x18: {  	s0 =	sld [smem:$0x3F9A];
	_ =	swait.ge [sflag:s4], $0x0  }
0x19: {  	s7 =	sld [smem:$0x3F9B]  }
0x1a: {  	s8 =	sadd.s32 $0xFFFFE003, lr  }
0x1b: {  	s9 =	sadd.s32 $0xFFFFFEF7, lr;
	s5 =	simm.s32 $0xFFFFFFFF;
	p2 =	slt.u32 s8, $0xFFFFF086  }
0x1c: {  	p1 =	slt.u32 s9, $0xF7A;
	s5 =	simm.s32 @!p2 $0x0  }
0x1d: {  	s5 =	simm.s32 @p1 $0x1;
	p0 =	seq.s32 s7, s2  }
0x1e: {  	s7 =	smul.u32 @!p0 $0xF7A, s2;
	p2 =	seq.s32 @!p0 s5, $0x0  }
0x1f: {  	s9 =	smul.u32 $0xF7A, s1;
	s8 =	simm.s32 @!p0 $0x1BF5;
	p2 =	por !p2, p0  }
0x20: {  	[sflag:s8] =	ssyncset.s32 @!p0 $0xFFFFF086;
	s6 =	sadd.s32 @!p0 s3, s7;
	s7 =	simm.s32 @!p0 $0x108  }
0x21: {  	s3 =	sadd.s32 s3, s9;
	s6 =	sadd.s32 @!p0 $0x88, s6;
	s7 =	simm.s32 @p2 $0x1082  }
0x22: {  	[simem:s7], [sflag:s8] =	dma.local @!p0 [hbm:s6], $0xF7A  }
0x23: {  	s9 =	sor.u32 $0xD0000000, s2;
	s6 =	simm.s32 $0x108;
	_ =	swait.ge @!p0 [sflag:s8], $0x0  }
0x24: {  	s3 =	sadd.s32 $0x88, s3;
	s6 =	simm.s32 @!p1 $0x1082;
	[sflag:s4] =	ssyncset.s32 $0xFFFFF086  }
0x25: {  	[simem:s6], [sflag:s4] =	dma.local [hbm:s3], $0xF7A  }
0x26: {  	[smem:$0x3F9B] =	sst s1;
	(tag) =	ssettag s2;
	_ =	strace s9  }
0x27: {  	s1 =	sld [smem:$0x3FAB]  }
0x28: {  	s2 =	sld [smem:$0x3FAC]  }
0x29: {  	s4 =	sld [smem:$0x3FAE]  }
0x2a: {  	p0 =	seq.s32 s5, $0x0;
	s5 =	sld [smem:$0x3FAF]  }
0x2b: {  	s6 =	sld [smem:$0x3FB0]  }
0x2c: {  	s7 =	sld [smem:$0x3FB1]  }
0x2d: {  	s3 =	simm.s32 $0x108;
	s8 =	sld [smem:$0x3FB2]  }
0x2e: {  	s3 =	simm.s32 @!p0 $0x1082;
	s9 =	sld [smem:$0x3FB3]  }
0x2f: {  	lr =	sadd.s32 s0, s3;
	s0 =	sld [smem:$0x3FAA]  }
0x30: {  	s3 =	sld [smem:$0x3FAD]  }
0x31: {  	[smem:$0x3FB6] =	sst s10  }
0x32: {  	s10 =	sld [smem:$0x3FB4];
	_ =	sdelay $0x3  }
0x33: {  	p0 =	seq.s32 s10, $0x1;
	s10 =	sld [smem:$0x3FB6];
	_ =	sdelay $0x3  }
0x34: {  	[smem:$0x3FB6] =	sst s10  }
0x35: {  	s10 =	sld [smem:$0x3FB5];
	_ =	sdelay $0x3  }
0x36: {  	p1 =	seq.s32 s10, $0x1;
	s10 =	sld [smem:$0x3FB6];
	_ =	sdelay $0x3  }
0x37: {  	[smem:$0x3FB6] =	sst s10  }
0x38: {  	s10 =	sld [smem:$0x3FB7]  }
0x39: {  	_ = 	snop;
	(pc) =	sbr.ind lr, $3  }
0x3a: {  	_ = 	snop  }
0x3b: {  	_ = 	snop  }
0x3c: {  	p2 =	seq.s32 s10, $0x1;
	s10 =	sld [smem:$0x3FB6]  }
0x3d: {  	_ =	shalt  }
0x3e: {  	_ =	shalt  }
0x3f: {  	_ =	shalt  }
0x40: {  	_ =	shalt  }
0x41: {  	_ =	shalt  }
0x42: {  	_ =	shalt  }
0x43: {  	_ =	shalt  }
0x44: {  	_ =	shalt  }
0x45: {  	_ =	shalt  }
0x46: {  	_ =	shalt  }
0x47: {  	_ =	shalt  }
0x48: {  	_ =	shalt  }
0x49: {  	_ =	shalt  }
0x4a: {  	_ =	shalt  }
0x4b: {  	_ =	shalt  }
0x4c: {  	_ =	shalt  }
0x4d: {  	_ =	shalt  }
0x4e: {  	_ =	shalt  }
0x4f: {  	_ =	shalt  }
0x50: {  	_ =	shalt  }
0x51: {  	_ =	shalt  }
0x52: {  	_ =	shalt  }
0x53: {  	_ =	shalt  }
0x54: {  	_ =	shalt  }
0x55: {  	_ =	shalt  }
0x56: {  	_ =	shalt  }
0x57: {  	_ =	shalt  }
0x58: {  	_ =	shalt  }
0x59: {  	_ =	shalt  }
0x5a: {  	_ =	shalt  }
0x5b: {  	_ =	shalt  }
0x5c: {  	_ =	shalt  }
0x5d: {  	_ =	shalt  }
0x5e: {  	_ =	shalt  }
0x5f: {  	_ =	shalt  }
0x60: {  	_ =	shalt  }
0x61: {  	_ =	shalt  }
0x62: {  	_ =	shalt  }
0x63: {  	_ =	shalt  }
0x64: {  	_ =	shalt  }
0x65: {  	_ =	shalt  }
0x66: {  	_ =	shalt  }
0x67: {  	_ =	shalt  }
0x68: {  	_ =	shalt  }
0x69: {  	_ =	shalt  }
0x6a: {  	_ =	shalt  }
0x6b: {  	_ =	shalt  }
0x6c: {  	_ =	shalt  }
0x6d: {  	_ =	shalt  }
0x6e: {  	_ =	shalt  }
0x6f: {  	_ =	shalt  }
0x70: {  	_ =	shalt  }
0x71: {  	_ =	shalt  }
0x72: {  	_ =	shalt  }
0x73: {  	_ =	shalt  }
0x74: {  	_ =	shalt  }
0x75: {  	_ =	shalt  }
0x76: {  	_ =	shalt  }
0x77: {  	_ =	shalt  }
0x78: {  	_ =	shalt  }
0x79: {  	_ =	shalt  }
0x7a: {  	_ =	shalt  }
0x7b: {  	_ =	shalt  }
0x7c: {  	_ =	shalt  }
0x7d: {  	_ =	shalt  }
0x7e: {  	_ =	shalt  }
0x7f: {  	_ =	shalt  }
0x80: {  	_ =	shalt  }
0x81: {  	_ =	shalt  }
0x82: {  	_ =	shalt  }
0x83: {  	_ =	shalt  }
0x84: {  	_ =	shalt  }
0x85: {  	_ =	shalt  }
0x86: {  	_ =	shalt  }
0x87: {  	_ =	shalt  }
.Lfunc_end0:
.L_simem_size_0:
called_computation.2_lowered:
.L_overlay_start_0:
0x88: {  	s2 =	sld [smem:$0x3FD9]  }
0x89: {  	s3 =	sld [smem:$0x3FFE];
	_ =	sdelay $0x1  }
0x8a: {  	s1 =	srdreg.scid  }
0x8b: {  	s0 =	sand.u32 $0x1, s1  }
0x8c: {  	s16 =	sshll.u32 s0, $0xA;
	s2 =	sadd.s32 s3, s2  }
0x8d: {  	s2 =	sadd.s32 s2, s16  }
0x8e: {  	[smem:$0x3FC2] =	sst s2  }
0x8f: {  	_ = 	snop  }
0x90: {  	(tm) =	ssettm $0x1  }
0x91: {  	s17 =	sld [smem:$0x3FFB];
	_ =	sdelay $0x3  }
0x92: {  	_ =	strace s17  }
0x93: {  	s2 =	sld [smem:$0x3FFC];
	_ =	sdelay $0x3  }
0x94: {  	_ =	strace s2  }
0x95: {  	s2 =	sld [smem:$0x3FFD];
	_ =	sdelay $0x3  }
0x96: {  	_ =	strace s2  }
0x97: {  	_ =	strace $0x8FFFFFFF  }
0x98: {  	s18 =	sld [smem:$0x3FDB];
	_ =	sdelay $0x1  }
0x99: {  	s19 =	simm.s32 $_scs_section_size  }
0x9a: {  	s4 =	simm.s32 $_size__tile_overlayer_lowered;
	s5 =	simm.s32 $_tile_overlayer_lowered  }
0x9b: {  	s22 =	simm.s32 $0x1BFF;
	s21 =	sshll.u32 s5, $0x1;
	s2 =	sadd.s32 s19, s18  }
0x9c: {  	s6 =	simm.s32 $0x0;
	s20 =	sshll.u32 s4, $0x1;
	s4 =	sadd.s32 s21, s2  }
0x9d: {  	[timem:s6], [sflag:s22] =	dma.local [hbm:s4], s20  }
0x9e: {  	_ =	swait.ge [sflag:s22], s20  }
0x9f: {  	s3 =	ssub.s32 $0x0, s20;
	[sflag:s22] =	ssyncset.done $0x0  }
0xa0: {  	[sflag:s22] =	ssyncadd.s32 s3;
	_ =	sdelay $0x1  }
0xa1: {  	s23 =	simm.s32 $0x1B8B  }
0xa2: {  	_ =	swait.ge [sflag:s23], $0x1  }
0xa3: {  	[sflag:s23] =	ssyncset.done $0x0  }
0xa4: {  	s25 =	simm.s32 $0x1B8E;
	s24 =	sld [smem:$0x3FFE];
	[sflag:s23] =	ssyncadd.s32 $0xFFFFFFFF  }
0xa5: {  	s26 =	simm.s32 $execute0_lowered;
	[smem:$0x3FD2] =	sst s25  }
0xa6: {  	s4 =	sshll.u32 s26, $0x1;
	_ =	strace $0x8000004C;
	[dreg:$0x1] =	wrdreg $0xFFFFFFFF  }
0xa7: {  	s28 =	simm.s32 $_size_execute0_lowered;
	s2 =	sadd.s32 s2, s4;
	[dreg:$0x0] =	wrdreg $0x0  }
0xa8: {  	s4 =	sshll.u32 s28, $0x1;
	[dreg:$0x2] =	wrdreg s2  }
0xa9: {  	[dreg:$0x3] =	wrdreg s4  }
0xaa: {  	[dreg:$0x4] =	wrdreg $0xC0  }
0xab: {  	_ =	task [dreg:s6], $0x5FFFF  }
0xac: {  	[dreg:$0x1] =	wrdreg $0xFFFFFFFF  }
0xad: {  	[dreg:$0x0] =	wrdreg $0x60  }
0xae: {  	[dreg:$0x2] =	wrdreg s24  }
0xaf: {  	[dreg:$0x3] =	wrdreg $0x90000  }
0xb0: {  	[dreg:$0x4] =	wrdreg $0x9  }
0xb1: {  	_ =	task.clear_ibuf [dreg:s6], $0x5FFFF;
	_ =	strace $0x9000004C  }
0xb2: {  	s29 =	simm.s32 $0x9;
	_ =	strace $0x8000004E  }
0xb3: {  	_ =	swait.ge [sflag:s29], $0x1  }
0xb4: {  	[sflag:s29] =	ssyncadd.s32 $0xFFFFFFFF  }
0xb5: {  	_ =	strace $0x9000004E  }
0xb6: {  	_ =	sfence  }
0xb7: {  	s30 =	sld [smem:$0x0];
	_ =	sdelay $0x2  }
0xb8: {  	s31 =	sshll.u32 s1, $0xD;
	s1 =	sshrl.u32 s1, $0x2  }
0xb9: {  	s3 =	sand.u32 $0x4000, s31;
	s1 =	sadd.s32 s1, s30  }
0xba: {  	s0 =	sor.u32 s3, s0;
	s1 =	sshll.u32 s1, $0x11  }
0xbb: {  	s0 =	sor.u32 s1, s0  }
0xbc: {  	s0 =	sadd.s32 $0x8F2B, s0  }
0xbd: {  	[sflag:s0] =	ssyncadd.remote.s32 $0x1  }
0xbe: {  	_ =	sfence.sel $0xFFFF  }
0xbf: {  	[dreg:$0x0] =	wrdreg $0xFFFFFFFF;
	(pc) =	sbr.abs _section_cstart, $3  }
0xc0: {  	[dreg:$0x1] =	wrdreg $0xFFFFFFFF  }
0xc1: {  	_ =	task.clear_ibuf [dreg:s6], $0x2FFFF;
	_ =	strace $0x9FFFFFFF  }
0xc2: {  	(tm) =	ssettm $0x7FFFFFFF  }
0xc3: {  	_ =	shalt  }
tec
execute0_lowered:
.L_overlay_start_1:
0x0: {  	(tag) =	ssettag $0x1  }
0x1: {  	s0 =	rddreg [dreg:$0x0]  }
0x2: {  	s1 =	rddreg [dreg:$0x1];
	s2 =	srdreg.scid  }
0x3: {  	s3 =	simm.s32 $0x0;
	s10 =	stileid.u32;
	s28 =	simm.s32 $0x80  }
0x4: {  	s29 =	simm.s32 $0x1;
	s30 =	simm.s32 $0x5000;
	s7 =	smul.u32 $0x13C00, s10  }
0x5: {  	s31 =	simm.s32 $0x2;
	s2 =	sand.u32 $0x1, s2;
	s15 =	smul.u32 $0x4F000, s10  }
0x6: {  	[smem:$0x7FF] =	sst s3;
	s8 =	sshll.u32 s10, $0x1;
	s10 =	smul.u32 $0x5000, s10  }
0x7: {  	s4 =	sadd.s32 $0x15E00, s0;
	s5 =	sadd.s32 $0xBE00, s0;
	s6 =	smul.u32 $0x13C000, s2  }
0x8: {  	_ =	strace $0x8000004D;
	s12 =	sor.u32 s2, s8;
	s9 =	ssub.s32 $0x2, s2  }
0x9: {  	s2 =	smul.u32 $0x2800, s2;
	s14 =	sshrl.u32 s9, $0x1;
	s6 =	sadd.s32 s7, s6  }
0xa: {  	s7 =	smul.u32 $0x2800, s12;
	s8 =	ssub.s32 s9, s14;
	s9 =	sshrl.u32 s15, $0x2  }
0xb: {  	s2 =	sadd.s32 s2, s10;
	s10 =	simm.s32 $0x680;
	s12 =	simm.s32 $0xE00  }
0xc: {  	s14 =	simm.s32 $0xE80;
	s15 =	simm.s32 $0x780;
	s13 =	sshrl.u32 s6, $0x3  }
0xd: {  	s6 =	sadd.s32 $0x1E00, s0;
	s26 =	sadd.s32 s9, s1;
	s22 =	sadd.s32 $0xC00, s2  }
0xe: {  	s23 =	smax.u32 s8, $0x1;
	s25 =	sadd.s32 $0x800, s2;
	s8 =	simm.s32 $0x600  }
0xf: {  	s9 =	simm.s32 $0xD80;
	s2 =	simm.s32 $0x0;
	s0 =	sadd.s32 s13, s0  }
0x10: {  	s7 =	sshrl.u32 s7, $0x3;
	s18 =	sadd.s32 $0x4000, s26;
	[dreg:$0xd] =	wrdreg s23  }
0x11: {  	s19 =	sadd.s32 $0x8000, s26;
	s20 =	sadd.s32 $0xC000, s26;
	[dreg:$0xe] =	wrdreg s25  }
0x12: {  	s21 =	sadd.s32 $0x10000, s26;
	s24 =	sshrl.u32 s22, $0x3;
	[dreg:$0x7] =	wrdreg s26  }
0x13: {  	s22 =	simm.s32 $0x400;
	s23 =	simm.s32 $0xC00;
	[dreg:$0x8] =	wrdreg s18  }
0x14: {  	s25 =	simm.s32 $0x5;
	s13 =	simm.s32 $0x700;
	[dreg:$0x9] =	wrdreg s19  }
0x15: {  	s11 =	sadd.s32 s5, s7;
	s16 =	sadd.s32 s6, s7;
	[dreg:$0xa] =	wrdreg s20  }
0x16: {  	s7 =	sor.u32 $0x80, s7;
	[dreg:$0xb] =	wrdreg s21;
	s0 =	sadd.s32 $0x3D600, s0  }
.Ltmp0:
0x17: {  	s18 =	sadd.s32 s24, s6;
	[dreg:$0x3] =	wrdreg s11;
	(pc) =	sbr.rel .LBB2_1-.Ltmp0, $4  }
0x18: {  	s19 =	sadd.s32 s24, s5;
	s24 =	simm.s32 $0x1000;
	[dreg:$0x4] =	wrdreg s16  }
0x19: {  	s20 =	simm.s32 $0x4;
	s17 =	sadd.s32 s5, s7;
	[dreg:$0xc] =	wrdreg s0  }
0x1a: {  	s7 =	sadd.s32 s6, s7;
	s16 =	simm.s32 $0xF00;
	[dreg:$0x5] =	wrdreg s17  }
0x1b: {  	v0 =	vimm.f32 $0.0e+00;
	[dreg:$0x6] =	wrdreg s7;
	s7 =	simm.s32 $0xD00;
	s17 =	simm.s32 $0xF80  }
.LBB2_6:
0x1c: {  	s0 =	stileid.u32;
	[bflag:$0x0] =	sbarrier.arrive $0xFFFF  }
0x1d: {  	s0 =	sshll.u32 s0, $0x6;
	s26 =	rddreg [dreg:$0x7]  }
0x1e: {  	s11 =	rddreg [dreg:$0xc];
	s0 =	sor.u32 $0x1C05, s0;
	s2 =	sshrl.u32 s26, $0x3  }
0x1f: {  	[hbm:s11], [sflag:s0] =	dma.local [spmem:s2], $0x2780  }
0x20: {  	_ =	swait.ge [sflag:s25], $0x2780  }
0x21: {  	s11 =	rddreg [dreg:$0xf]  }
0x22: {  	s21 =	rddreg [dreg:$0xd];
	s2 =	sadd.s32 $0x1, s11  }
0x23: {  	p0 =	sne.s32 s2, s21  }
.Ltmp1:
0x24: {  	_ = 	snop;
	(pc) =	sbr.rel @!p0 .LBB2_7-.Ltmp1, $3  }
0x25: {  	_ =	sdelay $0x1  }
0x26: {  	[sflag:s25] =	ssyncset.done $0x0  }
0x27: {  	[sflag:s25] =	ssyncadd.s32 $0xFFFFD880  }
.LBB2_1:
0x28: {  	s0 =	rddreg [dreg:$0x3]  }
0x29: {  	[tilespmem:s3], [sflag:$0x3] =	stream.linear.gather [hbm4b:s0+s3], $0x400, $0x38;
	[tilespmem:$0x1CC00] =	vst v63  }
0x2a: {  	s11 =	rddreg [dreg:$0x4];
	s21 =	simm.s32 $0x800  }
0x2b: {  	[tilespmem:s21], [sflag:$0x3] =	stream.linear.gather [hbm4b:s11+s3], $0x400, $0x38;
	[tilespmem:$0x1CC00] =	vst v63  }
0x2c: {  	s11 =	rddreg [dreg:$0x5]  }
0x2d: {  	[tilespmem:s22], [sflag:$0x4] =	stream.linear.gather [hbm4b:s11+s3], $0x400, $0x38;
	[tilespmem:$0x1CC00] =	vst v63  }
0x2e: {  	s21 =	rddreg [dreg:$0x6]  }
0x2f: {  	[tilespmem:s23], [sflag:$0x4] =	stream.linear.gather [hbm4b:s21+s3], $0x400, $0x38;
	[tilespmem:$0x1CC00] =	vst v63  }
0x30: {  	[dreg:$0xf] =	wrdreg s2;
	s11 =	simm.s32 $0x0;
	s21 =	simm.s32 $0x200  }
.LBB2_2:
0x31: {  	p0 =	sne.s32 s21, $0xFE00;
	[tilespmem:s11+$0x1070] =	vst v0  }
0x32: {  	[tilespmem:s11+$0x1000] =	vst v0  }
0x33: {  	[tilespmem:s11+$0x1010] =	vst v0  }
.Ltmp2:
0x34: {  	[tilespmem:s11+$0x1020] =	vst v0;
	(pc) =	sbr.rel @p0 .LBB2_2-.Ltmp2, $4  }
0x35: {  	[tilespmem:s11+$0x1030] =	vst v0  }
0x36: {  	[tilespmem:s11+$0x1040] =	vst v0  }
0x37: {  	[tilespmem:s11+$0x1050] =	vst v0  }
0x38: {  	[tilespmem:s11+$0x1060] =	vst v0;
	s11 =	sshra.s32 s21, $0x2;
	s21 =	sadd.s32 $0x200, s21  }
0x39: {  	[tilespmem:s11+$0x1070] =	vst v0  }
0x3a: {  	[tilespmem:s11+$0x1000] =	vst v0  }
0x3b: {  	[tilespmem:s11+$0x1010] =	vst v0  }
0x3c: {  	[tilespmem:s11+$0x1020] =	vst v0  }
0x3d: {  	[tilespmem:s11+$0x1030] =	vst v0  }
0x3e: {  	[tilespmem:s11+$0x1040] =	vst v0  }
0x3f: {  	[tilespmem:s11+$0x1050] =	vst v0  }
0x40: {  	[tilespmem:s11+$0x1060] =	vst v0  }
0x41: {  	[spmem:s26] =	stream.linear.scatter [tilespmem:s24], [sflag:$0x5], $0x4000, $0x38;
	[tilespmem:$0x1CC00] =	vst v63  }
0x42: {  	_ =	swait.ge [sflag:s25], $0x4000  }
0x43: {  	[sflag:s25] =	ssyncset.done $0x0  }
0x44: {  	s0 =	rddreg [dreg:$0x8];
	[sflag:s25] =	ssyncadd.s32 $0xFFFFC000  }
0x45: {  	[spmem:s0] =	stream.linear.scatter [tilespmem:s24], [sflag:$0x5], $0x4000, $0x38;
	[tilespmem:$0x1CC00] =	vst v63  }
0x46: {  	_ =	swait.ge [sflag:s25], $0x4000  }
0x47: {  	[sflag:s25] =	ssyncset.done $0x0  }
0x48: {  	s2 =	rddreg [dreg:$0x9];
	[sflag:s25] =	ssyncadd.s32 $0xFFFFC000  }
0x49: {  	[spmem:s2] =	stream.linear.scatter [tilespmem:s24], [sflag:$0x5], $0x4000, $0x38;
	[tilespmem:$0x1CC00] =	vst v63  }
0x4a: {  	_ =	swait.ge [sflag:s25], $0x4000  }
0x4b: {  	[sflag:s25] =	ssyncset.done $0x0  }
0x4c: {  	s11 =	rddreg [dreg:$0xa];
	[sflag:s25] =	ssyncadd.s32 $0xFFFFC000  }
0x4d: {  	[spmem:s11] =	stream.linear.scatter [tilespmem:s24], [sflag:$0x5], $0x4000, $0x38;
	[tilespmem:$0x1CC00] =	vst v63  }
0x4e: {  	_ =	swait.ge [sflag:s25], $0x4000  }
0x4f: {  	[sflag:s25] =	ssyncset.done $0x0  }
0x50: {  	s21 =	rddreg [dreg:$0xb];
	[sflag:s25] =	ssyncadd.s32 $0xFFFFC000  }
0x51: {  	[spmem:s21] =	stream.linear.scatter [tilespmem:s24], [sflag:$0x5], $0x3C00, $0x38;
	[tilespmem:$0x1CC00] =	vst v63  }
0x52: {  	_ =	swait.ge [sflag:s25], $0x3C00  }
0x53: {  	[sflag:s25] =	ssyncset.done $0x0  }
0x54: {  	s26 =	simm.s32 $0x3;
	[sflag:s25] =	ssyncadd.s32 $0xFFFFC400  }
0x55: {  	_ =	swait.ge [sflag:s26], $0x400  }
0x56: {  	[sflag:s26] =	ssyncset.done $0x0  }
0x57: {  	[sflag:s26] =	ssyncadd.s32 $0xFFFFFC00  }
0x58: {  	_ =	swait.ge [sflag:s26], $0x400  }
0x59: {  	[sflag:s26] =	ssyncset.done $0x0  }
0x5a: {  	[sflag:s26] =	ssyncadd.s32 $0xFFFFFC00  }
0x5b: {  	s11 =	simm.s32 $0x0;
	[bflag:$0x0] =	sbarrier.arrive $0xFFFF  }
0x5c: {  	[tilespmem:s24], [sflag:$0x1] =	stream.indirect.gather [hbm4b:s4+s28], $0x80, s11, s28, $0xb8;
	[tilespmem:$0x1CC00] =	vst v63  }
0x5d: {  	s26 =	rddreg [dreg:$0xe]  }
.LBB2_4:
0x5e: {  	_ =	swait.ge [sflag:s29], $0x4000  }
0x5f: {  	[sflag:s29] =	ssyncset.done $0x0  }
0x60: {  	[sflag:s29] =	ssyncadd.s32 $0xFFFFC000  }
0x61: {  	[tilespmem:s30], [sflag:$0x2] =	stream.indirect.gather [hbm4b:s4+s28], $0x80, s28, s28, $0xb8;
	[tilespmem:$0x1CC00] =	vst v63  }
0x62: {  	s0 =	simm.s32 $0x800  }
0x63: {  	[spmem:s1] =	stream.indirect.scatter.add.f32 [tilespmem:s24], [sflag:$0x5], $0x80, s0, s28, $0xb8;
	[tilespmem:$0x1CC00] =	vst v63  }
0x64: {  	_ =	swait.ge [sflag:s25], $0x4000  }
0x65: {  	[sflag:s25] =	ssyncset.done $0x0  }
0x66: {  	[sflag:s25] =	ssyncadd.s32 $0xFFFFC000  }
0x67: {  	_ =	swait.ge [sflag:s31], $0x4000  }
0x68: {  	[sflag:s31] =	ssyncset.done $0x0  }
0x69: {  	s21 =	simm.s32 $0x100;
	[sflag:s31] =	ssyncadd.s32 $0xFFFFC000  }
0x6a: {  	[tilespmem:s24], [sflag:$0x1] =	stream.indirect.gather [hbm4b:s4+s28], $0x80, s21, s28, $0xb8;
	[tilespmem:$0x1CC00] =	vst v63  }
0x6b: {  	s2 =	simm.s32 $0x880  }
0x6c: {  	[spmem:s1] =	stream.indirect.scatter.add.f32 [tilespmem:s30], [sflag:$0x5], $0x80, s2, s28, $0xb8;
	[tilespmem:$0x1CC00] =	vst v63  }
0x6d: {  	_ =	swait.ge [sflag:s25], $0x4000  }
0x6e: {  	[sflag:s25] =	ssyncset.done $0x0  }
0x6f: {  	[sflag:s25] =	ssyncadd.s32 $0xFFFFC000  }
0x70: {  	_ =	swait.ge [sflag:s29], $0x4000  }
0x71: {  	[sflag:s29] =	ssyncset.done $0x0  }
0x72: {  	s21 =	simm.s32 $0x180;
	[sflag:s29] =	ssyncadd.s32 $0xFFFFC000  }
0x73: {  	[tilespmem:s30], [sflag:$0x2] =	stream.indirect.gather [hbm4b:s4+s28], $0x80, s21, s28, $0xb8;
	[tilespmem:$0x1CC00] =	vst v63  }
0x74: {  	s2 =	simm.s32 $0x900  }
0x75: {  	[spmem:s1] =	stream.indirect.scatter.add.f32 [tilespmem:s24], [sflag:$0x5], $0x80, s2, s28, $0xb8;
	[tilespmem:$0x1CC00] =	vst v63  }
0x76: {  	_ =	swait.ge [sflag:s25], $0x4000  }
0x77: {  	[sflag:s25] =	ssyncset.done $0x0  }
0x78: {  	[sflag:s25] =	ssyncadd.s32 $0xFFFFC000  }
0x79: {  	_ =	swait.ge [sflag:s31], $0x4000  }
0x7a: {  	[sflag:s31] =	ssyncset.done $0x0  }
0x7b: {  	s21 =	simm.s32 $0x200;
	[sflag:s31] =	ssyncadd.s32 $0xFFFFC000  }
0x7c: {  	[tilespmem:s24], [sflag:$0x1] =	stream.indirect.gather [hbm4b:s4+s28], $0x80, s21, s28, $0xb8;
	[tilespmem:$0x1CC00] =	vst v63  }
0x7d: {  	s2 =	simm.s32 $0x980  }
0x7e: {  	[spmem:s1] =	stream.indirect.scatter.add.f32 [tilespmem:s30], [sflag:$0x5], $0x80, s2, s28, $0xb8;
	[tilespmem:$0x1CC00] =	vst v63  }
0x7f: {  	_ =	swait.ge [sflag:s25], $0x4000  }
0x80: {  	[sflag:s25] =	ssyncset.done $0x0  }
0x81: {  	[sflag:s25] =	ssyncadd.s32 $0xFFFFC000  }
0x82: {  	_ =	swait.ge [sflag:s29], $0x4000  }
0x83: {  	[sflag:s29] =	ssyncset.done $0x0  }
0x84: {  	s21 =	simm.s32 $0x280;
	[sflag:s29] =	ssyncadd.s32 $0xFFFFC000  }
0x85: {  	[tilespmem:s30], [sflag:$0x2] =	stream.indirect.gather [hbm4b:s4+s28], $0x80, s21, s28, $0xb8;
	[tilespmem:$0x1CC00] =	vst v63  }
0x86: {  	s2 =	simm.s32 $0xA00  }
0x87: {  	[spmem:s1] =	stream.indirect.scatter.add.f32 [tilespmem:s24], [sflag:$0x5], $0x80, s2, s28, $0xb8;
	[tilespmem:$0x1CC00] =	vst v63  }
0x88: {  	_ =	swait.ge [sflag:s25], $0x4000  }
0x89: {  	[sflag:s25] =	ssyncset.done $0x0  }
0x8a: {  	[sflag:s25] =	ssyncadd.s32 $0xFFFFC000  }
0x8b: {  	_ =	swait.ge [sflag:s31], $0x4000  }
0x8c: {  	[sflag:s31] =	ssyncset.done $0x0  }
0x8d: {  	s21 =	simm.s32 $0x300;
	[sflag:s31] =	ssyncadd.s32 $0xFFFFC000  }
0x8e: {  	[tilespmem:s24], [sflag:$0x1] =	stream.indirect.gather [hbm4b:s4+s28], $0x80, s21, s28, $0xb8;
	[tilespmem:$0x1CC00] =	vst v63  }
0x8f: {  	s2 =	simm.s32 $0xA80  }
0x90: {  	[spmem:s1] =	stream.indirect.scatter.add.f32 [tilespmem:s30], [sflag:$0x5], $0x80, s2, s28, $0xb8;
	[tilespmem:$0x1CC00] =	vst v63  }
0x91: {  	_ =	swait.ge [sflag:s25], $0x4000  }
0x92: {  	[sflag:s25] =	ssyncset.done $0x0  }
0x93: {  	[sflag:s25] =	ssyncadd.s32 $0xFFFFC000  }
0x94: {  	_ =	swait.ge [sflag:s29], $0x4000  }
0x95: {  	[sflag:s29] =	ssyncset.done $0x0  }
0x96: {  	s21 =	simm.s32 $0x380;
	[sflag:s29] =	ssyncadd.s32 $0xFFFFC000  }
0x97: {  	[tilespmem:s30], [sflag:$0x2] =	stream.indirect.gather [hbm4b:s4+s28], $0x80, s21, s28, $0xb8;
	[tilespmem:$0x1CC00] =	vst v63  }
0x98: {  	s2 =	simm.s32 $0xB00  }
0x99: {  	[spmem:s1] =	stream.indirect.scatter.add.f32 [tilespmem:s24], [sflag:$0x5], $0x80, s2, s28, $0xb8;
	[tilespmem:$0x1CC00] =	vst v63  }
0x9a: {  	_ =	swait.ge [sflag:s25], $0x4000  }
0x9b: {  	[sflag:s25] =	ssyncset.done $0x0  }
0x9c: {  	[sflag:s25] =	ssyncadd.s32 $0xFFFFC000  }
0x9d: {  	_ =	swait.ge [sflag:s20], $0x400  }
0x9e: {  	[sflag:s20] =	ssyncset.done $0x0  }
0x9f: {  	[sflag:s20] =	ssyncadd.s32 $0xFFFFFC00  }
0xa0: {  	_ =	swait.ge [sflag:s20], $0x400  }
0xa1: {  	[sflag:s20] =	ssyncset.done $0x0  }
0xa2: {  	[sflag:s20] =	ssyncadd.s32 $0xFFFFFC00  }
0xa3: {  	_ =	swait.ge [sflag:s31], $0x4000  }
0xa4: {  	[sflag:s31] =	ssyncset.done $0x0  }
0xa5: {  	[sflag:s31] =	ssyncadd.s32 $0xFFFFC000  }
0xa6: {  	[tilespmem:s24], [sflag:$0x1] =	stream.indirect.gather [hbm4b:s4+s28], $0x80, s22, s28, $0xb8;
	[tilespmem:$0x1CC00] =	vst v63  }
0xa7: {  	s21 =	simm.s32 $0xB80  }
0xa8: {  	[spmem:s1] =	stream.indirect.scatter.add.f32 [tilespmem:s30], [sflag:$0x5], $0x80, s21, s28, $0xb8;
	[tilespmem:$0x1CC00] =	vst v63  }
0xa9: {  	p0 =	seq.s32 s11, $0x400;
	_ =	swait.ge [sflag:s25], $0x4000  }
0xaa: {  	s0 =	sshrl.u32 @!p0 s26, $0x3;
	[sflag:s25] =	ssyncset.done $0x0  }
0xab: {  	s2 =	sadd.s32 @!p0 s5, s0;
	s21 =	simm.s32 @!p0 $0x0;
	[sflag:s25] =	ssyncadd.s32 $0xFFFFC000  }
0xac: {  	[tilespmem:s21], [sflag:$0x3] =	stream.linear.gather @!p0 [hbm4b:s2+s21], $0x400, $0x38;
	[tilespmem:$0x1CC00] =	vst v63  }
0xad: {  	s0 =	sadd.s32 @!p0 s6, s0;
	s2 =	simm.s32 @!p0 $0x800  }
0xae: {  	[tilespmem:s2], [sflag:$0x3] =	stream.linear.gather @!p0 [hbm4b:s0+s21], $0x400, $0x38;
	[tilespmem:$0x1CC00] =	vst v63  }
0xaf: {  	_ =	swait.ge [sflag:s29], $0x4000  }
0xb0: {  	[sflag:s29] =	ssyncset.done $0x0  }
0xb1: {  	s2 =	simm.s32 $0x480;
	[sflag:s29] =	ssyncadd.s32 $0xFFFFC000  }
0xb2: {  	[tilespmem:s30], [sflag:$0x2] =	stream.indirect.gather [hbm4b:s4+s28], $0x80, s2, s28, $0xb8;
	[tilespmem:$0x1CC00] =	vst v63  }
0xb3: {  	_ = 	snop  }
0xb4: {  	[spmem:s1] =	stream.indirect.scatter.add.f32 [tilespmem:s24], [sflag:$0x5], $0x80, s23, s28, $0xb8;
	[tilespmem:$0x1CC00] =	vst v63  }
0xb5: {  	_ =	swait.ge [sflag:s25], $0x4000  }
0xb6: {  	[sflag:s25] =	ssyncset.done $0x0  }
0xb7: {  	[sflag:s25] =	ssyncadd.s32 $0xFFFFC000  }
0xb8: {  	_ =	swait.ge [sflag:s31], $0x4000  }
0xb9: {  	[sflag:s31] =	ssyncset.done $0x0  }
0xba: {  	s2 =	simm.s32 $0x500;
	[sflag:s31] =	ssyncadd.s32 $0xFFFFC000  }
0xbb: {  	[tilespmem:s24], [sflag:$0x1] =	stream.indirect.gather [hbm4b:s4+s28], $0x80, s2, s28, $0xb8;
	[tilespmem:$0x1CC00] =	vst v63  }
0xbc: {  	s2 =	simm.s32 $0xC80  }
0xbd: {  	[spmem:s1] =	stream.indirect.scatter.add.f32 [tilespmem:s30], [sflag:$0x5], $0x80, s2, s28, $0xb8;
	[tilespmem:$0x1CC00] =	vst v63  }
0xbe: {  	_ =	swait.ge [sflag:s25], $0x4000  }
0xbf: {  	[sflag:s25] =	ssyncset.done $0x0  }
0xc0: {  	[sflag:s25] =	ssyncadd.s32 $0xFFFFC000  }
0xc1: {  	_ =	swait.ge [sflag:s29], $0x4000  }
0xc2: {  	[sflag:s29] =	ssyncset.done $0x0  }
0xc3: {  	s2 =	simm.s32 $0x580;
	[sflag:s29] =	ssyncadd.s32 $0xFFFFC000  }
0xc4: {  	[tilespmem:s30], [sflag:$0x2] =	stream.indirect.gather [hbm4b:s4+s28], $0x80, s2, s28, $0xb8;
	[tilespmem:$0x1CC00] =	vst v63  }
0xc5: {  	_ = 	snop  }
0xc6: {  	[spmem:s1] =	stream.indirect.scatter.add.f32 [tilespmem:s24], [sflag:$0x5], $0x80, s7, s28, $0xb8;
	[tilespmem:$0x1CC00] =	vst v63  }
0xc7: {  	_ =	swait.ge [sflag:s25], $0x4000  }
0xc8: {  	[sflag:s25] =	ssyncset.done $0x0  }
0xc9: {  	[sflag:s25] =	ssyncadd.s32 $0xFFFFC000  }
0xca: {  	_ =	swait.ge [sflag:s31], $0x4000  }
0xcb: {  	[sflag:s31] =	ssyncset.done $0x0  }
0xcc: {  	[sflag:s31] =	ssyncadd.s32 $0xFFFFC000  }
0xcd: {  	[tilespmem:s24], [sflag:$0x1] =	stream.indirect.gather [hbm4b:s4+s28], $0x80, s8, s28, $0xb8;
	[tilespmem:$0x1CC00] =	vst v63  }
0xce: {  	_ = 	snop  }
0xcf: {  	[spmem:s1] =	stream.indirect.scatter.add.f32 [tilespmem:s30], [sflag:$0x5], $0x80, s9, s28, $0xb8;
	[tilespmem:$0x1CC00] =	vst v63  }
0xd0: {  	_ =	swait.ge [sflag:s25], $0x4000  }
0xd1: {  	[sflag:s25] =	ssyncset.done $0x0  }
0xd2: {  	[sflag:s25] =	ssyncadd.s32 $0xFFFFC000  }
0xd3: {  	_ =	swait.ge [sflag:s29], $0x4000  }
0xd4: {  	[sflag:s29] =	ssyncset.done $0x0  }
0xd5: {  	[sflag:s29] =	ssyncadd.s32 $0xFFFFC000  }
0xd6: {  	[tilespmem:s30], [sflag:$0x2] =	stream.indirect.gather [hbm4b:s4+s28], $0x80, s10, s28, $0xb8;
	[tilespmem:$0x1CC00] =	vst v63  }
0xd7: {  	_ = 	snop  }
0xd8: {  	[spmem:s1] =	stream.indirect.scatter.add.f32 [tilespmem:s24], [sflag:$0x5], $0x80, s12, s28, $0xb8;
	[tilespmem:$0x1CC00] =	vst v63  }
0xd9: {  	_ =	swait.ge [sflag:s25], $0x4000  }
0xda: {  	[sflag:s25] =	ssyncset.done $0x0  }
0xdb: {  	[sflag:s25] =	ssyncadd.s32 $0xFFFFC000  }
0xdc: {  	_ =	swait.ge [sflag:s31], $0x4000  }
0xdd: {  	[sflag:s31] =	ssyncset.done $0x0  }
0xde: {  	[sflag:s31] =	ssyncadd.s32 $0xFFFFC000  }
0xdf: {  	[tilespmem:s24], [sflag:$0x1] =	stream.indirect.gather [hbm4b:s4+s28], $0x80, s13, s28, $0xb8;
	[tilespmem:$0x1CC00] =	vst v63  }
0xe0: {  	_ = 	snop  }
0xe1: {  	[spmem:s1] =	stream.indirect.scatter.add.f32 [tilespmem:s30], [sflag:$0x5], $0x80, s14, s28, $0xb8;
	[tilespmem:$0x1CC00] =	vst v63  }
0xe2: {  	_ =	swait.ge [sflag:s25], $0x4000  }
0xe3: {  	[sflag:s25] =	ssyncset.done $0x0  }
0xe4: {  	[sflag:s25] =	ssyncadd.s32 $0xFFFFC000  }
0xe5: {  	_ =	swait.ge [sflag:s29], $0x4000  }
0xe6: {  	[sflag:s29] =	ssyncset.done $0x0  }
0xe7: {  	[sflag:s29] =	ssyncadd.s32 $0xFFFFC000  }
0xe8: {  	[tilespmem:s30], [sflag:$0x2] =	stream.indirect.gather [hbm4b:s4+s28], $0x80, s15, s28, $0xb8;
	[tilespmem:$0x1CC00] =	vst v63  }
0xe9: {  	_ = 	snop  }
0xea: {  	[spmem:s1] =	stream.indirect.scatter.add.f32 [tilespmem:s24], [sflag:$0x5], $0x80, s16, s28, $0xb8;
	[tilespmem:$0x1CC00] =	vst v63  }
0xeb: {  	_ =	swait.ge [sflag:s25], $0x4000  }
0xec: {  	[sflag:s25] =	ssyncset.done $0x0  }
0xed: {  	s0 =	simm.s32 @p0 $0x2;
	[sflag:s25] =	ssyncadd.s32 $0xFFFFC000  }
0xee: {  	_ =	swait.ge @p0 [sflag:s0], $0x4000  }
0xef: {  	[sflag:s0] =	ssyncset.done @p0 $0x0  }
0xf0: {  	[sflag:s0] =	ssyncadd.s32 @p0 $0xFFFFC000;
	s0 =	simm.s32 @!p0 $0x3  }
0xf1: {  	_ =	swait.ge @!p0 [sflag:s0], $0x400  }
0xf2: {  	[sflag:s0] =	ssyncset.done @!p0 $0x0  }
0xf3: {  	[sflag:s0] =	ssyncadd.s32 @!p0 $0xFFFFFC00  }
0xf4: {  	_ =	swait.ge @!p0 [sflag:s0], $0x400  }
0xf5: {  	[sflag:s0] =	ssyncset.done @!p0 $0x0  }
0xf6: {  	[sflag:s0] =	ssyncadd.s32 @!p0 $0xFFFFFC00;
	s0 =	simm.s32 @!p0 $0x2  }
0xf7: {  	_ =	swait.ge @!p0 [sflag:s0], $0x4000  }
0xf8: {  	[sflag:s0] =	ssyncset.done @!p0 $0x0  }
0xf9: {  	s2 =	simm.s32 @!p0 $0x1000;
	[sflag:s0] =	ssyncadd.s32 @!p0 $0xFFFFC000;
	s0 =	simm.s32 @!p0 $0x80  }
0xfa: {  	[tilespmem:s2], [sflag:$0x1] =	stream.indirect.gather @!p0 [hbm4b:s4+s0], $0x80, s21, s0, $0xb8;
	[tilespmem:$0x1CC00] =	vst v63  }
.Ltmp3:
0xfb: {  	_ = 	snop;
	(pc) =	sbr.rel @p0 .LBB2_6-.Ltmp3, $4  }
0xfc: {  	[spmem:s1] =	stream.indirect.scatter.add.f32 [tilespmem:s30], [sflag:$0x5], $0x80, s17, s28, $0xb8;
	[tilespmem:$0x1CC00] =	vst v63  }
0xfd: {  	_ =	swait.ge [sflag:s25], $0x4000  }
0xfe: {  	[sflag:s25] =	ssyncset.done $0x0  }
0xff: {  	[sflag:s25] =	ssyncadd.s32 $0xFFFFC000  }
.Ltmp4:
0x100: {  	(pc) =	sbr.rel .LBB2_4-.Ltmp4, $4  }
0x101: {  	s0 =	sadd.s32 s11, s19  }
0x102: {  	[tilespmem:s22], [sflag:$0x4] =	stream.linear.gather [hbm4b:s0+s3], $0x400, $0x38;
	[tilespmem:$0x1CC00] =	vst v63  }
0x103: {  	s21 =	sadd.s32 s11, s18;
	s11 =	sadd.s32 $0x100, s11;
	s26 =	sadd.s32 $0x800, s26  }
0x104: {  	[tilespmem:s23], [sflag:$0x4] =	stream.linear.gather [hbm4b:s21+s3], $0x400, $0x38;
	[tilespmem:$0x1CC00] =	vst v63  }
.LBB2_7:
0x105: {  	_ =	sfence.sel $0x180000  }
0x106: {  	[bflag:$0x0] =	sbarrier.arrive $0xFFFF  }
0x107: {  	_ =	strace $0x9000004D  }
0x108: {  	s0 =	stileid.u32;
	[bflag:$0x2] =	sbarrier.arrive $0xFFFF  }
0x109: {  	p0 =	sne.s32 s0, $0x0;
	s0 =	rddreg [dreg:$0x2]  }
0x10a: {  	s0 =	sadd.s32 @!p0 $0x100000, s0  }
0x10b: {  	[sflag:s0] =	ssyncadd.tile.s32 @!p0 $0x1;
	_ =	shalt  }
.Lfunc_end2:
_tile_overlayer_lowered:
.L_overlay_start_2:
0x10c: {  	(tag) =	ssettag $0x2  }
0x10d: {  	s0 =	rddreg [dreg:$0x0];
	s2 =	stileid.u32  }
0x10e: {  	s1 =	rddreg [dreg:$0x1];
	p0 =	sne.s32 s2, $0x0  }
0x10f: {  	s3 =	rddreg [dreg:$0x2];
	[bflag:$0x3] =	sbarrier.arrive $0xFFFF;
	s2 =	simm.s32 @!p0 $0x1C05  }
0x110: {  	[timem:s3], [sflag:s2] =	dma.local @!p0 [hbm:s0], s1  }
0x111: {  	s0 =	simm.s32 @!p0 $0x5  }
0x112: {  	_ =	swait.ge @!p0 [sflag:s0], s1  }
0x113: {  	s1 =	ssub.s32 @!p0 $0x0, s1;
	[sflag:s0] =	ssyncset.done @!p0 $0x0  }
0x114: {  	[sflag:s0] =	ssyncadd.s32 @!p0 s1  }
0x115: {  	[bflag:$0x3] =	sbarrier.arrive $0xFFFF  }
0x116: {  	_ =	shalt  }

// kernel: kernel.8.cloned.1.call-start
scs
__scs_entry_jumppad:
0x0: {  	(pc) =	sbr.rel $0x88, $3  }
0x1: {  	(tag) =	ssettag $0x0;
	lr =	simm.s32 $0x1  }
0x2: {  	[smem:$0x3F9B] =	sst lr;
	_ =	strace $0xD0000000  }
0x3: {  	_ = 	snop  }
0x4: {  	_ = 	snop  }
0x5: {  	_ = 	snop  }
0x6: {  	_ = 	snop  }
0x7: {  	_ = 	snop  }
__scs_overlays_trampoline_lowered:
0x8: {  	[smem:$0x3FAA] =	sst s0  }
0x9: {  	[smem:$0x3FAB] =	sst s1  }
0xa: {  	[smem:$0x3FAC] =	sst s2  }
0xb: {  	[smem:$0x3FAD] =	sst s3  }
0xc: {  	[smem:$0x3FAE] =	sst s4  }
0xd: {  	[smem:$0x3FAF] =	sst s5  }
0xe: {  	[smem:$0x3FB0] =	sst s6  }
0xf: {  	[smem:$0x3FB1] =	sst s7  }
0x10: {  	[smem:$0x3FB2] =	sst s8  }
0x11: {  	[smem:$0x3FB3] =	sst s9;
	s0 =	simm.s32 @!p0 $0x0  }
0x12: {  	s1 =	sld [smem:$0x3F99];
	s0 =	simm.s32 @p0 $0x1  }
0x13: {  	[smem:$0x3FB4] =	sst s0;
	s0 =	simm.s32 @!p1 $0x0  }
0x14: {  	s2 =	sld [smem:$0x3F98];
	s0 =	simm.s32 @p1 $0x1  }
0x15: {  	[smem:$0x3FB5] =	sst s0;
	s0 =	simm.s32 @!p2 $0x0  }
0x16: {  	s3 =	sld [smem:$0x3FDB];
	s0 =	simm.s32 @p2 $0x1  }
0x17: {  	s4 =	simm.s32 $0x1BF5;
	[smem:$0x3FB7] =	sst s0  }
0x18: {  	s0 =	sld [smem:$0x3F9A];
	_ =	swait.ge [sflag:s4], $0x0  }
0x19: {  	s7 =	sld [smem:$0x3F9B]  }
0x1a: {  	s8 =	sadd.s32 $0xFFFFE003, lr  }
0x1b: {  	s9 =	sadd.s32 $0xFFFFFEF7, lr;
	s5 =	simm.s32 $0xFFFFFFFF;
	p2 =	slt.u32 s8, $0xFFFFF086  }
0x1c: {  	p1 =	slt.u32 s9, $0xF7A;
	s5 =	simm.s32 @!p2 $0x0  }
0x1d: {  	s5 =	simm.s32 @p1 $0x1;
	p0 =	seq.s32 s7, s2  }
0x1e: {  	s7 =	smul.u32 @!p0 $0xF7A, s2;
	p2 =	seq.s32 @!p0 s5, $0x0  }
0x1f: {  	s9 =	smul.u32 $0xF7A, s1;
	s8 =	simm.s32 @!p0 $0x1BF5;
	p2 =	por !p2, p0  }
0x20: {  	[sflag:s8] =	ssyncset.s32 @!p0 $0xFFFFF086;
	s6 =	sadd.s32 @!p0 s3, s7;
	s7 =	simm.s32 @!p0 $0x108  }
0x21: {  	s3 =	sadd.s32 s3, s9;
	s6 =	sadd.s32 @!p0 $0x88, s6;
	s7 =	simm.s32 @p2 $0x1082  }
0x22: {  	[simem:s7], [sflag:s8] =	dma.local @!p0 [hbm:s6], $0xF7A  }
0x23: {  	s9 =	sor.u32 $0xD0000000, s2;
	s6 =	simm.s32 $0x108;
	_ =	swait.ge @!p0 [sflag:s8], $0x0  }
0x24: {  	s3 =	sadd.s32 $0x88, s3;
	s6 =	simm.s32 @!p1 $0x1082;
	[sflag:s4] =	ssyncset.s32 $0xFFFFF086  }
0x25: {  	[simem:s6], [sflag:s4] =	dma.local [hbm:s3], $0xF7A  }
0x26: {  	[smem:$0x3F9B] =	sst s1;
	(tag) =	ssettag s2;
	_ =	strace s9  }
0x27: {  	s1 =	sld [smem:$0x3FAB]  }
0x28: {  	s2 =	sld [smem:$0x3FAC]  }
0x29: {  	s4 =	sld [smem:$0x3FAE]  }
0x2a: {  	p0 =	seq.s32 s5, $0x0;
	s5 =	sld [smem:$0x3FAF]  }
0x2b: {  	s6 =	sld [smem:$0x3FB0]  }
0x2c: {  	s7 =	sld [smem:$0x3FB1]  }
0x2d: {  	s3 =	simm.s32 $0x108;
	s8 =	sld [smem:$0x3FB2]  }
0x2e: {  	s3 =	simm.s32 @!p0 $0x1082;
	s9 =	sld [smem:$0x3FB3]  }
0x2f: {  	lr =	sadd.s32 s0, s3;
	s0 =	sld [smem:$0x3FAA]  }
0x30: {  	s3 =	sld [smem:$0x3FAD]  }
0x31: {  	[smem:$0x3FB6] =	sst s10  }
0x32: {  	s10 =	sld [smem:$0x3FB4];
	_ =	sdelay $0x3  }
0x33: {  	p0 =	seq.s32 s10, $0x1;
	s10 =	sld [smem:$0x3FB6];
	_ =	sdelay $0x3  }
0x34: {  	[smem:$0x3FB6] =	sst s10  }
0x35: {  	s10 =	sld [smem:$0x3FB5];
	_ =	sdelay $0x3  }
0x36: {  	p1 =	seq.s32 s10, $0x1;
	s10 =	sld [smem:$0x3FB6];
	_ =	sdelay $0x3  }
0x37: {  	[smem:$0x3FB6] =	sst s10  }
0x38: {  	s10 =	sld [smem:$0x3FB7]  }
0x39: {  	_ = 	snop;
	(pc) =	sbr.ind lr, $3  }
0x3a: {  	_ = 	snop  }
0x3b: {  	_ = 	snop  }
0x3c: {  	p2 =	seq.s32 s10, $0x1;
	s10 =	sld [smem:$0x3FB6]  }
0x3d: {  	_ =	shalt  }
0x3e: {  	_ =	shalt  }
0x3f: {  	_ =	shalt  }
0x40: {  	_ =	shalt  }
0x41: {  	_ =	shalt  }
0x42: {  	_ =	shalt  }
0x43: {  	_ =	shalt  }
0x44: {  	_ =	shalt  }
0x45: {  	_ =	shalt  }
0x46: {  	_ =	shalt  }
0x47: {  	_ =	shalt  }
0x48: {  	_ =	shalt  }
0x49: {  	_ =	shalt  }
0x4a: {  	_ =	shalt  }
0x4b: {  	_ =	shalt  }
0x4c: {  	_ =	shalt  }
0x4d: {  	_ =	shalt  }
0x4e: {  	_ =	shalt  }
0x4f: {  	_ =	shalt  }
0x50: {  	_ =	shalt  }
0x51: {  	_ =	shalt  }
0x52: {  	_ =	shalt  }
0x53: {  	_ =	shalt  }
0x54: {  	_ =	shalt  }
0x55: {  	_ =	shalt  }
0x56: {  	_ =	shalt  }
0x57: {  	_ =	shalt  }
0x58: {  	_ =	shalt  }
0x59: {  	_ =	shalt  }
0x5a: {  	_ =	shalt  }
0x5b: {  	_ =	shalt  }
0x5c: {  	_ =	shalt  }
0x5d: {  	_ =	shalt  }
0x5e: {  	_ =	shalt  }
0x5f: {  	_ =	shalt  }
0x60: {  	_ =	shalt  }
0x61: {  	_ =	shalt  }
0x62: {  	_ =	shalt  }
0x63: {  	_ =	shalt  }
0x64: {  	_ =	shalt  }
0x65: {  	_ =	shalt  }
0x66: {  	_ =	shalt  }
0x67: {  	_ =	shalt  }
0x68: {  	_ =	shalt  }
0x69: {  	_ =	shalt  }
0x6a: {  	_ =	shalt  }
0x6b: {  	_ =	shalt  }
0x6c: {  	_ =	shalt  }
0x6d: {  	_ =	shalt  }
0x6e: {  	_ =	shalt  }
0x6f: {  	_ =	shalt  }
0x70: {  	_ =	shalt  }
0x71: {  	_ =	shalt  }
0x72: {  	_ =	shalt  }
0x73: {  	_ =	shalt  }
0x74: {  	_ =	shalt  }
0x75: {  	_ =	shalt  }
0x76: {  	_ =	shalt  }
0x77: {  	_ =	shalt  }
0x78: {  	_ =	shalt  }
0x79: {  	_ =	shalt  }
0x7a: {  	_ =	shalt  }
0x7b: {  	_ =	shalt  }
0x7c: {  	_ =	shalt  }
0x7d: {  	_ =	shalt  }
0x7e: {  	_ =	shalt  }
0x7f: {  	_ =	shalt  }
0x80: {  	_ =	shalt  }
0x81: {  	_ =	shalt  }
0x82: {  	_ =	shalt  }
0x83: {  	_ =	shalt  }
0x84: {  	_ =	shalt  }
0x85: {  	_ =	shalt  }
0x86: {  	_ =	shalt  }
0x87: {  	_ =	shalt  }
.Lfunc_end0:
.L_simem_size_0:
called_computation_lowered:
.L_overlay_start_0:
0x88: {  	s2 =	sld [smem:$0x3FD9]  }
0x89: {  	s3 =	sld [smem:$0x3FFE];
	_ =	sdelay $0x1  }
0x8a: {  	s1 =	srdreg.scid  }
0x8b: {  	s0 =	sand.u32 $0x1, s1  }
0x8c: {  	s17 =	sshll.u32 s0, $0xA;
	s2 =	sadd.s32 s3, s2  }
0x8d: {  	s2 =	sadd.s32 s2, s17  }
0x8e: {  	[smem:$0x3FC2] =	sst s2  }
0x8f: {  	_ = 	snop  }
0x90: {  	s2 =	sld [smem:$0x3FD0];
	(tm) =	ssettm $0x1  }
0x91: {  	s18 =	sld [smem:$0x3FFB];
	_ =	sdelay $0x3  }
0x92: {  	_ =	strace s18  }
0x93: {  	s3 =	sld [smem:$0x3FFC];
	_ =	sdelay $0x3  }
0x94: {  	_ =	strace s3  }
0x95: {  	s3 =	sld [smem:$0x3FFD];
	_ =	sdelay $0x3  }
0x96: {  	_ =	strace s3  }
0x97: {  	_ =	strace $0x8FFFFFFF  }
0x98: {  	s19 =	sld [smem:$0x3FDB];
	_ =	sdelay $0x1  }
0x99: {  	s4 =	simm.s32 $_scs_section_size  }
0x9a: {  	s5 =	simm.s32 $_size__tile_overlayer_lowered;
	s6 =	simm.s32 $_tile_overlayer_lowered  }
0x9b: {  	s22 =	simm.s32 $0x1BFF;
	s21 =	sshll.u32 s6, $0x1;
	s3 =	sadd.s32 s4, s19  }
0x9c: {  	s7 =	simm.s32 $0x0;
	s20 =	sshll.u32 s5, $0x1;
	s5 =	sadd.s32 s21, s3  }
0x9d: {  	[timem:s7], [sflag:s22] =	dma.local [hbm:s5], s20  }
0x9e: {  	_ =	swait.ge [sflag:s22], s20  }
0x9f: {  	s4 =	ssub.s32 $0x0, s20;
	[sflag:s22] =	ssyncset.done $0x0  }
0xa0: {  	[sflag:s22] =	ssyncadd.s32 s4;
	_ =	sdelay $0x1  }
0xa1: {  	s23 =	simm.s32 $0x1B8B  }
0xa2: {  	_ =	swait.ge [sflag:s23], $0x1  }
0xa3: {  	[sflag:s23] =	ssyncset.done $0x0  }
0xa4: {  	s25 =	simm.s32 $0x1B8E;
	s24 =	sld [smem:$0x3FFE];
	[sflag:s23] =	ssyncadd.s32 $0xFFFFFFFF  }
0xa5: {  	s26 =	simm.s32 $execute0_lowered;
	[smem:$0x3FD2] =	sst s25  }
0xa6: {  	s5 =	sshll.u32 s26, $0x1;
	_ =	strace $0x80000046;
	[dreg:$0x1] =	wrdreg $0xFFFFFFFF  }
0xa7: {  	s28 =	simm.s32 $_size_execute0_lowered;
	s3 =	sadd.s32 s3, s5;
	[dreg:$0x0] =	wrdreg $0x0  }
0xa8: {  	s5 =	sshll.u32 s28, $0x1;
	[dreg:$0x2] =	wrdreg s3  }
0xa9: {  	[dreg:$0x3] =	wrdreg s5  }
0xaa: {  	[dreg:$0x4] =	wrdreg $0xC0  }
0xab: {  	_ =	task [dreg:s7], $0x5FFFF  }
0xac: {  	[dreg:$0x1] =	wrdreg $0xFFFFFFFF  }
0xad: {  	[dreg:$0x0] =	wrdreg $0x60  }
0xae: {  	[dreg:$0x2] =	wrdreg s24  }
0xaf: {  	[dreg:$0x3] =	wrdreg s2  }
0xb0: {  	[dreg:$0x4] =	wrdreg $0x9  }
0xb1: {  	_ =	task.clear_ibuf [dreg:s7], $0x5FFFF;
	_ =	strace $0x90000046  }
0xb2: {  	s29 =	simm.s32 $0x9;
	_ =	strace $0x80000048  }
0xb3: {  	_ =	swait.ge [sflag:s29], $0x1  }
0xb4: {  	[sflag:s29] =	ssyncadd.s32 $0xFFFFFFFF  }
0xb5: {  	_ =	strace $0x90000048  }
0xb6: {  	_ =	sfence  }
0xb7: {  	s30 =	sld [smem:$0x0];
	_ =	sdelay $0x2  }
0xb8: {  	s31 =	sshll.u32 s1, $0xD;
	s1 =	sshrl.u32 s1, $0x2  }
0xb9: {  	s3 =	sand.u32 $0x4000, s31;
	s1 =	sadd.s32 s1, s30  }
0xba: {  	s0 =	sor.u32 s3, s0;
	s1 =	sshll.u32 s1, $0x11  }
0xbb: {  	s0 =	sor.u32 s1, s0  }
0xbc: {  	s0 =	sadd.s32 $0x8F2B, s0  }
0xbd: {  	[sflag:s0] =	ssyncadd.remote.s32 $0x1  }
0xbe: {  	_ =	sfence.sel $0xFFFF  }
0xbf: {  	[dreg:$0x0] =	wrdreg $0xFFFFFFFF;
	(pc) =	sbr.abs _section_cstart, $3  }
0xc0: {  	[dreg:$0x1] =	wrdreg $0xFFFFFFFF  }
0xc1: {  	_ =	task.clear_ibuf [dreg:s7], $0x2FFFF;
	_ =	strace $0x9FFFFFFF  }
0xc2: {  	(tm) =	ssettm $0x7FFFFFFF  }
0xc3: {  	_ =	shalt  }
tec
execute0_lowered:
.L_overlay_start_1:
0x0: {  	(tag) =	ssettag $0x1  }
0x1: {  	s3 =	rddreg [dreg:$0x0]  }
0x2: {  	s1 =	srdreg.scid;
	s0 =	stileid.u32  }
0x3: {  	s6 =	rddreg [dreg:$0x1];
	s2 =	simm.s32 $0x0;
	s10 =	simm.s32 $0x5000  }
0x4: {  	s11 =	simm.s32 $0x7780;
	s12 =	simm.s32 $0x80;
	s13 =	simm.s32 $0x400  }
0x5: {  	s4 =	sand.u32 $0x1, s1;
	s5 =	sshll.u32 s0, $0x1;
	s1 =	rddreg [dreg:$0x2]  }
0x6: {  	s14 =	simm.s32 $0x0;
	[smem:$0x7FF] =	sst s2;
	s5 =	sor.u32 s4, s5  }
0x7: {  	s8 =	sshrl.u32 s0, $0x2;
	s4 =	ssub.s32 $0x2, s4;
	s7 =	smul.u32 $0x500, s5  }
0x8: {  	s8 =	smul.u32 $0x13C00, s8;
	_ =	strace $0x80000047;
	s5 =	sshll.u32 s5, $0x7  }
0x9: {  	s9 =	sshrl.u32 s4, $0x1;
	s5 =	sand.u32 $0x380, s5;
	s7 =	sadd.s32 s7, s3  }
0xa: {  	s9 =	ssub.s32 s4, s9;
	s30 =	sor.u32 s8, s5;
	s3 =	sadd.s32 $0xBE00, s7  }
0xb: {  	s5 =	sshrl.u32 s30, $0x3;
	s8 =	sadd.s32 $0x4F000, s30;
	s4 =	sadd.s32 $0x1E00, s7  }
0xc: {  	s7 =	smax.u32 s9, $0x1;
	s9 =	simm.s32 $0x2800;
	s31 =	sshrl.u32 s8, $0x3  }
0xd: {  	v0 =	vimm.f32 $0.0e+00;
	v1 =	vimm.f32 $1.000000000e+00;
	s5 =	sadd.s32 s6, s5;
	s8 =	simm.s32 $0x1;
	s6 =	sadd.s32 s6, s31  }
.LBB2_1:
0xe: {  	[tilespmem:s2], [sflag:$0x1] =	stream.linear.gather [hbm4b:s3+s2], $0x2800, $0x38;
	[tilespmem:$0x9F00] =	vst v63  }
0xf: {  	_ =	swait.ge [sflag:s8], $0x2800  }
0x10: {  	[sflag:s8] =	ssyncset.done $0x0  }
0x11: {  	[sflag:s8] =	ssyncadd.s32 $0xFFFFD800  }
0x12: {  	[tilespmem:s9], [sflag:$0x1] =	stream.linear.gather [hbm4b:s4+s2], $0x2800, $0x38;
	[tilespmem:$0x9F00] =	vst v63  }
0x13: {  	_ =	swait.ge [sflag:s8], $0x2800  }
0x14: {  	[sflag:s8] =	ssyncset.done $0x0  }
0x15: {  	s15 =	simm.s32 $0x0;
	s16 =	simm.s32 $0x200;
	[sflag:s8] =	ssyncadd.s32 $0xFFFFD800  }
.LBB2_2:
0x16: {  	p0 =	sne.s32 s16, $0x9C00;
	[tilespmem:s15+$0x77F0] =	vst v0  }
0x17: {  	[tilespmem:s15+$0x5000] =	vst v0  }
0x18: {  	[tilespmem:s15+$0x7780] =	vst v0  }
0x19: {  	[tilespmem:s15+$0x5010] =	vst v0  }
0x1a: {  	[tilespmem:s15+$0x7790] =	vst v0  }
0x1b: {  	[tilespmem:s15+$0x5020] =	vst v0  }
0x1c: {  	[tilespmem:s15+$0x77A0] =	vst v0  }
0x1d: {  	[tilespmem:s15+$0x5030] =	vst v0  }
0x1e: {  	[tilespmem:s15+$0x77B0] =	vst v0  }
0x1f: {  	[tilespmem:s15+$0x5040] =	vst v0  }
0x20: {  	[tilespmem:s15+$0x77C0] =	vst v0  }
.Ltmp0:
0x21: {  	[tilespmem:s15+$0x5050] =	vst v0;
	(pc) =	sbr.rel @p0 .LBB2_2-.Ltmp0, $4  }
0x22: {  	[tilespmem:s15+$0x77D0] =	vst v0  }
0x23: {  	[tilespmem:s15+$0x5060] =	vst v0  }
0x24: {  	[tilespmem:s15+$0x77E0] =	vst v0  }
0x25: {  	[tilespmem:s15+$0x5070] =	vst v0;
	s15 =	sshra.s32 s16, $0x2;
	s16 =	sadd.s32 $0x200, s16  }
0x26: {  	[tilespmem:s15+$0x77F0] =	vst v0  }
0x27: {  	[tilespmem:s15+$0x5000] =	vst v0  }
0x28: {  	[tilespmem:s15+$0x7780] =	vst v0  }
0x29: {  	[tilespmem:s15+$0x5010] =	vst v0  }
0x2a: {  	[tilespmem:s15+$0x7790] =	vst v0  }
0x2b: {  	[tilespmem:s15+$0x5020] =	vst v0  }
0x2c: {  	[tilespmem:s15+$0x77A0] =	vst v0  }
0x2d: {  	[tilespmem:s15+$0x5030] =	vst v0  }
0x2e: {  	[tilespmem:s15+$0x77B0] =	vst v0  }
0x2f: {  	[tilespmem:s15+$0x5040] =	vst v0  }
0x30: {  	[tilespmem:s15+$0x77C0] =	vst v0  }
0x31: {  	[tilespmem:s15+$0x5050] =	vst v0  }
0x32: {  	[tilespmem:s15+$0x77D0] =	vst v0  }
0x33: {  	[tilespmem:s15+$0x5060] =	vst v0  }
0x34: {  	[tilespmem:s15+$0x77E0] =	vst v0  }
0x35: {  	[tilespmem:s15+$0x5070] =	vst v0;
	s15 =	simm.s32 $0x0  }
.LBB2_4:
0x36: {  	s16 =	sshra.s32 s15, $0x2  }
0x37: {  	v2 =	vld [tilespmem:s16+$0x0];
	_ =	sdelay $0x7  }
0x38: {  	[tilespmem:v2+s10+$0x0] =	vst.idx.add.f32.msk $0xffff, v1  }
0x39: {  	v2 =	vld [tilespmem:s16+$0x2800];
	_ =	sdelay $0x7  }
0x3a: {  	[tilespmem:v2+s11+$0x0] =	vst.idx.add.f32.msk $0xffff, v1  }
0x3b: {  	v2 =	vld [tilespmem:s16+$0x10];
	_ =	sdelay $0x7  }
0x3c: {  	[tilespmem:v2+s10+$0x0] =	vst.idx.add.f32.msk $0xffff, v1  }
0x3d: {  	v2 =	vld [tilespmem:s16+$0x2810];
	_ =	sdelay $0x7  }
0x3e: {  	[tilespmem:v2+s11+$0x0] =	vst.idx.add.f32.msk $0xffff, v1  }
0x3f: {  	v2 =	vld [tilespmem:s16+$0x20];
	_ =	sdelay $0x7  }
0x40: {  	[tilespmem:v2+s10+$0x0] =	vst.idx.add.f32.msk $0xffff, v1  }
0x41: {  	v2 =	vld [tilespmem:s16+$0x2820];
	_ =	sdelay $0x7  }
0x42: {  	[tilespmem:v2+s11+$0x0] =	vst.idx.add.f32.msk $0xffff, v1  }
0x43: {  	v2 =	vld [tilespmem:s16+$0x30];
	_ =	sdelay $0x7  }
0x44: {  	[tilespmem:v2+s10+$0x0] =	vst.idx.add.f32.msk $0xffff, v1  }
0x45: {  	v2 =	vld [tilespmem:s16+$0x2830];
	_ =	sdelay $0x7  }
0x46: {  	[tilespmem:v2+s11+$0x0] =	vst.idx.add.f32.msk $0xffff, v1  }
0x47: {  	v2 =	vld [tilespmem:s16+$0x40];
	_ =	sdelay $0x7  }
0x48: {  	[tilespmem:v2+s10+$0x0] =	vst.idx.add.f32.msk $0xffff, v1  }
0x49: {  	v2 =	vld [tilespmem:s16+$0x2840];
	_ =	sdelay $0x7  }
0x4a: {  	[tilespmem:v2+s11+$0x0] =	vst.idx.add.f32.msk $0xffff, v1  }
0x4b: {  	v2 =	vld [tilespmem:s16+$0x50];
	_ =	sdelay $0x7  }
0x4c: {  	[tilespmem:v2+s10+$0x0] =	vst.idx.add.f32.msk $0xffff, v1  }
0x4d: {  	v2 =	vld [tilespmem:s16+$0x2850];
	_ =	sdelay $0x7  }
0x4e: {  	[tilespmem:v2+s11+$0x0] =	vst.idx.add.f32.msk $0xffff, v1  }
0x4f: {  	v2 =	vld [tilespmem:s16+$0x60];
	_ =	sdelay $0x7  }
0x50: {  	[tilespmem:v2+s10+$0x0] =	vst.idx.add.f32.msk $0xffff, v1  }
0x51: {  	v2 =	vld [tilespmem:s16+$0x2860];
	_ =	sdelay $0x7  }
0x52: {  	[tilespmem:v2+s11+$0x0] =	vst.idx.add.f32.msk $0xffff, v1  }
0x53: {  	v2 =	vld [tilespmem:s16+$0x70];
	_ =	sdelay $0x7  }
0x54: {  	[tilespmem:v2+s10+$0x0] =	vst.idx.add.f32.msk $0xffff, v1  }
0x55: {  	v2 =	vld [tilespmem:s16+$0x2870];
	_ =	sdelay $0x2  }
0x56: {  	p0 =	sne.s32 s15, $0x9E00  }
.Ltmp1:
0x57: {  	_ = 	snop;
	(pc) =	sbr.rel @p0 .LBB2_4-.Ltmp1, $2  }
0x58: {  	_ =	sdelay $0x2  }
0x59: {  	s15 =	sadd.s32 $0x200, s15;
	[tilespmem:v2+s11+$0x0] =	vst.idx.add.f32.msk $0xffff, v1  }
0x5a: {  	[hbm4b:s5+s12] =	stream.strided.scatter [tilespmem:s10], [sflag:$0x1], $0x2780, s13, s12, $0x38;
	[tilespmem:$0x9F00] =	vst v63  }
0x5b: {  	s14 =	sadd.s32 $0x1, s14;
	_ =	swait.ge [sflag:s8], $0x2780  }
0x5c: {  	p0 =	sne.s32 s14, s7;
	[sflag:s8] =	ssyncset.done $0x0  }
.Ltmp2:
0x5d: {  	[sflag:s8] =	ssyncadd.s32 $0xFFFFD880;
	(pc) =	sbr.rel @p0 .LBB2_1-.Ltmp2, $4  }
0x5e: {  	[hbm4b:s6+s12] =	stream.strided.scatter [tilespmem:s11], [sflag:$0x1], $0x2780, s13, s12, $0x38;
	[tilespmem:$0x9F00] =	vst v63  }
0x5f: {  	_ =	swait.ge [sflag:s8], $0x2780  }
0x60: {  	[sflag:s8] =	ssyncset.done $0x0  }
0x61: {  	[sflag:s8] =	ssyncadd.s32 $0xFFFFD880  }
0x62: {  	_ =	sfence.sel $0x180000  }
0x63: {  	[bflag:$0x0] =	sbarrier.arrive $0xFFFF  }
0x64: {  	p0 =	sne.s32 s0, $0x0;
	_ =	strace $0x90000047  }
0x65: {  	s0 =	sadd.s32 @!p0 $0x100000, s1;
	[bflag:$0x2] =	sbarrier.arrive $0xFFFF  }
0x66: {  	[sflag:s0] =	ssyncadd.tile.s32 @!p0 $0x1;
	_ =	shalt  }
.Lfunc_end2:
_tile_overlayer_lowered:
.L_overlay_start_2:
0x67: {  	(tag) =	ssettag $0x2  }
0x68: {  	s0 =	rddreg [dreg:$0x0];
	s2 =	stileid.u32  }
0x69: {  	s1 =	rddreg [dreg:$0x1];
	p0 =	sne.s32 s2, $0x0  }
0x6a: {  	s3 =	rddreg [dreg:$0x2];
	[bflag:$0x3] =	sbarrier.arrive $0xFFFF;
	s2 =	simm.s32 @!p0 $0x1C01  }
0x6b: {  	[timem:s3], [sflag:s2] =	dma.local @!p0 [hbm:s0], s1  }
0x6c: {  	s0 =	simm.s32 @!p0 $0x1  }
0x6d: {  	_ =	swait.ge @!p0 [sflag:s0], s1  }
0x6e: {  	s1 =	ssub.s32 @!p0 $0x0, s1;
	[sflag:s0] =	ssyncset.done @!p0 $0x0  }
0x6f: {  	[sflag:s0] =	ssyncadd.s32 @!p0 s1  }
0x70: {  	[bflag:$0x3] =	sbarrier.arrive $0xFFFF  }
0x71: {  	_ =	shalt  }

</sc_bundles>
